<compile_context>
chip_gen: v7x
topology: tpu7x:2x2x1
jax: 0.10.2.dev20260603
libtpu: 0.0.44.dev20260713+nightly
codegen_flags: <defaults>
</compile_context>

<pallas_src>
import functools

import jax
import jax.numpy as jnp
from jax import lax
from jax.experimental import pallas as pl
from jax.experimental.pallas import tpu as pltpu
from jax.experimental.pallas import tpu_sc as plsc

B, L = 1024, 200
N = B * L
INTD = 64
HDH = 96
LANES = 16
GW = 128



def _proj_body(x_ref, w_ref, b_ref, o_ref):
    o_ref[...] = (
        jnp.dot(x_ref[...], w_ref[...], preferred_element_type=jnp.float32)
        + b_ref[...]
    )


def _project(table, w, b, bm):
    r = table.shape[0]
    return pl.pallas_call(
        _proj_body,
        grid=(pl.cdiv(r, bm),),
        in_specs=[
            pl.BlockSpec((bm, INTD), lambda i: (i, 0)),
            pl.BlockSpec((INTD, GW), lambda i: (0, 0)),
            pl.BlockSpec((1, GW), lambda i: (0, 0)),
        ],
        out_specs=pl.BlockSpec((bm, GW), lambda i: (i, 0)),
        out_shape=jax.ShapeDtypeStruct((r, GW), jnp.float32),
    )(table, w, b)




def _rsqrt16(x):
    i = plsc.bitcast(x, jnp.int32)
    i = jnp.full((LANES,), 0x5F3759DF, dtype=jnp.int32) - (i >> 1)
    y = plsc.bitcast(i, jnp.float32)
    c15 = jnp.full((LANES,), 1.5, dtype=jnp.float32)
    for _ in range(3):
        y = y * (c15 - 0.5 * x * y * y)
    return y


_GDN = lax.GatherDimensionNumbers(
    offset_dims=(), collapsed_slice_dims=(0,), start_index_map=(0,))


def _xlane(v, perm):
    return lax.gather(v, perm[:, None], dimension_numbers=_GDN,
                      slice_sizes=(1,),
                      mode=lax.GatherScatterMode.PROMISE_IN_BOUNDS)


def _sum16(v):
    lanes = lax.iota(jnp.int32, LANES)
    for k in (8, 4, 2, 1):
        v = v + _xlane(v, lanes ^ k)
    return v


def _make_sc_kernel(per_w, chunk):
    n_chunks = per_w // chunk
    rows_c = chunk // LANES
    assert n_chunks % 2 == 0
    mesh = plsc.VectorSubcoreMesh(core_axis_name="c", subcore_axis_name="s")

    vm = pltpu.VMEM

    @functools.partial(
        pl.kernel,
        mesh=mesh,
        compiler_params=pltpu.CompilerParams(needs_layout_passes=False),
        out_type=jax.ShapeDtypeStruct((N, 2 * HDH), jnp.float32),
        scratch_types=[
            [vm((6 * chunk,), jnp.int32) for _ in range(2)],
            [vm((chunk,), jnp.int32) for _ in range(2)],
            [vm((chunk,), jnp.int32) for _ in range(2)],
            [vm((chunk,), jnp.int32) for _ in range(2)],
            [vm((chunk, GW), jnp.float32) for _ in range(2)],
            [vm((chunk, GW), jnp.float32) for _ in range(2)],
            [vm((chunk, GW), jnp.float32) for _ in range(2)],
            [vm((chunk, 2 * HDH), jnp.float32) for _ in range(2)],
            vm((8 * GW,), jnp.float32),
            vm((8 * HDH,), jnp.float32),
            [pltpu.SemaphoreType.DMA for _ in range(6)],
            [pltpu.SemaphoreType.DMA for _ in range(2)],
        ],
    )
    def sc_kernel(t_item, t_test, t_tag, t_inter, consts, aux, out,
                  ax_v, ia_v, ib_v, ic_v,
                  ra_v, rb_v, rc_v, o_v, ti_v, cs_v, sems, osems):
        wid = lax.axis_index("s") * 2 + lax.axis_index("c")
        base0 = wid * per_w

        pltpu.sync_copy(t_inter, ti_v)
        pltpu.sync_copy(consts, cs_v)

        lanes = lax.iota(jnp.int32, LANES)

        def crow(r, j):
            return cs_v[pl.ds(r * HDH + j * LANES, LANES)]

        def csplat(flat_idx):
            return plsc.load_gather(
                cs_v, [jnp.full((LANES,), flat_idx, dtype=jnp.int32)])

        gca = [crow(3, j) for j in range(6)]
        bca = [crow(4, j) for j in range(6)]
        w0g = [crow(0, j) for j in range(6)]
        w1g = [crow(1, j) for j in range(6)]
        bgg = [crow(2, j) for j in range(6)]
        beo = [crow(5, j) for j in range(6)]
        sA, sB, sC, sD, sE, sF = [csplat(6 * HDH + i) for i in range(6)]

        inv96 = jnp.full((LANES,), 1.0 / 96.0, dtype=jnp.float32)
        eps = jnp.full((LANES,), 1e-5, dtype=jnp.float32)

        def stage(k, s):
            base6 = (base0 + k * chunk) * 6
            pltpu.sync_copy(aux.at[pl.ds(base6, 6 * chunk)], ax_v[s])
            lanes6 = lanes * 6
            for g in range(rows_c):
                gb = jnp.full((LANES,), 96 * g, dtype=jnp.int32) + lanes6
                ia_v[s][pl.ds(g * LANES, LANES)] = plsc.load_gather(
                    ax_v[s], [gb])
                ib_v[s][pl.ds(g * LANES, LANES)] = plsc.load_gather(
                    ax_v[s], [gb + 1])
                ic_v[s][pl.ds(g * LANES, LANES)] = plsc.load_gather(
                    ax_v[s], [gb + 2])
            pass

        def wait_rows(s):
            pass

        def compute(k, s):
            @plsc.parallel_loop(0, chunk, unroll=4)
            def _(tt):
                it = plsc.load_gather(
                    ax_v[s], [jnp.full((LANES,), 6 * tt + 3, dtype=jnp.int32)])
                su = []
                for j in range(6):
                    a = ra_v[s][tt, pl.ds(j * LANES, LANES)]
                    b = rb_v[s][tt, pl.ds(j * LANES, LANES)]
                    c = rc_v[s][tt, pl.ds(j * LANES, LANES)]
                    d = plsc.load_gather(ti_v, [it * GW + (lanes + j * LANES)])
                    su.append((a + b) + (c + d))
                tot = ((su[0] + su[1]) + (su[2] + su[3])) + (su[4] + su[5])
                q = ((su[0] * su[0] + su[1] * su[1])
                     + (su[2] * su[2] + su[3] * su[3])) + (
                         su[4] * su[4] + su[5] * su[5])
                mean = _sum16(tot) * inv96
                var = _sum16(q) * inv96 - mean * mean
                rstd = _rsqrt16(var + eps)
                for j in range(6):
                    rg = rstd * gca[j]
                    o_v[s][tt, pl.ds(j * LANES, LANES)] = (
                        su[j] * rg + (bca[j] - mean * rg))

            @plsc.parallel_loop(0, chunk, unroll=4)
            def _(tt):
                e = plsc.bitcast(plsc.load_gather(
                    ax_v[s], [jnp.full((LANES,), 6 * tt + 4,
                                       dtype=jnp.int32)]), jnp.float32)
                t = plsc.bitcast(plsc.load_gather(
                    ax_v[s], [jnp.full((LANES,), 6 * tt + 5,
                                       dtype=jnp.int32)]), jnp.float32)
                var = (sA * e + sD * t + sE) * e + (sB * t + sF) * t + sC
                rstd = _rsqrt16(var)
                for j in range(6):
                    o_v[s][tt, pl.ds(HDH + j * LANES, LANES)] = (
                        e * w0g[j] + t * w1g[j] + bgg[j]) * rstd + beo[j]

        def owrite(k, s):
            base = base0 + k * chunk
            pltpu.async_copy(o_v[s], out.at[pl.ds(base, chunk), :], osems[s])

        def owait(k, s):
            base = base0 + k * chunk
            pltpu.make_async_copy(o_v[s], out.at[pl.ds(base, chunk), :],
                                  osems[s]).wait()

        stage(0, 0)

        def outer(k2, _):
            for b in range(2):
                k = 2 * k2 + b

                @pl.when(k + 1 < n_chunks)
                def _():
                    stage(k + 1, 1 - b)

                wait_rows(b)

                @pl.when(k >= 2)
                def _():
                    owait(k - 2, b)

                compute(k, b)
                owrite(k, b)
            return 0

        lax.fori_loop(0, n_chunks // 2, outer, 0)
        owait(n_chunks - 2, 0)
        owait(n_chunks - 1, 1)

    return sc_kernel




def kernel(interaction, assessmentItemID, testId, KnowledgeTag, elapsed,
           time_diff, emb_item, emb_test, emb_tag, emb_inter,
           W_cate, b_cate, W_cont, b_cont, g_cate, be_cate, g_cont, be_cont):
    def wpad(w):
        return jnp.pad(w, ((0, 0), (0, GW - HDH)))

    zero_b = jnp.zeros((1, GW), dtype=jnp.float32)
    bc_pad = jnp.pad(b_cate, (0, GW - HDH))[None, :]
    t_item = _project(emb_item, wpad(W_cate[0:64]), zero_b, 2048)
    t_test = _project(emb_test, wpad(W_cate[64:128]), zero_b, 2048)
    t_tag = _project(emb_tag, wpad(W_cate[128:192]), zero_b, 1024)
    t_inter = jnp.pad(_project(emb_inter, wpad(W_cate[192:256]), bc_pad, 8),
                      ((0, 5), (0, 0)))

    w0, w1, bb = W_cont[0], W_cont[1], b_cont
    w0c = w0 - jnp.mean(w0)
    w1c = w1 - jnp.mean(w1)
    bc = bb - jnp.mean(bb)
    scal = jnp.stack([
        jnp.mean(w0c * w0c), jnp.mean(w1c * w1c),
        jnp.mean(bc * bc) + 1e-5,
        2.0 * jnp.mean(w0c * w1c), 2.0 * jnp.mean(w0c * bc),
        2.0 * jnp.mean(w1c * bc),
    ])
    consts = jnp.concatenate([
        w0c * g_cont, w1c * g_cont, bc * g_cont, g_cate, be_cate, be_cont,
        jnp.pad(scal, (0, HDH - 6)), jnp.zeros((HDH,), jnp.float32),
    ])

    aux = jnp.stack([
        assessmentItemID.reshape(N),
        testId.reshape(N),
        KnowledgeTag.reshape(N),
        interaction.reshape(N),
        lax.bitcast_convert_type(elapsed, jnp.int32).reshape(N),
        lax.bitcast_convert_type(time_diff, jnp.int32).reshape(N),
    ], axis=1).reshape(N * 6)

    sc = _make_sc_kernel(per_w=N // 32, chunk=80)
    out = sc(t_item, t_test, t_tag, t_inter.reshape(8 * GW), consts, aux)
    return (out.reshape(B, L, 2 * HDH), interaction.shape[0])

# --- scband reference (transcript-rebuilt; emitter-appended) ---
"""Pipeline reference for scband-model-base-81080392614291 (READ-ONLY COPY).

The authoritative reference and input builder live on the scoring server;
editing this copy changes nothing except your own understanding.
"""

import jax, jax.numpy as jnp
import numpy as np

B, L = 1024, 200
INTD = 64  # hidden_dim // 3
HD = 192
V_ITEM, V_TEST, V_TAG = 100001, 10001, 1001


def layer_norm(x, g, b, eps=1e-5):
    m = jnp.mean(x, axis=-1, keepdims=True)
    v = jnp.mean((x - m) ** 2, axis=-1, keepdims=True)
    return (x - m) / jnp.sqrt(v + eps) * g + b


def setup_inputs(seed: int = 0) -> dict:
    key = jax.random.key(seed)
    ks = jax.random.split(key, 16)
    inp = {}
    # forward data dict fields
    inp["interaction"] = jax.random.randint(ks[0], (B, L), 0, 3, dtype=jnp.int32)
    inp["assessmentItemID"] = jax.random.randint(ks[1], (B, L), 0, 100000, dtype=jnp.int32)
    inp["testId"] = jax.random.randint(ks[2], (B, L), 0, 10000, dtype=jnp.int32)
    inp["KnowledgeTag"] = jax.random.randint(ks[3], (B, L), 0, 1000, dtype=jnp.int32)
    inp["elapsed"] = jax.random.normal(ks[4], (B, L), dtype=jnp.float32)
    inp["time_diff"] = jax.random.normal(ks[5], (B, L), dtype=jnp.float32)
    # learned parameters
    inp["emb_item"] = jax.random.normal(ks[6], (V_ITEM, INTD), dtype=jnp.float32) * 0.02
    inp["emb_test"] = jax.random.normal(ks[7], (V_TEST, INTD), dtype=jnp.float32) * 0.02
    inp["emb_tag"] = jax.random.normal(ks[8], (V_TAG, INTD), dtype=jnp.float32) * 0.02
    inp["emb_inter"] = jax.random.normal(ks[9], (3, INTD), dtype=jnp.float32) * 0.02
    inp["W_cate"] = jax.random.normal(ks[10], (4 * INTD, HD // 2), dtype=jnp.float32) * 0.02
    inp["b_cate"] = jnp.zeros((HD // 2,), dtype=jnp.float32)
    inp["W_cont"] = jax.random.normal(ks[11], (2, HD // 2), dtype=jnp.float32) * 0.02
    inp["b_cont"] = jnp.zeros((HD // 2,), dtype=jnp.float32)
    inp["g_cate"] = jnp.ones((HD // 2,), dtype=jnp.float32)
    inp["be_cate"] = jnp.zeros((HD // 2,), dtype=jnp.float32)
    inp["g_cont"] = jnp.ones((HD // 2,), dtype=jnp.float32)
    inp["be_cont"] = jnp.zeros((HD // 2,), dtype=jnp.float32)
    return inp


def reference(interaction, assessmentItemID, testId, KnowledgeTag, elapsed, time_diff,
              emb_item, emb_test, emb_tag, emb_inter,
              W_cate, b_cate, W_cont, b_cont,
              g_cate, be_cate, g_cont, be_cont):
    batch_size = interaction.shape[0]
    # x_cate_cols = cate_cols minus 'userID' -> [assessmentItemID, testId, KnowledgeTag]
    x_cate_emb = jnp.concatenate([
        jnp.take(emb_item, assessmentItemID, axis=0),
        jnp.take(emb_test, testId, axis=0),
        jnp.take(emb_tag, KnowledgeTag, axis=0),
        jnp.take(emb_inter, interaction, axis=0),
    ], axis=-1)  # [B, L, 4*INTD]
    x_cont = jnp.concatenate([elapsed[..., None], time_diff[..., None]], axis=-1)  # [B, L, 2]
    cate = layer_norm(x_cate_emb @ W_cate + b_cate, g_cate, be_cate)
    cont = layer_norm(x_cont @ W_cont + b_cont, g_cont, be_cont)
    x = jnp.concatenate([cate, cont], axis=-1)  # [B, L, HD]
    return (x, batch_size)

if __name__ == "__main__":
    import jax
    _d = setup_inputs()
    print(jax.jit(kernel)(*tuple(_d.values())))

</pallas_src>

<mosaic_0001>
#map = affine_map<(d0, d1) -> (0, 0)>
#map1 = affine_map<(d0, d1) -> (0)>
module attributes {stable_mosaic.version = 14 : i64} {
  func.func @sc_kernel(%arg0: i32, %arg1: i32, %arg2: memref<100001x128xf32, #tpu.memory_space<hbm>>, %arg3: memref<10001x128xf32, #tpu.memory_space<hbm>>, %arg4: memref<1001x128xf32, #tpu.memory_space<hbm>>, %arg5: memref<1024xf32, #tpu.memory_space<hbm>>, %arg6: memref<768xf32, #tpu.memory_space<hbm>>, %arg7: memref<1228800xi32, #tpu.memory_space<hbm>>, %arg8: memref<204800x192xf32, #tpu.memory_space<hbm>>, %arg9: memref<480xi32, #tpu.memory_space<vmem>>, %arg10: memref<480xi32, #tpu.memory_space<vmem>>, %arg11: memref<80xi32, #tpu.memory_space<vmem>>, %arg12: memref<80xi32, #tpu.memory_space<vmem>>, %arg13: memref<80xi32, #tpu.memory_space<vmem>>, %arg14: memref<80xi32, #tpu.memory_space<vmem>>, %arg15: memref<80xi32, #tpu.memory_space<vmem>>, %arg16: memref<80xi32, #tpu.memory_space<vmem>>, %arg17: memref<80x128xf32, #tpu.memory_space<vmem>>, %arg18: memref<80x128xf32, #tpu.memory_space<vmem>>, %arg19: memref<80x128xf32, #tpu.memory_space<vmem>>, %arg20: memref<80x128xf32, #tpu.memory_space<vmem>>, %arg21: memref<80x128xf32, #tpu.memory_space<vmem>>, %arg22: memref<80x128xf32, #tpu.memory_space<vmem>>, %arg23: memref<80x192xf32, #tpu.memory_space<vmem>>, %arg24: memref<80x192xf32, #tpu.memory_space<vmem>>, %arg25: memref<1024xf32, #tpu.memory_space<vmem>>, %arg26: memref<768xf32, #tpu.memory_space<vmem>>, %arg27: memref<!tpu.dma_semaphore, #tpu.memory_space<semaphore_mem>>, %arg28: memref<!tpu.dma_semaphore, #tpu.memory_space<semaphore_mem>>, %arg29: memref<!tpu.dma_semaphore, #tpu.memory_space<semaphore_mem>>, %arg30: memref<!tpu.dma_semaphore, #tpu.memory_space<semaphore_mem>>, %arg31: memref<!tpu.dma_semaphore, #tpu.memory_space<semaphore_mem>>, %arg32: memref<!tpu.dma_semaphore, #tpu.memory_space<semaphore_mem>>, %arg33: memref<!tpu.dma_semaphore, #tpu.memory_space<semaphore_mem>>, %arg34: memref<!tpu.dma_semaphore, #tpu.memory_space<semaphore_mem>>) attributes {dimension_semantics = [#tpu.dimension_semantics<core_parallel>, #tpu.dimension_semantics<subcore_parallel>], iteration_bounds = array<i64: 2, 16>, scalar_prefetch = 0 : i64, scratch_operands = 26 : i64, tpu.core_type = #tpu.core_type<sc_vector_subcore>, window_params = [{transform_indices = #map}, {transform_indices = #map}, {transform_indices = #map}, {transform_indices = #map1}, {transform_indices = #map1}, {transform_indices = #map1}, {transform_indices = #map}]} {
    %mul3A = arith.constant 2 : i32
    %mul3A_0 = arith.muli %arg1, %mul3A : i32
    %add3A = arith.addi %mul3A_0, %arg0 : i32
    %mul3A_1 = arith.constant 6400 : i32
    %mul3A_2 = arith.muli %add3A, %mul3A_1 : i32
    "tpu.region"() ({
      %run_scoped3A = tpu.sem_alloc : memref<!tpu.dma_semaphore, #tpu.memory_space<semaphore_mem>>
      tpu.enqueue_dma source(%arg5 : memref<1024xf32, #tpu.memory_space<hbm>>) target(%arg25 : memref<1024xf32, #tpu.memory_space<vmem>>) target_semaphore(%run_scoped3A : memref<!tpu.dma_semaphore, #tpu.memory_space<semaphore_mem>>)
      tpu.wait_dma2 semaphore(%run_scoped3A : memref<!tpu.dma_semaphore, #tpu.memory_space<semaphore_mem>>) src(%arg5 : memref<1024xf32, #tpu.memory_space<hbm>>) dst(%arg25 : memref<1024xf32, #tpu.memory_space<vmem>>)
      tpu.yield
    }) : () -> ()
    "tpu.region"() ({
      %run_scoped3A = tpu.sem_alloc : memref<!tpu.dma_semaphore, #tpu.memory_space<semaphore_mem>>
      tpu.enqueue_dma source(%arg6 : memref<768xf32, #tpu.memory_space<hbm>>) target(%arg26 : memref<768xf32, #tpu.memory_space<vmem>>) target_semaphore(%run_scoped3A : memref<!tpu.dma_semaphore, #tpu.memory_space<semaphore_mem>>)
      tpu.wait_dma2 semaphore(%run_scoped3A : memref<!tpu.dma_semaphore, #tpu.memory_space<semaphore_mem>>) src(%arg6 : memref<768xf32, #tpu.memory_space<hbm>>) dst(%arg26 : memref<768xf32, #tpu.memory_space<vmem>>)
      tpu.yield
    }) : () -> ()
    %iota3A = tpu.iota {dimensions = array<i32: 0>} : vector<16xi32>
    %get3A = arith.constant 288 : index
    %get3A_3 = tpu.vector_load %arg26[%get3A] {strides = array<i32>} : memref<768xf32, #tpu.memory_space<vmem>>, vector<16xf32>,
    %get3A_4 = arith.constant 304 : index
    %get3A_5 = tpu.vector_load %arg26[%get3A_4] {strides = array<i32>} : memref<768xf32, #tpu.memory_space<vmem>>, vector<16xf32>,
    %get3A_6 = arith.constant 320 : index
    %get3A_7 = tpu.vector_load %arg26[%get3A_6] {strides = array<i32>} : memref<768xf32, #tpu.memory_space<vmem>>, vector<16xf32>,
    %get3A_8 = arith.constant 336 : index
    %get3A_9 = tpu.vector_load %arg26[%get3A_8] {strides = array<i32>} : memref<768xf32, #tpu.memory_space<vmem>>, vector<16xf32>,
    %get3A_10 = arith.constant 352 : index
    %get3A_11 = tpu.vector_load %arg26[%get3A_10] {strides = array<i32>} : memref<768xf32, #tpu.memory_space<vmem>>, vector<16xf32>,
    %get3A_12 = arith.constant 368 : index
    %get3A_13 = tpu.vector_load %arg26[%get3A_12] {strides = array<i32>} : memref<768xf32, #tpu.memory_space<vmem>>, vector<16xf32>,
    %get3A_14 = arith.constant 384 : index
    %get3A_15 = tpu.vector_load %arg26[%get3A_14] {strides = array<i32>} : memref<768xf32, #tpu.memory_space<vmem>>, vector<16xf32>,
    %get3A_16 = arith.constant 400 : index
    %get3A_17 = tpu.vector_load %arg26[%get3A_16] {strides = array<i32>} : memref<768xf32, #tpu.memory_space<vmem>>, vector<16xf32>,
    %get3A_18 = arith.constant 416 : index
    %get3A_19 = tpu.vector_load %arg26[%get3A_18] {strides = array<i32>} : memref<768xf32, #tpu.memory_space<vmem>>, vector<16xf32>,
    %get3A_20 = arith.constant 432 : index
    %get3A_21 = tpu.vector_load %arg26[%get3A_20] {strides = array<i32>} : memref<768xf32, #tpu.memory_space<vmem>>, vector<16xf32>,
    %get3A_22 = arith.constant 448 : index
    %get3A_23 = tpu.vector_load %arg26[%get3A_22] {strides = array<i32>} : memref<768xf32, #tpu.memory_space<vmem>>, vector<16xf32>,
    %get3A_24 = arith.constant 464 : index
    %get3A_25 = tpu.vector_load %arg26[%get3A_24] {strides = array<i32>} : memref<768xf32, #tpu.memory_space<vmem>>, vector<16xf32>,
    %get3A_26 = arith.constant 0 : index
    %get3A_27 = tpu.vector_load %arg26[%get3A_26] {strides = array<i32>} : memref<768xf32, #tpu.memory_space<vmem>>, vector<16xf32>,
    %get3A_28 = arith.constant 16 : index
    %get3A_29 = tpu.vector_load %arg26[%get3A_28] {strides = array<i32>} : memref<768xf32, #tpu.memory_space<vmem>>, vector<16xf32>,
    %get3A_30 = arith.constant 32 : index
    %get3A_31 = tpu.vector_load %arg26[%get3A_30] {strides = array<i32>} : memref<768xf32, #tpu.memory_space<vmem>>, vector<16xf32>,
    %get3A_32 = arith.constant 48 : index
    %get3A_33 = tpu.vector_load %arg26[%get3A_32] {strides = array<i32>} : memref<768xf32, #tpu.memory_space<vmem>>, vector<16xf32>,
    %get3A_34 = arith.constant 64 : index
    %get3A_35 = tpu.vector_load %arg26[%get3A_34] {strides = array<i32>} : memref<768xf32, #tpu.memory_space<vmem>>, vector<16xf32>,
    %get3A_36 = arith.constant 80 : index
    %get3A_37 = tpu.vector_load %arg26[%get3A_36] {strides = array<i32>} : memref<768xf32, #tpu.memory_space<vmem>>, vector<16xf32>,
    %get3A_38 = arith.constant 96 : index
    %get3A_39 = tpu.vector_load %arg26[%get3A_38] {strides = array<i32>} : memref<768xf32, #tpu.memory_space<vmem>>, vector<16xf32>,
    %get3A_40 = arith.constant 112 : index
    %get3A_41 = tpu.vector_load %arg26[%get3A_40] {strides = array<i32>} : memref<768xf32, #tpu.memory_space<vmem>>, vector<16xf32>,
    %get3A_42 = arith.constant 128 : index
    %get3A_43 = tpu.vector_load %arg26[%get3A_42] {strides = array<i32>} : memref<768xf32, #tpu.memory_space<vmem>>, vector<16xf32>,
    %get3A_44 = arith.constant 144 : index
    %get3A_45 = tpu.vector_load %arg26[%get3A_44] {strides = array<i32>} : memref<768xf32, #tpu.memory_space<vmem>>, vector<16xf32>,
    %get3A_46 = arith.constant 160 : index
    %get3A_47 = tpu.vector_load %arg26[%get3A_46] {strides = array<i32>} : memref<768xf32, #tpu.memory_space<vmem>>, vector<16xf32>,
    %get3A_48 = arith.constant 176 : index
    %get3A_49 = tpu.vector_load %arg26[%get3A_48] {strides = array<i32>} : memref<768xf32, #tpu.memory_space<vmem>>, vector<16xf32>,
    %get3A_50 = arith.constant 192 : index
    %get3A_51 = tpu.vector_load %arg26[%get3A_50] {strides = array<i32>} : memref<768xf32, #tpu.memory_space<vmem>>, vector<16xf32>,
    %get3A_52 = arith.constant 208 : index
    %get3A_53 = tpu.vector_load %arg26[%get3A_52] {strides = array<i32>} : memref<768xf32, #tpu.memory_space<vmem>>, vector<16xf32>,
    %get3A_54 = arith.constant 224 : index
    %get3A_55 = tpu.vector_load %arg26[%get3A_54] {strides = array<i32>} : memref<768xf32, #tpu.memory_space<vmem>>, vector<16xf32>,
    %get3A_56 = arith.constant 240 : index
    %get3A_57 = tpu.vector_load %arg26[%get3A_56] {strides = array<i32>} : memref<768xf32, #tpu.memory_space<vmem>>, vector<16xf32>,
    %get3A_58 = arith.constant 256 : index
    %get3A_59 = tpu.vector_load %arg26[%get3A_58] {strides = array<i32>} : memref<768xf32, #tpu.memory_space<vmem>>, vector<16xf32>,
    %get3A_60 = arith.constant 272 : index
    %get3A_61 = tpu.vector_load %arg26[%get3A_60] {strides = array<i32>} : memref<768xf32, #tpu.memory_space<vmem>>, vector<16xf32>,
    %get3A_62 = arith.constant 480 : index
    %get3A_63 = tpu.vector_load %arg26[%get3A_62] {strides = array<i32>} : memref<768xf32, #tpu.memory_space<vmem>>, vector<16xf32>,
    %get3A_64 = arith.constant 496 : index
    %get3A_65 = tpu.vector_load %arg26[%get3A_64] {strides = array<i32>} : memref<768xf32, #tpu.memory_space<vmem>>, vector<16xf32>,
    %get3A_66 = arith.constant 512 : index
    %get3A_67 = tpu.vector_load %arg26[%get3A_66] {strides = array<i32>} : memref<768xf32, #tpu.memory_space<vmem>>, vector<16xf32>,
    %get3A_68 = arith.constant 528 : index
    %get3A_69 = tpu.vector_load %arg26[%get3A_68] {strides = array<i32>} : memref<768xf32, #tpu.memory_space<vmem>>, vector<16xf32>,
    %get3A_70 = arith.constant 544 : index
    %get3A_71 = tpu.vector_load %arg26[%get3A_70] {strides = array<i32>} : memref<768xf32, #tpu.memory_space<vmem>>, vector<16xf32>,
    %get3A_72 = arith.constant 560 : index
    %get3A_73 = tpu.vector_load %arg26[%get3A_72] {strides = array<i32>} : memref<768xf32, #tpu.memory_space<vmem>>, vector<16xf32>,
    %broadcast_in_dim3A = arith.constant 576 : i32
    %broadcast_in_dim3A_74 = vector.broadcast %broadcast_in_dim3A : i32 to vector<16xi32>
    %gather3A = tpu.vector_load_idx %arg26[%broadcast_in_dim3A_74] : memref<768xf32, #tpu.memory_space<vmem>>[vector<16xi32>], vector<16xf32>,
    %broadcast_in_dim3A_75 = arith.constant 577 : i32
    %broadcast_in_dim3A_76 = vector.broadcast %broadcast_in_dim3A_75 : i32 to vector<16xi32>
    %gather3A_77 = tpu.vector_load_idx %arg26[%broadcast_in_dim3A_76] : memref<768xf32, #tpu.memory_space<vmem>>[vector<16xi32>], vector<16xf32>,
    %broadcast_in_dim3A_78 = arith.constant 578 : i32
    %broadcast_in_dim3A_79 = vector.broadcast %broadcast_in_dim3A_78 : i32 to vector<16xi32>
    %gather3A_80 = tpu.vector_load_idx %arg26[%broadcast_in_dim3A_79] : memref<768xf32, #tpu.memory_space<vmem>>[vector<16xi32>], vector<16xf32>,
    %broadcast_in_dim3A_81 = arith.constant 579 : i32
    %broadcast_in_dim3A_82 = vector.broadcast %broadcast_in_dim3A_81 : i32 to vector<16xi32>
    %gather3A_83 = tpu.vector_load_idx %arg26[%broadcast_in_dim3A_82] : memref<768xf32, #tpu.memory_space<vmem>>[vector<16xi32>], vector<16xf32>,
    %broadcast_in_dim3A_84 = arith.constant 580 : i32
    %broadcast_in_dim3A_85 = vector.broadcast %broadcast_in_dim3A_84 : i32 to vector<16xi32>
    %gather3A_86 = tpu.vector_load_idx %arg26[%broadcast_in_dim3A_85] : memref<768xf32, #tpu.memory_space<vmem>>[vector<16xi32>], vector<16xf32>,
    %broadcast_in_dim3A_87 = arith.constant 581 : i32
    %broadcast_in_dim3A_88 = vector.broadcast %broadcast_in_dim3A_87 : i32 to vector<16xi32>
    %gather3A_89 = tpu.vector_load_idx %arg26[%broadcast_in_dim3A_88] : memref<768xf32, #tpu.memory_space<vmem>>[vector<16xi32>], vector<16xf32>,
    %broadcast_in_dim3A_90 = arith.constant 0.010416667 : f32
    %broadcast_in_dim3A_91 = vector.broadcast %broadcast_in_dim3A_90 : f32 to vector<16xf32>
    %broadcast_in_dim3A_92 = arith.constant 9.99999974E-6 : f32
    %broadcast_in_dim3A_93 = vector.broadcast %broadcast_in_dim3A_92 : f32 to vector<16xf32>
    %add3A_94 = arith.constant 0 : i32
    %add3A_95 = arith.addi %mul3A_2, %add3A_94 : i32
    %mul3A_96 = arith.constant 6 : i32
    %mul3A_97 = arith.muli %add3A_95, %mul3A_96 : i32
    "tpu.region"() ({
      %run_scoped3A = tpu.sem_alloc : memref<!tpu.dma_semaphore, #tpu.memory_space<semaphore_mem>>
      %dma_start3A = tpu.memref_slice %arg7[%mul3A_97] : memref<1228800xi32, #tpu.memory_space<hbm>> -> memref<480xi32, #tpu.memory_space<hbm>>
      %dma_start3A_207 = tpu.memref_slice %arg7[%mul3A_97] : memref<1228800xi32, #tpu.memory_space<hbm>> -> memref<480xi32, #tpu.memory_space<hbm>>
      tpu.enqueue_dma source(%dma_start3A_207 : memref<480xi32, #tpu.memory_space<hbm>>) target(%arg9 : memref<480xi32, #tpu.memory_space<vmem>>) target_semaphore(%run_scoped3A : memref<!tpu.dma_semaphore, #tpu.memory_space<semaphore_mem>>)
      %dma_wait3A_208 = tpu.memref_slice %arg7[%mul3A_97] : memref<1228800xi32, #tpu.memory_space<hbm>> -> memref<480xi32, #tpu.memory_space<hbm>>
      %dma_wait3A_209 = tpu.memref_slice %arg7[%mul3A_97] : memref<1228800xi32, #tpu.memory_space<hbm>> -> memref<480xi32, #tpu.memory_space<hbm>>
      tpu.wait_dma2 semaphore(%run_scoped3A : memref<!tpu.dma_semaphore, #tpu.memory_space<semaphore_mem>>) src(%dma_wait3A_209 : memref<480xi32, #tpu.memory_space<hbm>>) dst(%arg9 : memref<480xi32, #tpu.memory_space<vmem>>)
      tpu.yield
    }) : () -> ()
    %mul3A_98 = arith.constant 6 : i32
    %mul3A_99 = vector.broadcast %mul3A_98 : i32 to vector<16xi32>
    %mul3A_100 = arith.muli %iota3A, %mul3A_99 : vector<16xi32>
    %broadcast_in_dim3A_101 = arith.constant 0 : i32
    %broadcast_in_dim3A_102 = vector.broadcast %broadcast_in_dim3A_101 : i32 to vector<16xi32>
    %add3A_103 = arith.addi %broadcast_in_dim3A_102, %mul3A_100 : vector<16xi32>
    %gather3A_104 = tpu.vector_load_idx %arg9[%add3A_103] : memref<480xi32, #tpu.memory_space<vmem>>[vector<16xi32>], vector<16xi32>,
    %swap3A = arith.constant 0 : index
    %swap3A_105 = tpu.vector_load %arg11[%swap3A] {strides = array<i32>} : memref<80xi32, #tpu.memory_space<vmem>>, vector<16xi32>,
    tpu.vector_store %arg11[%swap3A], %gather3A_104 {strides = array<i32>} : memref<80xi32, #tpu.memory_space<vmem>>, vector<16xi32>,
    %add3A_106 = arith.constant 1 : i32
    %add3A_107 = vector.broadcast %add3A_106 : i32 to vector<16xi32>
    %add3A_108 = arith.addi %add3A_103, %add3A_107 : vector<16xi32>
    %gather3A_109 = tpu.vector_load_idx %arg9[%add3A_108] : memref<480xi32, #tpu.memory_space<vmem>>[vector<16xi32>], vector<16xi32>,
    %swap3A_110 = arith.constant 0 : index
    %swap3A_111 = tpu.vector_load %arg13[%swap3A_110] {strides = array<i32>} : memref<80xi32, #tpu.memory_space<vmem>>, vector<16xi32>,
    tpu.vector_store %arg13[%swap3A_110], %gather3A_109 {strides = array<i32>} : memref<80xi32, #tpu.memory_space<vmem>>, vector<16xi32>,
    %add3A_112 = arith.constant 2 : i32
    %add3A_113 = vector.broadcast %add3A_112 : i32 to vector<16xi32>
    %add3A_114 = arith.addi %add3A_103, %add3A_113 : vector<16xi32>
    %gather3A_115 = tpu.vector_load_idx %arg9[%add3A_114] : memref<480xi32, #tpu.memory_space<vmem>>[vector<16xi32>], vector<16xi32>,
    %swap3A_116 = arith.constant 0 : index
    %swap3A_117 = tpu.vector_load %arg15[%swap3A_116] {strides = array<i32>} : memref<80xi32, #tpu.memory_space<vmem>>, vector<16xi32>,
    tpu.vector_store %arg15[%swap3A_116], %gather3A_115 {strides = array<i32>} : memref<80xi32, #tpu.memory_space<vmem>>, vector<16xi32>,
    %broadcast_in_dim3A_118 = arith.constant 96 : i32
    %broadcast_in_dim3A_119 = vector.broadcast %broadcast_in_dim3A_118 : i32 to vector<16xi32>
    %add3A_120 = arith.addi %broadcast_in_dim3A_119, %mul3A_100 : vector<16xi32>
    %gather3A_121 = tpu.vector_load_idx %arg9[%add3A_120] : memref<480xi32, #tpu.memory_space<vmem>>[vector<16xi32>], vector<16xi32>,
    %swap3A_122 = arith.constant 16 : index
    %swap3A_123 = tpu.vector_load %arg11[%swap3A_122] {strides = array<i32>} : memref<80xi32, #tpu.memory_space<vmem>>, vector<16xi32>,
    tpu.vector_store %arg11[%swap3A_122], %gather3A_121 {strides = array<i32>} : memref<80xi32, #tpu.memory_space<vmem>>, vector<16xi32>,
    %add3A_124 = arith.constant 1 : i32
    %add3A_125 = vector.broadcast %add3A_124 : i32 to vector<16xi32>
    %add3A_126 = arith.addi %add3A_120, %add3A_125 : vector<16xi32>
    %gather3A_127 = tpu.vector_load_idx %arg9[%add3A_126] : memref<480xi32, #tpu.memory_space<vmem>>[vector<16xi32>], vector<16xi32>,
    %swap3A_128 = arith.constant 16 : index
    %swap3A_129 = tpu.vector_load %arg13[%swap3A_128] {strides = array<i32>} : memref<80xi32, #tpu.memory_space<vmem>>, vector<16xi32>,
    tpu.vector_store %arg13[%swap3A_128], %gather3A_127 {strides = array<i32>} : memref<80xi32, #tpu.memory_space<vmem>>, vector<16xi32>,
    %add3A_130 = arith.constant 2 : i32
    %add3A_131 = vector.broadcast %add3A_130 : i32 to vector<16xi32>
    %add3A_132 = arith.addi %add3A_120, %add3A_131 : vector<16xi32>
    %gather3A_133 = tpu.vector_load_idx %arg9[%add3A_132] : memref<480xi32, #tpu.memory_space<vmem>>[vector<16xi32>], vector<16xi32>,
    %swap3A_134 = arith.constant 16 : index
    %swap3A_135 = tpu.vector_load %arg15[%swap3A_134] {strides = array<i32>} : memref<80xi32, #tpu.memory_space<vmem>>, vector<16xi32>,
    tpu.vector_store %arg15[%swap3A_134], %gather3A_133 {strides = array<i32>} : memref<80xi32, #tpu.memory_space<vmem>>, vector<16xi32>,
    %broadcast_in_dim3A_136 = arith.constant 192 : i32
    %broadcast_in_dim3A_137 = vector.broadcast %broadcast_in_dim3A_136 : i32 to vector<16xi32>
    %add3A_138 = arith.addi %broadcast_in_dim3A_137, %mul3A_100 : vector<16xi32>
    %gather3A_139 = tpu.vector_load_idx %arg9[%add3A_138] : memref<480xi32, #tpu.memory_space<vmem>>[vector<16xi32>], vector<16xi32>,
    %swap3A_140 = arith.constant 32 : index
    %swap3A_141 = tpu.vector_load %arg11[%swap3A_140] {strides = array<i32>} : memref<80xi32, #tpu.memory_space<vmem>>, vector<16xi32>,
    tpu.vector_store %arg11[%swap3A_140], %gather3A_139 {strides = array<i32>} : memref<80xi32, #tpu.memory_space<vmem>>, vector<16xi32>,
    %add3A_142 = arith.constant 1 : i32
    %add3A_143 = vector.broadcast %add3A_142 : i32 to vector<16xi32>
    %add3A_144 = arith.addi %add3A_138, %add3A_143 : vector<16xi32>
    %gather3A_145 = tpu.vector_load_idx %arg9[%add3A_144] : memref<480xi32, #tpu.memory_space<vmem>>[vector<16xi32>], vector<16xi32>,
    %swap3A_146 = arith.constant 32 : index
    %swap3A_147 = tpu.vector_load %arg13[%swap3A_146] {strides = array<i32>} : memref<80xi32, #tpu.memory_space<vmem>>, vector<16xi32>,
    tpu.vector_store %arg13[%swap3A_146], %gather3A_145 {strides = array<i32>} : memref<80xi32, #tpu.memory_space<vmem>>, vector<16xi32>,
    %add3A_148 = arith.constant 2 : i32
    %add3A_149 = vector.broadcast %add3A_148 : i32 to vector<16xi32>
    %add3A_150 = arith.addi %add3A_138, %add3A_149 : vector<16xi32>
    %gather3A_151 = tpu.vector_load_idx %arg9[%add3A_150] : memref<480xi32, #tpu.memory_space<vmem>>[vector<16xi32>], vector<16xi32>,
    %swap3A_152 = arith.constant 32 : index
    %swap3A_153 = tpu.vector_load %arg15[%swap3A_152] {strides = array<i32>} : memref<80xi32, #tpu.memory_space<vmem>>, vector<16xi32>,
    tpu.vector_store %arg15[%swap3A_152], %gather3A_151 {strides = array<i32>} : memref<80xi32, #tpu.memory_space<vmem>>, vector<16xi32>,
    %broadcast_in_dim3A_154 = arith.constant 288 : i32
    %broadcast_in_dim3A_155 = vector.broadcast %broadcast_in_dim3A_154 : i32 to vector<16xi32>
    %add3A_156 = arith.addi %broadcast_in_dim3A_155, %mul3A_100 : vector<16xi32>
    %gather3A_157 = tpu.vector_load_idx %arg9[%add3A_156] : memref<480xi32, #tpu.memory_space<vmem>>[vector<16xi32>], vector<16xi32>,
    %swap3A_158 = arith.constant 48 : index
    %swap3A_159 = tpu.vector_load %arg11[%swap3A_158] {strides = array<i32>} : memref<80xi32, #tpu.memory_space<vmem>>, vector<16xi32>,
    tpu.vector_store %arg11[%swap3A_158], %gather3A_157 {strides = array<i32>} : memref<80xi32, #tpu.memory_space<vmem>>, vector<16xi32>,
    %add3A_160 = arith.constant 1 : i32
    %add3A_161 = vector.broadcast %add3A_160 : i32 to vector<16xi32>
    %add3A_162 = arith.addi %add3A_156, %add3A_161 : vector<16xi32>
    %gather3A_163 = tpu.vector_load_idx %arg9[%add3A_162] : memref<480xi32, #tpu.memory_space<vmem>>[vector<16xi32>], vector<16xi32>,
    %swap3A_164 = arith.constant 48 : index
    %swap3A_165 = tpu.vector_load %arg13[%swap3A_164] {strides = array<i32>} : memref<80xi32, #tpu.memory_space<vmem>>, vector<16xi32>,
    tpu.vector_store %arg13[%swap3A_164], %gather3A_163 {strides = array<i32>} : memref<80xi32, #tpu.memory_space<vmem>>, vector<16xi32>,
    %add3A_166 = arith.constant 2 : i32
    %add3A_167 = vector.broadcast %add3A_166 : i32 to vector<16xi32>
    %add3A_168 = arith.addi %add3A_156, %add3A_167 : vector<16xi32>
    %gather3A_169 = tpu.vector_load_idx %arg9[%add3A_168] : memref<480xi32, #tpu.memory_space<vmem>>[vector<16xi32>], vector<16xi32>,
    %swap3A_170 = arith.constant 48 : index
    %swap3A_171 = tpu.vector_load %arg15[%swap3A_170] {strides = array<i32>} : memref<80xi32, #tpu.memory_space<vmem>>, vector<16xi32>,
    tpu.vector_store %arg15[%swap3A_170], %gather3A_169 {strides = array<i32>} : memref<80xi32, #tpu.memory_space<vmem>>, vector<16xi32>,
    %broadcast_in_dim3A_172 = arith.constant 384 : i32
    %broadcast_in_dim3A_173 = vector.broadcast %broadcast_in_dim3A_172 : i32 to vector<16xi32>
    %add3A_174 = arith.addi %broadcast_in_dim3A_173, %mul3A_100 : vector<16xi32>
    %gather3A_175 = tpu.vector_load_idx %arg9[%add3A_174] : memref<480xi32, #tpu.memory_space<vmem>>[vector<16xi32>], vector<16xi32>,
    %swap3A_176 = arith.constant 64 : index
    %swap3A_177 = tpu.vector_load %arg11[%swap3A_176] {strides = array<i32>} : memref<80xi32, #tpu.memory_space<vmem>>, vector<16xi32>,
    tpu.vector_store %arg11[%swap3A_176], %gather3A_175 {strides = array<i32>} : memref<80xi32, #tpu.memory_space<vmem>>, vector<16xi32>,
    %add3A_178 = arith.constant 1 : i32
    %add3A_179 = vector.broadcast %add3A_178 : i32 to vector<16xi32>
    %add3A_180 = arith.addi %add3A_174, %add3A_179 : vector<16xi32>
    %gather3A_181 = tpu.vector_load_idx %arg9[%add3A_180] : memref<480xi32, #tpu.memory_space<vmem>>[vector<16xi32>], vector<16xi32>,
    %swap3A_182 = arith.constant 64 : index
    %swap3A_183 = tpu.vector_load %arg13[%swap3A_182] {strides = array<i32>} : memref<80xi32, #tpu.memory_space<vmem>>, vector<16xi32>,
    tpu.vector_store %arg13[%swap3A_182], %gather3A_181 {strides = array<i32>} : memref<80xi32, #tpu.memory_space<vmem>>, vector<16xi32>,
    %add3A_184 = arith.constant 2 : i32
    %add3A_185 = vector.broadcast %add3A_184 : i32 to vector<16xi32>
    %add3A_186 = arith.addi %add3A_174, %add3A_185 : vector<16xi32>
    %gather3A_187 = tpu.vector_load_idx %arg9[%add3A_186] : memref<480xi32, #tpu.memory_space<vmem>>[vector<16xi32>], vector<16xi32>,
    %swap3A_188 = arith.constant 64 : index
    %swap3A_189 = tpu.vector_load %arg15[%swap3A_188] {strides = array<i32>} : memref<80xi32, #tpu.memory_space<vmem>>, vector<16xi32>,
    tpu.vector_store %arg15[%swap3A_188], %gather3A_187 {strides = array<i32>} : memref<80xi32, #tpu.memory_space<vmem>>, vector<16xi32>,
    %scan3A = arith.constant 0 : i32
    %scan3A_190 = arith.constant 0 : i32
    %scan3A_191 = arith.constant 40 : i32
    %scan3A_192 = arith.addi %scan3A_190, %scan3A_191 : i32
    %scan3A_193 = arith.constant 1 : i32
    %scan3A_194 = scf.for %scan3A_207 = %scan3A_190 to %scan3A_192 step %scan3A_193 iter_args(%scan3A_208 = %scan3A) -> (i32)  : i32 {
      %mul3A_209 = arith.constant 2 : i32
      %mul3A_210 = arith.muli %mul3A_209, %scan3A_207 : i32
      %add3A_211 = arith.constant 0 : i32
      %add3A_212 = arith.addi %mul3A_210, %add3A_211 : i32
      %add3A_213 = arith.constant 1 : i32
      %add3A_214 = arith.addi %add3A_212, %add3A_213 : i32
      %lt3A = arith.constant 80 : i32
      %lt3A_215 = arith.cmpi slt, %add3A_214, %lt3A : i32
      %convert_element_type3A = arith.extui %lt3A_215 : i1 to i32
      %cond3A = arith.constant 0 : i32
      %cond3A_216 = arith.cmpi ne, %convert_element_type3A, %cond3A : i32
      scf.if %cond3A_216 {
        %add3A_262 = arith.constant 1 : i32
        %add3A_263 = arith.addi %add3A_212, %add3A_262 : i32
        %mul3A_264 = arith.constant 80 : i32
        %mul3A_265 = arith.muli %add3A_263, %mul3A_264 : i32
        %add3A_266 = arith.addi %mul3A_2, %mul3A_265 : i32
        %mul3A_267 = arith.constant 6 : i32
        %mul3A_268 = arith.muli %add3A_266, %mul3A_267 : i32
        "tpu.region"() ({
          %run_scoped3A = tpu.sem_alloc : memref<!tpu.dma_semaphore, #tpu.memory_space<semaphore_mem>>
          %dma_start3A_362 = tpu.memref_slice %arg7[%mul3A_268] : memref<1228800xi32, #tpu.memory_space<hbm>> -> memref<480xi32, #tpu.memory_space<hbm>>
          %dma_start3A_363 = tpu.memref_slice %arg7[%mul3A_268] : memref<1228800xi32, #tpu.memory_space<hbm>> -> memref<480xi32, #tpu.memory_space<hbm>>
          tpu.enqueue_dma source(%dma_start3A_363 : memref<480xi32, #tpu.memory_space<hbm>>) target(%arg10 : memref<480xi32, #tpu.memory_space<vmem>>) target_semaphore(%run_scoped3A : memref<!tpu.dma_semaphore, #tpu.memory_space<semaphore_mem>>)
          %dma_wait3A_364 = tpu.memref_slice %arg7[%mul3A_268] : memref<1228800xi32, #tpu.memory_space<hbm>> -> memref<480xi32, #tpu.memory_space<hbm>>
          %dma_wait3A_365 = tpu.memref_slice %arg7[%mul3A_268] : memref<1228800xi32, #tpu.memory_space<hbm>> -> memref<480xi32, #tpu.memory_space<hbm>>
          tpu.wait_dma2 semaphore(%run_scoped3A : memref<!tpu.dma_semaphore, #tpu.memory_space<semaphore_mem>>) src(%dma_wait3A_365 : memref<480xi32, #tpu.memory_space<hbm>>) dst(%arg10 : memref<480xi32, #tpu.memory_space<vmem>>)
          tpu.yield
        }) : () -> ()
        %mul3A_269 = arith.constant 6 : i32
        %mul3A_270 = vector.broadcast %mul3A_269 : i32 to vector<16xi32>
        %mul3A_271 = arith.muli %iota3A, %mul3A_270 : vector<16xi32>
        %broadcast_in_dim3A_272 = arith.constant 0 : i32
        %broadcast_in_dim3A_273 = vector.broadcast %broadcast_in_dim3A_272 : i32 to vector<16xi32>
        %add3A_274 = arith.addi %broadcast_in_dim3A_273, %mul3A_271 : vector<16xi32>
        %gather3A_275 = tpu.vector_load_idx %arg10[%add3A_274] : memref<480xi32, #tpu.memory_space<vmem>>[vector<16xi32>], vector<16xi32>,
        %swap3A_276 = arith.constant 0 : index
        %swap3A_277 = tpu.vector_load %arg12[%swap3A_276] {strides = array<i32>} : memref<80xi32, #tpu.memory_space<vmem>>, vector<16xi32>,
        tpu.vector_store %arg12[%swap3A_276], %gather3A_275 {strides = array<i32>} : memref<80xi32, #tpu.memory_space<vmem>>, vector<16xi32>,
        %add3A_278 = arith.constant 1 : i32
        %add3A_279 = vector.broadcast %add3A_278 : i32 to vector<16xi32>
        %add3A_280 = arith.addi %add3A_274, %add3A_279 : vector<16xi32>
        %gather3A_281 = tpu.vector_load_idx %arg10[%add3A_280] : memref<480xi32, #tpu.memory_space<vmem>>[vector<16xi32>], vector<16xi32>,
        %swap3A_282 = arith.constant 0 : index
        %swap3A_283 = tpu.vector_load %arg14[%swap3A_282] {strides = array<i32>} : memref<80xi32, #tpu.memory_space<vmem>>, vector<16xi32>,
        tpu.vector_store %arg14[%swap3A_282], %gather3A_281 {strides = array<i32>} : memref<80xi32, #tpu.memory_space<vmem>>, vector<16xi32>,
        %add3A_284 = arith.constant 2 : i32
        %add3A_285 = vector.broadcast %add3A_284 : i32 to vector<16xi32>
        %add3A_286 = arith.addi %add3A_274, %add3A_285 : vector<16xi32>
        %gather3A_287 = tpu.vector_load_idx %arg10[%add3A_286] : memref<480xi32, #tpu.memory_space<vmem>>[vector<16xi32>], vector<16xi32>,
        %swap3A_288 = arith.constant 0 : index
        %swap3A_289 = tpu.vector_load %arg16[%swap3A_288] {strides = array<i32>} : memref<80xi32, #tpu.memory_space<vmem>>, vector<16xi32>,
        tpu.vector_store %arg16[%swap3A_288], %gather3A_287 {strides = array<i32>} : memref<80xi32, #tpu.memory_space<vmem>>, vector<16xi32>,
        %broadcast_in_dim3A_290 = arith.constant 96 : i32
        %broadcast_in_dim3A_291 = vector.broadcast %broadcast_in_dim3A_290 : i32 to vector<16xi32>
        %add3A_292 = arith.addi %broadcast_in_dim3A_291, %mul3A_271 : vector<16xi32>
        %gather3A_293 = tpu.vector_load_idx %arg10[%add3A_292] : memref<480xi32, #tpu.memory_space<vmem>>[vector<16xi32>], vector<16xi32>,
        %swap3A_294 = arith.constant 16 : index
        %swap3A_295 = tpu.vector_load %arg12[%swap3A_294] {strides = array<i32>} : memref<80xi32, #tpu.memory_space<vmem>>, vector<16xi32>,
        tpu.vector_store %arg12[%swap3A_294], %gather3A_293 {strides = array<i32>} : memref<80xi32, #tpu.memory_space<vmem>>, vector<16xi32>,
        %add3A_296 = arith.constant 1 : i32
        %add3A_297 = vector.broadcast %add3A_296 : i32 to vector<16xi32>
        %add3A_298 = arith.addi %add3A_292, %add3A_297 : vector<16xi32>
        %gather3A_299 = tpu.vector_load_idx %arg10[%add3A_298] : memref<480xi32, #tpu.memory_space<vmem>>[vector<16xi32>], vector<16xi32>,
        %swap3A_300 = arith.constant 16 : index
        %swap3A_301 = tpu.vector_load %arg14[%swap3A_300] {strides = array<i32>} : memref<80xi32, #tpu.memory_space<vmem>>, vector<16xi32>,
        tpu.vector_store %arg14[%swap3A_300], %gather3A_299 {strides = array<i32>} : memref<80xi32, #tpu.memory_space<vmem>>, vector<16xi32>,
        %add3A_302 = arith.constant 2 : i32
        %add3A_303 = vector.broadcast %add3A_302 : i32 to vector<16xi32>
        %add3A_304 = arith.addi %add3A_292, %add3A_303 : vector<16xi32>
        %gather3A_305 = tpu.vector_load_idx %arg10[%add3A_304] : memref<480xi32, #tpu.memory_space<vmem>>[vector<16xi32>], vector<16xi32>,
        %swap3A_306 = arith.constant 16 : index
        %swap3A_307 = tpu.vector_load %arg16[%swap3A_306] {strides = array<i32>} : memref<80xi32, #tpu.memory_space<vmem>>, vector<16xi32>,
        tpu.vector_store %arg16[%swap3A_306], %gather3A_305 {strides = array<i32>} : memref<80xi32, #tpu.memory_space<vmem>>, vector<16xi32>,
        %broadcast_in_dim3A_308 = arith.constant 192 : i32
        %broadcast_in_dim3A_309 = vector.broadcast %broadcast_in_dim3A_308 : i32 to vector<16xi32>
        %add3A_310 = arith.addi %broadcast_in_dim3A_309, %mul3A_271 : vector<16xi32>
        %gather3A_311 = tpu.vector_load_idx %arg10[%add3A_310] : memref<480xi32, #tpu.memory_space<vmem>>[vector<16xi32>], vector<16xi32>,
        %swap3A_312 = arith.constant 32 : index
        %swap3A_313 = tpu.vector_load %arg12[%swap3A_312] {strides = array<i32>} : memref<80xi32, #tpu.memory_space<vmem>>, vector<16xi32>,
        tpu.vector_store %arg12[%swap3A_312], %gather3A_311 {strides = array<i32>} : memref<80xi32, #tpu.memory_space<vmem>>, vector<16xi32>,
        %add3A_314 = arith.constant 1 : i32
        %add3A_315 = vector.broadcast %add3A_314 : i32 to vector<16xi32>
        %add3A_316 = arith.addi %add3A_310, %add3A_315 : vector<16xi32>
        %gather3A_317 = tpu.vector_load_idx %arg10[%add3A_316] : memref<480xi32, #tpu.memory_space<vmem>>[vector<16xi32>], vector<16xi32>,
        %swap3A_318 = arith.constant 32 : index
        %swap3A_319 = tpu.vector_load %arg14[%swap3A_318] {strides = array<i32>} : memref<80xi32, #tpu.memory_space<vmem>>, vector<16xi32>,
        tpu.vector_store %arg14[%swap3A_318], %gather3A_317 {strides = array<i32>} : memref<80xi32, #tpu.memory_space<vmem>>, vector<16xi32>,
        %add3A_320 = arith.constant 2 : i32
        %add3A_321 = vector.broadcast %add3A_320 : i32 to vector<16xi32>
        %add3A_322 = arith.addi %add3A_310, %add3A_321 : vector<16xi32>
        %gather3A_323 = tpu.vector_load_idx %arg10[%add3A_322] : memref<480xi32, #tpu.memory_space<vmem>>[vector<16xi32>], vector<16xi32>,
        %swap3A_324 = arith.constant 32 : index
        %swap3A_325 = tpu.vector_load %arg16[%swap3A_324] {strides = array<i32>} : memref<80xi32, #tpu.memory_space<vmem>>, vector<16xi32>,
        tpu.vector_store %arg16[%swap3A_324], %gather3A_323 {strides = array<i32>} : memref<80xi32, #tpu.memory_space<vmem>>, vector<16xi32>,
        %broadcast_in_dim3A_326 = arith.constant 288 : i32
        %broadcast_in_dim3A_327 = vector.broadcast %broadcast_in_dim3A_326 : i32 to vector<16xi32>
        %add3A_328 = arith.addi %broadcast_in_dim3A_327, %mul3A_271 : vector<16xi32>
        %gather3A_329 = tpu.vector_load_idx %arg10[%add3A_328] : memref<480xi32, #tpu.memory_space<vmem>>[vector<16xi32>], vector<16xi32>,
        %swap3A_330 = arith.constant 48 : index
        %swap3A_331 = tpu.vector_load %arg12[%swap3A_330] {strides = array<i32>} : memref<80xi32, #tpu.memory_space<vmem>>, vector<16xi32>,
        tpu.vector_store %arg12[%swap3A_330], %gather3A_329 {strides = array<i32>} : memref<80xi32, #tpu.memory_space<vmem>>, vector<16xi32>,
        %add3A_332 = arith.constant 1 : i32
        %add3A_333 = vector.broadcast %add3A_332 : i32 to vector<16xi32>
        %add3A_334 = arith.addi %add3A_328, %add3A_333 : vector<16xi32>
        %gather3A_335 = tpu.vector_load_idx %arg10[%add3A_334] : memref<480xi32, #tpu.memory_space<vmem>>[vector<16xi32>], vector<16xi32>,
        %swap3A_336 = arith.constant 48 : index
        %swap3A_337 = tpu.vector_load %arg14[%swap3A_336] {strides = array<i32>} : memref<80xi32, #tpu.memory_space<vmem>>, vector<16xi32>,
        tpu.vector_store %arg14[%swap3A_336], %gather3A_335 {strides = array<i32>} : memref<80xi32, #tpu.memory_space<vmem>>, vector<16xi32>,
        %add3A_338 = arith.constant 2 : i32
        %add3A_339 = vector.broadcast %add3A_338 : i32 to vector<16xi32>
        %add3A_340 = arith.addi %add3A_328, %add3A_339 : vector<16xi32>
        %gather3A_341 = tpu.vector_load_idx %arg10[%add3A_340] : memref<480xi32, #tpu.memory_space<vmem>>[vector<16xi32>], vector<16xi32>,
        %swap3A_342 = arith.constant 48 : index
        %swap3A_343 = tpu.vector_load %arg16[%swap3A_342] {strides = array<i32>} : memref<80xi32, #tpu.memory_space<vmem>>, vector<16xi32>,
        tpu.vector_store %arg16[%swap3A_342], %gather3A_341 {strides = array<i32>} : memref<80xi32, #tpu.memory_space<vmem>>, vector<16xi32>,
        %broadcast_in_dim3A_344 = arith.constant 384 : i32
        %broadcast_in_dim3A_345 = vector.broadcast %broadcast_in_dim3A_344 : i32 to vector<16xi32>
        %add3A_346 = arith.addi %broadcast_in_dim3A_345, %mul3A_271 : vector<16xi32>
        %gather3A_347 = tpu.vector_load_idx %arg10[%add3A_346] : memref<480xi32, #tpu.memory_space<vmem>>[vector<16xi32>], vector<16xi32>,
        %swap3A_348 = arith.constant 64 : index
        %swap3A_349 = tpu.vector_load %arg12[%swap3A_348] {strides = array<i32>} : memref<80xi32, #tpu.memory_space<vmem>>, vector<16xi32>,
        tpu.vector_store %arg12[%swap3A_348], %gather3A_347 {strides = array<i32>} : memref<80xi32, #tpu.memory_space<vmem>>, vector<16xi32>,
        %add3A_350 = arith.constant 1 : i32
        %add3A_351 = vector.broadcast %add3A_350 : i32 to vector<16xi32>
        %add3A_352 = arith.addi %add3A_346, %add3A_351 : vector<16xi32>
        %gather3A_353 = tpu.vector_load_idx %arg10[%add3A_352] : memref<480xi32, #tpu.memory_space<vmem>>[vector<16xi32>], vector<16xi32>,
        %swap3A_354 = arith.constant 64 : index
        %swap3A_355 = tpu.vector_load %arg14[%swap3A_354] {strides = array<i32>} : memref<80xi32, #tpu.memory_space<vmem>>, vector<16xi32>,
        tpu.vector_store %arg14[%swap3A_354], %gather3A_353 {strides = array<i32>} : memref<80xi32, #tpu.memory_space<vmem>>, vector<16xi32>,
        %add3A_356 = arith.constant 2 : i32
        %add3A_357 = vector.broadcast %add3A_356 : i32 to vector<16xi32>
        %add3A_358 = arith.addi %add3A_346, %add3A_357 : vector<16xi32>
        %gather3A_359 = tpu.vector_load_idx %arg10[%add3A_358] : memref<480xi32, #tpu.memory_space<vmem>>[vector<16xi32>], vector<16xi32>,
        %swap3A_360 = arith.constant 64 : index
        %swap3A_361 = tpu.vector_load %arg16[%swap3A_360] {strides = array<i32>} : memref<80xi32, #tpu.memory_space<vmem>>, vector<16xi32>,
        tpu.vector_store %arg16[%swap3A_360], %gather3A_359 {strides = array<i32>} : memref<80xi32, #tpu.memory_space<vmem>>, vector<16xi32>,
      } else {
      }
      %ge3A = arith.constant 2 : i32
      %ge3A_217 = arith.cmpi sge, %add3A_212, %ge3A : i32
      %convert_element_type3A_218 = arith.extui %ge3A_217 : i1 to i32
      %cond3A_219 = arith.constant 0 : i32
      %cond3A_220 = arith.cmpi ne, %convert_element_type3A_218, %cond3A_219 : i32
      scf.if %cond3A_220 {
        %sub3A = arith.constant 2 : i32
        %sub3A_262 = arith.subi %add3A_212, %sub3A : i32
        %mul3A_263 = arith.constant 80 : i32
        %mul3A_264 = arith.muli %sub3A_262, %mul3A_263 : i32
        %add3A_265 = arith.addi %mul3A_2, %mul3A_264 : i32
        %dma_wait3A_266 = arith.constant 0 : i32
        %dma_wait3A_267 = tpu.memref_slice %arg8[%add3A_265, %dma_wait3A_266] : memref<204800x192xf32, #tpu.memory_space<hbm>> -> memref<80x192xf32, #tpu.memory_space<hbm>>
        %dma_wait3A_268 = arith.constant 0 : i32
        %dma_wait3A_269 = tpu.memref_slice %arg8[%add3A_265, %dma_wait3A_268] : memref<204800x192xf32, #tpu.memory_space<hbm>> -> memref<80x192xf32, #tpu.memory_space<hbm>>
        tpu.wait_dma2 semaphore(%arg33 : memref<!tpu.dma_semaphore, #tpu.memory_space<semaphore_mem>>) src(%arg23 : memref<80x192xf32, #tpu.memory_space<vmem>>) dst(%dma_wait3A_269 : memref<80x192xf32, #tpu.memory_space<hbm>>)
      } else {
      }
      %parallel_loop3A = arith.constant 0 : i32
      %parallel_loop3A_221 = arith.constant 80 : i32
      %parallel_loop3A_222 = arith.constant 1 : i32
      scf.for %parallel_loop3A_262 = %parallel_loop3A to %parallel_loop3A_221 step %parallel_loop3A_222  : i32 {
        %parallel_loop3A_263 = arith.constant 6 : i32
        %parallel_loop3A_264 = arith.muli %parallel_loop3A_263, %parallel_loop3A_262 : i32
        %parallel_loop3A_265 = arith.constant 3 : i32
        %parallel_loop3A_266 = arith.addi %parallel_loop3A_264, %parallel_loop3A_265 : i32
        %parallel_loop3A_267 = vector.broadcast %parallel_loop3A_266 : i32 to vector<16xi32>
        %parallel_loop3A_268 = tpu.vector_load_idx %arg9[%parallel_loop3A_267] : memref<480xi32, #tpu.memory_space<vmem>>[vector<16xi32>], vector<16xi32>,
        %parallel_loop3A_269 = arith.index_cast %parallel_loop3A_262 : i32 to index
        %parallel_loop3A_270 = arith.constant 0 : index
        %parallel_loop3A_271 = tpu.vector_load %arg17[%parallel_loop3A_269, %parallel_loop3A_270] {strides = array<i32>} : memref<80x128xf32, #tpu.memory_space<vmem>>, vector<16xf32>,
        %parallel_loop3A_272 = arith.index_cast %parallel_loop3A_262 : i32 to index
        %parallel_loop3A_273 = arith.constant 0 : index
        %parallel_loop3A_274 = tpu.vector_load %arg19[%parallel_loop3A_272, %parallel_loop3A_273] {strides = array<i32>} : memref<80x128xf32, #tpu.memory_space<vmem>>, vector<16xf32>,
        %parallel_loop3A_275 = arith.index_cast %parallel_loop3A_262 : i32 to index
        %parallel_loop3A_276 = arith.constant 0 : index
        %parallel_loop3A_277 = tpu.vector_load %arg21[%parallel_loop3A_275, %parallel_loop3A_276] {strides = array<i32>} : memref<80x128xf32, #tpu.memory_space<vmem>>, vector<16xf32>,
        %parallel_loop3A_278 = arith.constant 128 : i32
        %parallel_loop3A_279 = vector.broadcast %parallel_loop3A_278 : i32 to vector<16xi32>
        %parallel_loop3A_280 = arith.muli %parallel_loop3A_268, %parallel_loop3A_279 : vector<16xi32>
        %parallel_loop3A_281 = arith.constant 0 : i32
        %parallel_loop3A_282 = vector.broadcast %parallel_loop3A_281 : i32 to vector<16xi32>
        %parallel_loop3A_283 = arith.addi %iota3A, %parallel_loop3A_282 : vector<16xi32>
        %parallel_loop3A_284 = arith.addi %parallel_loop3A_280, %parallel_loop3A_283 : vector<16xi32>
        %parallel_loop3A_285 = tpu.vector_load_idx %arg25[%parallel_loop3A_284] : memref<1024xf32, #tpu.memory_space<vmem>>[vector<16xi32>], vector<16xf32>,
        %parallel_loop3A_286 = arith.addf %parallel_loop3A_271, %parallel_loop3A_274 : vector<16xf32>
        %parallel_loop3A_287 = arith.addf %parallel_loop3A_277, %parallel_loop3A_285 : vector<16xf32>
        %parallel_loop3A_288 = arith.addf %parallel_loop3A_286, %parallel_loop3A_287 : vector<16xf32>
        %parallel_loop3A_289 = arith.index_cast %parallel_loop3A_262 : i32 to index
        %parallel_loop3A_290 = arith.constant 16 : index
        %parallel_loop3A_291 = tpu.vector_load %arg17[%parallel_loop3A_289, %parallel_loop3A_290] {strides = array<i32>} : memref<80x128xf32, #tpu.memory_space<vmem>>, vector<16xf32>,
        %parallel_loop3A_292 = arith.index_cast %parallel_loop3A_262 : i32 to index
        %parallel_loop3A_293 = arith.constant 16 : index
        %parallel_loop3A_294 = tpu.vector_load %arg19[%parallel_loop3A_292, %parallel_loop3A_293] {strides = array<i32>} : memref<80x128xf32, #tpu.memory_space<vmem>>, vector<16xf32>,
        %parallel_loop3A_295 = arith.index_cast %parallel_loop3A_262 : i32 to index
        %parallel_loop3A_296 = arith.constant 16 : index
        %parallel_loop3A_297 = tpu.vector_load %arg21[%parallel_loop3A_295, %parallel_loop3A_296] {strides = array<i32>} : memref<80x128xf32, #tpu.memory_space<vmem>>, vector<16xf32>,
        %parallel_loop3A_298 = arith.constant 128 : i32
        %parallel_loop3A_299 = vector.broadcast %parallel_loop3A_298 : i32 to vector<16xi32>
        %parallel_loop3A_300 = arith.muli %parallel_loop3A_268, %parallel_loop3A_299 : vector<16xi32>
        %parallel_loop3A_301 = arith.constant 16 : i32
        %parallel_loop3A_302 = vector.broadcast %parallel_loop3A_301 : i32 to vector<16xi32>
        %parallel_loop3A_303 = arith.addi %iota3A, %parallel_loop3A_302 : vector<16xi32>
        %parallel_loop3A_304 = arith.addi %parallel_loop3A_300, %parallel_loop3A_303 : vector<16xi32>
        %parallel_loop3A_305 = tpu.vector_load_idx %arg25[%parallel_loop3A_304] : memref<1024xf32, #tpu.memory_space<vmem>>[vector<16xi32>], vector<16xf32>,
        %parallel_loop3A_306 = arith.addf %parallel_loop3A_291, %parallel_loop3A_294 : vector<16xf32>
        %parallel_loop3A_307 = arith.addf %parallel_loop3A_297, %parallel_loop3A_305 : vector<16xf32>
        %parallel_loop3A_308 = arith.addf %parallel_loop3A_306, %parallel_loop3A_307 : vector<16xf32>
        %parallel_loop3A_309 = arith.index_cast %parallel_loop3A_262 : i32 to index
        %parallel_loop3A_310 = arith.constant 32 : index
        %parallel_loop3A_311 = tpu.vector_load %arg17[%parallel_loop3A_309, %parallel_loop3A_310] {strides = array<i32>} : memref<80x128xf32, #tpu.memory_space<vmem>>, vector<16xf32>,
        %parallel_loop3A_312 = arith.index_cast %parallel_loop3A_262 : i32 to index
        %parallel_loop3A_313 = arith.constant 32 : index
        %parallel_loop3A_314 = tpu.vector_load %arg19[%parallel_loop3A_312, %parallel_loop3A_313] {strides = array<i32>} : memref<80x128xf32, #tpu.memory_space<vmem>>, vector<16xf32>,
        %parallel_loop3A_315 = arith.index_cast %parallel_loop3A_262 : i32 to index
        %parallel_loop3A_316 = arith.constant 32 : index
        %parallel_loop3A_317 = tpu.vector_load %arg21[%parallel_loop3A_315, %parallel_loop3A_316] {strides = array<i32>} : memref<80x128xf32, #tpu.memory_space<vmem>>, vector<16xf32>,
        %parallel_loop3A_318 = arith.constant 128 : i32
        %parallel_loop3A_319 = vector.broadcast %parallel_loop3A_318 : i32 to vector<16xi32>
        %parallel_loop3A_320 = arith.muli %parallel_loop3A_268, %parallel_loop3A_319 : vector<16xi32>
        %parallel_loop3A_321 = arith.constant 32 : i32
        %parallel_loop3A_322 = vector.broadcast %parallel_loop3A_321 : i32 to vector<16xi32>
        %parallel_loop3A_323 = arith.addi %iota3A, %parallel_loop3A_322 : vector<16xi32>
        %parallel_loop3A_324 = arith.addi %parallel_loop3A_320, %parallel_loop3A_323 : vector<16xi32>
        %parallel_loop3A_325 = tpu.vector_load_idx %arg25[%parallel_loop3A_324] : memref<1024xf32, #tpu.memory_space<vmem>>[vector<16xi32>], vector<16xf32>,
        %parallel_loop3A_326 = arith.addf %parallel_loop3A_311, %parallel_loop3A_314 : vector<16xf32>
        %parallel_loop3A_327 = arith.addf %parallel_loop3A_317, %parallel_loop3A_325 : vector<16xf32>
        %parallel_loop3A_328 = arith.addf %parallel_loop3A_326, %parallel_loop3A_327 : vector<16xf32>
        %parallel_loop3A_329 = arith.index_cast %parallel_loop3A_262 : i32 to index
        %parallel_loop3A_330 = arith.constant 48 : index
        %parallel_loop3A_331 = tpu.vector_load %arg17[%parallel_loop3A_329, %parallel_loop3A_330] {strides = array<i32>} : memref<80x128xf32, #tpu.memory_space<vmem>>, vector<16xf32>,
        %parallel_loop3A_332 = arith.index_cast %parallel_loop3A_262 : i32 to index
        %parallel_loop3A_333 = arith.constant 48 : index
        %parallel_loop3A_334 = tpu.vector_load %arg19[%parallel_loop3A_332, %parallel_loop3A_333] {strides = array<i32>} : memref<80x128xf32, #tpu.memory_space<vmem>>, vector<16xf32>,
        %parallel_loop3A_335 = arith.index_cast %parallel_loop3A_262 : i32 to index
        %parallel_loop3A_336 = arith.constant 48 : index
        %parallel_loop3A_337 = tpu.vector_load %arg21[%parallel_loop3A_335, %parallel_loop3A_336] {strides = array<i32>} : memref<80x128xf32, #tpu.memory_space<vmem>>, vector<16xf32>,
        %parallel_loop3A_338 = arith.constant 128 : i32
        %parallel_loop3A_339 = vector.broadcast %parallel_loop3A_338 : i32 to vector<16xi32>
        %parallel_loop3A_340 = arith.muli %parallel_loop3A_268, %parallel_loop3A_339 : vector<16xi32>
        %parallel_loop3A_341 = arith.constant 48 : i32
        %parallel_loop3A_342 = vector.broadcast %parallel_loop3A_341 : i32 to vector<16xi32>
        %parallel_loop3A_343 = arith.addi %iota3A, %parallel_loop3A_342 : vector<16xi32>
        %parallel_loop3A_344 = arith.addi %parallel_loop3A_340, %parallel_loop3A_343 : vector<16xi32>
        %parallel_loop3A_345 = tpu.vector_load_idx %arg25[%parallel_loop3A_344] : memref<1024xf32, #tpu.memory_space<vmem>>[vector<16xi32>], vector<16xf32>,
        %parallel_loop3A_346 = arith.addf %parallel_loop3A_331, %parallel_loop3A_334 : vector<16xf32>
        %parallel_loop3A_347 = arith.addf %parallel_loop3A_337, %parallel_loop3A_345 : vector<16xf32>
        %parallel_loop3A_348 = arith.addf %parallel_loop3A_346, %parallel_loop3A_347 : vector<16xf32>
        %parallel_loop3A_349 = arith.index_cast %parallel_loop3A_262 : i32 to index
        %parallel_loop3A_350 = arith.constant 64 : index
        %parallel_loop3A_351 = tpu.vector_load %arg17[%parallel_loop3A_349, %parallel_loop3A_350] {strides = array<i32>} : memref<80x128xf32, #tpu.memory_space<vmem>>, vector<16xf32>,
        %parallel_loop3A_352 = arith.index_cast %parallel_loop3A_262 : i32 to index
        %parallel_loop3A_353 = arith.constant 64 : index
        %parallel_loop3A_354 = tpu.vector_load %arg19[%parallel_loop3A_352, %parallel_loop3A_353] {strides = array<i32>} : memref<80x128xf32, #tpu.memory_space<vmem>>, vector<16xf32>,
        %parallel_loop3A_355 = arith.index_cast %parallel_loop3A_262 : i32 to index
        %parallel_loop3A_356 = arith.constant 64 : index
        %parallel_loop3A_357 = tpu.vector_load %arg21[%parallel_loop3A_355, %parallel_loop3A_356] {strides = array<i32>} : memref<80x128xf32, #tpu.memory_space<vmem>>, vector<16xf32>,
        %parallel_loop3A_358 = arith.constant 128 : i32
        %parallel_loop3A_359 = vector.broadcast %parallel_loop3A_358 : i32 to vector<16xi32>
        %parallel_loop3A_360 = arith.muli %parallel_loop3A_268, %parallel_loop3A_359 : vector<16xi32>
        %parallel_loop3A_361 = arith.constant 64 : i32
        %parallel_loop3A_362 = vector.broadcast %parallel_loop3A_361 : i32 to vector<16xi32>
        %parallel_loop3A_363 = arith.addi %iota3A, %parallel_loop3A_362 : vector<16xi32>
        %parallel_loop3A_364 = arith.addi %parallel_loop3A_360, %parallel_loop3A_363 : vector<16xi32>
        %parallel_loop3A_365 = tpu.vector_load_idx %arg25[%parallel_loop3A_364] : memref<1024xf32, #tpu.memory_space<vmem>>[vector<16xi32>], vector<16xf32>,
        %parallel_loop3A_366 = arith.addf %parallel_loop3A_351, %parallel_loop3A_354 : vector<16xf32>
        %parallel_loop3A_367 = arith.addf %parallel_loop3A_357, %parallel_loop3A_365 : vector<16xf32>
        %parallel_loop3A_368 = arith.addf %parallel_loop3A_366, %parallel_loop3A_367 : vector<16xf32>
        %parallel_loop3A_369 = arith.index_cast %parallel_loop3A_262 : i32 to index
        %parallel_loop3A_370 = arith.constant 80 : index
        %parallel_loop3A_371 = tpu.vector_load %arg17[%parallel_loop3A_369, %parallel_loop3A_370] {strides = array<i32>} : memref<80x128xf32, #tpu.memory_space<vmem>>, vector<16xf32>,
        %parallel_loop3A_372 = arith.index_cast %parallel_loop3A_262 : i32 to index
        %parallel_loop3A_373 = arith.constant 80 : index
        %parallel_loop3A_374 = tpu.vector_load %arg19[%parallel_loop3A_372, %parallel_loop3A_373] {strides = array<i32>} : memref<80x128xf32, #tpu.memory_space<vmem>>, vector<16xf32>,
        %parallel_loop3A_375 = arith.index_cast %parallel_loop3A_262 : i32 to index
        %parallel_loop3A_376 = arith.constant 80 : index
        %parallel_loop3A_377 = tpu.vector_load %arg21[%parallel_loop3A_375, %parallel_loop3A_376] {strides = array<i32>} : memref<80x128xf32, #tpu.memory_space<vmem>>, vector<16xf32>,
        %parallel_loop3A_378 = arith.constant 128 : i32
        %parallel_loop3A_379 = vector.broadcast %parallel_loop3A_378 : i32 to vector<16xi32>
        %parallel_loop3A_380 = arith.muli %parallel_loop3A_268, %parallel_loop3A_379 : vector<16xi32>
        %parallel_loop3A_381 = arith.constant 80 : i32
        %parallel_loop3A_382 = vector.broadcast %parallel_loop3A_381 : i32 to vector<16xi32>
        %parallel_loop3A_383 = arith.addi %iota3A, %parallel_loop3A_382 : vector<16xi32>
        %parallel_loop3A_384 = arith.addi %parallel_loop3A_380, %parallel_loop3A_383 : vector<16xi32>
        %parallel_loop3A_385 = tpu.vector_load_idx %arg25[%parallel_loop3A_384] : memref<1024xf32, #tpu.memory_space<vmem>>[vector<16xi32>], vector<16xf32>,
        %parallel_loop3A_386 = arith.addf %parallel_loop3A_371, %parallel_loop3A_374 : vector<16xf32>
        %parallel_loop3A_387 = arith.addf %parallel_loop3A_377, %parallel_loop3A_385 : vector<16xf32>
        %parallel_loop3A_388 = arith.addf %parallel_loop3A_386, %parallel_loop3A_387 : vector<16xf32>
        %parallel_loop3A_389 = arith.addf %parallel_loop3A_288, %parallel_loop3A_308 : vector<16xf32>
        %parallel_loop3A_390 = arith.addf %parallel_loop3A_328, %parallel_loop3A_348 : vector<16xf32>
        %parallel_loop3A_391 = arith.addf %parallel_loop3A_389, %parallel_loop3A_390 : vector<16xf32>
        %parallel_loop3A_392 = arith.addf %parallel_loop3A_368, %parallel_loop3A_388 : vector<16xf32>
        %parallel_loop3A_393 = arith.addf %parallel_loop3A_391, %parallel_loop3A_392 : vector<16xf32>
        %parallel_loop3A_394 = arith.mulf %parallel_loop3A_288, %parallel_loop3A_288 : vector<16xf32>
        %parallel_loop3A_395 = arith.mulf %parallel_loop3A_308, %parallel_loop3A_308 : vector<16xf32>
        %parallel_loop3A_396 = arith.addf %parallel_loop3A_394, %parallel_loop3A_395 : vector<16xf32>
        %parallel_loop3A_397 = arith.mulf %parallel_loop3A_328, %parallel_loop3A_328 : vector<16xf32>
        %parallel_loop3A_398 = arith.mulf %parallel_loop3A_348, %parallel_loop3A_348 : vector<16xf32>
        %parallel_loop3A_399 = arith.addf %parallel_loop3A_397, %parallel_loop3A_398 : vector<16xf32>
        %parallel_loop3A_400 = arith.addf %parallel_loop3A_396, %parallel_loop3A_399 : vector<16xf32>
        %parallel_loop3A_401 = arith.mulf %parallel_loop3A_368, %parallel_loop3A_368 : vector<16xf32>
        %parallel_loop3A_402 = arith.mulf %parallel_loop3A_388, %parallel_loop3A_388 : vector<16xf32>
        %parallel_loop3A_403 = arith.addf %parallel_loop3A_401, %parallel_loop3A_402 : vector<16xf32>
        %parallel_loop3A_404 = arith.addf %parallel_loop3A_400, %parallel_loop3A_403 : vector<16xf32>
        %parallel_loop3A_405 = tpu.iota {dimensions = array<i32: 0>} : vector<16xi32>
        %parallel_loop3A_406 = arith.constant 8 : i32
        %parallel_loop3A_407 = vector.broadcast %parallel_loop3A_406 : i32 to vector<16xi32>
        %parallel_loop3A_408 = arith.xori %parallel_loop3A_405, %parallel_loop3A_407 : vector<16xi32>
        %parallel_loop3A_409 = vector.shape_cast %parallel_loop3A_408 : vector<16xi32> to vector<16x1xi32>
        %parallel_loop3A_410 = vector.shape_cast %parallel_loop3A_409 : vector<16x1xi32> to vector<16xi32>
        %parallel_loop3A_411 = tpu.dynamic_gather %parallel_loop3A_393[%parallel_loop3A_410] in [0] : vector<16xf32>, vector<16xi32> -> vector<16xf32>
        %parallel_loop3A_412 = arith.addf %parallel_loop3A_393, %parallel_loop3A_411 : vector<16xf32>
        %parallel_loop3A_413 = arith.constant 4 : i32
        %parallel_loop3A_414 = vector.broadcast %parallel_loop3A_413 : i32 to vector<16xi32>
        %parallel_loop3A_415 = arith.xori %parallel_loop3A_405, %parallel_loop3A_414 : vector<16xi32>
        %parallel_loop3A_416 = vector.shape_cast %parallel_loop3A_415 : vector<16xi32> to vector<16x1xi32>
        %parallel_loop3A_417 = vector.shape_cast %parallel_loop3A_416 : vector<16x1xi32> to vector<16xi32>
        %parallel_loop3A_418 = tpu.dynamic_gather %parallel_loop3A_412[%parallel_loop3A_417] in [0] : vector<16xf32>, vector<16xi32> -> vector<16xf32>
        %parallel_loop3A_419 = arith.addf %parallel_loop3A_412, %parallel_loop3A_418 : vector<16xf32>
        %parallel_loop3A_420 = arith.constant 2 : i32
        %parallel_loop3A_421 = vector.broadcast %parallel_loop3A_420 : i32 to vector<16xi32>
        %parallel_loop3A_422 = arith.xori %parallel_loop3A_405, %parallel_loop3A_421 : vector<16xi32>
        %parallel_loop3A_423 = vector.shape_cast %parallel_loop3A_422 : vector<16xi32> to vector<16x1xi32>
        %parallel_loop3A_424 = vector.shape_cast %parallel_loop3A_423 : vector<16x1xi32> to vector<16xi32>
        %parallel_loop3A_425 = tpu.dynamic_gather %parallel_loop3A_419[%parallel_loop3A_424] in [0] : vector<16xf32>, vector<16xi32> -> vector<16xf32>
        %parallel_loop3A_426 = arith.addf %parallel_loop3A_419, %parallel_loop3A_425 : vector<16xf32>
        %parallel_loop3A_427 = arith.constant 1 : i32
        %parallel_loop3A_428 = vector.broadcast %parallel_loop3A_427 : i32 to vector<16xi32>
        %parallel_loop3A_429 = arith.xori %parallel_loop3A_405, %parallel_loop3A_428 : vector<16xi32>
        %parallel_loop3A_430 = vector.shape_cast %parallel_loop3A_429 : vector<16xi32> to vector<16x1xi32>
        %parallel_loop3A_431 = vector.shape_cast %parallel_loop3A_430 : vector<16x1xi32> to vector<16xi32>
        %parallel_loop3A_432 = tpu.dynamic_gather %parallel_loop3A_426[%parallel_loop3A_431] in [0] : vector<16xf32>, vector<16xi32> -> vector<16xf32>
        %parallel_loop3A_433 = arith.addf %parallel_loop3A_426, %parallel_loop3A_432 : vector<16xf32>
        %parallel_loop3A_434 = arith.mulf %parallel_loop3A_433, %broadcast_in_dim3A_91 : vector<16xf32>
        %parallel_loop3A_435 = tpu.iota {dimensions = array<i32: 0>} : vector<16xi32>
        %parallel_loop3A_436 = arith.constant 8 : i32
        %parallel_loop3A_437 = vector.broadcast %parallel_loop3A_436 : i32 to vector<16xi32>
        %parallel_loop3A_438 = arith.xori %parallel_loop3A_435, %parallel_loop3A_437 : vector<16xi32>
        %parallel_loop3A_439 = vector.shape_cast %parallel_loop3A_438 : vector<16xi32> to vector<16x1xi32>
        %parallel_loop3A_440 = vector.shape_cast %parallel_loop3A_439 : vector<16x1xi32> to vector<16xi32>
        %parallel_loop3A_441 = tpu.dynamic_gather %parallel_loop3A_404[%parallel_loop3A_440] in [0] : vector<16xf32>, vector<16xi32> -> vector<16xf32>
        %parallel_loop3A_442 = arith.addf %parallel_loop3A_404, %parallel_loop3A_441 : vector<16xf32>
        %parallel_loop3A_443 = arith.constant 4 : i32
        %parallel_loop3A_444 = vector.broadcast %parallel_loop3A_443 : i32 to vector<16xi32>
        %parallel_loop3A_445 = arith.xori %parallel_loop3A_435, %parallel_loop3A_444 : vector<16xi32>
        %parallel_loop3A_446 = vector.shape_cast %parallel_loop3A_445 : vector<16xi32> to vector<16x1xi32>
        %parallel_loop3A_447 = vector.shape_cast %parallel_loop3A_446 : vector<16x1xi32> to vector<16xi32>
        %parallel_loop3A_448 = tpu.dynamic_gather %parallel_loop3A_442[%parallel_loop3A_447] in [0] : vector<16xf32>, vector<16xi32> -> vector<16xf32>
        %parallel_loop3A_449 = arith.addf %parallel_loop3A_442, %parallel_loop3A_448 : vector<16xf32>
        %parallel_loop3A_450 = arith.constant 2 : i32
        %parallel_loop3A_451 = vector.broadcast %parallel_loop3A_450 : i32 to vector<16xi32>
        %parallel_loop3A_452 = arith.xori %parallel_loop3A_435, %parallel_loop3A_451 : vector<16xi32>
        %parallel_loop3A_453 = vector.shape_cast %parallel_loop3A_452 : vector<16xi32> to vector<16x1xi32>
        %parallel_loop3A_454 = vector.shape_cast %parallel_loop3A_453 : vector<16x1xi32> to vector<16xi32>
        %parallel_loop3A_455 = tpu.dynamic_gather %parallel_loop3A_449[%parallel_loop3A_454] in [0] : vector<16xf32>, vector<16xi32> -> vector<16xf32>
        %parallel_loop3A_456 = arith.addf %parallel_loop3A_449, %parallel_loop3A_455 : vector<16xf32>
        %parallel_loop3A_457 = arith.constant 1 : i32
        %parallel_loop3A_458 = vector.broadcast %parallel_loop3A_457 : i32 to vector<16xi32>
        %parallel_loop3A_459 = arith.xori %parallel_loop3A_435, %parallel_loop3A_458 : vector<16xi32>
        %parallel_loop3A_460 = vector.shape_cast %parallel_loop3A_459 : vector<16xi32> to vector<16x1xi32>
        %parallel_loop3A_461 = vector.shape_cast %parallel_loop3A_460 : vector<16x1xi32> to vector<16xi32>
        %parallel_loop3A_462 = tpu.dynamic_gather %parallel_loop3A_456[%parallel_loop3A_461] in [0] : vector<16xf32>, vector<16xi32> -> vector<16xf32>
        %parallel_loop3A_463 = arith.addf %parallel_loop3A_456, %parallel_loop3A_462 : vector<16xf32>
        %parallel_loop3A_464 = arith.mulf %parallel_loop3A_463, %broadcast_in_dim3A_91 : vector<16xf32>
        %parallel_loop3A_465 = arith.mulf %parallel_loop3A_434, %parallel_loop3A_434 : vector<16xf32>
        %parallel_loop3A_466 = arith.subf %parallel_loop3A_464, %parallel_loop3A_465 : vector<16xf32>
        %parallel_loop3A_467 = arith.addf %parallel_loop3A_466, %broadcast_in_dim3A_93 : vector<16xf32>
        %parallel_loop3A_468 = vector.bitcast %parallel_loop3A_467 : vector<16xf32> to vector<16xi32>
        %parallel_loop3A_469 = arith.constant 1597463007 : i32
        %parallel_loop3A_470 = vector.broadcast %parallel_loop3A_469 : i32 to vector<16xi32>
        %parallel_loop3A_471 = arith.constant 1 : i32
        %parallel_loop3A_472 = vector.broadcast %parallel_loop3A_471 : i32 to vector<16xi32>
        %parallel_loop3A_473 = arith.shrsi %parallel_loop3A_468, %parallel_loop3A_472 : vector<16xi32>
        %parallel_loop3A_474 = arith.subi %parallel_loop3A_470, %parallel_loop3A_473 : vector<16xi32>
        %parallel_loop3A_475 = vector.bitcast %parallel_loop3A_474 : vector<16xi32> to vector<16xf32>
        %parallel_loop3A_476 = arith.constant 1.500000e+00 : f32
        %parallel_loop3A_477 = vector.broadcast %parallel_loop3A_476 : f32 to vector<16xf32>
        %parallel_loop3A_478 = arith.constant 5.000000e-01 : f32
        %parallel_loop3A_479 = vector.broadcast %parallel_loop3A_478 : f32 to vector<16xf32>
        %parallel_loop3A_480 = arith.mulf %parallel_loop3A_479, %parallel_loop3A_467 : vector<16xf32>
        %parallel_loop3A_481 = arith.mulf %parallel_loop3A_480, %parallel_loop3A_475 : vector<16xf32>
        %parallel_loop3A_482 = arith.mulf %parallel_loop3A_481, %parallel_loop3A_475 : vector<16xf32>
        %parallel_loop3A_483 = arith.subf %parallel_loop3A_477, %parallel_loop3A_482 : vector<16xf32>
        %parallel_loop3A_484 = arith.mulf %parallel_loop3A_475, %parallel_loop3A_483 : vector<16xf32>
        %parallel_loop3A_485 = arith.constant 5.000000e-01 : f32
        %parallel_loop3A_486 = vector.broadcast %parallel_loop3A_485 : f32 to vector<16xf32>
        %parallel_loop3A_487 = arith.mulf %parallel_loop3A_486, %parallel_loop3A_467 : vector<16xf32>
        %parallel_loop3A_488 = arith.mulf %parallel_loop3A_487, %parallel_loop3A_484 : vector<16xf32>
        %parallel_loop3A_489 = arith.mulf %parallel_loop3A_488, %parallel_loop3A_484 : vector<16xf32>
        %parallel_loop3A_490 = arith.subf %parallel_loop3A_477, %parallel_loop3A_489 : vector<16xf32>
        %parallel_loop3A_491 = arith.mulf %parallel_loop3A_484, %parallel_loop3A_490 : vector<16xf32>
        %parallel_loop3A_492 = arith.constant 5.000000e-01 : f32
        %parallel_loop3A_493 = vector.broadcast %parallel_loop3A_492 : f32 to vector<16xf32>
        %parallel_loop3A_494 = arith.mulf %parallel_loop3A_493, %parallel_loop3A_467 : vector<16xf32>
        %parallel_loop3A_495 = arith.mulf %parallel_loop3A_494, %parallel_loop3A_491 : vector<16xf32>
        %parallel_loop3A_496 = arith.mulf %parallel_loop3A_495, %parallel_loop3A_491 : vector<16xf32>
        %parallel_loop3A_497 = arith.subf %parallel_loop3A_477, %parallel_loop3A_496 : vector<16xf32>
        %parallel_loop3A_498 = arith.mulf %parallel_loop3A_491, %parallel_loop3A_497 : vector<16xf32>
        %parallel_loop3A_499 = arith.mulf %parallel_loop3A_498, %get3A_3 : vector<16xf32>
        %parallel_loop3A_500 = arith.mulf %parallel_loop3A_288, %parallel_loop3A_499 : vector<16xf32>
        %parallel_loop3A_501 = arith.mulf %parallel_loop3A_434, %parallel_loop3A_499 : vector<16xf32>
        %parallel_loop3A_502 = arith.subf %get3A_15, %parallel_loop3A_501 : vector<16xf32>
        %parallel_loop3A_503 = arith.addf %parallel_loop3A_500, %parallel_loop3A_502 : vector<16xf32>
        %parallel_loop3A_504 = arith.index_cast %parallel_loop3A_262 : i32 to index
        %parallel_loop3A_505 = arith.constant 0 : index
        %parallel_loop3A_506 = tpu.vector_load %arg23[%parallel_loop3A_504, %parallel_loop3A_505] {strides = array<i32>} : memref<80x192xf32, #tpu.memory_space<vmem>>, vector<16xf32>,
        tpu.vector_store %arg23[%parallel_loop3A_504, %parallel_loop3A_505], %parallel_loop3A_503 {strides = array<i32>} : memref<80x192xf32, #tpu.memory_space<vmem>>, vector<16xf32>,
        %parallel_loop3A_507 = arith.mulf %parallel_loop3A_498, %get3A_5 : vector<16xf32>
        %parallel_loop3A_508 = arith.mulf %parallel_loop3A_308, %parallel_loop3A_507 : vector<16xf32>
        %parallel_loop3A_509 = arith.mulf %parallel_loop3A_434, %parallel_loop3A_507 : vector<16xf32>
        %parallel_loop3A_510 = arith.subf %get3A_17, %parallel_loop3A_509 : vector<16xf32>
        %parallel_loop3A_511 = arith.addf %parallel_loop3A_508, %parallel_loop3A_510 : vector<16xf32>
        %parallel_loop3A_512 = arith.index_cast %parallel_loop3A_262 : i32 to index
        %parallel_loop3A_513 = arith.constant 16 : index
        %parallel_loop3A_514 = tpu.vector_load %arg23[%parallel_loop3A_512, %parallel_loop3A_513] {strides = array<i32>} : memref<80x192xf32, #tpu.memory_space<vmem>>, vector<16xf32>,
        tpu.vector_store %arg23[%parallel_loop3A_512, %parallel_loop3A_513], %parallel_loop3A_511 {strides = array<i32>} : memref<80x192xf32, #tpu.memory_space<vmem>>, vector<16xf32>,
        %parallel_loop3A_515 = arith.mulf %parallel_loop3A_498, %get3A_7 : vector<16xf32>
        %parallel_loop3A_516 = arith.mulf %parallel_loop3A_328, %parallel_loop3A_515 : vector<16xf32>
        %parallel_loop3A_517 = arith.mulf %parallel_loop3A_434, %parallel_loop3A_515 : vector<16xf32>
        %parallel_loop3A_518 = arith.subf %get3A_19, %parallel_loop3A_517 : vector<16xf32>
        %parallel_loop3A_519 = arith.addf %parallel_loop3A_516, %parallel_loop3A_518 : vector<16xf32>
        %parallel_loop3A_520 = arith.index_cast %parallel_loop3A_262 : i32 to index
        %parallel_loop3A_521 = arith.constant 32 : index
        %parallel_loop3A_522 = tpu.vector_load %arg23[%parallel_loop3A_520, %parallel_loop3A_521] {strides = array<i32>} : memref<80x192xf32, #tpu.memory_space<vmem>>, vector<16xf32>,
        tpu.vector_store %arg23[%parallel_loop3A_520, %parallel_loop3A_521], %parallel_loop3A_519 {strides = array<i32>} : memref<80x192xf32, #tpu.memory_space<vmem>>, vector<16xf32>,
        %parallel_loop3A_523 = arith.mulf %parallel_loop3A_498, %get3A_9 : vector<16xf32>
        %parallel_loop3A_524 = arith.mulf %parallel_loop3A_348, %parallel_loop3A_523 : vector<16xf32>
        %parallel_loop3A_525 = arith.mulf %parallel_loop3A_434, %parallel_loop3A_523 : vector<16xf32>
        %parallel_loop3A_526 = arith.subf %get3A_21, %parallel_loop3A_525 : vector<16xf32>
        %parallel_loop3A_527 = arith.addf %parallel_loop3A_524, %parallel_loop3A_526 : vector<16xf32>
        %parallel_loop3A_528 = arith.index_cast %parallel_loop3A_262 : i32 to index
        %parallel_loop3A_529 = arith.constant 48 : index
        %parallel_loop3A_530 = tpu.vector_load %arg23[%parallel_loop3A_528, %parallel_loop3A_529] {strides = array<i32>} : memref<80x192xf32, #tpu.memory_space<vmem>>, vector<16xf32>,
        tpu.vector_store %arg23[%parallel_loop3A_528, %parallel_loop3A_529], %parallel_loop3A_527 {strides = array<i32>} : memref<80x192xf32, #tpu.memory_space<vmem>>, vector<16xf32>,
        %parallel_loop3A_531 = arith.mulf %parallel_loop3A_498, %get3A_11 : vector<16xf32>
        %parallel_loop3A_532 = arith.mulf %parallel_loop3A_368, %parallel_loop3A_531 : vector<16xf32>
        %parallel_loop3A_533 = arith.mulf %parallel_loop3A_434, %parallel_loop3A_531 : vector<16xf32>
        %parallel_loop3A_534 = arith.subf %get3A_23, %parallel_loop3A_533 : vector<16xf32>
        %parallel_loop3A_535 = arith.addf %parallel_loop3A_532, %parallel_loop3A_534 : vector<16xf32>
        %parallel_loop3A_536 = arith.index_cast %parallel_loop3A_262 : i32 to index
        %parallel_loop3A_537 = arith.constant 64 : index
        %parallel_loop3A_538 = tpu.vector_load %arg23[%parallel_loop3A_536, %parallel_loop3A_537] {strides = array<i32>} : memref<80x192xf32, #tpu.memory_space<vmem>>, vector<16xf32>,
        tpu.vector_store %arg23[%parallel_loop3A_536, %parallel_loop3A_537], %parallel_loop3A_535 {strides = array<i32>} : memref<80x192xf32, #tpu.memory_space<vmem>>, vector<16xf32>,
        %parallel_loop3A_539 = arith.mulf %parallel_loop3A_498, %get3A_13 : vector<16xf32>
        %parallel_loop3A_540 = arith.mulf %parallel_loop3A_388, %parallel_loop3A_539 : vector<16xf32>
        %parallel_loop3A_541 = arith.mulf %parallel_loop3A_434, %parallel_loop3A_539 : vector<16xf32>
        %parallel_loop3A_542 = arith.subf %get3A_25, %parallel_loop3A_541 : vector<16xf32>
        %parallel_loop3A_543 = arith.addf %parallel_loop3A_540, %parallel_loop3A_542 : vector<16xf32>
        %parallel_loop3A_544 = arith.index_cast %parallel_loop3A_262 : i32 to index
        %parallel_loop3A_545 = arith.constant 80 : index
        %parallel_loop3A_546 = tpu.vector_load %arg23[%parallel_loop3A_544, %parallel_loop3A_545] {strides = array<i32>} : memref<80x192xf32, #tpu.memory_space<vmem>>, vector<16xf32>,
        tpu.vector_store %arg23[%parallel_loop3A_544, %parallel_loop3A_545], %parallel_loop3A_543 {strides = array<i32>} : memref<80x192xf32, #tpu.memory_space<vmem>>, vector<16xf32>,
      } {sc.loop_unroll_factor = 4 : i64, sc.parallel_access}
      %parallel_loop3A_223 = arith.constant 0 : i32
      %parallel_loop3A_224 = arith.constant 80 : i32
      %parallel_loop3A_225 = arith.constant 1 : i32
      scf.for %parallel_loop3A_262 = %parallel_loop3A_223 to %parallel_loop3A_224 step %parallel_loop3A_225  : i32 {
        %parallel_loop3A_263 = arith.constant 6 : i32
        %parallel_loop3A_264 = arith.muli %parallel_loop3A_263, %parallel_loop3A_262 : i32
        %parallel_loop3A_265 = arith.constant 4 : i32
        %parallel_loop3A_266 = arith.addi %parallel_loop3A_264, %parallel_loop3A_265 : i32
        %parallel_loop3A_267 = vector.broadcast %parallel_loop3A_266 : i32 to vector<16xi32>
        %parallel_loop3A_268 = tpu.vector_load_idx %arg9[%parallel_loop3A_267] : memref<480xi32, #tpu.memory_space<vmem>>[vector<16xi32>], vector<16xi32>,
        %parallel_loop3A_269 = vector.bitcast %parallel_loop3A_268 : vector<16xi32> to vector<16xf32>
        %parallel_loop3A_270 = arith.constant 6 : i32
        %parallel_loop3A_271 = arith.muli %parallel_loop3A_270, %parallel_loop3A_262 : i32
        %parallel_loop3A_272 = arith.constant 5 : i32
        %parallel_loop3A_273 = arith.addi %parallel_loop3A_271, %parallel_loop3A_272 : i32
        %parallel_loop3A_274 = vector.broadcast %parallel_loop3A_273 : i32 to vector<16xi32>
        %parallel_loop3A_275 = tpu.vector_load_idx %arg9[%parallel_loop3A_274] : memref<480xi32, #tpu.memory_space<vmem>>[vector<16xi32>], vector<16xi32>,
        %parallel_loop3A_276 = vector.bitcast %parallel_loop3A_275 : vector<16xi32> to vector<16xf32>
        %parallel_loop3A_277 = arith.mulf %gather3A, %parallel_loop3A_269 : vector<16xf32>
        %parallel_loop3A_278 = arith.mulf %gather3A_83, %parallel_loop3A_276 : vector<16xf32>
        %parallel_loop3A_279 = arith.addf %parallel_loop3A_277, %parallel_loop3A_278 : vector<16xf32>
        %parallel_loop3A_280 = arith.addf %parallel_loop3A_279, %gather3A_86 : vector<16xf32>
        %parallel_loop3A_281 = arith.mulf %parallel_loop3A_280, %parallel_loop3A_269 : vector<16xf32>
        %parallel_loop3A_282 = arith.mulf %gather3A_77, %parallel_loop3A_276 : vector<16xf32>
        %parallel_loop3A_283 = arith.addf %parallel_loop3A_282, %gather3A_89 : vector<16xf32>
        %parallel_loop3A_284 = arith.mulf %parallel_loop3A_283, %parallel_loop3A_276 : vector<16xf32>
        %parallel_loop3A_285 = arith.addf %parallel_loop3A_281, %parallel_loop3A_284 : vector<16xf32>
        %parallel_loop3A_286 = arith.addf %parallel_loop3A_285, %gather3A_80 : vector<16xf32>
        %parallel_loop3A_287 = vector.bitcast %parallel_loop3A_286 : vector<16xf32> to vector<16xi32>
        %parallel_loop3A_288 = arith.constant 1597463007 : i32
        %parallel_loop3A_289 = vector.broadcast %parallel_loop3A_288 : i32 to vector<16xi32>
        %parallel_loop3A_290 = arith.constant 1 : i32
        %parallel_loop3A_291 = vector.broadcast %parallel_loop3A_290 : i32 to vector<16xi32>
        %parallel_loop3A_292 = arith.shrsi %parallel_loop3A_287, %parallel_loop3A_291 : vector<16xi32>
        %parallel_loop3A_293 = arith.subi %parallel_loop3A_289, %parallel_loop3A_292 : vector<16xi32>
        %parallel_loop3A_294 = vector.bitcast %parallel_loop3A_293 : vector<16xi32> to vector<16xf32>
        %parallel_loop3A_295 = arith.constant 1.500000e+00 : f32
        %parallel_loop3A_296 = vector.broadcast %parallel_loop3A_295 : f32 to vector<16xf32>
        %parallel_loop3A_297 = arith.constant 5.000000e-01 : f32
        %parallel_loop3A_298 = vector.broadcast %parallel_loop3A_297 : f32 to vector<16xf32>
        %parallel_loop3A_299 = arith.mulf %parallel_loop3A_298, %parallel_loop3A_286 : vector<16xf32>
        %parallel_loop3A_300 = arith.mulf %parallel_loop3A_299, %parallel_loop3A_294 : vector<16xf32>
        %parallel_loop3A_301 = arith.mulf %parallel_loop3A_300, %parallel_loop3A_294 : vector<16xf32>
        %parallel_loop3A_302 = arith.subf %parallel_loop3A_296, %parallel_loop3A_301 : vector<16xf32>
        %parallel_loop3A_303 = arith.mulf %parallel_loop3A_294, %parallel_loop3A_302 : vector<16xf32>
        %parallel_loop3A_304 = arith.constant 5.000000e-01 : f32
        %parallel_loop3A_305 = vector.broadcast %parallel_loop3A_304 : f32 to vector<16xf32>
        %parallel_loop3A_306 = arith.mulf %parallel_loop3A_305, %parallel_loop3A_286 : vector<16xf32>
        %parallel_loop3A_307 = arith.mulf %parallel_loop3A_306, %parallel_loop3A_303 : vector<16xf32>
        %parallel_loop3A_308 = arith.mulf %parallel_loop3A_307, %parallel_loop3A_303 : vector<16xf32>
        %parallel_loop3A_309 = arith.subf %parallel_loop3A_296, %parallel_loop3A_308 : vector<16xf32>
        %parallel_loop3A_310 = arith.mulf %parallel_loop3A_303, %parallel_loop3A_309 : vector<16xf32>
        %parallel_loop3A_311 = arith.constant 5.000000e-01 : f32
        %parallel_loop3A_312 = vector.broadcast %parallel_loop3A_311 : f32 to vector<16xf32>
        %parallel_loop3A_313 = arith.mulf %parallel_loop3A_312, %parallel_loop3A_286 : vector<16xf32>
        %parallel_loop3A_314 = arith.mulf %parallel_loop3A_313, %parallel_loop3A_310 : vector<16xf32>
        %parallel_loop3A_315 = arith.mulf %parallel_loop3A_314, %parallel_loop3A_310 : vector<16xf32>
        %parallel_loop3A_316 = arith.subf %parallel_loop3A_296, %parallel_loop3A_315 : vector<16xf32>
        %parallel_loop3A_317 = arith.mulf %parallel_loop3A_310, %parallel_loop3A_316 : vector<16xf32>
        %parallel_loop3A_318 = arith.mulf %parallel_loop3A_269, %get3A_27 : vector<16xf32>
        %parallel_loop3A_319 = arith.mulf %parallel_loop3A_276, %get3A_39 : vector<16xf32>
        %parallel_loop3A_320 = arith.addf %parallel_loop3A_318, %parallel_loop3A_319 : vector<16xf32>
        %parallel_loop3A_321 = arith.addf %parallel_loop3A_320, %get3A_51 : vector<16xf32>
        %parallel_loop3A_322 = arith.mulf %parallel_loop3A_321, %parallel_loop3A_317 : vector<16xf32>
        %parallel_loop3A_323 = arith.addf %parallel_loop3A_322, %get3A_63 : vector<16xf32>
        %parallel_loop3A_324 = arith.index_cast %parallel_loop3A_262 : i32 to index
        %parallel_loop3A_325 = arith.constant 96 : index
        %parallel_loop3A_326 = tpu.vector_load %arg23[%parallel_loop3A_324, %parallel_loop3A_325] {strides = array<i32>} : memref<80x192xf32, #tpu.memory_space<vmem>>, vector<16xf32>,
        tpu.vector_store %arg23[%parallel_loop3A_324, %parallel_loop3A_325], %parallel_loop3A_323 {strides = array<i32>} : memref<80x192xf32, #tpu.memory_space<vmem>>, vector<16xf32>,
        %parallel_loop3A_327 = arith.mulf %parallel_loop3A_269, %get3A_29 : vector<16xf32>
        %parallel_loop3A_328 = arith.mulf %parallel_loop3A_276, %get3A_41 : vector<16xf32>
        %parallel_loop3A_329 = arith.addf %parallel_loop3A_327, %parallel_loop3A_328 : vector<16xf32>
        %parallel_loop3A_330 = arith.addf %parallel_loop3A_329, %get3A_53 : vector<16xf32>
        %parallel_loop3A_331 = arith.mulf %parallel_loop3A_330, %parallel_loop3A_317 : vector<16xf32>
        %parallel_loop3A_332 = arith.addf %parallel_loop3A_331, %get3A_65 : vector<16xf32>
        %parallel_loop3A_333 = arith.index_cast %parallel_loop3A_262 : i32 to index
        %parallel_loop3A_334 = arith.constant 112 : index
        %parallel_loop3A_335 = tpu.vector_load %arg23[%parallel_loop3A_333, %parallel_loop3A_334] {strides = array<i32>} : memref<80x192xf32, #tpu.memory_space<vmem>>, vector<16xf32>,
        tpu.vector_store %arg23[%parallel_loop3A_333, %parallel_loop3A_334], %parallel_loop3A_332 {strides = array<i32>} : memref<80x192xf32, #tpu.memory_space<vmem>>, vector<16xf32>,
        %parallel_loop3A_336 = arith.mulf %parallel_loop3A_269, %get3A_31 : vector<16xf32>
        %parallel_loop3A_337 = arith.mulf %parallel_loop3A_276, %get3A_43 : vector<16xf32>
        %parallel_loop3A_338 = arith.addf %parallel_loop3A_336, %parallel_loop3A_337 : vector<16xf32>
        %parallel_loop3A_339 = arith.addf %parallel_loop3A_338, %get3A_55 : vector<16xf32>
        %parallel_loop3A_340 = arith.mulf %parallel_loop3A_339, %parallel_loop3A_317 : vector<16xf32>
        %parallel_loop3A_341 = arith.addf %parallel_loop3A_340, %get3A_67 : vector<16xf32>
        %parallel_loop3A_342 = arith.index_cast %parallel_loop3A_262 : i32 to index
        %parallel_loop3A_343 = arith.constant 128 : index
        %parallel_loop3A_344 = tpu.vector_load %arg23[%parallel_loop3A_342, %parallel_loop3A_343] {strides = array<i32>} : memref<80x192xf32, #tpu.memory_space<vmem>>, vector<16xf32>,
        tpu.vector_store %arg23[%parallel_loop3A_342, %parallel_loop3A_343], %parallel_loop3A_341 {strides = array<i32>} : memref<80x192xf32, #tpu.memory_space<vmem>>, vector<16xf32>,
        %parallel_loop3A_345 = arith.mulf %parallel_loop3A_269, %get3A_33 : vector<16xf32>
        %parallel_loop3A_346 = arith.mulf %parallel_loop3A_276, %get3A_45 : vector<16xf32>
        %parallel_loop3A_347 = arith.addf %parallel_loop3A_345, %parallel_loop3A_346 : vector<16xf32>
        %parallel_loop3A_348 = arith.addf %parallel_loop3A_347, %get3A_57 : vector<16xf32>
        %parallel_loop3A_349 = arith.mulf %parallel_loop3A_348, %parallel_loop3A_317 : vector<16xf32>
        %parallel_loop3A_350 = arith.addf %parallel_loop3A_349, %get3A_69 : vector<16xf32>
        %parallel_loop3A_351 = arith.index_cast %parallel_loop3A_262 : i32 to index
        %parallel_loop3A_352 = arith.constant 144 : index
        %parallel_loop3A_353 = tpu.vector_load %arg23[%parallel_loop3A_351, %parallel_loop3A_352] {strides = array<i32>} : memref<80x192xf32, #tpu.memory_space<vmem>>, vector<16xf32>,
        tpu.vector_store %arg23[%parallel_loop3A_351, %parallel_loop3A_352], %parallel_loop3A_350 {strides = array<i32>} : memref<80x192xf32, #tpu.memory_space<vmem>>, vector<16xf32>,
        %parallel_loop3A_354 = arith.mulf %parallel_loop3A_269, %get3A_35 : vector<16xf32>
        %parallel_loop3A_355 = arith.mulf %parallel_loop3A_276, %get3A_47 : vector<16xf32>
        %parallel_loop3A_356 = arith.addf %parallel_loop3A_354, %parallel_loop3A_355 : vector<16xf32>
        %parallel_loop3A_357 = arith.addf %parallel_loop3A_356, %get3A_59 : vector<16xf32>
        %parallel_loop3A_358 = arith.mulf %parallel_loop3A_357, %parallel_loop3A_317 : vector<16xf32>
        %parallel_loop3A_359 = arith.addf %parallel_loop3A_358, %get3A_71 : vector<16xf32>
        %parallel_loop3A_360 = arith.index_cast %parallel_loop3A_262 : i32 to index
        %parallel_loop3A_361 = arith.constant 160 : index
        %parallel_loop3A_362 = tpu.vector_load %arg23[%parallel_loop3A_360, %parallel_loop3A_361] {strides = array<i32>} : memref<80x192xf32, #tpu.memory_space<vmem>>, vector<16xf32>,
        tpu.vector_store %arg23[%parallel_loop3A_360, %parallel_loop3A_361], %parallel_loop3A_359 {strides = array<i32>} : memref<80x192xf32, #tpu.memory_space<vmem>>, vector<16xf32>,
        %parallel_loop3A_363 = arith.mulf %parallel_loop3A_269, %get3A_37 : vector<16xf32>
        %parallel_loop3A_364 = arith.mulf %parallel_loop3A_276, %get3A_49 : vector<16xf32>
        %parallel_loop3A_365 = arith.addf %parallel_loop3A_363, %parallel_loop3A_364 : vector<16xf32>
        %parallel_loop3A_366 = arith.addf %parallel_loop3A_365, %get3A_61 : vector<16xf32>
        %parallel_loop3A_367 = arith.mulf %parallel_loop3A_366, %parallel_loop3A_317 : vector<16xf32>
        %parallel_loop3A_368 = arith.addf %parallel_loop3A_367, %get3A_73 : vector<16xf32>
        %parallel_loop3A_369 = arith.index_cast %parallel_loop3A_262 : i32 to index
        %parallel_loop3A_370 = arith.constant 176 : index
        %parallel_loop3A_371 = tpu.vector_load %arg23[%parallel_loop3A_369, %parallel_loop3A_370] {strides = array<i32>} : memref<80x192xf32, #tpu.memory_space<vmem>>, vector<16xf32>,
        tpu.vector_store %arg23[%parallel_loop3A_369, %parallel_loop3A_370], %parallel_loop3A_368 {strides = array<i32>} : memref<80x192xf32, #tpu.memory_space<vmem>>, vector<16xf32>,
      } {sc.loop_unroll_factor = 4 : i64, sc.parallel_access}
      %mul3A_226 = arith.constant 80 : i32
      %mul3A_227 = arith.muli %add3A_212, %mul3A_226 : i32
      %add3A_228 = arith.addi %mul3A_2, %mul3A_227 : i32
      %dma_start3A = arith.constant 0 : i32
      %dma_start3A_229 = tpu.memref_slice %arg8[%add3A_228, %dma_start3A] : memref<204800x192xf32, #tpu.memory_space<hbm>> -> memref<80x192xf32, #tpu.memory_space<hbm>>
      %dma_start3A_230 = arith.constant 0 : i32
      %dma_start3A_231 = tpu.memref_slice %arg8[%add3A_228, %dma_start3A_230] : memref<204800x192xf32, #tpu.memory_space<hbm>> -> memref<80x192xf32, #tpu.memory_space<hbm>>
      tpu.enqueue_dma source(%arg23 : memref<80x192xf32, #tpu.memory_space<vmem>>) target(%dma_start3A_231 : memref<80x192xf32, #tpu.memory_space<hbm>>) target_semaphore(%arg33 : memref<!tpu.dma_semaphore, #tpu.memory_space<semaphore_mem>>)
      %mul3A_232 = arith.constant 2 : i32
      %mul3A_233 = arith.muli %mul3A_232, %scan3A_207 : i32
      %add3A_234 = arith.constant 1 : i32
      %add3A_235 = arith.addi %mul3A_233, %add3A_234 : i32
      %add3A_236 = arith.constant 1 : i32
      %add3A_237 = arith.addi %add3A_235, %add3A_236 : i32
      %lt3A_238 = arith.constant 80 : i32
      %lt3A_239 = arith.cmpi slt, %add3A_237, %lt3A_238 : i32
      %convert_element_type3A_240 = arith.extui %lt3A_239 : i1 to i32
      %cond3A_241 = arith.constant 0 : i32
      %cond3A_242 = arith.cmpi ne, %convert_element_type3A_240, %cond3A_241 : i32
      scf.if %cond3A_242 {
        %add3A_262 = arith.constant 1 : i32
        %add3A_263 = arith.addi %add3A_235, %add3A_262 : i32
        %mul3A_264 = arith.constant 80 : i32
        %mul3A_265 = arith.muli %add3A_263, %mul3A_264 : i32
        %add3A_266 = arith.addi %mul3A_2, %mul3A_265 : i32
        %mul3A_267 = arith.constant 6 : i32
        %mul3A_268 = arith.muli %add3A_266, %mul3A_267 : i32
        "tpu.region"() ({
          %run_scoped3A = tpu.sem_alloc : memref<!tpu.dma_semaphore, #tpu.memory_space<semaphore_mem>>
          %dma_start3A_362 = tpu.memref_slice %arg7[%mul3A_268] : memref<1228800xi32, #tpu.memory_space<hbm>> -> memref<480xi32, #tpu.memory_space<hbm>>
          %dma_start3A_363 = tpu.memref_slice %arg7[%mul3A_268] : memref<1228800xi32, #tpu.memory_space<hbm>> -> memref<480xi32, #tpu.memory_space<hbm>>
          tpu.enqueue_dma source(%dma_start3A_363 : memref<480xi32, #tpu.memory_space<hbm>>) target(%arg9 : memref<480xi32, #tpu.memory_space<vmem>>) target_semaphore(%run_scoped3A : memref<!tpu.dma_semaphore, #tpu.memory_space<semaphore_mem>>)
          %dma_wait3A_364 = tpu.memref_slice %arg7[%mul3A_268] : memref<1228800xi32, #tpu.memory_space<hbm>> -> memref<480xi32, #tpu.memory_space<hbm>>
          %dma_wait3A_365 = tpu.memref_slice %arg7[%mul3A_268] : memref<1228800xi32, #tpu.memory_space<hbm>> -> memref<480xi32, #tpu.memory_space<hbm>>
          tpu.wait_dma2 semaphore(%run_scoped3A : memref<!tpu.dma_semaphore, #tpu.memory_space<semaphore_mem>>) src(%dma_wait3A_365 : memref<480xi32, #tpu.memory_space<hbm>>) dst(%arg9 : memref<480xi32, #tpu.memory_space<vmem>>)
          tpu.yield
        }) : () -> ()
        %mul3A_269 = arith.constant 6 : i32
        %mul3A_270 = vector.broadcast %mul3A_269 : i32 to vector<16xi32>
        %mul3A_271 = arith.muli %iota3A, %mul3A_270 : vector<16xi32>
        %broadcast_in_dim3A_272 = arith.constant 0 : i32
        %broadcast_in_dim3A_273 = vector.broadcast %broadcast_in_dim3A_272 : i32 to vector<16xi32>
        %add3A_274 = arith.addi %broadcast_in_dim3A_273, %mul3A_271 : vector<16xi32>
        %gather3A_275 = tpu.vector_load_idx %arg9[%add3A_274] : memref<480xi32, #tpu.memory_space<vmem>>[vector<16xi32>], vector<16xi32>,
        %swap3A_276 = arith.constant 0 : index
        %swap3A_277 = tpu.vector_load %arg11[%swap3A_276] {strides = array<i32>} : memref<80xi32, #tpu.memory_space<vmem>>, vector<16xi32>,
        tpu.vector_store %arg11[%swap3A_276], %gather3A_275 {strides = array<i32>} : memref<80xi32, #tpu.memory_space<vmem>>, vector<16xi32>,
        %add3A_278 = arith.constant 1 : i32
        %add3A_279 = vector.broadcast %add3A_278 : i32 to vector<16xi32>
        %add3A_280 = arith.addi %add3A_274, %add3A_279 : vector<16xi32>
        %gather3A_281 = tpu.vector_load_idx %arg9[%add3A_280] : memref<480xi32, #tpu.memory_space<vmem>>[vector<16xi32>], vector<16xi32>,
        %swap3A_282 = arith.constant 0 : index
        %swap3A_283 = tpu.vector_load %arg13[%swap3A_282] {strides = array<i32>} : memref<80xi32, #tpu.memory_space<vmem>>, vector<16xi32>,
        tpu.vector_store %arg13[%swap3A_282], %gather3A_281 {strides = array<i32>} : memref<80xi32, #tpu.memory_space<vmem>>, vector<16xi32>,
        %add3A_284 = arith.constant 2 : i32
        %add3A_285 = vector.broadcast %add3A_284 : i32 to vector<16xi32>
        %add3A_286 = arith.addi %add3A_274, %add3A_285 : vector<16xi32>
        %gather3A_287 = tpu.vector_load_idx %arg9[%add3A_286] : memref<480xi32, #tpu.memory_space<vmem>>[vector<16xi32>], vector<16xi32>,
        %swap3A_288 = arith.constant 0 : index
        %swap3A_289 = tpu.vector_load %arg15[%swap3A_288] {strides = array<i32>} : memref<80xi32, #tpu.memory_space<vmem>>, vector<16xi32>,
        tpu.vector_store %arg15[%swap3A_288], %gather3A_287 {strides = array<i32>} : memref<80xi32, #tpu.memory_space<vmem>>, vector<16xi32>,
        %broadcast_in_dim3A_290 = arith.constant 96 : i32
        %broadcast_in_dim3A_291 = vector.broadcast %broadcast_in_dim3A_290 : i32 to vector<16xi32>
        %add3A_292 = arith.addi %broadcast_in_dim3A_291, %mul3A_271 : vector<16xi32>
        %gather3A_293 = tpu.vector_load_idx %arg9[%add3A_292] : memref<480xi32, #tpu.memory_space<vmem>>[vector<16xi32>], vector<16xi32>,
        %swap3A_294 = arith.constant 16 : index
        %swap3A_295 = tpu.vector_load %arg11[%swap3A_294] {strides = array<i32>} : memref<80xi32, #tpu.memory_space<vmem>>, vector<16xi32>,
        tpu.vector_store %arg11[%swap3A_294], %gather3A_293 {strides = array<i32>} : memref<80xi32, #tpu.memory_space<vmem>>, vector<16xi32>,
        %add3A_296 = arith.constant 1 : i32
        %add3A_297 = vector.broadcast %add3A_296 : i32 to vector<16xi32>
        %add3A_298 = arith.addi %add3A_292, %add3A_297 : vector<16xi32>
        %gather3A_299 = tpu.vector_load_idx %arg9[%add3A_298] : memref<480xi32, #tpu.memory_space<vmem>>[vector<16xi32>], vector<16xi32>,
        %swap3A_300 = arith.constant 16 : index
        %swap3A_301 = tpu.vector_load %arg13[%swap3A_300] {strides = array<i32>} : memref<80xi32, #tpu.memory_space<vmem>>, vector<16xi32>,
        tpu.vector_store %arg13[%swap3A_300], %gather3A_299 {strides = array<i32>} : memref<80xi32, #tpu.memory_space<vmem>>, vector<16xi32>,
        %add3A_302 = arith.constant 2 : i32
        %add3A_303 = vector.broadcast %add3A_302 : i32 to vector<16xi32>
        %add3A_304 = arith.addi %add3A_292, %add3A_303 : vector<16xi32>
        %gather3A_305 = tpu.vector_load_idx %arg9[%add3A_304] : memref<480xi32, #tpu.memory_space<vmem>>[vector<16xi32>], vector<16xi32>,
        %swap3A_306 = arith.constant 16 : index
        %swap3A_307 = tpu.vector_load %arg15[%swap3A_306] {strides = array<i32>} : memref<80xi32, #tpu.memory_space<vmem>>, vector<16xi32>,
        tpu.vector_store %arg15[%swap3A_306], %gather3A_305 {strides = array<i32>} : memref<80xi32, #tpu.memory_space<vmem>>, vector<16xi32>,
        %broadcast_in_dim3A_308 = arith.constant 192 : i32
        %broadcast_in_dim3A_309 = vector.broadcast %broadcast_in_dim3A_308 : i32 to vector<16xi32>
        %add3A_310 = arith.addi %broadcast_in_dim3A_309, %mul3A_271 : vector<16xi32>
        %gather3A_311 = tpu.vector_load_idx %arg9[%add3A_310] : memref<480xi32, #tpu.memory_space<vmem>>[vector<16xi32>], vector<16xi32>,
        %swap3A_312 = arith.constant 32 : index
        %swap3A_313 = tpu.vector_load %arg11[%swap3A_312] {strides = array<i32>} : memref<80xi32, #tpu.memory_space<vmem>>, vector<16xi32>,
        tpu.vector_store %arg11[%swap3A_312], %gather3A_311 {strides = array<i32>} : memref<80xi32, #tpu.memory_space<vmem>>, vector<16xi32>,
        %add3A_314 = arith.constant 1 : i32
        %add3A_315 = vector.broadcast %add3A_314 : i32 to vector<16xi32>
        %add3A_316 = arith.addi %add3A_310, %add3A_315 : vector<16xi32>
        %gather3A_317 = tpu.vector_load_idx %arg9[%add3A_316] : memref<480xi32, #tpu.memory_space<vmem>>[vector<16xi32>], vector<16xi32>,
        %swap3A_318 = arith.constant 32 : index
        %swap3A_319 = tpu.vector_load %arg13[%swap3A_318] {strides = array<i32>} : memref<80xi32, #tpu.memory_space<vmem>>, vector<16xi32>,
        tpu.vector_store %arg13[%swap3A_318], %gather3A_317 {strides = array<i32>} : memref<80xi32, #tpu.memory_space<vmem>>, vector<16xi32>,
        %add3A_320 = arith.constant 2 : i32
        %add3A_321 = vector.broadcast %add3A_320 : i32 to vector<16xi32>
        %add3A_322 = arith.addi %add3A_310, %add3A_321 : vector<16xi32>
        %gather3A_323 = tpu.vector_load_idx %arg9[%add3A_322] : memref<480xi32, #tpu.memory_space<vmem>>[vector<16xi32>], vector<16xi32>,
        %swap3A_324 = arith.constant 32 : index
        %swap3A_325 = tpu.vector_load %arg15[%swap3A_324] {strides = array<i32>} : memref<80xi32, #tpu.memory_space<vmem>>, vector<16xi32>,
        tpu.vector_store %arg15[%swap3A_324], %gather3A_323 {strides = array<i32>} : memref<80xi32, #tpu.memory_space<vmem>>, vector<16xi32>,
        %broadcast_in_dim3A_326 = arith.constant 288 : i32
        %broadcast_in_dim3A_327 = vector.broadcast %broadcast_in_dim3A_326 : i32 to vector<16xi32>
        %add3A_328 = arith.addi %broadcast_in_dim3A_327, %mul3A_271 : vector<16xi32>
        %gather3A_329 = tpu.vector_load_idx %arg9[%add3A_328] : memref<480xi32, #tpu.memory_space<vmem>>[vector<16xi32>], vector<16xi32>,
        %swap3A_330 = arith.constant 48 : index
        %swap3A_331 = tpu.vector_load %arg11[%swap3A_330] {strides = array<i32>} : memref<80xi32, #tpu.memory_space<vmem>>, vector<16xi32>,
        tpu.vector_store %arg11[%swap3A_330], %gather3A_329 {strides = array<i32>} : memref<80xi32, #tpu.memory_space<vmem>>, vector<16xi32>,
        %add3A_332 = arith.constant 1 : i32
        %add3A_333 = vector.broadcast %add3A_332 : i32 to vector<16xi32>
        %add3A_334 = arith.addi %add3A_328, %add3A_333 : vector<16xi32>
        %gather3A_335 = tpu.vector_load_idx %arg9[%add3A_334] : memref<480xi32, #tpu.memory_space<vmem>>[vector<16xi32>], vector<16xi32>,
        %swap3A_336 = arith.constant 48 : index
        %swap3A_337 = tpu.vector_load %arg13[%swap3A_336] {strides = array<i32>} : memref<80xi32, #tpu.memory_space<vmem>>, vector<16xi32>,
        tpu.vector_store %arg13[%swap3A_336], %gather3A_335 {strides = array<i32>} : memref<80xi32, #tpu.memory_space<vmem>>, vector<16xi32>,
        %add3A_338 = arith.constant 2 : i32
        %add3A_339 = vector.broadcast %add3A_338 : i32 to vector<16xi32>
        %add3A_340 = arith.addi %add3A_328, %add3A_339 : vector<16xi32>
        %gather3A_341 = tpu.vector_load_idx %arg9[%add3A_340] : memref<480xi32, #tpu.memory_space<vmem>>[vector<16xi32>], vector<16xi32>,
        %swap3A_342 = arith.constant 48 : index
        %swap3A_343 = tpu.vector_load %arg15[%swap3A_342] {strides = array<i32>} : memref<80xi32, #tpu.memory_space<vmem>>, vector<16xi32>,
        tpu.vector_store %arg15[%swap3A_342], %gather3A_341 {strides = array<i32>} : memref<80xi32, #tpu.memory_space<vmem>>, vector<16xi32>,
        %broadcast_in_dim3A_344 = arith.constant 384 : i32
        %broadcast_in_dim3A_345 = vector.broadcast %broadcast_in_dim3A_344 : i32 to vector<16xi32>
        %add3A_346 = arith.addi %broadcast_in_dim3A_345, %mul3A_271 : vector<16xi32>
        %gather3A_347 = tpu.vector_load_idx %arg9[%add3A_346] : memref<480xi32, #tpu.memory_space<vmem>>[vector<16xi32>], vector<16xi32>,
        %swap3A_348 = arith.constant 64 : index
        %swap3A_349 = tpu.vector_load %arg11[%swap3A_348] {strides = array<i32>} : memref<80xi32, #tpu.memory_space<vmem>>, vector<16xi32>,
        tpu.vector_store %arg11[%swap3A_348], %gather3A_347 {strides = array<i32>} : memref<80xi32, #tpu.memory_space<vmem>>, vector<16xi32>,
        %add3A_350 = arith.constant 1 : i32
        %add3A_351 = vector.broadcast %add3A_350 : i32 to vector<16xi32>
        %add3A_352 = arith.addi %add3A_346, %add3A_351 : vector<16xi32>
        %gather3A_353 = tpu.vector_load_idx %arg9[%add3A_352] : memref<480xi32, #tpu.memory_space<vmem>>[vector<16xi32>], vector<16xi32>,
        %swap3A_354 = arith.constant 64 : index
        %swap3A_355 = tpu.vector_load %arg13[%swap3A_354] {strides = array<i32>} : memref<80xi32, #tpu.memory_space<vmem>>, vector<16xi32>,
        tpu.vector_store %arg13[%swap3A_354], %gather3A_353 {strides = array<i32>} : memref<80xi32, #tpu.memory_space<vmem>>, vector<16xi32>,
        %add3A_356 = arith.constant 2 : i32
        %add3A_357 = vector.broadcast %add3A_356 : i32 to vector<16xi32>
        %add3A_358 = arith.addi %add3A_346, %add3A_357 : vector<16xi32>
        %gather3A_359 = tpu.vector_load_idx %arg9[%add3A_358] : memref<480xi32, #tpu.memory_space<vmem>>[vector<16xi32>], vector<16xi32>,
        %swap3A_360 = arith.constant 64 : index
        %swap3A_361 = tpu.vector_load %arg15[%swap3A_360] {strides = array<i32>} : memref<80xi32, #tpu.memory_space<vmem>>, vector<16xi32>,
        tpu.vector_store %arg15[%swap3A_360], %gather3A_359 {strides = array<i32>} : memref<80xi32, #tpu.memory_space<vmem>>, vector<16xi32>,
      } else {
      }
      %ge3A_243 = arith.constant 2 : i32
      %ge3A_244 = arith.cmpi sge, %add3A_235, %ge3A_243 : i32
      %convert_element_type3A_245 = arith.extui %ge3A_244 : i1 to i32
      %cond3A_246 = arith.constant 0 : i32
      %cond3A_247 = arith.cmpi ne, %convert_element_type3A_245, %cond3A_246 : i32
      scf.if %cond3A_247 {
        %sub3A = arith.constant 2 : i32
        %sub3A_262 = arith.subi %add3A_235, %sub3A : i32
        %mul3A_263 = arith.constant 80 : i32
        %mul3A_264 = arith.muli %sub3A_262, %mul3A_263 : i32
        %add3A_265 = arith.addi %mul3A_2, %mul3A_264 : i32
        %dma_wait3A_266 = arith.constant 0 : i32
        %dma_wait3A_267 = tpu.memref_slice %arg8[%add3A_265, %dma_wait3A_266] : memref<204800x192xf32, #tpu.memory_space<hbm>> -> memref<80x192xf32, #tpu.memory_space<hbm>>
        %dma_wait3A_268 = arith.constant 0 : i32
        %dma_wait3A_269 = tpu.memref_slice %arg8[%add3A_265, %dma_wait3A_268] : memref<204800x192xf32, #tpu.memory_space<hbm>> -> memref<80x192xf32, #tpu.memory_space<hbm>>
        tpu.wait_dma2 semaphore(%arg34 : memref<!tpu.dma_semaphore, #tpu.memory_space<semaphore_mem>>) src(%arg24 : memref<80x192xf32, #tpu.memory_space<vmem>>) dst(%dma_wait3A_269 : memref<80x192xf32, #tpu.memory_space<hbm>>)
      } else {
      }
      %parallel_loop3A_248 = arith.constant 0 : i32
      %parallel_loop3A_249 = arith.constant 80 : i32
      %parallel_loop3A_250 = arith.constant 1 : i32
      scf.for %parallel_loop3A_262 = %parallel_loop3A_248 to %parallel_loop3A_249 step %parallel_loop3A_250  : i32 {
        %parallel_loop3A_263 = arith.constant 6 : i32
        %parallel_loop3A_264 = arith.muli %parallel_loop3A_263, %parallel_loop3A_262 : i32
        %parallel_loop3A_265 = arith.constant 3 : i32
        %parallel_loop3A_266 = arith.addi %parallel_loop3A_264, %parallel_loop3A_265 : i32
        %parallel_loop3A_267 = vector.broadcast %parallel_loop3A_266 : i32 to vector<16xi32>
        %parallel_loop3A_268 = tpu.vector_load_idx %arg10[%parallel_loop3A_267] : memref<480xi32, #tpu.memory_space<vmem>>[vector<16xi32>], vector<16xi32>,
        %parallel_loop3A_269 = arith.index_cast %parallel_loop3A_262 : i32 to index
        %parallel_loop3A_270 = arith.constant 0 : index
        %parallel_loop3A_271 = tpu.vector_load %arg18[%parallel_loop3A_269, %parallel_loop3A_270] {strides = array<i32>} : memref<80x128xf32, #tpu.memory_space<vmem>>, vector<16xf32>,
        %parallel_loop3A_272 = arith.index_cast %parallel_loop3A_262 : i32 to index
        %parallel_loop3A_273 = arith.constant 0 : index
        %parallel_loop3A_274 = tpu.vector_load %arg20[%parallel_loop3A_272, %parallel_loop3A_273] {strides = array<i32>} : memref<80x128xf32, #tpu.memory_space<vmem>>, vector<16xf32>,
        %parallel_loop3A_275 = arith.index_cast %parallel_loop3A_262 : i32 to index
        %parallel_loop3A_276 = arith.constant 0 : index
        %parallel_loop3A_277 = tpu.vector_load %arg22[%parallel_loop3A_275, %parallel_loop3A_276] {strides = array<i32>} : memref<80x128xf32, #tpu.memory_space<vmem>>, vector<16xf32>,
        %parallel_loop3A_278 = arith.constant 128 : i32
        %parallel_loop3A_279 = vector.broadcast %parallel_loop3A_278 : i32 to vector<16xi32>
        %parallel_loop3A_280 = arith.muli %parallel_loop3A_268, %parallel_loop3A_279 : vector<16xi32>
        %parallel_loop3A_281 = arith.constant 0 : i32
        %parallel_loop3A_282 = vector.broadcast %parallel_loop3A_281 : i32 to vector<16xi32>
        %parallel_loop3A_283 = arith.addi %iota3A, %parallel_loop3A_282 : vector<16xi32>
        %parallel_loop3A_284 = arith.addi %parallel_loop3A_280, %parallel_loop3A_283 : vector<16xi32>
        %parallel_loop3A_285 = tpu.vector_load_idx %arg25[%parallel_loop3A_284] : memref<1024xf32, #tpu.memory_space<vmem>>[vector<16xi32>], vector<16xf32>,
        %parallel_loop3A_286 = arith.addf %parallel_loop3A_271, %parallel_loop3A_274 : vector<16xf32>
        %parallel_loop3A_287 = arith.addf %parallel_loop3A_277, %parallel_loop3A_285 : vector<16xf32>
        %parallel_loop3A_288 = arith.addf %parallel_loop3A_286, %parallel_loop3A_287 : vector<16xf32>
        %parallel_loop3A_289 = arith.index_cast %parallel_loop3A_262 : i32 to index
        %parallel_loop3A_290 = arith.constant 16 : index
        %parallel_loop3A_291 = tpu.vector_load %arg18[%parallel_loop3A_289, %parallel_loop3A_290] {strides = array<i32>} : memref<80x128xf32, #tpu.memory_space<vmem>>, vector<16xf32>,
        %parallel_loop3A_292 = arith.index_cast %parallel_loop3A_262 : i32 to index
        %parallel_loop3A_293 = arith.constant 16 : index
        %parallel_loop3A_294 = tpu.vector_load %arg20[%parallel_loop3A_292, %parallel_loop3A_293] {strides = array<i32>} : memref<80x128xf32, #tpu.memory_space<vmem>>, vector<16xf32>,
        %parallel_loop3A_295 = arith.index_cast %parallel_loop3A_262 : i32 to index
        %parallel_loop3A_296 = arith.constant 16 : index
        %parallel_loop3A_297 = tpu.vector_load %arg22[%parallel_loop3A_295, %parallel_loop3A_296] {strides = array<i32>} : memref<80x128xf32, #tpu.memory_space<vmem>>, vector<16xf32>,
        %parallel_loop3A_298 = arith.constant 128 : i32
        %parallel_loop3A_299 = vector.broadcast %parallel_loop3A_298 : i32 to vector<16xi32>
        %parallel_loop3A_300 = arith.muli %parallel_loop3A_268, %parallel_loop3A_299 : vector<16xi32>
        %parallel_loop3A_301 = arith.constant 16 : i32
        %parallel_loop3A_302 = vector.broadcast %parallel_loop3A_301 : i32 to vector<16xi32>
        %parallel_loop3A_303 = arith.addi %iota3A, %parallel_loop3A_302 : vector<16xi32>
        %parallel_loop3A_304 = arith.addi %parallel_loop3A_300, %parallel_loop3A_303 : vector<16xi32>
        %parallel_loop3A_305 = tpu.vector_load_idx %arg25[%parallel_loop3A_304] : memref<1024xf32, #tpu.memory_space<vmem>>[vector<16xi32>], vector<16xf32>,
        %parallel_loop3A_306 = arith.addf %parallel_loop3A_291, %parallel_loop3A_294 : vector<16xf32>
        %parallel_loop3A_307 = arith.addf %parallel_loop3A_297, %parallel_loop3A_305 : vector<16xf32>
        %parallel_loop3A_308 = arith.addf %parallel_loop3A_306, %parallel_loop3A_307 : vector<16xf32>
        %parallel_loop3A_309 = arith.index_cast %parallel_loop3A_262 : i32 to index
        %parallel_loop3A_310 = arith.constant 32 : index
        %parallel_loop3A_311 = tpu.vector_load %arg18[%parallel_loop3A_309, %parallel_loop3A_310] {strides = array<i32>} : memref<80x128xf32, #tpu.memory_space<vmem>>, vector<16xf32>,
        %parallel_loop3A_312 = arith.index_cast %parallel_loop3A_262 : i32 to index
        %parallel_loop3A_313 = arith.constant 32 : index
        %parallel_loop3A_314 = tpu.vector_load %arg20[%parallel_loop3A_312, %parallel_loop3A_313] {strides = array<i32>} : memref<80x128xf32, #tpu.memory_space<vmem>>, vector<16xf32>,
        %parallel_loop3A_315 = arith.index_cast %parallel_loop3A_262 : i32 to index
        %parallel_loop3A_316 = arith.constant 32 : index
        %parallel_loop3A_317 = tpu.vector_load %arg22[%parallel_loop3A_315, %parallel_loop3A_316] {strides = array<i32>} : memref<80x128xf32, #tpu.memory_space<vmem>>, vector<16xf32>,
        %parallel_loop3A_318 = arith.constant 128 : i32
        %parallel_loop3A_319 = vector.broadcast %parallel_loop3A_318 : i32 to vector<16xi32>
        %parallel_loop3A_320 = arith.muli %parallel_loop3A_268, %parallel_loop3A_319 : vector<16xi32>
        %parallel_loop3A_321 = arith.constant 32 : i32
        %parallel_loop3A_322 = vector.broadcast %parallel_loop3A_321 : i32 to vector<16xi32>
        %parallel_loop3A_323 = arith.addi %iota3A, %parallel_loop3A_322 : vector<16xi32>
        %parallel_loop3A_324 = arith.addi %parallel_loop3A_320, %parallel_loop3A_323 : vector<16xi32>
        %parallel_loop3A_325 = tpu.vector_load_idx %arg25[%parallel_loop3A_324] : memref<1024xf32, #tpu.memory_space<vmem>>[vector<16xi32>], vector<16xf32>,
        %parallel_loop3A_326 = arith.addf %parallel_loop3A_311, %parallel_loop3A_314 : vector<16xf32>
        %parallel_loop3A_327 = arith.addf %parallel_loop3A_317, %parallel_loop3A_325 : vector<16xf32>
        %parallel_loop3A_328 = arith.addf %parallel_loop3A_326, %parallel_loop3A_327 : vector<16xf32>
        %parallel_loop3A_329 = arith.index_cast %parallel_loop3A_262 : i32 to index
        %parallel_loop3A_330 = arith.constant 48 : index
        %parallel_loop3A_331 = tpu.vector_load %arg18[%parallel_loop3A_329, %parallel_loop3A_330] {strides = array<i32>} : memref<80x128xf32, #tpu.memory_space<vmem>>, vector<16xf32>,
        %parallel_loop3A_332 = arith.index_cast %parallel_loop3A_262 : i32 to index
        %parallel_loop3A_333 = arith.constant 48 : index
        %parallel_loop3A_334 = tpu.vector_load %arg20[%parallel_loop3A_332, %parallel_loop3A_333] {strides = array<i32>} : memref<80x128xf32, #tpu.memory_space<vmem>>, vector<16xf32>,
        %parallel_loop3A_335 = arith.index_cast %parallel_loop3A_262 : i32 to index
        %parallel_loop3A_336 = arith.constant 48 : index
        %parallel_loop3A_337 = tpu.vector_load %arg22[%parallel_loop3A_335, %parallel_loop3A_336] {strides = array<i32>} : memref<80x128xf32, #tpu.memory_space<vmem>>, vector<16xf32>,
        %parallel_loop3A_338 = arith.constant 128 : i32
        %parallel_loop3A_339 = vector.broadcast %parallel_loop3A_338 : i32 to vector<16xi32>
        %parallel_loop3A_340 = arith.muli %parallel_loop3A_268, %parallel_loop3A_339 : vector<16xi32>
        %parallel_loop3A_341 = arith.constant 48 : i32
        %parallel_loop3A_342 = vector.broadcast %parallel_loop3A_341 : i32 to vector<16xi32>
        %parallel_loop3A_343 = arith.addi %iota3A, %parallel_loop3A_342 : vector<16xi32>
        %parallel_loop3A_344 = arith.addi %parallel_loop3A_340, %parallel_loop3A_343 : vector<16xi32>
        %parallel_loop3A_345 = tpu.vector_load_idx %arg25[%parallel_loop3A_344] : memref<1024xf32, #tpu.memory_space<vmem>>[vector<16xi32>], vector<16xf32>,
        %parallel_loop3A_346 = arith.addf %parallel_loop3A_331, %parallel_loop3A_334 : vector<16xf32>
        %parallel_loop3A_347 = arith.addf %parallel_loop3A_337, %parallel_loop3A_345 : vector<16xf32>
        %parallel_loop3A_348 = arith.addf %parallel_loop3A_346, %parallel_loop3A_347 : vector<16xf32>
        %parallel_loop3A_349 = arith.index_cast %parallel_loop3A_262 : i32 to index
        %parallel_loop3A_350 = arith.constant 64 : index
        %parallel_loop3A_351 = tpu.vector_load %arg18[%parallel_loop3A_349, %parallel_loop3A_350] {strides = array<i32>} : memref<80x128xf32, #tpu.memory_space<vmem>>, vector<16xf32>,
        %parallel_loop3A_352 = arith.index_cast %parallel_loop3A_262 : i32 to index
        %parallel_loop3A_353 = arith.constant 64 : index
        %parallel_loop3A_354 = tpu.vector_load %arg20[%parallel_loop3A_352, %parallel_loop3A_353] {strides = array<i32>} : memref<80x128xf32, #tpu.memory_space<vmem>>, vector<16xf32>,
        %parallel_loop3A_355 = arith.index_cast %parallel_loop3A_262 : i32 to index
        %parallel_loop3A_356 = arith.constant 64 : index
        %parallel_loop3A_357 = tpu.vector_load %arg22[%parallel_loop3A_355, %parallel_loop3A_356] {strides = array<i32>} : memref<80x128xf32, #tpu.memory_space<vmem>>, vector<16xf32>,
        %parallel_loop3A_358 = arith.constant 128 : i32
        %parallel_loop3A_359 = vector.broadcast %parallel_loop3A_358 : i32 to vector<16xi32>
        %parallel_loop3A_360 = arith.muli %parallel_loop3A_268, %parallel_loop3A_359 : vector<16xi32>
        %parallel_loop3A_361 = arith.constant 64 : i32
        %parallel_loop3A_362 = vector.broadcast %parallel_loop3A_361 : i32 to vector<16xi32>
        %parallel_loop3A_363 = arith.addi %iota3A, %parallel_loop3A_362 : vector<16xi32>
        %parallel_loop3A_364 = arith.addi %parallel_loop3A_360, %parallel_loop3A_363 : vector<16xi32>
        %parallel_loop3A_365 = tpu.vector_load_idx %arg25[%parallel_loop3A_364] : memref<1024xf32, #tpu.memory_space<vmem>>[vector<16xi32>], vector<16xf32>,
        %parallel_loop3A_366 = arith.addf %parallel_loop3A_351, %parallel_loop3A_354 : vector<16xf32>
        %parallel_loop3A_367 = arith.addf %parallel_loop3A_357, %parallel_loop3A_365 : vector<16xf32>
        %parallel_loop3A_368 = arith.addf %parallel_loop3A_366, %parallel_loop3A_367 : vector<16xf32>
        %parallel_loop3A_369 = arith.index_cast %parallel_loop3A_262 : i32 to index
        %parallel_loop3A_370 = arith.constant 80 : index
        %parallel_loop3A_371 = tpu.vector_load %arg18[%parallel_loop3A_369, %parallel_loop3A_370] {strides = array<i32>} : memref<80x128xf32, #tpu.memory_space<vmem>>, vector<16xf32>,
        %parallel_loop3A_372 = arith.index_cast %parallel_loop3A_262 : i32 to index
        %parallel_loop3A_373 = arith.constant 80 : index
        %parallel_loop3A_374 = tpu.vector_load %arg20[%parallel_loop3A_372, %parallel_loop3A_373] {strides = array<i32>} : memref<80x128xf32, #tpu.memory_space<vmem>>, vector<16xf32>,
        %parallel_loop3A_375 = arith.index_cast %parallel_loop3A_262 : i32 to index
        %parallel_loop3A_376 = arith.constant 80 : index
        %parallel_loop3A_377 = tpu.vector_load %arg22[%parallel_loop3A_375, %parallel_loop3A_376] {strides = array<i32>} : memref<80x128xf32, #tpu.memory_space<vmem>>, vector<16xf32>,
        %parallel_loop3A_378 = arith.constant 128 : i32
        %parallel_loop3A_379 = vector.broadcast %parallel_loop3A_378 : i32 to vector<16xi32>
        %parallel_loop3A_380 = arith.muli %parallel_loop3A_268, %parallel_loop3A_379 : vector<16xi32>
        %parallel_loop3A_381 = arith.constant 80 : i32
        %parallel_loop3A_382 = vector.broadcast %parallel_loop3A_381 : i32 to vector<16xi32>
        %parallel_loop3A_383 = arith.addi %iota3A, %parallel_loop3A_382 : vector<16xi32>
        %parallel_loop3A_384 = arith.addi %parallel_loop3A_380, %parallel_loop3A_383 : vector<16xi32>
        %parallel_loop3A_385 = tpu.vector_load_idx %arg25[%parallel_loop3A_384] : memref<1024xf32, #tpu.memory_space<vmem>>[vector<16xi32>], vector<16xf32>,
        %parallel_loop3A_386 = arith.addf %parallel_loop3A_371, %parallel_loop3A_374 : vector<16xf32>
        %parallel_loop3A_387 = arith.addf %parallel_loop3A_377, %parallel_loop3A_385 : vector<16xf32>
        %parallel_loop3A_388 = arith.addf %parallel_loop3A_386, %parallel_loop3A_387 : vector<16xf32>
        %parallel_loop3A_389 = arith.addf %parallel_loop3A_288, %parallel_loop3A_308 : vector<16xf32>
        %parallel_loop3A_390 = arith.addf %parallel_loop3A_328, %parallel_loop3A_348 : vector<16xf32>
        %parallel_loop3A_391 = arith.addf %parallel_loop3A_389, %parallel_loop3A_390 : vector<16xf32>
        %parallel_loop3A_392 = arith.addf %parallel_loop3A_368, %parallel_loop3A_388 : vector<16xf32>
        %parallel_loop3A_393 = arith.addf %parallel_loop3A_391, %parallel_loop3A_392 : vector<16xf32>
        %parallel_loop3A_394 = arith.mulf %parallel_loop3A_288, %parallel_loop3A_288 : vector<16xf32>
        %parallel_loop3A_395 = arith.mulf %parallel_loop3A_308, %parallel_loop3A_308 : vector<16xf32>
        %parallel_loop3A_396 = arith.addf %parallel_loop3A_394, %parallel_loop3A_395 : vector<16xf32>
        %parallel_loop3A_397 = arith.mulf %parallel_loop3A_328, %parallel_loop3A_328 : vector<16xf32>
        %parallel_loop3A_398 = arith.mulf %parallel_loop3A_348, %parallel_loop3A_348 : vector<16xf32>
        %parallel_loop3A_399 = arith.addf %parallel_loop3A_397, %parallel_loop3A_398 : vector<16xf32>
        %parallel_loop3A_400 = arith.addf %parallel_loop3A_396, %parallel_loop3A_399 : vector<16xf32>
        %parallel_loop3A_401 = arith.mulf %parallel_loop3A_368, %parallel_loop3A_368 : vector<16xf32>
        %parallel_loop3A_402 = arith.mulf %parallel_loop3A_388, %parallel_loop3A_388 : vector<16xf32>
        %parallel_loop3A_403 = arith.addf %parallel_loop3A_401, %parallel_loop3A_402 : vector<16xf32>
        %parallel_loop3A_404 = arith.addf %parallel_loop3A_400, %parallel_loop3A_403 : vector<16xf32>
        %parallel_loop3A_405 = tpu.iota {dimensions = array<i32: 0>} : vector<16xi32>
        %parallel_loop3A_406 = arith.constant 8 : i32
        %parallel_loop3A_407 = vector.broadcast %parallel_loop3A_406 : i32 to vector<16xi32>
        %parallel_loop3A_408 = arith.xori %parallel_loop3A_405, %parallel_loop3A_407 : vector<16xi32>
        %parallel_loop3A_409 = vector.shape_cast %parallel_loop3A_408 : vector<16xi32> to vector<16x1xi32>
        %parallel_loop3A_410 = vector.shape_cast %parallel_loop3A_409 : vector<16x1xi32> to vector<16xi32>
        %parallel_loop3A_411 = tpu.dynamic_gather %parallel_loop3A_393[%parallel_loop3A_410] in [0] : vector<16xf32>, vector<16xi32> -> vector<16xf32>
        %parallel_loop3A_412 = arith.addf %parallel_loop3A_393, %parallel_loop3A_411 : vector<16xf32>
        %parallel_loop3A_413 = arith.constant 4 : i32
        %parallel_loop3A_414 = vector.broadcast %parallel_loop3A_413 : i32 to vector<16xi32>
        %parallel_loop3A_415 = arith.xori %parallel_loop3A_405, %parallel_loop3A_414 : vector<16xi32>
        %parallel_loop3A_416 = vector.shape_cast %parallel_loop3A_415 : vector<16xi32> to vector<16x1xi32>
        %parallel_loop3A_417 = vector.shape_cast %parallel_loop3A_416 : vector<16x1xi32> to vector<16xi32>
        %parallel_loop3A_418 = tpu.dynamic_gather %parallel_loop3A_412[%parallel_loop3A_417] in [0] : vector<16xf32>, vector<16xi32> -> vector<16xf32>
        %parallel_loop3A_419 = arith.addf %parallel_loop3A_412, %parallel_loop3A_418 : vector<16xf32>
        %parallel_loop3A_420 = arith.constant 2 : i32
        %parallel_loop3A_421 = vector.broadcast %parallel_loop3A_420 : i32 to vector<16xi32>
        %parallel_loop3A_422 = arith.xori %parallel_loop3A_405, %parallel_loop3A_421 : vector<16xi32>
        %parallel_loop3A_423 = vector.shape_cast %parallel_loop3A_422 : vector<16xi32> to vector<16x1xi32>
        %parallel_loop3A_424 = vector.shape_cast %parallel_loop3A_423 : vector<16x1xi32> to vector<16xi32>
        %parallel_loop3A_425 = tpu.dynamic_gather %parallel_loop3A_419[%parallel_loop3A_424] in [0] : vector<16xf32>, vector<16xi32> -> vector<16xf32>
        %parallel_loop3A_426 = arith.addf %parallel_loop3A_419, %parallel_loop3A_425 : vector<16xf32>
        %parallel_loop3A_427 = arith.constant 1 : i32
        %parallel_loop3A_428 = vector.broadcast %parallel_loop3A_427 : i32 to vector<16xi32>
        %parallel_loop3A_429 = arith.xori %parallel_loop3A_405, %parallel_loop3A_428 : vector<16xi32>
        %parallel_loop3A_430 = vector.shape_cast %parallel_loop3A_429 : vector<16xi32> to vector<16x1xi32>
        %parallel_loop3A_431 = vector.shape_cast %parallel_loop3A_430 : vector<16x1xi32> to vector<16xi32>
        %parallel_loop3A_432 = tpu.dynamic_gather %parallel_loop3A_426[%parallel_loop3A_431] in [0] : vector<16xf32>, vector<16xi32> -> vector<16xf32>
        %parallel_loop3A_433 = arith.addf %parallel_loop3A_426, %parallel_loop3A_432 : vector<16xf32>
        %parallel_loop3A_434 = arith.mulf %parallel_loop3A_433, %broadcast_in_dim3A_91 : vector<16xf32>
        %parallel_loop3A_435 = tpu.iota {dimensions = array<i32: 0>} : vector<16xi32>
        %parallel_loop3A_436 = arith.constant 8 : i32
        %parallel_loop3A_437 = vector.broadcast %parallel_loop3A_436 : i32 to vector<16xi32>
        %parallel_loop3A_438 = arith.xori %parallel_loop3A_435, %parallel_loop3A_437 : vector<16xi32>
        %parallel_loop3A_439 = vector.shape_cast %parallel_loop3A_438 : vector<16xi32> to vector<16x1xi32>
        %parallel_loop3A_440 = vector.shape_cast %parallel_loop3A_439 : vector<16x1xi32> to vector<16xi32>
        %parallel_loop3A_441 = tpu.dynamic_gather %parallel_loop3A_404[%parallel_loop3A_440] in [0] : vector<16xf32>, vector<16xi32> -> vector<16xf32>
        %parallel_loop3A_442 = arith.addf %parallel_loop3A_404, %parallel_loop3A_441 : vector<16xf32>
        %parallel_loop3A_443 = arith.constant 4 : i32
        %parallel_loop3A_444 = vector.broadcast %parallel_loop3A_443 : i32 to vector<16xi32>
        %parallel_loop3A_445 = arith.xori %parallel_loop3A_435, %parallel_loop3A_444 : vector<16xi32>
        %parallel_loop3A_446 = vector.shape_cast %parallel_loop3A_445 : vector<16xi32> to vector<16x1xi32>
        %parallel_loop3A_447 = vector.shape_cast %parallel_loop3A_446 : vector<16x1xi32> to vector<16xi32>
        %parallel_loop3A_448 = tpu.dynamic_gather %parallel_loop3A_442[%parallel_loop3A_447] in [0] : vector<16xf32>, vector<16xi32> -> vector<16xf32>
        %parallel_loop3A_449 = arith.addf %parallel_loop3A_442, %parallel_loop3A_448 : vector<16xf32>
        %parallel_loop3A_450 = arith.constant 2 : i32
        %parallel_loop3A_451 = vector.broadcast %parallel_loop3A_450 : i32 to vector<16xi32>
        %parallel_loop3A_452 = arith.xori %parallel_loop3A_435, %parallel_loop3A_451 : vector<16xi32>
        %parallel_loop3A_453 = vector.shape_cast %parallel_loop3A_452 : vector<16xi32> to vector<16x1xi32>
        %parallel_loop3A_454 = vector.shape_cast %parallel_loop3A_453 : vector<16x1xi32> to vector<16xi32>
        %parallel_loop3A_455 = tpu.dynamic_gather %parallel_loop3A_449[%parallel_loop3A_454] in [0] : vector<16xf32>, vector<16xi32> -> vector<16xf32>
        %parallel_loop3A_456 = arith.addf %parallel_loop3A_449, %parallel_loop3A_455 : vector<16xf32>
        %parallel_loop3A_457 = arith.constant 1 : i32
        %parallel_loop3A_458 = vector.broadcast %parallel_loop3A_457 : i32 to vector<16xi32>
        %parallel_loop3A_459 = arith.xori %parallel_loop3A_435, %parallel_loop3A_458 : vector<16xi32>
        %parallel_loop3A_460 = vector.shape_cast %parallel_loop3A_459 : vector<16xi32> to vector<16x1xi32>
        %parallel_loop3A_461 = vector.shape_cast %parallel_loop3A_460 : vector<16x1xi32> to vector<16xi32>
        %parallel_loop3A_462 = tpu.dynamic_gather %parallel_loop3A_456[%parallel_loop3A_461] in [0] : vector<16xf32>, vector<16xi32> -> vector<16xf32>
        %parallel_loop3A_463 = arith.addf %parallel_loop3A_456, %parallel_loop3A_462 : vector<16xf32>
        %parallel_loop3A_464 = arith.mulf %parallel_loop3A_463, %broadcast_in_dim3A_91 : vector<16xf32>
        %parallel_loop3A_465 = arith.mulf %parallel_loop3A_434, %parallel_loop3A_434 : vector<16xf32>
        %parallel_loop3A_466 = arith.subf %parallel_loop3A_464, %parallel_loop3A_465 : vector<16xf32>
        %parallel_loop3A_467 = arith.addf %parallel_loop3A_466, %broadcast_in_dim3A_93 : vector<16xf32>
        %parallel_loop3A_468 = vector.bitcast %parallel_loop3A_467 : vector<16xf32> to vector<16xi32>
        %parallel_loop3A_469 = arith.constant 1597463007 : i32
        %parallel_loop3A_470 = vector.broadcast %parallel_loop3A_469 : i32 to vector<16xi32>
        %parallel_loop3A_471 = arith.constant 1 : i32
        %parallel_loop3A_472 = vector.broadcast %parallel_loop3A_471 : i32 to vector<16xi32>
        %parallel_loop3A_473 = arith.shrsi %parallel_loop3A_468, %parallel_loop3A_472 : vector<16xi32>
        %parallel_loop3A_474 = arith.subi %parallel_loop3A_470, %parallel_loop3A_473 : vector<16xi32>
        %parallel_loop3A_475 = vector.bitcast %parallel_loop3A_474 : vector<16xi32> to vector<16xf32>
        %parallel_loop3A_476 = arith.constant 1.500000e+00 : f32
        %parallel_loop3A_477 = vector.broadcast %parallel_loop3A_476 : f32 to vector<16xf32>
        %parallel_loop3A_478 = arith.constant 5.000000e-01 : f32
        %parallel_loop3A_479 = vector.broadcast %parallel_loop3A_478 : f32 to vector<16xf32>
        %parallel_loop3A_480 = arith.mulf %parallel_loop3A_479, %parallel_loop3A_467 : vector<16xf32>
        %parallel_loop3A_481 = arith.mulf %parallel_loop3A_480, %parallel_loop3A_475 : vector<16xf32>
        %parallel_loop3A_482 = arith.mulf %parallel_loop3A_481, %parallel_loop3A_475 : vector<16xf32>
        %parallel_loop3A_483 = arith.subf %parallel_loop3A_477, %parallel_loop3A_482 : vector<16xf32>
        %parallel_loop3A_484 = arith.mulf %parallel_loop3A_475, %parallel_loop3A_483 : vector<16xf32>
        %parallel_loop3A_485 = arith.constant 5.000000e-01 : f32
        %parallel_loop3A_486 = vector.broadcast %parallel_loop3A_485 : f32 to vector<16xf32>
        %parallel_loop3A_487 = arith.mulf %parallel_loop3A_486, %parallel_loop3A_467 : vector<16xf32>
        %parallel_loop3A_488 = arith.mulf %parallel_loop3A_487, %parallel_loop3A_484 : vector<16xf32>
        %parallel_loop3A_489 = arith.mulf %parallel_loop3A_488, %parallel_loop3A_484 : vector<16xf32>
        %parallel_loop3A_490 = arith.subf %parallel_loop3A_477, %parallel_loop3A_489 : vector<16xf32>
        %parallel_loop3A_491 = arith.mulf %parallel_loop3A_484, %parallel_loop3A_490 : vector<16xf32>
        %parallel_loop3A_492 = arith.constant 5.000000e-01 : f32
        %parallel_loop3A_493 = vector.broadcast %parallel_loop3A_492 : f32 to vector<16xf32>
        %parallel_loop3A_494 = arith.mulf %parallel_loop3A_493, %parallel_loop3A_467 : vector<16xf32>
        %parallel_loop3A_495 = arith.mulf %parallel_loop3A_494, %parallel_loop3A_491 : vector<16xf32>
        %parallel_loop3A_496 = arith.mulf %parallel_loop3A_495, %parallel_loop3A_491 : vector<16xf32>
        %parallel_loop3A_497 = arith.subf %parallel_loop3A_477, %parallel_loop3A_496 : vector<16xf32>
        %parallel_loop3A_498 = arith.mulf %parallel_loop3A_491, %parallel_loop3A_497 : vector<16xf32>
        %parallel_loop3A_499 = arith.mulf %parallel_loop3A_498, %get3A_3 : vector<16xf32>
        %parallel_loop3A_500 = arith.mulf %parallel_loop3A_288, %parallel_loop3A_499 : vector<16xf32>
        %parallel_loop3A_501 = arith.mulf %parallel_loop3A_434, %parallel_loop3A_499 : vector<16xf32>
        %parallel_loop3A_502 = arith.subf %get3A_15, %parallel_loop3A_501 : vector<16xf32>
        %parallel_loop3A_503 = arith.addf %parallel_loop3A_500, %parallel_loop3A_502 : vector<16xf32>
        %parallel_loop3A_504 = arith.index_cast %parallel_loop3A_262 : i32 to index
        %parallel_loop3A_505 = arith.constant 0 : index
        %parallel_loop3A_506 = tpu.vector_load %arg24[%parallel_loop3A_504, %parallel_loop3A_505] {strides = array<i32>} : memref<80x192xf32, #tpu.memory_space<vmem>>, vector<16xf32>,
        tpu.vector_store %arg24[%parallel_loop3A_504, %parallel_loop3A_505], %parallel_loop3A_503 {strides = array<i32>} : memref<80x192xf32, #tpu.memory_space<vmem>>, vector<16xf32>,
        %parallel_loop3A_507 = arith.mulf %parallel_loop3A_498, %get3A_5 : vector<16xf32>
        %parallel_loop3A_508 = arith.mulf %parallel_loop3A_308, %parallel_loop3A_507 : vector<16xf32>
        %parallel_loop3A_509 = arith.mulf %parallel_loop3A_434, %parallel_loop3A_507 : vector<16xf32>
        %parallel_loop3A_510 = arith.subf %get3A_17, %parallel_loop3A_509 : vector<16xf32>
        %parallel_loop3A_511 = arith.addf %parallel_loop3A_508, %parallel_loop3A_510 : vector<16xf32>
        %parallel_loop3A_512 = arith.index_cast %parallel_loop3A_262 : i32 to index
        %parallel_loop3A_513 = arith.constant 16 : index
        %parallel_loop3A_514 = tpu.vector_load %arg24[%parallel_loop3A_512, %parallel_loop3A_513] {strides = array<i32>} : memref<80x192xf32, #tpu.memory_space<vmem>>, vector<16xf32>,
        tpu.vector_store %arg24[%parallel_loop3A_512, %parallel_loop3A_513], %parallel_loop3A_511 {strides = array<i32>} : memref<80x192xf32, #tpu.memory_space<vmem>>, vector<16xf32>,
        %parallel_loop3A_515 = arith.mulf %parallel_loop3A_498, %get3A_7 : vector<16xf32>
        %parallel_loop3A_516 = arith.mulf %parallel_loop3A_328, %parallel_loop3A_515 : vector<16xf32>
        %parallel_loop3A_517 = arith.mulf %parallel_loop3A_434, %parallel_loop3A_515 : vector<16xf32>
        %parallel_loop3A_518 = arith.subf %get3A_19, %parallel_loop3A_517 : vector<16xf32>
        %parallel_loop3A_519 = arith.addf %parallel_loop3A_516, %parallel_loop3A_518 : vector<16xf32>
        %parallel_loop3A_520 = arith.index_cast %parallel_loop3A_262 : i32 to index
        %parallel_loop3A_521 = arith.constant 32 : index
        %parallel_loop3A_522 = tpu.vector_load %arg24[%parallel_loop3A_520, %parallel_loop3A_521] {strides = array<i32>} : memref<80x192xf32, #tpu.memory_space<vmem>>, vector<16xf32>,
        tpu.vector_store %arg24[%parallel_loop3A_520, %parallel_loop3A_521], %parallel_loop3A_519 {strides = array<i32>} : memref<80x192xf32, #tpu.memory_space<vmem>>, vector<16xf32>,
        %parallel_loop3A_523 = arith.mulf %parallel_loop3A_498, %get3A_9 : vector<16xf32>
        %parallel_loop3A_524 = arith.mulf %parallel_loop3A_348, %parallel_loop3A_523 : vector<16xf32>
        %parallel_loop3A_525 = arith.mulf %parallel_loop3A_434, %parallel_loop3A_523 : vector<16xf32>
        %parallel_loop3A_526 = arith.subf %get3A_21, %parallel_loop3A_525 : vector<16xf32>
        %parallel_loop3A_527 = arith.addf %parallel_loop3A_524, %parallel_loop3A_526 : vector<16xf32>
        %parallel_loop3A_528 = arith.index_cast %parallel_loop3A_262 : i32 to index
        %parallel_loop3A_529 = arith.constant 48 : index
        %parallel_loop3A_530 = tpu.vector_load %arg24[%parallel_loop3A_528, %parallel_loop3A_529] {strides = array<i32>} : memref<80x192xf32, #tpu.memory_space<vmem>>, vector<16xf32>,
        tpu.vector_store %arg24[%parallel_loop3A_528, %parallel_loop3A_529], %parallel_loop3A_527 {strides = array<i32>} : memref<80x192xf32, #tpu.memory_space<vmem>>, vector<16xf32>,
        %parallel_loop3A_531 = arith.mulf %parallel_loop3A_498, %get3A_11 : vector<16xf32>
        %parallel_loop3A_532 = arith.mulf %parallel_loop3A_368, %parallel_loop3A_531 : vector<16xf32>
        %parallel_loop3A_533 = arith.mulf %parallel_loop3A_434, %parallel_loop3A_531 : vector<16xf32>
        %parallel_loop3A_534 = arith.subf %get3A_23, %parallel_loop3A_533 : vector<16xf32>
        %parallel_loop3A_535 = arith.addf %parallel_loop3A_532, %parallel_loop3A_534 : vector<16xf32>
        %parallel_loop3A_536 = arith.index_cast %parallel_loop3A_262 : i32 to index
        %parallel_loop3A_537 = arith.constant 64 : index
        %parallel_loop3A_538 = tpu.vector_load %arg24[%parallel_loop3A_536, %parallel_loop3A_537] {strides = array<i32>} : memref<80x192xf32, #tpu.memory_space<vmem>>, vector<16xf32>,
        tpu.vector_store %arg24[%parallel_loop3A_536, %parallel_loop3A_537], %parallel_loop3A_535 {strides = array<i32>} : memref<80x192xf32, #tpu.memory_space<vmem>>, vector<16xf32>,
        %parallel_loop3A_539 = arith.mulf %parallel_loop3A_498, %get3A_13 : vector<16xf32>
        %parallel_loop3A_540 = arith.mulf %parallel_loop3A_388, %parallel_loop3A_539 : vector<16xf32>
        %parallel_loop3A_541 = arith.mulf %parallel_loop3A_434, %parallel_loop3A_539 : vector<16xf32>
        %parallel_loop3A_542 = arith.subf %get3A_25, %parallel_loop3A_541 : vector<16xf32>
        %parallel_loop3A_543 = arith.addf %parallel_loop3A_540, %parallel_loop3A_542 : vector<16xf32>
        %parallel_loop3A_544 = arith.index_cast %parallel_loop3A_262 : i32 to index
        %parallel_loop3A_545 = arith.constant 80 : index
        %parallel_loop3A_546 = tpu.vector_load %arg24[%parallel_loop3A_544, %parallel_loop3A_545] {strides = array<i32>} : memref<80x192xf32, #tpu.memory_space<vmem>>, vector<16xf32>,
        tpu.vector_store %arg24[%parallel_loop3A_544, %parallel_loop3A_545], %parallel_loop3A_543 {strides = array<i32>} : memref<80x192xf32, #tpu.memory_space<vmem>>, vector<16xf32>,
      } {sc.loop_unroll_factor = 4 : i64, sc.parallel_access}
      %parallel_loop3A_251 = arith.constant 0 : i32
      %parallel_loop3A_252 = arith.constant 80 : i32
      %parallel_loop3A_253 = arith.constant 1 : i32
      scf.for %parallel_loop3A_262 = %parallel_loop3A_251 to %parallel_loop3A_252 step %parallel_loop3A_253  : i32 {
        %parallel_loop3A_263 = arith.constant 6 : i32
        %parallel_loop3A_264 = arith.muli %parallel_loop3A_263, %parallel_loop3A_262 : i32
        %parallel_loop3A_265 = arith.constant 4 : i32
        %parallel_loop3A_266 = arith.addi %parallel_loop3A_264, %parallel_loop3A_265 : i32
        %parallel_loop3A_267 = vector.broadcast %parallel_loop3A_266 : i32 to vector<16xi32>
        %parallel_loop3A_268 = tpu.vector_load_idx %arg10[%parallel_loop3A_267] : memref<480xi32, #tpu.memory_space<vmem>>[vector<16xi32>], vector<16xi32>,
        %parallel_loop3A_269 = vector.bitcast %parallel_loop3A_268 : vector<16xi32> to vector<16xf32>
        %parallel_loop3A_270 = arith.constant 6 : i32
        %parallel_loop3A_271 = arith.muli %parallel_loop3A_270, %parallel_loop3A_262 : i32
        %parallel_loop3A_272 = arith.constant 5 : i32
        %parallel_loop3A_273 = arith.addi %parallel_loop3A_271, %parallel_loop3A_272 : i32
        %parallel_loop3A_274 = vector.broadcast %parallel_loop3A_273 : i32 to vector<16xi32>
        %parallel_loop3A_275 = tpu.vector_load_idx %arg10[%parallel_loop3A_274] : memref<480xi32, #tpu.memory_space<vmem>>[vector<16xi32>], vector<16xi32>,
        %parallel_loop3A_276 = vector.bitcast %parallel_loop3A_275 : vector<16xi32> to vector<16xf32>
        %parallel_loop3A_277 = arith.mulf %gather3A, %parallel_loop3A_269 : vector<16xf32>
        %parallel_loop3A_278 = arith.mulf %gather3A_83, %parallel_loop3A_276 : vector<16xf32>
        %parallel_loop3A_279 = arith.addf %parallel_loop3A_277, %parallel_loop3A_278 : vector<16xf32>
        %parallel_loop3A_280 = arith.addf %parallel_loop3A_279, %gather3A_86 : vector<16xf32>
        %parallel_loop3A_281 = arith.mulf %parallel_loop3A_280, %parallel_loop3A_269 : vector<16xf32>
        %parallel_loop3A_282 = arith.mulf %gather3A_77, %parallel_loop3A_276 : vector<16xf32>
        %parallel_loop3A_283 = arith.addf %parallel_loop3A_282, %gather3A_89 : vector<16xf32>
        %parallel_loop3A_284 = arith.mulf %parallel_loop3A_283, %parallel_loop3A_276 : vector<16xf32>
        %parallel_loop3A_285 = arith.addf %parallel_loop3A_281, %parallel_loop3A_284 : vector<16xf32>
        %parallel_loop3A_286 = arith.addf %parallel_loop3A_285, %gather3A_80 : vector<16xf32>
        %parallel_loop3A_287 = vector.bitcast %parallel_loop3A_286 : vector<16xf32> to vector<16xi32>
        %parallel_loop3A_288 = arith.constant 1597463007 : i32
        %parallel_loop3A_289 = vector.broadcast %parallel_loop3A_288 : i32 to vector<16xi32>
        %parallel_loop3A_290 = arith.constant 1 : i32
        %parallel_loop3A_291 = vector.broadcast %parallel_loop3A_290 : i32 to vector<16xi32>
        %parallel_loop3A_292 = arith.shrsi %parallel_loop3A_287, %parallel_loop3A_291 : vector<16xi32>
        %parallel_loop3A_293 = arith.subi %parallel_loop3A_289, %parallel_loop3A_292 : vector<16xi32>
        %parallel_loop3A_294 = vector.bitcast %parallel_loop3A_293 : vector<16xi32> to vector<16xf32>
        %parallel_loop3A_295 = arith.constant 1.500000e+00 : f32
        %parallel_loop3A_296 = vector.broadcast %parallel_loop3A_295 : f32 to vector<16xf32>
        %parallel_loop3A_297 = arith.constant 5.000000e-01 : f32
        %parallel_loop3A_298 = vector.broadcast %parallel_loop3A_297 : f32 to vector<16xf32>
        %parallel_loop3A_299 = arith.mulf %parallel_loop3A_298, %parallel_loop3A_286 : vector<16xf32>
        %parallel_loop3A_300 = arith.mulf %parallel_loop3A_299, %parallel_loop3A_294 : vector<16xf32>
        %parallel_loop3A_301 = arith.mulf %parallel_loop3A_300, %parallel_loop3A_294 : vector<16xf32>
        %parallel_loop3A_302 = arith.subf %parallel_loop3A_296, %parallel_loop3A_301 : vector<16xf32>
        %parallel_loop3A_303 = arith.mulf %parallel_loop3A_294, %parallel_loop3A_302 : vector<16xf32>
        %parallel_loop3A_304 = arith.constant 5.000000e-01 : f32
        %parallel_loop3A_305 = vector.broadcast %parallel_loop3A_304 : f32 to vector<16xf32>
        %parallel_loop3A_306 = arith.mulf %parallel_loop3A_305, %parallel_loop3A_286 : vector<16xf32>
        %parallel_loop3A_307 = arith.mulf %parallel_loop3A_306, %parallel_loop3A_303 : vector<16xf32>
        %parallel_loop3A_308 = arith.mulf %parallel_loop3A_307, %parallel_loop3A_303 : vector<16xf32>
        %parallel_loop3A_309 = arith.subf %parallel_loop3A_296, %parallel_loop3A_308 : vector<16xf32>
        %parallel_loop3A_310 = arith.mulf %parallel_loop3A_303, %parallel_loop3A_309 : vector<16xf32>
        %parallel_loop3A_311 = arith.constant 5.000000e-01 : f32
        %parallel_loop3A_312 = vector.broadcast %parallel_loop3A_311 : f32 to vector<16xf32>
        %parallel_loop3A_313 = arith.mulf %parallel_loop3A_312, %parallel_loop3A_286 : vector<16xf32>
        %parallel_loop3A_314 = arith.mulf %parallel_loop3A_313, %parallel_loop3A_310 : vector<16xf32>
        %parallel_loop3A_315 = arith.mulf %parallel_loop3A_314, %parallel_loop3A_310 : vector<16xf32>
        %parallel_loop3A_316 = arith.subf %parallel_loop3A_296, %parallel_loop3A_315 : vector<16xf32>
        %parallel_loop3A_317 = arith.mulf %parallel_loop3A_310, %parallel_loop3A_316 : vector<16xf32>
        %parallel_loop3A_318 = arith.mulf %parallel_loop3A_269, %get3A_27 : vector<16xf32>
        %parallel_loop3A_319 = arith.mulf %parallel_loop3A_276, %get3A_39 : vector<16xf32>
        %parallel_loop3A_320 = arith.addf %parallel_loop3A_318, %parallel_loop3A_319 : vector<16xf32>
        %parallel_loop3A_321 = arith.addf %parallel_loop3A_320, %get3A_51 : vector<16xf32>
        %parallel_loop3A_322 = arith.mulf %parallel_loop3A_321, %parallel_loop3A_317 : vector<16xf32>
        %parallel_loop3A_323 = arith.addf %parallel_loop3A_322, %get3A_63 : vector<16xf32>
        %parallel_loop3A_324 = arith.index_cast %parallel_loop3A_262 : i32 to index
        %parallel_loop3A_325 = arith.constant 96 : index
        %parallel_loop3A_326 = tpu.vector_load %arg24[%parallel_loop3A_324, %parallel_loop3A_325] {strides = array<i32>} : memref<80x192xf32, #tpu.memory_space<vmem>>, vector<16xf32>,
        tpu.vector_store %arg24[%parallel_loop3A_324, %parallel_loop3A_325], %parallel_loop3A_323 {strides = array<i32>} : memref<80x192xf32, #tpu.memory_space<vmem>>, vector<16xf32>,
        %parallel_loop3A_327 = arith.mulf %parallel_loop3A_269, %get3A_29 : vector<16xf32>
        %parallel_loop3A_328 = arith.mulf %parallel_loop3A_276, %get3A_41 : vector<16xf32>
        %parallel_loop3A_329 = arith.addf %parallel_loop3A_327, %parallel_loop3A_328 : vector<16xf32>
        %parallel_loop3A_330 = arith.addf %parallel_loop3A_329, %get3A_53 : vector<16xf32>
        %parallel_loop3A_331 = arith.mulf %parallel_loop3A_330, %parallel_loop3A_317 : vector<16xf32>
        %parallel_loop3A_332 = arith.addf %parallel_loop3A_331, %get3A_65 : vector<16xf32>
        %parallel_loop3A_333 = arith.index_cast %parallel_loop3A_262 : i32 to index
        %parallel_loop3A_334 = arith.constant 112 : index
        %parallel_loop3A_335 = tpu.vector_load %arg24[%parallel_loop3A_333, %parallel_loop3A_334] {strides = array<i32>} : memref<80x192xf32, #tpu.memory_space<vmem>>, vector<16xf32>,
        tpu.vector_store %arg24[%parallel_loop3A_333, %parallel_loop3A_334], %parallel_loop3A_332 {strides = array<i32>} : memref<80x192xf32, #tpu.memory_space<vmem>>, vector<16xf32>,
        %parallel_loop3A_336 = arith.mulf %parallel_loop3A_269, %get3A_31 : vector<16xf32>
        %parallel_loop3A_337 = arith.mulf %parallel_loop3A_276, %get3A_43 : vector<16xf32>
        %parallel_loop3A_338 = arith.addf %parallel_loop3A_336, %parallel_loop3A_337 : vector<16xf32>
        %parallel_loop3A_339 = arith.addf %parallel_loop3A_338, %get3A_55 : vector<16xf32>
        %parallel_loop3A_340 = arith.mulf %parallel_loop3A_339, %parallel_loop3A_317 : vector<16xf32>
        %parallel_loop3A_341 = arith.addf %parallel_loop3A_340, %get3A_67 : vector<16xf32>
        %parallel_loop3A_342 = arith.index_cast %parallel_loop3A_262 : i32 to index
        %parallel_loop3A_343 = arith.constant 128 : index
        %parallel_loop3A_344 = tpu.vector_load %arg24[%parallel_loop3A_342, %parallel_loop3A_343] {strides = array<i32>} : memref<80x192xf32, #tpu.memory_space<vmem>>, vector<16xf32>,
        tpu.vector_store %arg24[%parallel_loop3A_342, %parallel_loop3A_343], %parallel_loop3A_341 {strides = array<i32>} : memref<80x192xf32, #tpu.memory_space<vmem>>, vector<16xf32>,
        %parallel_loop3A_345 = arith.mulf %parallel_loop3A_269, %get3A_33 : vector<16xf32>
        %parallel_loop3A_346 = arith.mulf %parallel_loop3A_276, %get3A_45 : vector<16xf32>
        %parallel_loop3A_347 = arith.addf %parallel_loop3A_345, %parallel_loop3A_346 : vector<16xf32>
        %parallel_loop3A_348 = arith.addf %parallel_loop3A_347, %get3A_57 : vector<16xf32>
        %parallel_loop3A_349 = arith.mulf %parallel_loop3A_348, %parallel_loop3A_317 : vector<16xf32>
        %parallel_loop3A_350 = arith.addf %parallel_loop3A_349, %get3A_69 : vector<16xf32>
        %parallel_loop3A_351 = arith.index_cast %parallel_loop3A_262 : i32 to index
        %parallel_loop3A_352 = arith.constant 144 : index
        %parallel_loop3A_353 = tpu.vector_load %arg24[%parallel_loop3A_351, %parallel_loop3A_352] {strides = array<i32>} : memref<80x192xf32, #tpu.memory_space<vmem>>, vector<16xf32>,
        tpu.vector_store %arg24[%parallel_loop3A_351, %parallel_loop3A_352], %parallel_loop3A_350 {strides = array<i32>} : memref<80x192xf32, #tpu.memory_space<vmem>>, vector<16xf32>,
        %parallel_loop3A_354 = arith.mulf %parallel_loop3A_269, %get3A_35 : vector<16xf32>
        %parallel_loop3A_355 = arith.mulf %parallel_loop3A_276, %get3A_47 : vector<16xf32>
        %parallel_loop3A_356 = arith.addf %parallel_loop3A_354, %parallel_loop3A_355 : vector<16xf32>
        %parallel_loop3A_357 = arith.addf %parallel_loop3A_356, %get3A_59 : vector<16xf32>
        %parallel_loop3A_358 = arith.mulf %parallel_loop3A_357, %parallel_loop3A_317 : vector<16xf32>
        %parallel_loop3A_359 = arith.addf %parallel_loop3A_358, %get3A_71 : vector<16xf32>
        %parallel_loop3A_360 = arith.index_cast %parallel_loop3A_262 : i32 to index
        %parallel_loop3A_361 = arith.constant 160 : index
        %parallel_loop3A_362 = tpu.vector_load %arg24[%parallel_loop3A_360, %parallel_loop3A_361] {strides = array<i32>} : memref<80x192xf32, #tpu.memory_space<vmem>>, vector<16xf32>,
        tpu.vector_store %arg24[%parallel_loop3A_360, %parallel_loop3A_361], %parallel_loop3A_359 {strides = array<i32>} : memref<80x192xf32, #tpu.memory_space<vmem>>, vector<16xf32>,
        %parallel_loop3A_363 = arith.mulf %parallel_loop3A_269, %get3A_37 : vector<16xf32>
        %parallel_loop3A_364 = arith.mulf %parallel_loop3A_276, %get3A_49 : vector<16xf32>
        %parallel_loop3A_365 = arith.addf %parallel_loop3A_363, %parallel_loop3A_364 : vector<16xf32>
        %parallel_loop3A_366 = arith.addf %parallel_loop3A_365, %get3A_61 : vector<16xf32>
        %parallel_loop3A_367 = arith.mulf %parallel_loop3A_366, %parallel_loop3A_317 : vector<16xf32>
        %parallel_loop3A_368 = arith.addf %parallel_loop3A_367, %get3A_73 : vector<16xf32>
        %parallel_loop3A_369 = arith.index_cast %parallel_loop3A_262 : i32 to index
        %parallel_loop3A_370 = arith.constant 176 : index
        %parallel_loop3A_371 = tpu.vector_load %arg24[%parallel_loop3A_369, %parallel_loop3A_370] {strides = array<i32>} : memref<80x192xf32, #tpu.memory_space<vmem>>, vector<16xf32>,
        tpu.vector_store %arg24[%parallel_loop3A_369, %parallel_loop3A_370], %parallel_loop3A_368 {strides = array<i32>} : memref<80x192xf32, #tpu.memory_space<vmem>>, vector<16xf32>,
      } {sc.loop_unroll_factor = 4 : i64, sc.parallel_access}
      %mul3A_254 = arith.constant 80 : i32
      %mul3A_255 = arith.muli %add3A_235, %mul3A_254 : i32
      %add3A_256 = arith.addi %mul3A_2, %mul3A_255 : i32
      %dma_start3A_257 = arith.constant 0 : i32
      %dma_start3A_258 = tpu.memref_slice %arg8[%add3A_256, %dma_start3A_257] : memref<204800x192xf32, #tpu.memory_space<hbm>> -> memref<80x192xf32, #tpu.memory_space<hbm>>
      %dma_start3A_259 = arith.constant 0 : i32
      %dma_start3A_260 = tpu.memref_slice %arg8[%add3A_256, %dma_start3A_259] : memref<204800x192xf32, #tpu.memory_space<hbm>> -> memref<80x192xf32, #tpu.memory_space<hbm>>
      tpu.enqueue_dma source(%arg24 : memref<80x192xf32, #tpu.memory_space<vmem>>) target(%dma_start3A_260 : memref<80x192xf32, #tpu.memory_space<hbm>>) target_semaphore(%arg34 : memref<!tpu.dma_semaphore, #tpu.memory_space<semaphore_mem>>)
      %scan3A_261 = arith.constant 0 : i32
      scf.yield %scan3A_261 : i32
    }
    %scan3A_195 = arith.constant 40 : i32
    %add3A_196 = arith.constant 6240 : i32
    %add3A_197 = arith.addi %mul3A_2, %add3A_196 : i32
    %dma_wait3A = arith.constant 0 : i32
    %dma_wait3A_198 = tpu.memref_slice %arg8[%add3A_197, %dma_wait3A] : memref<204800x192xf32, #tpu.memory_space<hbm>> -> memref<80x192xf32, #tpu.memory_space<hbm>>
    %dma_wait3A_199 = arith.constant 0 : i32
    %dma_wait3A_200 = tpu.memref_slice %arg8[%add3A_197, %dma_wait3A_199] : memref<204800x192xf32, #tpu.memory_space<hbm>> -> memref<80x192xf32, #tpu.memory_space<hbm>>
    tpu.wait_dma2 semaphore(%arg33 : memref<!tpu.dma_semaphore, #tpu.memory_space<semaphore_mem>>) src(%arg23 : memref<80x192xf32, #tpu.memory_space<vmem>>) dst(%dma_wait3A_200 : memref<80x192xf32, #tpu.memory_space<hbm>>)
    %add3A_201 = arith.constant 6320 : i32
    %add3A_202 = arith.addi %mul3A_2, %add3A_201 : i32
    %dma_wait3A_203 = arith.constant 0 : i32
    %dma_wait3A_204 = tpu.memref_slice %arg8[%add3A_202, %dma_wait3A_203] : memref<204800x192xf32, #tpu.memory_space<hbm>> -> memref<80x192xf32, #tpu.memory_space<hbm>>
    %dma_wait3A_205 = arith.constant 0 : i32
    %dma_wait3A_206 = tpu.memref_slice %arg8[%add3A_202, %dma_wait3A_205] : memref<204800x192xf32, #tpu.memory_space<hbm>> -> memref<80x192xf32, #tpu.memory_space<hbm>>
    tpu.wait_dma2 semaphore(%arg34 : memref<!tpu.dma_semaphore, #tpu.memory_space<semaphore_mem>>) src(%arg24 : memref<80x192xf32, #tpu.memory_space<vmem>>) dst(%dma_wait3A_206 : memref<80x192xf32, #tpu.memory_space<hbm>>)
    return
  }
}

module attributes {stable_mosaic.version = 14 : i64} {
  func.func @_proj_body(%arg0: i32, %arg1: memref<8x64xf32, #tpu.memory_space<vmem>>, %arg2: memref<64x128xf32, #tpu.memory_space<vmem>>, %arg3: memref<1x128xf32, #tpu.memory_space<vmem>>, %arg4: memref<8x128xf32, #tpu.memory_space<vmem>>) attributes {dimension_semantics = [#tpu.dimension_semantics<arbitrary>], iteration_bounds = array<i64: 1>, scalar_prefetch = 0 : i64, scratch_operands = 0 : i64, tpu.core_type = #tpu.core_type<tc>, window_params = [{transform_indices = @transform_0, window_bounds = array<i64: 8, 64>}, {pipeline_mode = #tpu.pipeline_mode<synchronous>, transform_indices = @transform_1, window_bounds = array<i64: 64, 128>}, {pipeline_mode = #tpu.pipeline_mode<synchronous>, transform_indices = @transform_2, window_bounds = array<i64: 1, 128>}, {transform_indices = @transform_3, window_bounds = array<i64: 8, 128>}]} {
    %get3A = arith.constant 0 : index
    %get3A_0 = arith.constant 0 : index
    %get3A_1 = vector.load %arg1[%get3A, %get3A_0] : memref<8x64xf32, #tpu.memory_space<vmem>>, vector<8x64xf32>
    %get3A_2 = arith.constant 0 : index
    %get3A_3 = arith.constant 0 : index
    %get3A_4 = vector.load %arg2[%get3A_2, %get3A_3] : memref<64x128xf32, #tpu.memory_space<vmem>>, vector<64x128xf32>
    %dot_general3A = arith.constant dense<0.000000e+00> : vector<8x128xf32>
    %dot_general3A_5 = tpu.matmul %get3A_1, %get3A_4, %dot_general3A {dimension_numbers = #tpu.dot_dimension_numbers<[1], [0], [0], [1], [0, 0, 1, 1], [], []>, transpose_lhs_hint = false} : vector<8x64xf32>, vector<64x128xf32>, vector<8x128xf32> -> vector<8x128xf32>
    %get3A_6 = arith.constant 0 : index
    %get3A_7 = arith.constant 0 : index
    %get3A_8 = vector.load %arg3[%get3A_6, %get3A_7] : memref<1x128xf32, #tpu.memory_space<vmem>>, vector<1x128xf32>
    %add3A = vector.broadcast %get3A_8 : vector<1x128xf32> to vector<8x128xf32>
    %add3A_9 = arith.addf %dot_general3A_5, %add3A : vector<8x128xf32>
    %swap3A = arith.constant 0 : index
    %swap3A_10 = arith.constant 0 : index
    %swap3A_11 = vector.load %arg4[%swap3A, %swap3A_10] : memref<8x128xf32, #tpu.memory_space<vmem>>, vector<8x128xf32>
    tpu.vector_store %arg4[%swap3A, %swap3A_10], %add3A_9 {strides = array<i32>} : memref<8x128xf32, #tpu.memory_space<vmem>>, vector<8x128xf32>,
    return
  }
  func.func @transform_0(%arg0: i32) -> (i32, i32) {
    %c0_i32 = arith.constant 0 : i32
    %c0_i32_0 = arith.constant 0 : i32
    return %arg0, %c0_i32 : i32, i32
  }
  func.func @transform_1(%arg0: i32) -> (i32, i32) {
    %c0_i32 = arith.constant 0 : i32
    %c0_i32_0 = arith.constant 0 : i32
    %c0_i32_1 = arith.constant 0 : i32
    return %c0_i32, %c0_i32_0 : i32, i32
  }
  func.func @transform_2(%arg0: i32) -> (i32, i32) {
    %c0_i32 = arith.constant 0 : i32
    %c0_i32_0 = arith.constant 0 : i32
    %c0_i32_1 = arith.constant 0 : i32
    return %c0_i32, %c0_i32_0 : i32, i32
  }
  func.func @transform_3(%arg0: i32) -> (i32, i32) {
    %c0_i32 = arith.constant 0 : i32
    %c0_i32_0 = arith.constant 0 : i32
    return %arg0, %c0_i32 : i32, i32
  }
}

module attributes {stable_mosaic.version = 14 : i64} {
  func.func @_proj_body(%arg0: i32, %arg1: memref<2048x64xf32, #tpu.memory_space<vmem>>, %arg2: memref<64x128xf32, #tpu.memory_space<vmem>>, %arg3: memref<1x128xf32, #tpu.memory_space<vmem>>, %arg4: memref<2048x128xf32, #tpu.memory_space<vmem>>) attributes {dimension_semantics = [#tpu.dimension_semantics<arbitrary>], iteration_bounds = array<i64: 49>, scalar_prefetch = 0 : i64, scratch_operands = 0 : i64, tpu.core_type = #tpu.core_type<tc>, window_params = [{transform_indices = @transform_0, window_bounds = array<i64: 2048, 64>}, {pipeline_mode = #tpu.pipeline_mode<synchronous>, transform_indices = @transform_1, window_bounds = array<i64: 64, 128>}, {pipeline_mode = #tpu.pipeline_mode<synchronous>, transform_indices = @transform_2, window_bounds = array<i64: 1, 128>}, {transform_indices = @transform_3, window_bounds = array<i64: 2048, 128>}]} {
    %get3A = arith.constant 0 : index
    %get3A_0 = arith.constant 0 : index
    %get3A_1 = vector.load %arg1[%get3A, %get3A_0] : memref<2048x64xf32, #tpu.memory_space<vmem>>, vector<2048x64xf32>
    %get3A_2 = arith.constant 0 : index
    %get3A_3 = arith.constant 0 : index
    %get3A_4 = vector.load %arg2[%get3A_2, %get3A_3] : memref<64x128xf32, #tpu.memory_space<vmem>>, vector<64x128xf32>
    %dot_general3A = arith.constant dense<0.000000e+00> : vector<2048x128xf32>
    %dot_general3A_5 = tpu.matmul %get3A_1, %get3A_4, %dot_general3A {dimension_numbers = #tpu.dot_dimension_numbers<[1], [0], [0], [1], [0, 0, 1, 1], [], []>, transpose_lhs_hint = false} : vector<2048x64xf32>, vector<64x128xf32>, vector<2048x128xf32> -> vector<2048x128xf32>
    %get3A_6 = arith.constant 0 : index
    %get3A_7 = arith.constant 0 : index
    %get3A_8 = vector.load %arg3[%get3A_6, %get3A_7] : memref<1x128xf32, #tpu.memory_space<vmem>>, vector<1x128xf32>
    %add3A = vector.broadcast %get3A_8 : vector<1x128xf32> to vector<2048x128xf32>
    %add3A_9 = arith.addf %dot_general3A_5, %add3A : vector<2048x128xf32>
    %swap3A = arith.constant 0 : index
    %swap3A_10 = arith.constant 0 : index
    %swap3A_11 = vector.load %arg4[%swap3A, %swap3A_10] : memref<2048x128xf32, #tpu.memory_space<vmem>>, vector<2048x128xf32>
    tpu.vector_store %arg4[%swap3A, %swap3A_10], %add3A_9 {strides = array<i32>} : memref<2048x128xf32, #tpu.memory_space<vmem>>, vector<2048x128xf32>,
    return
  }
  func.func @transform_0(%arg0: i32) -> (i32, i32) {
    %c0_i32 = arith.constant 0 : i32
    %c0_i32_0 = arith.constant 0 : i32
    return %arg0, %c0_i32 : i32, i32
  }
  func.func @transform_1(%arg0: i32) -> (i32, i32) {
    %c0_i32 = arith.constant 0 : i32
    %c0_i32_0 = arith.constant 0 : i32
    %c0_i32_1 = arith.constant 0 : i32
    return %c0_i32, %c0_i32_0 : i32, i32
  }
  func.func @transform_2(%arg0: i32) -> (i32, i32) {
    %c0_i32 = arith.constant 0 : i32
    %c0_i32_0 = arith.constant 0 : i32
    %c0_i32_1 = arith.constant 0 : i32
    return %c0_i32, %c0_i32_0 : i32, i32
  }
  func.func @transform_3(%arg0: i32) -> (i32, i32) {
    %c0_i32 = arith.constant 0 : i32
    %c0_i32_0 = arith.constant 0 : i32
    return %arg0, %c0_i32 : i32, i32
  }
}

module attributes {stable_mosaic.version = 14 : i64} {
  func.func @_proj_body(%arg0: i32, %arg1: memref<2048x64xf32, #tpu.memory_space<vmem>>, %arg2: memref<64x128xf32, #tpu.memory_space<vmem>>, %arg3: memref<1x128xf32, #tpu.memory_space<vmem>>, %arg4: memref<2048x128xf32, #tpu.memory_space<vmem>>) attributes {dimension_semantics = [#tpu.dimension_semantics<arbitrary>], iteration_bounds = array<i64: 5>, scalar_prefetch = 0 : i64, scratch_operands = 0 : i64, tpu.core_type = #tpu.core_type<tc>, window_params = [{transform_indices = @transform_0, window_bounds = array<i64: 2048, 64>}, {pipeline_mode = #tpu.pipeline_mode<synchronous>, transform_indices = @transform_1, window_bounds = array<i64: 64, 128>}, {pipeline_mode = #tpu.pipeline_mode<synchronous>, transform_indices = @transform_2, window_bounds = array<i64: 1, 128>}, {transform_indices = @transform_3, window_bounds = array<i64: 2048, 128>}]} {
    %get3A = arith.constant 0 : index
    %get3A_0 = arith.constant 0 : index
    %get3A_1 = vector.load %arg1[%get3A, %get3A_0] : memref<2048x64xf32, #tpu.memory_space<vmem>>, vector<2048x64xf32>
    %get3A_2 = arith.constant 0 : index
    %get3A_3 = arith.constant 0 : index
    %get3A_4 = vector.load %arg2[%get3A_2, %get3A_3] : memref<64x128xf32, #tpu.memory_space<vmem>>, vector<64x128xf32>
    %dot_general3A = arith.constant dense<0.000000e+00> : vector<2048x128xf32>
    %dot_general3A_5 = tpu.matmul %get3A_1, %get3A_4, %dot_general3A {dimension_numbers = #tpu.dot_dimension_numbers<[1], [0], [0], [1], [0, 0, 1, 1], [], []>, transpose_lhs_hint = false} : vector<2048x64xf32>, vector<64x128xf32>, vector<2048x128xf32> -> vector<2048x128xf32>
    %get3A_6 = arith.constant 0 : index
    %get3A_7 = arith.constant 0 : index
    %get3A_8 = vector.load %arg3[%get3A_6, %get3A_7] : memref<1x128xf32, #tpu.memory_space<vmem>>, vector<1x128xf32>
    %add3A = vector.broadcast %get3A_8 : vector<1x128xf32> to vector<2048x128xf32>
    %add3A_9 = arith.addf %dot_general3A_5, %add3A : vector<2048x128xf32>
    %swap3A = arith.constant 0 : index
    %swap3A_10 = arith.constant 0 : index
    %swap3A_11 = vector.load %arg4[%swap3A, %swap3A_10] : memref<2048x128xf32, #tpu.memory_space<vmem>>, vector<2048x128xf32>
    tpu.vector_store %arg4[%swap3A, %swap3A_10], %add3A_9 {strides = array<i32>} : memref<2048x128xf32, #tpu.memory_space<vmem>>, vector<2048x128xf32>,
    return
  }
  func.func @transform_0(%arg0: i32) -> (i32, i32) {
    %c0_i32 = arith.constant 0 : i32
    %c0_i32_0 = arith.constant 0 : i32
    return %arg0, %c0_i32 : i32, i32
  }
  func.func @transform_1(%arg0: i32) -> (i32, i32) {
    %c0_i32 = arith.constant 0 : i32
    %c0_i32_0 = arith.constant 0 : i32
    %c0_i32_1 = arith.constant 0 : i32
    return %c0_i32, %c0_i32_0 : i32, i32
  }
  func.func @transform_2(%arg0: i32) -> (i32, i32) {
    %c0_i32 = arith.constant 0 : i32
    %c0_i32_0 = arith.constant 0 : i32
    %c0_i32_1 = arith.constant 0 : i32
    return %c0_i32, %c0_i32_0 : i32, i32
  }
  func.func @transform_3(%arg0: i32) -> (i32, i32) {
    %c0_i32 = arith.constant 0 : i32
    %c0_i32_0 = arith.constant 0 : i32
    return %arg0, %c0_i32 : i32, i32
  }
}

module attributes {stable_mosaic.version = 14 : i64} {
  func.func @_proj_body(%arg0: i32, %arg1: memref<1024x64xf32, #tpu.memory_space<vmem>>, %arg2: memref<64x128xf32, #tpu.memory_space<vmem>>, %arg3: memref<1x128xf32, #tpu.memory_space<vmem>>, %arg4: memref<1024x128xf32, #tpu.memory_space<vmem>>) attributes {dimension_semantics = [#tpu.dimension_semantics<arbitrary>], iteration_bounds = array<i64: 1>, scalar_prefetch = 0 : i64, scratch_operands = 0 : i64, tpu.core_type = #tpu.core_type<tc>, window_params = [{transform_indices = @transform_0, window_bounds = array<i64: 1024, 64>}, {pipeline_mode = #tpu.pipeline_mode<synchronous>, transform_indices = @transform_1, window_bounds = array<i64: 64, 128>}, {pipeline_mode = #tpu.pipeline_mode<synchronous>, transform_indices = @transform_2, window_bounds = array<i64: 1, 128>}, {transform_indices = @transform_3, window_bounds = array<i64: 1024, 128>}]} {
    %get3A = arith.constant 0 : index
    %get3A_0 = arith.constant 0 : index
    %get3A_1 = vector.load %arg1[%get3A, %get3A_0] : memref<1024x64xf32, #tpu.memory_space<vmem>>, vector<1024x64xf32>
    %get3A_2 = arith.constant 0 : index
    %get3A_3 = arith.constant 0 : index
    %get3A_4 = vector.load %arg2[%get3A_2, %get3A_3] : memref<64x128xf32, #tpu.memory_space<vmem>>, vector<64x128xf32>
    %dot_general3A = arith.constant dense<0.000000e+00> : vector<1024x128xf32>
    %dot_general3A_5 = tpu.matmul %get3A_1, %get3A_4, %dot_general3A {dimension_numbers = #tpu.dot_dimension_numbers<[1], [0], [0], [1], [0, 0, 1, 1], [], []>, transpose_lhs_hint = false} : vector<1024x64xf32>, vector<64x128xf32>, vector<1024x128xf32> -> vector<1024x128xf32>
    %get3A_6 = arith.constant 0 : index
    %get3A_7 = arith.constant 0 : index
    %get3A_8 = vector.load %arg3[%get3A_6, %get3A_7] : memref<1x128xf32, #tpu.memory_space<vmem>>, vector<1x128xf32>
    %add3A = vector.broadcast %get3A_8 : vector<1x128xf32> to vector<1024x128xf32>
    %add3A_9 = arith.addf %dot_general3A_5, %add3A : vector<1024x128xf32>
    %swap3A = arith.constant 0 : index
    %swap3A_10 = arith.constant 0 : index
    %swap3A_11 = vector.load %arg4[%swap3A, %swap3A_10] : memref<1024x128xf32, #tpu.memory_space<vmem>>, vector<1024x128xf32>
    tpu.vector_store %arg4[%swap3A, %swap3A_10], %add3A_9 {strides = array<i32>} : memref<1024x128xf32, #tpu.memory_space<vmem>>, vector<1024x128xf32>,
    return
  }
  func.func @transform_0(%arg0: i32) -> (i32, i32) {
    %c0_i32 = arith.constant 0 : i32
    %c0_i32_0 = arith.constant 0 : i32
    return %arg0, %c0_i32 : i32, i32
  }
  func.func @transform_1(%arg0: i32) -> (i32, i32) {
    %c0_i32 = arith.constant 0 : i32
    %c0_i32_0 = arith.constant 0 : i32
    %c0_i32_1 = arith.constant 0 : i32
    return %c0_i32, %c0_i32_0 : i32, i32
  }
  func.func @transform_2(%arg0: i32) -> (i32, i32) {
    %c0_i32 = arith.constant 0 : i32
    %c0_i32_0 = arith.constant 0 : i32
    %c0_i32_1 = arith.constant 0 : i32
    return %c0_i32, %c0_i32_0 : i32, i32
  }
  func.func @transform_3(%arg0: i32) -> (i32, i32) {
    %c0_i32 = arith.constant 0 : i32
    %c0_i32_0 = arith.constant 0 : i32
    return %arg0, %c0_i32 : i32, i32
  }
}

</mosaic_0001>

<sc_bundles>
// kernel: kernel.7.cloned.1.call-start
scs
__scs_entry_jumppad:
0x0: {  	(pc) =	sbr.rel $0x88, $3  }
0x1: {  	(tag) =	ssettag $0x0;
	lr =	simm.s32 $0x1  }
0x2: {  	[smem:$0x3F8F] =	sst lr;
	_ =	strace $0xD0000000  }
0x3: {  	_ = 	snop  }
0x4: {  	_ = 	snop  }
0x5: {  	_ = 	snop  }
0x6: {  	_ = 	snop  }
0x7: {  	_ = 	snop  }
__scs_overlays_trampoline_lowered:
0x8: {  	[smem:$0x3F9E] =	sst s0  }
0x9: {  	[smem:$0x3F9F] =	sst s1  }
0xa: {  	[smem:$0x3FA0] =	sst s2  }
0xb: {  	[smem:$0x3FA1] =	sst s3  }
0xc: {  	[smem:$0x3FA2] =	sst s4  }
0xd: {  	[smem:$0x3FA3] =	sst s5  }
0xe: {  	[smem:$0x3FA4] =	sst s6  }
0xf: {  	[smem:$0x3FA5] =	sst s7  }
0x10: {  	[smem:$0x3FA6] =	sst s8  }
0x11: {  	[smem:$0x3FA7] =	sst s9;
	s0 =	simm.s32 @!p0 $0x0  }
0x12: {  	s1 =	sld [smem:$0x3F8D];
	s0 =	simm.s32 @p0 $0x1  }
0x13: {  	[smem:$0x3FA8] =	sst s0;
	s0 =	simm.s32 @!p1 $0x0  }
0x14: {  	s2 =	sld [smem:$0x3F8C];
	s0 =	simm.s32 @p1 $0x1  }
0x15: {  	[smem:$0x3FA9] =	sst s0;
	s0 =	simm.s32 @!p2 $0x0  }
0x16: {  	s3 =	sld [smem:$0x3FDB];
	s0 =	simm.s32 @p2 $0x1  }
0x17: {  	s4 =	simm.s32 $0x1BF5;
	[smem:$0x3FAB] =	sst s0  }
0x18: {  	s0 =	sld [smem:$0x3F8E];
	_ =	swait.ge [sflag:s4], $0x0  }
0x19: {  	s7 =	sld [smem:$0x3F8F]  }
0x1a: {  	s8 =	sadd.s32 $0xFFFFE003, lr  }
0x1b: {  	s9 =	sadd.s32 $0xFFFFFEF7, lr;
	s5 =	simm.s32 $0xFFFFFFFF;
	p2 =	slt.u32 s8, $0xFFFFF086  }
0x1c: {  	p1 =	slt.u32 s9, $0xF7A;
	s5 =	simm.s32 @!p2 $0x0  }
0x1d: {  	s5 =	simm.s32 @p1 $0x1;
	p0 =	seq.s32 s7, s2  }
0x1e: {  	s7 =	smul.u32 @!p0 $0xF7A, s2;
	p2 =	seq.s32 @!p0 s5, $0x0  }
0x1f: {  	s9 =	smul.u32 $0xF7A, s1;
	s8 =	simm.s32 @!p0 $0x1BF5;
	p2 =	por !p2, p0  }
0x20: {  	[sflag:s8] =	ssyncset.s32 @!p0 $0xFFFFF086;
	s6 =	sadd.s32 @!p0 s3, s7;
	s7 =	simm.s32 @!p0 $0x108  }
0x21: {  	s3 =	sadd.s32 s3, s9;
	s6 =	sadd.s32 @!p0 $0x88, s6;
	s7 =	simm.s32 @p2 $0x1082  }
0x22: {  	[simem:s7], [sflag:s8] =	dma.local @!p0 [hbm:s6], $0xF7A  }
0x23: {  	s9 =	sor.u32 $0xD0000000, s2;
	s6 =	simm.s32 $0x108;
	_ =	swait.ge @!p0 [sflag:s8], $0x0  }
0x24: {  	s3 =	sadd.s32 $0x88, s3;
	s6 =	simm.s32 @!p1 $0x1082;
	[sflag:s4] =	ssyncset.s32 $0xFFFFF086  }
0x25: {  	[simem:s6], [sflag:s4] =	dma.local [hbm:s3], $0xF7A  }
0x26: {  	[smem:$0x3F8F] =	sst s1;
	(tag) =	ssettag s2;
	_ =	strace s9  }
0x27: {  	s1 =	sld [smem:$0x3F9F]  }
0x28: {  	s2 =	sld [smem:$0x3FA0]  }
0x29: {  	s4 =	sld [smem:$0x3FA2]  }
0x2a: {  	p0 =	seq.s32 s5, $0x0;
	s5 =	sld [smem:$0x3FA3]  }
0x2b: {  	s6 =	sld [smem:$0x3FA4]  }
0x2c: {  	s7 =	sld [smem:$0x3FA5]  }
0x2d: {  	s3 =	simm.s32 $0x108;
	s8 =	sld [smem:$0x3FA6]  }
0x2e: {  	s3 =	simm.s32 @!p0 $0x1082;
	s9 =	sld [smem:$0x3FA7]  }
0x2f: {  	lr =	sadd.s32 s0, s3;
	s0 =	sld [smem:$0x3F9E]  }
0x30: {  	s3 =	sld [smem:$0x3FA1]  }
0x31: {  	[smem:$0x3FAA] =	sst s10  }
0x32: {  	s10 =	sld [smem:$0x3FA8];
	_ =	sdelay $0x3  }
0x33: {  	p0 =	seq.s32 s10, $0x1;
	s10 =	sld [smem:$0x3FAA];
	_ =	sdelay $0x3  }
0x34: {  	[smem:$0x3FAA] =	sst s10  }
0x35: {  	s10 =	sld [smem:$0x3FA9];
	_ =	sdelay $0x3  }
0x36: {  	p1 =	seq.s32 s10, $0x1;
	s10 =	sld [smem:$0x3FAA];
	_ =	sdelay $0x3  }
0x37: {  	[smem:$0x3FAA] =	sst s10  }
0x38: {  	s10 =	sld [smem:$0x3FAB]  }
0x39: {  	_ = 	snop;
	(pc) =	sbr.ind lr, $3  }
0x3a: {  	_ = 	snop  }
0x3b: {  	_ = 	snop  }
0x3c: {  	p2 =	seq.s32 s10, $0x1;
	s10 =	sld [smem:$0x3FAA]  }
0x3d: {  	_ =	shalt  }
0x3e: {  	_ =	shalt  }
0x3f: {  	_ =	shalt  }
0x40: {  	_ =	shalt  }
0x41: {  	_ =	shalt  }
0x42: {  	_ =	shalt  }
0x43: {  	_ =	shalt  }
0x44: {  	_ =	shalt  }
0x45: {  	_ =	shalt  }
0x46: {  	_ =	shalt  }
0x47: {  	_ =	shalt  }
0x48: {  	_ =	shalt  }
0x49: {  	_ =	shalt  }
0x4a: {  	_ =	shalt  }
0x4b: {  	_ =	shalt  }
0x4c: {  	_ =	shalt  }
0x4d: {  	_ =	shalt  }
0x4e: {  	_ =	shalt  }
0x4f: {  	_ =	shalt  }
0x50: {  	_ =	shalt  }
0x51: {  	_ =	shalt  }
0x52: {  	_ =	shalt  }
0x53: {  	_ =	shalt  }
0x54: {  	_ =	shalt  }
0x55: {  	_ =	shalt  }
0x56: {  	_ =	shalt  }
0x57: {  	_ =	shalt  }
0x58: {  	_ =	shalt  }
0x59: {  	_ =	shalt  }
0x5a: {  	_ =	shalt  }
0x5b: {  	_ =	shalt  }
0x5c: {  	_ =	shalt  }
0x5d: {  	_ =	shalt  }
0x5e: {  	_ =	shalt  }
0x5f: {  	_ =	shalt  }
0x60: {  	_ =	shalt  }
0x61: {  	_ =	shalt  }
0x62: {  	_ =	shalt  }
0x63: {  	_ =	shalt  }
0x64: {  	_ =	shalt  }
0x65: {  	_ =	shalt  }
0x66: {  	_ =	shalt  }
0x67: {  	_ =	shalt  }
0x68: {  	_ =	shalt  }
0x69: {  	_ =	shalt  }
0x6a: {  	_ =	shalt  }
0x6b: {  	_ =	shalt  }
0x6c: {  	_ =	shalt  }
0x6d: {  	_ =	shalt  }
0x6e: {  	_ =	shalt  }
0x6f: {  	_ =	shalt  }
0x70: {  	_ =	shalt  }
0x71: {  	_ =	shalt  }
0x72: {  	_ =	shalt  }
0x73: {  	_ =	shalt  }
0x74: {  	_ =	shalt  }
0x75: {  	_ =	shalt  }
0x76: {  	_ =	shalt  }
0x77: {  	_ =	shalt  }
0x78: {  	_ =	shalt  }
0x79: {  	_ =	shalt  }
0x7a: {  	_ =	shalt  }
0x7b: {  	_ =	shalt  }
0x7c: {  	_ =	shalt  }
0x7d: {  	_ =	shalt  }
0x7e: {  	_ =	shalt  }
0x7f: {  	_ =	shalt  }
0x80: {  	_ =	shalt  }
0x81: {  	_ =	shalt  }
0x82: {  	_ =	shalt  }
0x83: {  	_ =	shalt  }
0x84: {  	_ =	shalt  }
0x85: {  	_ =	shalt  }
0x86: {  	_ =	shalt  }
0x87: {  	_ =	shalt  }
.Lfunc_end0:
.L_simem_size_0:
called_computation.1_lowered:
.L_overlay_start_0:
0x88: {  	s2 =	sld [smem:$0x3FD9]  }
0x89: {  	s3 =	sld [smem:$0x3FFE];
	_ =	sdelay $0x1  }
0x8a: {  	s1 =	srdreg.scid  }
0x8b: {  	s0 =	sand.u32 $0x1, s1  }
0x8c: {  	s16 =	sshll.u32 s0, $0xA;
	s2 =	sadd.s32 s3, s2  }
0x8d: {  	s2 =	sadd.s32 s2, s16  }
0x8e: {  	[smem:$0x3FB6] =	sst s2  }
0x8f: {  	_ = 	snop  }
0x90: {  	(tm) =	ssettm $0x1  }
0x91: {  	s17 =	sld [smem:$0x3FFB];
	_ =	sdelay $0x3  }
0x92: {  	_ =	strace s17  }
0x93: {  	s2 =	sld [smem:$0x3FFC];
	_ =	sdelay $0x3  }
0x94: {  	_ =	strace s2  }
0x95: {  	s2 =	sld [smem:$0x3FFD];
	_ =	sdelay $0x3  }
0x96: {  	_ =	strace s2  }
0x97: {  	_ =	strace $0x8FFFFFFF  }
0x98: {  	s18 =	sld [smem:$0x3FDB];
	_ =	sdelay $0x1  }
0x99: {  	s19 =	simm.s32 $_scs_section_size  }
0x9a: {  	s4 =	simm.s32 $_size__tile_overlayer_lowered;
	s5 =	simm.s32 $_tile_overlayer_lowered  }
0x9b: {  	s22 =	simm.s32 $0x1BFF;
	s21 =	sshll.u32 s5, $0x1;
	s2 =	sadd.s32 s19, s18  }
0x9c: {  	s6 =	simm.s32 $0x0;
	s20 =	sshll.u32 s4, $0x1;
	s4 =	sadd.s32 s21, s2  }
0x9d: {  	[timem:s6], [sflag:s22] =	dma.local [hbm:s4], s20  }
0x9e: {  	_ =	swait.ge [sflag:s22], s20  }
0x9f: {  	s3 =	ssub.s32 $0x0, s20;
	[sflag:s22] =	ssyncset.done $0x0  }
0xa0: {  	[sflag:s22] =	ssyncadd.s32 s3;
	_ =	sdelay $0x1  }
0xa1: {  	s23 =	simm.s32 $0x1B8B  }
0xa2: {  	_ =	swait.ge [sflag:s23], $0x1  }
0xa3: {  	[sflag:s23] =	ssyncset.done $0x0  }
0xa4: {  	s25 =	simm.s32 $0x1B8E;
	s24 =	sld [smem:$0x3FFE];
	[sflag:s23] =	ssyncadd.s32 $0xFFFFFFFF  }
0xa5: {  	s26 =	simm.s32 $execute0_lowered;
	[smem:$0x3FD2] =	sst s25  }
0xa6: {  	s4 =	sshll.u32 s26, $0x1;
	_ =	strace $0x80000046;
	[dreg:$0x1] =	wrdreg $0xFFFFFFFF  }
0xa7: {  	s28 =	simm.s32 $_size_execute0_lowered;
	s2 =	sadd.s32 s2, s4;
	[dreg:$0x0] =	wrdreg $0x0  }
0xa8: {  	s4 =	sshll.u32 s28, $0x1;
	[dreg:$0x2] =	wrdreg s2  }
0xa9: {  	[dreg:$0x3] =	wrdreg s4  }
0xaa: {  	[dreg:$0x4] =	wrdreg $0xC0  }
0xab: {  	_ =	task [dreg:s6], $0x5FFFF  }
0xac: {  	[dreg:$0x1] =	wrdreg $0xFFFFFFFF  }
0xad: {  	[dreg:$0x0] =	wrdreg $0x60  }
0xae: {  	[dreg:$0x2] =	wrdreg s24  }
0xaf: {  	[dreg:$0x3] =	wrdreg $0x9  }
0xb0: {  	_ =	task.clear_ibuf [dreg:s6], $0x4FFFF;
	_ =	strace $0x90000046  }
0xb1: {  	s29 =	simm.s32 $0x9;
	_ =	strace $0x80000048  }
0xb2: {  	_ =	swait.ge [sflag:s29], $0x1  }
0xb3: {  	[sflag:s29] =	ssyncadd.s32 $0xFFFFFFFF  }
0xb4: {  	_ =	strace $0x90000048  }
0xb5: {  	_ =	sfence  }
0xb6: {  	s30 =	sld [smem:$0x0];
	_ =	sdelay $0x2  }
0xb7: {  	s31 =	sshll.u32 s1, $0xD;
	s1 =	sshrl.u32 s1, $0x2  }
0xb8: {  	s3 =	sand.u32 $0x4000, s31;
	s1 =	sadd.s32 s1, s30  }
0xb9: {  	s0 =	sor.u32 s3, s0;
	s1 =	sshll.u32 s1, $0x11  }
0xba: {  	s0 =	sor.u32 s1, s0  }
0xbb: {  	s0 =	sadd.s32 $0x8F2B, s0  }
0xbc: {  	[sflag:s0] =	ssyncadd.remote.s32 $0x1  }
0xbd: {  	_ =	sfence.sel $0xFFFF  }
0xbe: {  	[dreg:$0x0] =	wrdreg $0xFFFFFFFF;
	(pc) =	sbr.abs _section_cstart, $3  }
0xbf: {  	[dreg:$0x1] =	wrdreg $0xFFFFFFFF  }
0xc0: {  	_ =	task.clear_ibuf [dreg:s6], $0x2FFFF;
	_ =	strace $0x9FFFFFFF  }
0xc1: {  	(tm) =	ssettm $0x7FFFFFFF  }
tec
execute0_lowered:
.L_overlay_start_1:
0x0: {  	(tag) =	ssettag $0x1  }
0x1: {  	v59 =	vlaneseq.u32  }
0x2: {  	v1 =	vmul.u32 $0x6, v59;
	v57 =	vor.u32 $0x10, v59  }
0x3: {  	[tilespmem:$0x1FF70] =	vst v57  }
0x4: {  	v0 =	vor.u32 $0x1, v1;
	[tilespmem:$0x1FF50] =	vst v1  }
0x5: {  	v45 =	vadd.s32 $0x2, v1;
	[tilespmem:$0x1FE80] =	vst v0  }
0x6: {  	v46 =	vadd.s32 $0x60, v1;
	[tilespmem:$0x1FE90] =	vst v45  }
0x7: {  	v47 =	vadd.s32 $0x61, v1;
	[tilespmem:$0x1FEA0] =	vst v46  }
0x8: {  	v48 =	vadd.s32 $0x62, v1;
	[tilespmem:$0x1FEB0] =	vst v47  }
0x9: {  	v49 =	vadd.s32 $0xC0, v1;
	[tilespmem:$0x1FEC0] =	vst v48  }
0xa: {  	v55 =	vimm.s32 $0xFEDCBA98;
	v50 =	vadd.s32 $0xC1, v1;
	[tilespmem:$0x1FED0] =	vst v49  }
0xb: {  	v58 =	vimm.s32 $0x76543210;
	v60 =	vimm.s32 $0xBA98FEDC;
	v51 =	vadd.s32 $0xC2, v1;
	[tilespmem:$0x1FEE0] =	vst v50  }
0xc: {  	v3 =	vimm.s32 $0x32107654;
	v4 =	vimm.s32 $0xDCFE98BA;
	v52 =	vadd.s32 $0x120, v1;
	[tilespmem:$0x1FEF0] =	vst v51  }
0xd: {  	v5 =	vimm.s32 $0x54761032;
	v6 =	vimm.s32 $0xEFCDAB89;
	v53 =	vadd.s32 $0x121, v1;
	[tilespmem:$0x1FF00] =	vst v52  }
0xe: {  	v7 =	vimm.s32 $0x67452301;
	v3 =	vunpack.c.l.s4.s8 v3;
	v54 =	vadd.s32 $0x122, v1;
	[tilespmem:$0x1FF10] =	vst v53  }
0xf: {  	s0 =	rddreg [dreg:$0x0];
	s1 =	simm.s32 $0x0;
	v4 =	vunpack.c.l.s4.s8 v4;
	v5 =	vunpack.c.l.s4.s8 v5;
	v2 =	vor.u32 $0x180, v1;
	[tilespmem:$0x1FF20] =	vst v54  }
0x10: {  	s2 =	srdreg.scid;
	[smem:$0x7FF] =	sst s1;
	v6 =	vunpack.c.l.s4.s8 v6;
	v7 =	vunpack.c.l.s4.s8 v7;
	v56 =	vor.u32 $0x181, v1;
	[tilespmem:$0x1FF30] =	vst v2  }
0x11: {  	s3 =	stileid.u32;
	s4 =	sadd.s32 $0x186C00, s0;
	s2 =	sand.u32 $0x1, s2;
	v36 =	vor.u32 $0x30, v59;
	v16 =	vor.u32 $0x50, v59;
	v1 =	vadd.s32 $0x182, v1;
	[tilespmem:$0x1FF40] =	vst v56  }
0x12: {  	s3 =	sshll.u32 s3, $0x1;
	s25 =	sadd.s32 $0x2B200, s0;
	s5 =	sadd.s32 $0x186E00, s0;
	v3 =	vunpack.c.0.s8.s32 v3;
	v4 =	vunpack.c.0.s8.s32 v4;
	[tilespmem:$0x1FF60] =	vst v1;
	v2 =	vunpack.c.l.s4.s8 v60  }
0x13: {  	s3 =	sor.u32 s2, s3;
	v5 =	vunpack.c.0.s8.s32 v5;
	v0 =	vunpack.c.l.s4.s8 v55;
	v46 =	vor.u32 $0x20, v59;
	_ =	strace $0x80000047;
	[dreg:$0x2] =	wrdreg s4  }
0x14: {  	s0 =	sadd.s32 $0x1AC600, s0;
	s26 =	smul.u32 $0x12C0, s3;
	v6 =	vunpack.c.0.s8.s32 v6;
	v1 =	vunpack.c.l.s4.s8 v58;
	[dreg:$0x3] =	wrdreg s25;
	[tilespmem:$0x1FF90] =	vst v46;
	v2 =	vunpack.c.0.s8.s32 v2  }
0x15: {  	s3 =	smul.u32 $0x1900, s3;
	v58 =	vor.u32 $0x40, v59;
	[dreg:$0x6] =	wrdreg s0;
	v61 =	vcombine.low v5, v4;
	[tilespmem:$0x1FFA0] =	vst v36;
	v0 =	vunpack.c.0.s8.s32 v0  }
0x16: {  	v7 =	vunpack.c.0.s8.s32 v7;
	[dreg:$0x4] =	wrdreg s5;
	[tilespmem:$0x1FFB0] =	vst v58;
	v1 =	vunpack.c.0.s8.s32 v1;
	v2 =	vcombine.low v3, v2  }
0x17: {  	s2 =	ssub.s32 $0x2, s2;
	s29 =	sadd.s32 s5, s26;
	[dreg:$0x5] =	wrdreg s3;
	[tilespmem:$0x1FFC0] =	vst v16;
	v52 =	vand.u32 $0xF, v61;
	v0 =	vand.u32 $0xF, v0  }
0x18: {  	s6 =	sshrl.u32 s2, $0x1;
	s30 =	sor.u32 $0x50, s3;
	v62 =	vcombine.low v7, v6;
	[dreg:$0x7] =	wrdreg s29;
	[tilespmem:$0x1FFE0] =	vst v52;
	v51 =	vcombine.low v0, v1;
	v63 =	vand.u32 $0xF, v2  }
0x19: {  	s28 =	ssub.s32 s2, s6;
	s31 =	sor.u32 $0xA0, s3;
	[dreg:$0x8] =	wrdreg s30;
	[tilespmem:$0x1FF80] =	vst v63  }
0x1a: {  	s12 =	simm.s32 $0x19700;
	s0 =	smax.u32 s28, $0x1;
	[dreg:$0x9] =	wrdreg s31;
	v63 =	vand.u32 $0xF, v62;
	[tilespmem:$0x1FFD0] =	vst v51  }
0x1b: {  	s15 =	simm.s32 $0x200;
	s3 =	simm.s32 $0x0;
	[dreg:$0xa] =	wrdreg s0;
	[tilespmem:$0x1FFF0] =	vst v63  }
.LBB2_1:
0x1c: {  	[dreg:$0xb] =	wrdreg s3  }
0x1d: {  	s0 =	rddreg [dreg:$0x2];
	s2 =	simm.s32 $0x3  }
0x1e: {  	[tilespmem:s12], [sflag:$0x3] =	stream.linear.gather [hbm4b:s0+s1], $0x400, $0x38;
	[tilespmem:$0x19E00] =	vst v63  }
0x1f: {  	_ =	swait.ge [sflag:s2], $0x400  }
0x20: {  	[sflag:s2] =	ssyncset.done $0x0  }
0x21: {  	s30 =	simm.s32 $0x19B00;
	s29 =	rddreg [dreg:$0x3];
	[sflag:s2] =	ssyncadd.s32 $0xFFFFFC00  }
0x22: {  	[tilespmem:s30], [sflag:$0x3] =	stream.linear.gather [hbm4b:s29+s1], $0x300, $0x38;
	[tilespmem:$0x19E00] =	vst v63  }
0x23: {  	_ =	swait.ge [sflag:s2], $0x300  }
0x24: {  	[sflag:s2] =	ssyncset.done $0x0  }
0x25: {  	[sflag:s2] =	ssyncadd.s32 $0xFFFFFD00  }
0x26: {  	v0 =	vld [tilespmem:$0x19C20]  }
0x27: {  	v45 =	vld [tilespmem:$0x19C30]  }
0x28: {  	v54 =	vld [tilespmem:$0x19C40]  }
0x29: {  	v47 =	vld [tilespmem:$0x19C50]  }
0x2a: {  	v48 =	vld [tilespmem:$0x19C60]  }
0x2b: {  	v55 =	vld [tilespmem:$0x19C70]  }
0x2c: {  	v56 =	vld [tilespmem:$0x19C80]  }
0x2d: {  	v49 =	vld [tilespmem:$0x19C90]  }
0x2e: {  	v50 =	vld [tilespmem:$0x19CA0]  }
0x2f: {  	v53 =	vld [tilespmem:$0x19CB0]  }
0x30: {  	v57 =	vld [tilespmem:$0x19CC0]  }
0x31: {  	v35 =	vld [tilespmem:$0x19B00]  }
0x32: {  	v9 =	vimm.s32 $0x240;
	v37 =	vld [tilespmem:$0x19B10]  }
0x33: {  	v38 =	vld [tilespmem:$0x19B20]  }
0x34: {  	v39 =	vld [tilespmem:$0x19B30]  }
0x35: {  	v40 =	vld [tilespmem:$0x19B40]  }
0x36: {  	v41 =	vld [tilespmem:$0x19B50]  }
0x37: {  	v11 =	vimm.s32 $0x242;
	[tilespmem:$0x1FBE0] =	vst v0;
	v0 =	vld.idx.msk [tilespmem:v9+s30+$0x0], $0xffff  }
0x38: {  	v42 =	vld [tilespmem:$0x19B60]  }
0x39: {  	v43 =	vld [tilespmem:$0x19B70]  }
0x3a: {  	v44 =	vld [tilespmem:$0x19B80]  }
0x3b: {  	v61 =	vld [tilespmem:$0x19BE0]  }
0x3c: {  	v12 =	vimm.s32 $0x243;
	[tilespmem:$0x1FCD0] =	vst v0;
	v0 =	vld.idx.msk [tilespmem:v11+s30+$0x0], $0xffff  }
0x3d: {  	v60 =	vld [tilespmem:$0x19BF0]  }
0x3e: {  	v62 =	vld [tilespmem:$0x19C00]  }
0x3f: {  	v4 =	vld [tilespmem:$0x19C10];
	[tilespmem:$0x1FBF0] =	vst v45  }
0x40: {  	v33 =	vld [tilespmem:$0x19CE0];
	[tilespmem:$0x1FC00] =	vst v47  }
0x41: {  	v13 =	vimm.s32 $0x244;
	[tilespmem:$0x1FCE0] =	vst v0;
	v0 =	vld.idx.msk [tilespmem:v12+s30+$0x0], $0xffff  }
0x42: {  	v10 =	vimm.s32 $0x241;
	v5 =	vld [tilespmem:$0x19CF0];
	[tilespmem:$0x1FC10] =	vst v48  }
0x43: {  	v6 =	vld [tilespmem:$0x19D00];
	[tilespmem:$0x1FC20] =	vst v49  }
0x44: {  	v7 =	vld [tilespmem:$0x19D20];
	[tilespmem:$0x1FC30] =	vst v50  }
0x45: {  	v8 =	vld [tilespmem:$0x19D30];
	[tilespmem:$0x1FC40] =	vst v53  }
0x46: {  	v14 =	vimm.s32 $0x245;
	[tilespmem:$0x1FCF0] =	vst v0;
	v0 =	vld.idx.msk [tilespmem:v13+s30+$0x0], $0xffff  }
0x47: {  	v32 =	vld.idx.msk [tilespmem:v10+s30+$0x0], $0xffff;
	[tilespmem:$0x1FC50] =	vst v57  }
0x48: {  	v57 =	vld [tilespmem:$0x19CD0];
	[tilespmem:$0x1FC60] =	vst v60  }
0x49: {  	v45 =	vld [tilespmem:$0x19B90];
	[tilespmem:$0x1FC70] =	vst v62  }
0x4a: {  	v47 =	vld [tilespmem:$0x19BA0];
	[tilespmem:$0x1FC80] =	vst v4  }
0x4b: {  	[tilespmem:$0x1FD00] =	vst v0;
	v0 =	vld.idx.msk [tilespmem:v14+s30+$0x0], $0xffff  }
0x4c: {  	v48 =	vld [tilespmem:$0x19BB0];
	[tilespmem:$0x1FC90] =	vst v5  }
0x4d: {  	v49 =	vld [tilespmem:$0x19BC0];
	[tilespmem:$0x1FCA0] =	vst v6  }
0x4e: {  	s31 =	rddreg [dreg:$0x7];
	v50 =	vld [tilespmem:$0x19BD0];
	[tilespmem:$0x1FCB0] =	vst v7  }
0x4f: {  	[tilespmem:$0x1FCC0] =	vst v8;
	v62 =	vld [tilespmem:$0x19D10];
	[tilespmem:s1], [sflag:$0x3] =	stream.linear.gather [hbm4b:s31+s1], $0x1E0, $0x38  }
0x50: {  	[tilespmem:$0x1FD10] =	vst v0  }
0x51: {  	_ =	swait.ge [sflag:s2], $0x1E0  }
0x52: {  	v20 =	vld [tilespmem:$0x1FF50];
	_ =	sdelay $0x5  }
0x53: {  	[sflag:s2] =	ssyncset.done $0x0;
	v21 =	vld [tilespmem:$0x1FE80]  }
0x54: {  	[sflag:s2] =	ssyncadd.s32 $0xFFFFFE20  }
0x55: {  	v0 =	vld.idx.msk [tilespmem:v20+s1+$0x0], $0xffff;
	_ =	sdelay $0x3  }
0x56: {  	v22 =	vld [tilespmem:$0x1FE90]  }
0x57: {  	[tilespmem:$0x400] =	vst v0  }
0x58: {  	v0 =	vld.idx.msk [tilespmem:v21+s1+$0x0], $0xffff;
	_ =	sdelay $0x3  }
0x59: {  	v23 =	vld [tilespmem:$0x1FEA0]  }
0x5a: {  	[tilespmem:$0x500] =	vst v0  }
0x5b: {  	v0 =	vld.idx.msk [tilespmem:v22+s1+$0x0], $0xffff;
	_ =	sdelay $0x3  }
0x5c: {  	v24 =	vld [tilespmem:$0x1FEB0]  }
0x5d: {  	[tilespmem:$0x600] =	vst v0  }
0x5e: {  	v0 =	vld.idx.msk [tilespmem:v23+s1+$0x0], $0xffff;
	_ =	sdelay $0x3  }
0x5f: {  	v25 =	vld [tilespmem:$0x1FEC0]  }
0x60: {  	[tilespmem:$0x410] =	vst v0  }
0x61: {  	v0 =	vld.idx.msk [tilespmem:v24+s1+$0x0], $0xffff;
	_ =	sdelay $0x3  }
0x62: {  	v26 =	vld [tilespmem:$0x1FED0]  }
0x63: {  	[tilespmem:$0x510] =	vst v0  }
0x64: {  	v0 =	vld.idx.msk [tilespmem:v25+s1+$0x0], $0xffff;
	_ =	sdelay $0x3  }
0x65: {  	v27 =	vld [tilespmem:$0x1FEE0]  }
0x66: {  	[tilespmem:$0x610] =	vst v0  }
0x67: {  	v0 =	vld.idx.msk [tilespmem:v26+s1+$0x0], $0xffff;
	_ =	sdelay $0x3  }
0x68: {  	v28 =	vld [tilespmem:$0x1FEF0]  }
0x69: {  	[tilespmem:$0x420] =	vst v0  }
0x6a: {  	v0 =	vld.idx.msk [tilespmem:v27+s1+$0x0], $0xffff;
	_ =	sdelay $0x3  }
0x6b: {  	v29 =	vld [tilespmem:$0x1FF00]  }
0x6c: {  	[tilespmem:$0x520] =	vst v0  }
0x6d: {  	v0 =	vld.idx.msk [tilespmem:v28+s1+$0x0], $0xffff;
	_ =	sdelay $0x3  }
0x6e: {  	v30 =	vld [tilespmem:$0x1FF10]  }
0x6f: {  	[tilespmem:$0x620] =	vst v0  }
0x70: {  	v0 =	vld.idx.msk [tilespmem:v29+s1+$0x0], $0xffff;
	_ =	sdelay $0x3  }
0x71: {  	v31 =	vld [tilespmem:$0x1FF20]  }
0x72: {  	[tilespmem:$0x430] =	vst v0  }
0x73: {  	v0 =	vld.idx.msk [tilespmem:v30+s1+$0x0], $0xffff;
	_ =	sdelay $0x2  }
0x74: {  	[tilespmem:$0x1FD20] =	vst v35  }
0x75: {  	v34 =	vld [tilespmem:$0x1FF30];
	[tilespmem:$0x1FD30] =	vst v37  }
0x76: {  	[tilespmem:$0x530] =	vst v0  }
0x77: {  	[tilespmem:$0x1FD40] =	vst v38;
	v0 =	vld.idx.msk [tilespmem:v31+s1+$0x0], $0xffff  }
0x78: {  	[tilespmem:$0x1FD50] =	vst v39  }
0x79: {  	[tilespmem:$0x1FD60] =	vst v40  }
0x7a: {  	[tilespmem:$0x1FD70] =	vst v41  }
0x7b: {  	v53 =	vld [tilespmem:$0x1FF40];
	[tilespmem:$0x1FD80] =	vst v42  }
0x7c: {  	[tilespmem:$0x630] =	vst v0  }
0x7d: {  	[tilespmem:$0x1FD90] =	vst v43;
	v0 =	vld.idx.msk [tilespmem:v34+s1+$0x0], $0xffff  }
0x7e: {  	[tilespmem:$0x1FDA0] =	vst v44  }
0x7f: {  	[tilespmem:$0x1FDB0] =	vst v45  }
0x80: {  	[tilespmem:$0x1FDC0] =	vst v47  }
0x81: {  	v60 =	vld [tilespmem:$0x1FF60];
	[tilespmem:$0x1FDD0] =	vst v48  }
0x82: {  	[tilespmem:$0x440] =	vst v0  }
0x83: {  	[tilespmem:$0x1FDE0] =	vst v49;
	v0 =	vld.idx.msk [tilespmem:v53+s1+$0x0], $0xffff  }
0x84: {  	[tilespmem:$0x1FDF0] =	vst v50  }
0x85: {  	[tilespmem:$0x1FE00] =	vst v61  }
0x86: {  	[tilespmem:$0x1FE10] =	vst v33  }
0x87: {  	[tilespmem:$0x1FE20] =	vst v62  }
0x88: {  	[tilespmem:$0x540] =	vst v0  }
0x89: {  	[tilespmem:$0x1FE30] =	vst v32;
	v0 =	vld.idx.msk [tilespmem:v60+s1+$0x0], $0xffff  }
0x8a: {  	[tilespmem:$0x1FE40] =	vst v55  }
0x8b: {  	[tilespmem:$0x1FE50] =	vst v57  }
0x8c: {  	[tilespmem:$0x1FE60] =	vst v54  }
0x8d: {  	[tilespmem:$0x1FE70] =	vst v56  }
0x8e: {  	s21 =	simm.s32 $0x0;
	[tilespmem:$0x640] =	vst v0  }
.LBB2_2:
0x8f: {  	s23 =	smul.u32 $0xA0, s21  }
0x90: {  	s0 =	rddreg [dreg:$0x8]  }
0x91: {  	s22 =	sadd.s32 s23, s0  }
0x92: {  	s0 =	smul.u32 $0x6, s22;
	_ =	sdelay $0x1  }
0x93: {  	s2 =	rddreg [dreg:$0x4];
	s0 =	sshrl.u32 s0, $0x3  }
0x94: {  	s3 =	simm.s32 $0x3;
	s0 =	sadd.s32 s2, s0  }
0x95: {  	[tilespmem:s15], [sflag:$0x3] =	stream.linear.gather [hbm4b:s0+s1], $0x1E0, $0x38;
	[tilespmem:$0x19E00] =	vst v63  }
0x96: {  	_ =	swait.ge [sflag:s3], $0x1E0  }
0x97: {  	v0 =	vld [tilespmem:$0x1FF50];
	_ =	sdelay $0x5  }
0x98: {  	[sflag:s3] =	ssyncset.done $0x0  }
0x99: {  	[sflag:s3] =	ssyncadd.s32 $0xFFFFFE20  }
0x9a: {  	v0 =	vld.idx.msk [tilespmem:v0+s15+$0x0], $0xffff;
	_ =	sdelay $0x4  }
0x9b: {  	[tilespmem:$0x480] =	vst v0;
	v0 =	vld [tilespmem:$0x1FE80];
	_ =	sdelay $0x7  }
0x9c: {  	v0 =	vld.idx.msk [tilespmem:v0+s15+$0x0], $0xffff;
	_ =	sdelay $0x4  }
0x9d: {  	[tilespmem:$0x580] =	vst v0;
	v0 =	vld [tilespmem:$0x1FE90];
	_ =	sdelay $0x7  }
0x9e: {  	v0 =	vld.idx.msk [tilespmem:v0+s15+$0x0], $0xffff;
	_ =	sdelay $0x4  }
0x9f: {  	[tilespmem:$0x680] =	vst v0;
	v0 =	vld [tilespmem:$0x1FEA0];
	_ =	sdelay $0x7  }
0xa0: {  	v0 =	vld.idx.msk [tilespmem:v0+s15+$0x0], $0xffff;
	_ =	sdelay $0x4  }
0xa1: {  	[tilespmem:$0x490] =	vst v0;
	v0 =	vld [tilespmem:$0x1FEB0];
	_ =	sdelay $0x7  }
0xa2: {  	v0 =	vld.idx.msk [tilespmem:v0+s15+$0x0], $0xffff;
	_ =	sdelay $0x4  }
0xa3: {  	[tilespmem:$0x590] =	vst v0;
	v0 =	vld [tilespmem:$0x1FEC0];
	_ =	sdelay $0x7  }
0xa4: {  	v0 =	vld.idx.msk [tilespmem:v0+s15+$0x0], $0xffff;
	_ =	sdelay $0x4  }
0xa5: {  	[tilespmem:$0x690] =	vst v0;
	v0 =	vld [tilespmem:$0x1FED0];
	_ =	sdelay $0x7  }
0xa6: {  	v0 =	vld.idx.msk [tilespmem:v0+s15+$0x0], $0xffff;
	_ =	sdelay $0x4  }
0xa7: {  	[tilespmem:$0x4A0] =	vst v0;
	v0 =	vld [tilespmem:$0x1FEE0];
	_ =	sdelay $0x7  }
0xa8: {  	v0 =	vld.idx.msk [tilespmem:v0+s15+$0x0], $0xffff;
	_ =	sdelay $0x4  }
0xa9: {  	[tilespmem:$0x5A0] =	vst v0;
	v0 =	vld [tilespmem:$0x1FEF0];
	_ =	sdelay $0x7  }
0xaa: {  	v0 =	vld.idx.msk [tilespmem:v0+s15+$0x0], $0xffff;
	_ =	sdelay $0x4  }
0xab: {  	[tilespmem:$0x6A0] =	vst v0;
	v0 =	vld [tilespmem:$0x1FF00];
	_ =	sdelay $0x7  }
0xac: {  	v0 =	vld.idx.msk [tilespmem:v0+s15+$0x0], $0xffff;
	_ =	sdelay $0x4  }
0xad: {  	[tilespmem:$0x4B0] =	vst v0;
	v0 =	vld [tilespmem:$0x1FF10];
	_ =	sdelay $0x7  }
0xae: {  	v0 =	vld.idx.msk [tilespmem:v0+s15+$0x0], $0xffff;
	_ =	sdelay $0x4  }
0xaf: {  	[tilespmem:$0x5B0] =	vst v0;
	v0 =	vld [tilespmem:$0x1FF20];
	_ =	sdelay $0x7  }
0xb0: {  	v0 =	vld.idx.msk [tilespmem:v0+s15+$0x0], $0xffff;
	_ =	sdelay $0x4  }
0xb1: {  	[tilespmem:$0x6B0] =	vst v0;
	v0 =	vld [tilespmem:$0x1FF30];
	_ =	sdelay $0x7  }
0xb2: {  	v0 =	vld.idx.msk [tilespmem:v0+s15+$0x0], $0xffff;
	_ =	sdelay $0x4  }
0xb3: {  	[tilespmem:$0x4C0] =	vst v0;
	v0 =	vld [tilespmem:$0x1FF40];
	_ =	sdelay $0x7  }
0xb4: {  	v0 =	vld.idx.msk [tilespmem:v0+s15+$0x0], $0xffff;
	_ =	sdelay $0x4  }
0xb5: {  	[tilespmem:$0x5C0] =	vst v0;
	v0 =	vld [tilespmem:$0x1FF60];
	_ =	sdelay $0x7  }
0xb6: {  	v0 =	vld.idx.msk [tilespmem:v0+s15+$0x0], $0xffff;
	_ =	sdelay $0x3  }
0xb7: {  	p0 =	seq.s32 s21, $0x0  }
0xb8: {  	s0 =	simm.s32 @!p0 $0x1;
	[tilespmem:$0x6C0] =	vst v0  }
0xb9: {  	_ =	swait.ge @!p0 [sflag:s0], $0x5000  }
0xba: {  	[sflag:s0] =	ssyncset.done @!p0 $0x0  }
0xbb: {  	s4 =	simm.s32 $0x9;
	s3 =	simm.s32 $0x800;
	v60 =	vld [tilespmem:$0x1FF70];
	[sflag:s0] =	ssyncadd.s32 @!p0 $0xFFFFB000  }
0xbc: {  	s5 =	simm.s32 $0x5800;
	v0 =	vmov s4;
	v1 =	vld [tilespmem:s3+$0xFFFFFFC0]  }
0xbd: {  	s7 =	simm.s32 $0xA800;
	v0 =	vand.u32 $0xFFFFFFF9, v0;
	v2 =	vld [tilespmem:s5+$0xFFFFFFC0]  }
0xbe: {  	v0 =	vbroadcast v0, $0x0;
	v3 =	vld [tilespmem:s7+$0xFFFFFFC0]  }
0xbf: {  	v4 =	vld [tilespmem:s3+$0xFFFFFFD0]  }
0xc0: {  	v5 =	vld [tilespmem:s5+$0xFFFFFFD0]  }
0xc1: {  	v6 =	vld [tilespmem:s7+$0xFFFFFFD0]  }
0xc2: {  	v7 =	vld [tilespmem:s3+$0xFFFFFF80]  }
0xc3: {  	s24 =	simm.s32 $0x0;
	v8 =	vld [tilespmem:s5+$0xFFFFFF80]  }
0xc4: {  	v0 =	vld.idx.msk [tilespmem:v0+s24+$0x0], $0xffff  }
0xc5: {  	v9 =	vld [tilespmem:s7+$0xFFFFFF80]  }
0xc6: {  	v10 =	vld [tilespmem:s3+$0xFFFFFF90]  }
0xc7: {  	v11 =	vld [tilespmem:s5+$0xFFFFFF90]  }
0xc8: {  	v12 =	vld [tilespmem:s7+$0xFFFFFF90]  }
0xc9: {  	v13 =	vld [tilespmem:s3+$0xFFFFFFA0];
	v0 =	vshll.u32 v0, $0x7  }
0xca: {  	v15 =	vld [tilespmem:s5+$0xFFFFFFA0];
	v14 =	vor.u32 v58, v0  }
0xcb: {  	v61 =	vmov v16;
	v18 =	vld [tilespmem:s7+$0xFFFFFFA0];
	v16 =	vor.u32 v16, v0  }
0xcc: {  	v20 =	vld [tilespmem:s3+$0xFFFFFFB0];
	v17 =	vor.u32 v59, v0  }
0xcd: {  	v23 =	vld [tilespmem:s5+$0xFFFFFFB0];
	v19 =	vor.u32 v60, v0  }
0xce: {  	s4 =	simm.s32 $0x3;
	v1 =	vadd.f32 v2, v1;
	v2 =	vadd.f32 v8, v7;
	v7 =	vld [tilespmem:s7+$0xFFFFFFB0];
	v22 =	vor.u32 v46, v0  }
0xcf: {  	v21 =	vmov s4;
	v0 =	vor.u32 v36, v0;
	v14 =	vld.idx.msk [tilespmem:v14+s12+$0x0], $0xffff  }
0xd0: {  	s6 =	simm.s32 $0x15;
	v21 =	vand.u32 $0xFFFFFFFB, v21;
	v16 =	vld.idx.msk [tilespmem:v16+s12+$0x0], $0xffff  }
0xd1: {  	v24 =	vmov s6;
	v21 =	vbroadcast v21, $0x0;
	v17 =	vld.idx.msk [tilespmem:v17+s12+$0x0], $0xffff  }
0xd2: {  	v24 =	vand.u32 $0xFFFFFFFD, v24;
	v19 =	vld.idx.msk [tilespmem:v19+s12+$0x0], $0xffff  }
0xd3: {  	v24 =	vbroadcast v24, $0x0;
	v22 =	vld.idx.msk [tilespmem:v22+s12+$0x0], $0xffff  }
0xd4: {  	s8 =	simm.s32 $0xF;
	v5 =	vadd.f32 v5, v4;
	v0 =	vld.idx.msk [tilespmem:v0+s12+$0x0], $0xffff  }
0xd5: {  	v25 =	vmov s8;
	v4 =	vadd.f32 v11, v10;
	v10 =	vadd.f32 v15, v13  }
0xd6: {  	v62 =	vld [tilespmem:$0x1FF80];
	v15 =	vadd.f32 v23, v20;
	v3 =	vadd.f32 v14, v3  }
0xd7: {  	v8 =	vld.idx.msk [tilespmem:v21+s24+$0x0], $0xffff;
	v9 =	vadd.f32 v17, v9;
	v6 =	vadd.f32 v16, v6  }
0xd8: {  	v20 =	vld [tilespmem:s3+$0xFFFFFF00];
	v11 =	vadd.f32 v19, v12;
	v17 =	vadd.f32 v22, v18  }
0xd9: {  	v14 =	vld.idx.msk [tilespmem:v24+s24+$0x0], $0xffff;
	v0 =	vadd.f32 v0, v7;
	v1 =	vadd.f32 v3, v1  }
0xda: {  	v16 =	vld.idx.msk [tilespmem:v25+s24+$0x0], $0xffff;
	v13 =	vadd.f32 v9, v2;
	v12 =	vadd.f32 v11, v4  }
0xdb: {  	v18 =	vld [tilespmem:s5+$0xFFFFFF00];
	v11 =	vadd.f32 v17, v10;
	v4 =	vadd.f32 v0, v15;
	[tilespmem:$0x1F970] =	vst v1  }
0xdc: {  	v0 =	vadd.f32 v6, v5;
	v5 =	vadd.f32 v12, v13;
	v3 =	vld [tilespmem:s7+$0xFFFFFF00]  }
0xdd: {  	v9 =	vadd.f32 v4, v11;
	v10 =	vmul.f32 v13, v13;
	v15 =	vmul.f32 v12, v12;
	v2 =	vld [tilespmem:s3+$0xFFFFFF10]  }
0xde: {  	v17 =	vadd.f32 v0, v1;
	v21 =	vmul.f32 v11, v11;
	v22 =	vmul.f32 v4, v4;
	v7 =	vld [tilespmem:s5+$0xFFFFFF10]  }
0xdf: {  	v24 =	vmul.f32 v0, v0;
	v6 =	vld [tilespmem:s7+$0xFFFFFF10];
	v5 =	vadd.f32 v9, v5;
	v9 =	vmul.f32 v1, v1  }
0xe0: {  	v19 =	vld [tilespmem:s3+$0xFFFFFF20];
	v10 =	vadd.f32 v15, v10;
	v15 =	vadd.f32 v22, v21  }
0xe1: {  	v23 =	vld [tilespmem:s5+$0xFFFFFF20];
	v9 =	vadd.f32 v24, v9  }
0xe2: {  	v25 =	vld [tilespmem:s7+$0xFFFFFF20];
	v5 =	vadd.f32 v17, v5;
	v10 =	vadd.f32 v15, v10  }
0xe3: {  	v26 =	vld [tilespmem:s5+$0xFFFFFF30]  }
0xe4: {  	v27 =	vld [tilespmem:s7+$0xFFFFFF30];
	v9 =	vadd.f32 v9, v10;
	v10 =	vperm.xlane v5, v51  }
0xe5: {  	v8 =	vshll.u32 v8, $0x7;
	v28 =	vld [tilespmem:s3+$0x0]  }
0xe6: {  	v30 =	vld [tilespmem:s5+$0x0];
	v17 =	vor.u32 v36, v8;
	v5 =	vadd.f32 v5, v10;
	v10 =	vperm.xlane v9, v51  }
0xe7: {  	v41 =	vld [tilespmem:s7+$0x0]  }
0xe8: {  	v14 =	vshll.u32 v14, $0x7;
	v42 =	vld [tilespmem:s3+$0x10];
	v34 =	vperm.xlane v5, v62;
	v9 =	vadd.f32 v10, v9  }
0xe9: {  	v32 =	vshll.u32 v16, $0x7;
	v43 =	vld [tilespmem:s7+$0x10];
	v16 =	vor.u32 v46, v14  }
0xea: {  	v44 =	vld [tilespmem:s3+$0x20];
	v5 =	vadd.f32 v5, v34;
	v48 =	vperm.xlane v9, v62  }
0xeb: {  	v35 =	vld.idx.msk [tilespmem:v17+s12+$0x0], $0xffff;
	v17 =	vor.u32 v60, v32  }
0xec: {  	v45 =	vld [tilespmem:s5+$0x20];
	v38 =	vperm.xlane v5, v52;
	v9 =	vadd.f32 v48, v9  }
0xed: {  	v18 =	vadd.f32 v18, v20;
	v20 =	vld [tilespmem:s7+$0x20];
	v21 =	vor.u32 v59, v8  }
0xee: {  	v29 =	vor.u32 v59, v14;
	v39 =	vld.idx.msk [tilespmem:v16+s12+$0x0], $0xffff;
	v5 =	vadd.f32 v5, v38;
	v16 =	vperm.xlane v9, v52  }
0xef: {  	v22 =	vld [tilespmem:s3+$0xFFFFFF30];
	v31 =	vor.u32 v60, v14  }
0xf0: {  	v24 =	vor.u32 v60, v8;
	v38 =	vld.idx.msk [tilespmem:v17+s12+$0x0], $0xffff;
	v17 =	vperm.xlane v5, v63;
	v9 =	vadd.f32 v16, v9  }
0xf1: {  	v15 =	vor.u32 v46, v8;
	v2 =	vadd.f32 v7, v2;
	v7 =	vadd.f32 v23, v19;
	v19 =	vld [tilespmem:s3+$0x30]  }
0xf2: {  	v33 =	vor.u32 v36, v14;
	v21 =	vld.idx.msk [tilespmem:v21+s12+$0x0], $0xffff;
	v5 =	vadd.f32 v5, v17;
	v16 =	vperm.xlane v9, v63  }
0xf3: {  	v1 =	vmov v36;
	v49 =	vor.u32 v46, v32;
	v29 =	vld.idx.msk [tilespmem:v29+s12+$0x0], $0xffff  }
0xf4: {  	v37 =	vld.idx.msk [tilespmem:v31+s12+$0x0], $0xffff;
	v31 =	vor.u32 v1, v32;
	v17 =	vmul.f32 $1.041666700e-02, v5;
	v5 =	vadd.f32 v16, v9  }
0xf5: {  	v24 =	vld.idx.msk [tilespmem:v24+s12+$0x0], $0xffff;
	v10 =	vor.u32 v59, v32  }
0xf6: {  	v15 =	vld.idx.msk [tilespmem:v15+s12+$0x0], $0xffff;
	v5 =	vmul.f32 $1.041666700e-02, v5;
	v16 =	vmul.f32 v17, v17  }
0xf7: {  	v33 =	vld.idx.msk [tilespmem:v33+s12+$0x0], $0xffff  }
0xf8: {  	v36 =	vld.idx.msk [tilespmem:v49+s12+$0x0], $0xffff;
	v5 =	vsub.f32 v5, v16  }
0xf9: {  	v22 =	vadd.f32 v26, v22;
	v40 =	vld.idx.msk [tilespmem:v31+s12+$0x0], $0xffff  }
0xfa: {  	v3 =	vadd.f32 v21, v3;
	v10 =	vld.idx.msk [tilespmem:v10+s12+$0x0], $0xffff;
	v5 =	vadd.f32 $9.999999740e-06, v5  }
0xfb: {  	v21 =	vld [tilespmem:s5+$0x30];
	v6 =	vadd.f32 v24, v6;
	v15 =	vadd.f32 v15, v25  }
0xfc: {  	v24 =	vld [tilespmem:s7+$0x30];
	v26 =	vadd.f32 v35, v27;
	v27 =	vadd.f32 v30, v28;
	v16 =	vshra.s32 v5, $0x1  }
0xfd: {  	v25 =	vld [tilespmem:s3+$0x80];
	v31 =	vadd.f32 v3, v18;
	v28 =	vsub.s32 $0x5F3759DF, v16;
	v16 =	vadd.f32 v6, v2  }
0xfe: {  	v50 =	vadd.f32 v15, v7;
	v22 =	vadd.f32 v26, v22;
	v9 =	vld [tilespmem:s5+$0x10]  }
0xff: {  	v30 =	vld [tilespmem:s5+$0x80];
	v18 =	vmul.f32 v31, v31;
	v10 =	vadd.f32 v10, v41;
	v5 =	vmul.f32 $5.000000000e-01, v5;
	[tilespmem:$0x1FA20] =	vst v16  }
0x100: {  	v19 =	vadd.f32 v21, v19;
	v53 =	vadd.f32 v22, v50;
	v47 =	vmul.f32 v50, v50;
	v3 =	vld [tilespmem:s7+$0x80]  }
0x101: {  	v34 =	vadd.f32 v10, v27;
	v2 =	vmul.f32 v28, v5;
	v35 =	vmul.f32 v16, v16;
	v7 =	vld [tilespmem:s3+$0x90]  }
0x102: {  	v49 =	vmul.f32 v22, v22;
	v27 =	vadd.f32 v38, v43;
	v15 =	vadd.f32 v16, v31;
	v26 =	vld [tilespmem:s5+$0x90];
	[tilespmem:$0x1FA30] =	vst v50  }
0x103: {  	v9 =	vadd.f32 v9, v42;
	v2 =	vmul.f32 v28, v2;
	v48 =	vld [tilespmem:s7+$0x90];
	v18 =	vadd.f32 v35, v18  }
0x104: {  	v41 =	vld [tilespmem:s3+$0xA0];
	v15 =	vadd.f32 v53, v15;
	v53 =	vadd.f32 v49, v47  }
0x105: {  	v23 =	vor.u32 v58, v8;
	v24 =	vadd.f32 v40, v24;
	v35 =	vld [tilespmem:s5+$0xA0];
	v2 =	vsub.f32 $1.500000000e+00, v2  }
0x106: {  	v8 =	vor.u32 v61, v8;
	v10 =	vld [tilespmem:s7+$0xA0];
	v18 =	vadd.f32 v53, v18;
	v53 =	vadd.f32 v27, v9  }
0x107: {  	v20 =	vadd.f32 v36, v20;
	v40 =	vadd.f32 v24, v19;
	v6 =	vor.u32 v58, v14;
	v42 =	vld [tilespmem:s5+$0xB0]  }
0x108: {  	v19 =	vadd.f32 v30, v25;
	v38 =	vadd.f32 v45, v44;
	v2 =	vmul.f32 v28, v2;
	v28 =	vld [tilespmem:s3+$0xB0];
	[tilespmem:$0x1FB40] =	vst v53  }
0x109: {  	v14 =	vor.u32 v61, v14;
	v50 =	vor.u32 v58, v32;
	v32 =	vor.u32 v61, v32;
	v9 =	vld [tilespmem:s7+$0xB0];
	[tilespmem:$0x1FB20] =	vst v34  }
0x10a: {  	v47 =	vadd.f32 v20, v38;
	v27 =	vmul.f32 v34, v34;
	v49 =	vmul.f32 v2, v5;
	v20 =	vld.idx.msk [tilespmem:v23+s12+$0x0], $0xffff  }
0x10b: {  	v21 =	vmul.f32 v53, v53;
	v3 =	vadd.f32 v29, v3;
	v7 =	vadd.f32 v26, v7;
	v8 =	vld.idx.msk [tilespmem:v8+s12+$0x0], $0xffff  }
0x10c: {  	v23 =	vmul.f32 v49, v2;
	v49 =	vadd.f32 v53, v34;
	v53 =	vld.idx.msk [tilespmem:v6+s12+$0x0], $0xffff;
	[tilespmem:$0x1FB50] =	vst v47  }
0x10d: {  	v25 =	vadd.f32 v37, v48;
	v10 =	vadd.f32 v39, v10;
	[tilespmem:$0x1FB60] =	vst v40  }
0x10e: {  	v21 =	vadd.f32 v21, v27;
	v27 =	vadd.f32 v3, v19;
	v14 =	vld.idx.msk [tilespmem:v14+s12+$0x0], $0xffff  }
0x10f: {  	v24 =	vmul.f32 v40, v40;
	v37 =	vadd.f32 v25, v7;
	v26 =	vld.idx.msk [tilespmem:v32+s12+$0x0], $0xffff;
	v23 =	vsub.f32 $1.500000000e+00, v23  }
0x110: {  	v3 =	vadd.f32 v40, v47;
	v6 =	vmul.f32 v47, v47;
	v19 =	vld [tilespmem:s3+$0xFFFFFF40];
	v28 =	vadd.f32 v42, v28  }
0x111: {  	v9 =	vadd.f32 v33, v9;
	v2 =	vmul.f32 v23, v2;
	v23 =	vld.idx.msk [tilespmem:v50+s12+$0x0], $0xffff;
	[tilespmem:$0x1FAC0] =	vst v37  }
0x112: {  	v24 =	vadd.f32 v24, v6;
	v6 =	vadd.f32 v35, v41;
	v7 =	vld [tilespmem:s5+$0xFFFFFF40]  }
0x113: {  	v30 =	vadd.f32 v3, v49;
	v25 =	vld [tilespmem:s7+$0xFFFFFF40];
	[tilespmem:$0x1FA90] =	vst v27;
	v3 =	vadd.f32 v9, v28;
	v5 =	vmul.f32 v2, v5  }
0x114: {  	v29 =	vld [tilespmem:s3+$0xFFFFFF50]  }
0x115: {  	v16 =	vmov v46;
	v35 =	vadd.f32 v10, v6;
	v46 =	vld [tilespmem:s5+$0xFFFFFF50];
	[tilespmem:$0x1FAF0] =	vst v3;
	v5 =	vmul.f32 v5, v2  }
0x116: {  	v44 =	vmov v27;
	v9 =	vld [tilespmem:s7+$0xFFFFFF50]  }
0x117: {  	v45 =	vmul.f32 v37, v37;
	v10 =	vadd.f32 v37, v44;
	v28 =	vld [tilespmem:s3+$0x40];
	[tilespmem:$0x1FAE0] =	vst v35;
	v5 =	vsub.f32 $1.500000000e+00, v5  }
0x118: {  	v27 =	vmul.f32 v27, v27;
	v47 =	vmul.f32 v3, v3;
	v48 =	vld [tilespmem:s5+$0x40];
	v7 =	vadd.f32 v7, v19  }
0x119: {  	v19 =	vadd.f32 v20, v25;
	v25 =	vld [tilespmem:s7+$0x40];
	v6 =	vmul.f32 v5, v2;
	v2 =	vmul.f32 v35, v35  }
0x11a: {  	v21 =	vadd.f32 v24, v21;
	v27 =	vadd.f32 v45, v27;
	v24 =	vld [tilespmem:s3+$0x50]  }
0x11b: {  	v5 =	vadd.f32 v3, v35;
	v20 =	vmul.f32 v6, v55;
	v32 =	vadd.f32 v47, v2;
	v2 =	vld [tilespmem:$0x1FBF0]  }
0x11c: {  	v29 =	vadd.f32 v46, v29;
	v3 =	vadd.f32 v19, v7;
	v19 =	vld [tilespmem:s5+$0x50]  }
0x11d: {  	v8 =	vadd.f32 v8, v9;
	v9 =	vld [tilespmem:s7+$0x50];
	v10 =	vadd.f32 v5, v10;
	v7 =	vmul.f32 v20, v17  }
0x11e: {  	v49 =	vld [tilespmem:s3+$0xC0];
	v28 =	vadd.f32 v48, v28;
	v0 =	vmul.f32 v20, v0;
	v20 =	vadd.f32 v23, v25  }
0x11f: {  	v23 =	vld [tilespmem:s5+$0xC0];
	v25 =	vadd.f32 v32, v27;
	[tilespmem:$0x1FA50] =	vst v3;
	v7 =	vsub.f32 v57, v7  }
0x120: {  	v27 =	vmul.f32 v3, v3;
	v5 =	vmul.f32 v6, v2;
	v2 =	vmovc v3;
	v3 =	vadd.f32 v20, v28  }
0x121: {  	v36 =	vadd.f32 v8, v29;
	v0 =	vadd.f32 v7, v0  }
0x122: {  	v29 =	vld [tilespmem:s7+$0xC0];
	v19 =	vadd.f32 v19, v24;
	v9 =	vadd.f32 v26, v9;
	[tilespmem:$0x1FB80] =	vst v3  }
0x123: {  	v39 =	vld [tilespmem:$0x1FBE0];
	[tilespmem:$0x1FB70] =	vst v0  }
0x124: {  	v28 =	vadd.f32 v36, v2;
	v2 =	vadd.f32 v9, v19;
	v0 =	vmul.f32 v36, v36;
	v7 =	vld [tilespmem:s3+$0xD0]  }
0x125: {  	v19 =	vmul.f32 v3, v3;
	v24 =	vld [tilespmem:s5+$0xD0]  }
0x126: {  	v15 =	vadd.f32 v28, v15;
	v28 =	vmul.f32 v2, v2;
	v0 =	vadd.f32 v0, v27;
	v27 =	vld [tilespmem:s7+$0xD0]  }
0x127: {  	v9 =	vadd.f32 v23, v49  }
0x128: {  	v23 =	vadd.f32 v53, v29;
	v29 =	vperm.xlane v15, v51;
	v19 =	vadd.f32 v28, v19  }
0x129: {  	v34 =	vmul.f32 v6, v39;
	v0 =	vadd.f32 v0, v18;
	v18 =	vadd.f32 v2, v3  }
0x12a: {  	[tilespmem:$0x1FBC0] =	vst v2;
	v2 =	vadd.f32 v23, v9;
	v15 =	vadd.f32 v15, v29  }
0x12b: {  	v20 =	vmul.f32 v34, v17;
	v7 =	vadd.f32 v24, v7;
	v14 =	vadd.f32 v14, v27  }
0x12c: {  	s9 =	simm.s32 $0x21;
	v19 =	vadd.f32 v19, v21;
	v9 =	vperm.xlane v0, v51;
	v18 =	vadd.f32 v18, v30  }
0x12d: {  	v23 =	vmul.f32 v2, v2;
	[tilespmem:$0x1FB00] =	vst v2;
	v24 =	vmov s9;
	v27 =	vmovc v2;
	v2 =	vadd.f32 v14, v7  }
0x12e: {  	v24 =	vand.u32 $0xFFFFFFF9, v24;
	v0 =	vadd.f32 v9, v0;
	v9 =	vperm.xlane v18, v51  }
0x12f: {  	s30 =	simm.s32 $0xA00;
	v14 =	vperm.xlane v15, v62;
	v7 =	vsub.f32 v56, v20;
	v20 =	vbroadcast v24, $0x0;
	[tilespmem:$0x1FB10] =	vst v2  }
0x130: {  	s31 =	simm.s32 $0x5A00;
	v9 =	vadd.f32 v18, v9;
	v18 =	vadd.f32 v2, v27;
	v24 =	vmul.f32 v2, v2;
	v21 =	vld [tilespmem:s30+$0xFFFFFFC0]  }
0x131: {  	s0 =	simm.s32 $0xAA00;
	v14 =	vadd.f32 v15, v14;
	v27 =	vld [tilespmem:s31+$0xFFFFFFC0]  }
0x132: {  	v15 =	vperm.xlane v0, v62;
	v29 =	vld [tilespmem:s0+$0xFFFFFFC0];
	v10 =	vadd.f32 v18, v10;
	v18 =	vadd.f32 v24, v23  }
0x133: {  	v30 =	vperm.xlane v9, v62;
	v40 =	vld [tilespmem:s30+$0xFFFFFF80];
	v24 =	vperm.xlane v14, v52  }
0x134: {  	v41 =	vld [tilespmem:s30+$0xFFFFFF90];
	v0 =	vadd.f32 v15, v0;
	v18 =	vadd.f32 v18, v25;
	v25 =	vperm.xlane v10, v51  }
0x135: {  	v28 =	vperm.xlane v19, v51;
	v44 =	vld [tilespmem:s31+$0xFFFFFF90];
	v9 =	vadd.f32 v9, v30  }
0x136: {  	v33 =	vld [tilespmem:s30+$0xFFFFFFA0];
	v14 =	vadd.f32 v14, v24;
	v24 =	vperm.xlane v0, v52;
	v10 =	vadd.f32 v10, v25  }
0x137: {  	v8 =	vmul.f32 v6, v54;
	v43 =	vld [tilespmem:s31+$0xFFFFFFA0];
	v50 =	vperm.xlane v9, v52  }
0x138: {  	v48 =	vld [tilespmem:s0+$0xFFFFFFA0];
	v15 =	vadd.f32 v28, v19;
	v24 =	vadd.f32 v24, v0;
	v0 =	vperm.xlane v10, v62  }
0x139: {  	v32 =	vmul.f32 v8, v17;
	v20 =	vld.idx.msk [tilespmem:v20+s24+$0x0], $0xffff;
	v9 =	vadd.f32 v9, v50  }
0x13a: {  	v30 =	vperm.xlane v15, v62;
	v25 =	vperm.xlane v18, v51;
	v10 =	vadd.f32 v10, v0;
	v0 =	vld [tilespmem:$0x1FC20]  }
0x13b: {  	v23 =	vld [tilespmem:s30+$0xFFFFFFD0];
	v53 =	vperm.xlane v14, v63;
	v35 =	vperm.xlane v9, v63  }
0x13c: {  	v26 =	vmul.f32 v5, v17;
	v19 =	vld [tilespmem:s31+$0xFFFFFFD0];
	v15 =	vadd.f32 v30, v15;
	v18 =	vadd.f32 v25, v18  }
0x13d: {  	v28 =	vld [tilespmem:s0+$0xFFFFFFD0];
	v14 =	vadd.f32 v14, v53;
	v54 =	vperm.xlane v24, v63;
	v9 =	vadd.f32 v9, v35  }
0x13e: {  	v30 =	vld [tilespmem:s31+$0xFFFFFF80];
	v55 =	vperm.xlane v15, v52;
	v20 =	vshll.u32 v20, $0x7;
	v37 =	vperm.xlane v18, v62  }
0x13f: {  	v25 =	vld [tilespmem:s0+$0xFFFFFF80];
	v38 =	vor.u32 v58, v20;
	v26 =	vsub.f32 v0, v26;
	v0 =	vmul.f32 $1.041666700e-02, v9  }
0x140: {  	v2 =	vmul.f32 $1.041666700e-02, v14;
	v14 =	vadd.f32 v54, v24;
	v24 =	vld [tilespmem:s0+$0xFFFFFF90];
	v46 =	vor.u32 v61, v20  }
0x141: {  	v47 =	vor.u32 v59, v20;
	v18 =	vadd.f32 v37, v18;
	[tilespmem:$0x1FB30] =	vst v0;
	v49 =	vmul.f32 v0, v0;
	v0 =	vld [tilespmem:$0x1FC30]  }
0x142: {  	v15 =	vadd.f32 v55, v15;
	v55 =	vperm.xlane v10, v52;
	v9 =	vor.u32 v60, v20;
	v50 =	vld [tilespmem:s30+$0xFFFFFFB0]  }
0x143: {  	v57 =	vmovc v51;
	v3 =	vmov v52;
	v51 =	vor.u32 v16, v20;
	v37 =	vperm.xlane v18, v52;
	v52 =	vld [tilespmem:s31+$0xFFFFFFB0]  }
0x144: {  	s11 =	simm.s32 $0x27;
	v35 =	vperm.xlane v15, v63;
	v10 =	vadd.f32 v10, v55;
	v20 =	vor.u32 v1, v20;
	v42 =	vld.idx.msk [tilespmem:v38+s12+$0x0], $0xffff  }
0x145: {  	v21 =	vadd.f32 v27, v21;
	v27 =	vmov s11;
	v33 =	vadd.f32 v43, v33;
	v46 =	vld.idx.msk [tilespmem:v46+s12+$0x0], $0xffff  }
0x146: {  	v19 =	vadd.f32 v19, v23;
	v15 =	vadd.f32 v35, v15;
	v38 =	vperm.xlane v10, v63;
	v47 =	vld.idx.msk [tilespmem:v47+s12+$0x0], $0xffff  }
0x147: {  	v23 =	vadd.f32 v44, v41;
	v14 =	vmul.f32 $1.041666700e-02, v14;
	v18 =	vadd.f32 v37, v18;
	v37 =	vld.idx.msk [tilespmem:v9+s12+$0x0], $0xffff  }
0x148: {  	s10 =	simm.s32 $0x1B;
	v53 =	vmul.f32 v2, v2;
	v15 =	vmul.f32 $1.041666700e-02, v15;
	v10 =	vadd.f32 v10, v38;
	v38 =	vld.idx.msk [tilespmem:v51+s12+$0x0], $0xffff  }
0x149: {  	v30 =	vadd.f32 v30, v40;
	v35 =	vmov s10;
	v45 =	vperm.xlane v18, v63;
	v20 =	vld.idx.msk [tilespmem:v20+s12+$0x0], $0xffff  }
0x14a: {  	v14 =	vsub.f32 v14, v53;
	v53 =	vand.u32 $0xFFFFFFFB, v35;
	v9 =	vsub.f32 v15, v49;
	v51 =	vld [tilespmem:s0+$0xFFFFFFB0]  }
0x14b: {  	v15 =	vbroadcast v53, $0x0;
	v18 =	vadd.f32 v45, v18;
	v32 =	vsub.f32 v0, v32  }
0x14c: {  	v52 =	vadd.f32 v52, v50;
	v29 =	vadd.f32 v42, v29  }
0x14d: {  	v27 =	vld.idx.msk [tilespmem:v27+s24+$0x0], $0xffff;
	v25 =	vadd.f32 v47, v25;
	v28 =	vadd.f32 v46, v28  }
0x14e: {  	v49 =	vld [tilespmem:s0+$0xFFFFFF20];
	v24 =	vadd.f32 v37, v24;
	v53 =	vadd.f32 v38, v48  }
0x14f: {  	v13 =	vmul.f32 v34, v13;
	v50 =	vld [tilespmem:s30+$0xFFFFFF30];
	v20 =	vadd.f32 v20, v51;
	v44 =	vadd.f32 v29, v21  }
0x150: {  	v11 =	vmul.f32 v8, v11;
	v21 =	vld [tilespmem:s30+$0xFFFFFF00];
	v38 =	vadd.f32 v25, v30;
	v47 =	vadd.f32 v24, v23  }
0x151: {  	v12 =	vmul.f32 v5, v12;
	v15 =	vld.idx.msk [tilespmem:v15+s24+$0x0], $0xffff;
	v41 =	vadd.f32 v53, v33;
	v45 =	vadd.f32 v20, v52  }
0x152: {  	v5 =	vadd.f32 v28, v19;
	v19 =	vld [tilespmem:s30+$0xFFFFFF10];
	v37 =	vmul.f32 $1.041666700e-02, v10;
	v25 =	vmul.f32 v38, v38  }
0x153: {  	v29 =	vld [tilespmem:s31+$0xFFFFFF10];
	v8 =	vadd.f32 v47, v38;
	v24 =	vadd.f32 v45, v41;
	v28 =	vmul.f32 v47, v47  }
0x154: {  	v48 =	vld [tilespmem:s0+$0xFFFFFF10];
	v30 =	vadd.f32 v5, v44;
	v33 =	vmul.f32 v41, v41;
	v54 =	vmul.f32 v45, v45  }
0x155: {  	v10 =	vld [tilespmem:s30+$0xFFFFFF20];
	v55 =	vmul.f32 v5, v5;
	v8 =	vadd.f32 v24, v8;
	v24 =	vmul.f32 v44, v44  }
0x156: {  	v23 =	vld [tilespmem:s31+$0xFFFFFF00];
	v25 =	vadd.f32 v28, v25;
	v28 =	vadd.f32 v54, v33;
	v15 =	vshll.u32 v15, $0x7  }
0x157: {  	v18 =	vmul.f32 $1.041666700e-02, v18;
	v20 =	vld [tilespmem:s0+$0xFFFFFF00];
	v40 =	vor.u32 v59, v15;
	v24 =	vadd.f32 v55, v24  }
0x158: {  	v52 =	vld [tilespmem:s31+$0xFFFFFF30];
	v43 =	vor.u32 v60, v15;
	v8 =	vadd.f32 v30, v8;
	v25 =	vadd.f32 v28, v25  }
0x159: {  	s13 =	simm.s32 $0x2D;
	v0 =	vadd.f32 v7, v13;
	v33 =	vld [tilespmem:s31+$0xFFFFFF20];
	v42 =	vor.u32 v16, v15;
	v28 =	vmul.f32 v37, v37  }
0x15a: {  	v54 =	vld [tilespmem:s30+$0x0];
	v30 =	vmov s13;
	v24 =	vadd.f32 v24, v25;
	v25 =	vperm.xlane v8, v57  }
0x15b: {  	v18 =	vsub.f32 v18, v28;
	v28 =	vand.u32 $0xFFFFFFFD, v30;
	v30 =	vld [tilespmem:s0+$0xFFFFFF30];
	[tilespmem:$0x1FB90] =	vst v0;
	v0 =	vadd.f32 v26, v12  }
0x15c: {  	v46 =	vmovc v56;
	v56 =	vadd.f32 $9.999999740e-06, v14;
	v34 =	vor.u32 v1, v15;
	v25 =	vadd.f32 v8, v25;
	v7 =	vld.idx.msk [tilespmem:v40+s12+$0x0], $0xffff  }
0x15d: {  	v28 =	vbroadcast v28, $0x0;
	v35 =	vperm.xlane v24, v57;
	v14 =	vld.idx.msk [tilespmem:v43+s12+$0x0], $0xffff;
	[tilespmem:$0x1FBA0] =	vst v0;
	v0 =	vadd.f32 v32, v11  }
0x15e: {  	v8 =	vshll.u32 v27, $0x7  }
0x15f: {  	v13 =	vor.u32 v59, v8;
	v24 =	vadd.f32 v35, v24;
	v27 =	vperm.xlane v25, v62;
	[tilespmem:$0x1FBB0] =	vst v0;
	v35 =	vld [tilespmem:$0x1FC00]  }
0x160: {  	v11 =	vor.u32 v60, v8;
	v12 =	vld.idx.msk [tilespmem:v42+s12+$0x0], $0xffff  }
0x161: {  	v26 =	vor.u32 v16, v8;
	v42 =	vld.idx.msk [tilespmem:v34+s12+$0x0], $0xffff;
	v25 =	vadd.f32 v25, v27;
	v27 =	vperm.xlane v24, v62  }
0x162: {  	v19 =	vadd.f32 v29, v19;
	v21 =	vadd.f32 v23, v21;
	v29 =	vor.u32 v1, v8;
	v23 =	vld [tilespmem:s31+$0x0]  }
0x163: {  	v28 =	vld.idx.msk [tilespmem:v28+s24+$0x0], $0xffff;
	v24 =	vadd.f32 v27, v24  }
0x164: {  	v10 =	vadd.f32 v33, v10;
	v7 =	vadd.f32 v7, v20;
	v43 =	vperm.xlane v25, v3;
	v20 =	vld.idx.msk [tilespmem:v13+s12+$0x0], $0xffff  }
0x165: {  	v14 =	vadd.f32 v14, v48;
	v13 =	vadd.f32 v52, v50;
	v11 =	vld.idx.msk [tilespmem:v11+s12+$0x0], $0xffff;
	v27 =	vperm.xlane v24, v3  }
0x166: {  	v26 =	vld.idx.msk [tilespmem:v26+s12+$0x0], $0xffff;
	v21 =	vadd.f32 v7, v21;
	v25 =	vadd.f32 v25, v43  }
0x167: {  	v12 =	vadd.f32 v12, v49;
	v24 =	vadd.f32 v27, v24;
	v27 =	vld.idx.msk [tilespmem:v29+s12+$0x0], $0xffff  }
0x168: {  	v30 =	vadd.f32 v42, v30;
	v29 =	vadd.f32 v14, v19;
	v14 =	vld [tilespmem:s0+$0x0]  }
0x169: {  	v50 =	vperm.xlane v25, v63;
	v51 =	vadd.f32 v12, v10;
	v12 =	vld [tilespmem:s30+$0x10];
	[tilespmem:$0x1F930] =	vst v21;
	v10 =	vperm.xlane v24, v63  }
0x16a: {  	v52 =	vadd.f32 v30, v13;
	v13 =	vmul.f32 v21, v21;
	v19 =	vadd.f32 v29, v21;
	v21 =	vld [tilespmem:s31+$0x10];
	[tilespmem:$0x1F940] =	vst v29  }
0x16b: {  	v7 =	vadd.f32 v25, v50;
	v25 =	vmul.f32 v29, v29;
	v10 =	vadd.f32 v10, v24;
	v24 =	vld [tilespmem:s0+$0x10];
	[tilespmem:$0x1F950] =	vst v51  }
0x16c: {  	v9 =	vadd.f32 $9.999999740e-06, v9;
	v34 =	vld [tilespmem:$0x1FC10];
	v30 =	vmul.f32 v51, v51;
	v32 =	vmul.f32 v52, v52;
	[tilespmem:$0x1F960] =	vst v52  }
0x16d: {  	v23 =	vadd.f32 v23, v54;
	v29 =	vadd.f32 v52, v51;
	v7 =	vmul.f32 $1.041666700e-02, v7;
	v33 =	vld [tilespmem:s30+$0x20]  }
0x16e: {  	v25 =	vadd.f32 v25, v13;
	v13 =	vshll.u32 v28, $0x7;
	v28 =	vadd.f32 v32, v30;
	v55 =	vld [tilespmem:s31+$0x20]  }
0x16f: {  	v14 =	vadd.f32 v20, v14;
	v20 =	vor.u32 v59, v13;
	v30 =	vld [tilespmem:s30+$0x30];
	v52 =	vor.u32 v60, v13  }
0x170: {  	v53 =	vmul.f32 $1.041666700e-02, v10;
	v54 =	vmul.f32 v7, v7;
	v10 =	vadd.f32 v29, v19;
	v19 =	vld [tilespmem:s0+$0x20]  }
0x171: {  	v12 =	vadd.f32 v21, v12;
	v21 =	vld [tilespmem:s31+$0x30]  }
0x172: {  	v49 =	vmul.f32 $5.000000000e-01, v9;
	v29 =	vsub.f32 v53, v54;
	v53 =	vld [tilespmem:s30+$0x80]  }
0x173: {  	v42 =	vadd.f32 v14, v23;
	v23 =	vmul.f32 v6, v35;
	v11 =	vadd.f32 v11, v24;
	v24 =	vld [tilespmem:s0+$0x30]  }
0x174: {  	v14 =	vadd.f32 v28, v25;
	v25 =	vshra.s32 v56, $0x1;
	v6 =	vmul.f32 v6, v34;
	v20 =	vld.idx.msk [tilespmem:v20+s12+$0x0], $0xffff  }
0x175: {  	v28 =	vmul.f32 $5.000000000e-01, v56;
	v33 =	vadd.f32 v55, v33;
	v32 =	vld.idx.msk [tilespmem:v52+s12+$0x0], $0xffff;
	v19 =	vadd.f32 v26, v19  }
0x176: {  	v25 =	vsub.s32 $0x5F3759DF, v25;
	v0 =	vmul.f32 v6, v17;
	v26 =	vld [tilespmem:s31+$0x80];
	v56 =	vadd.f32 v11, v12  }
0x177: {  	v12 =	vmul.f32 v25, v28;
	v59 =	vadd.f32 v19, v33;
	v19 =	vshra.s32 v9, $0x1;
	v33 =	vld [tilespmem:s30+$0x90]  }
0x178: {  	v9 =	vmul.f32 v23, v4;
	v4 =	vsub.s32 $0x5F3759DF, v19;
	v19 =	vadd.f32 v21, v30;
	v21 =	vld [tilespmem:s0+$0x80];
	[tilespmem:$0x1FAB0] =	vst v0  }
0x179: {  	v30 =	vmul.f32 v25, v12;
	v12 =	vmul.f32 v23, v17;
	v17 =	vld [tilespmem:s31+$0x90]  }
0x17a: {  	v48 =	vld [tilespmem:s0+$0x90]  }
0x17b: {  	v18 =	vadd.f32 $9.999999740e-06, v18;
	v0 =	vld [tilespmem:$0x1F970];
	v23 =	vsub.f32 $1.500000000e+00, v30;
	v30 =	vor.u32 v16, v13  }
0x17c: {  	v50 =	vor.u32 v1, v13;
	v24 =	vadd.f32 v27, v24;
	v27 =	vmul.f32 v4, v49;
	v43 =	vld [tilespmem:s30+$0xA0]  }
0x17d: {  	v60 =	vmul.f32 v42, v42;
	v40 =	vmul.f32 v56, v56;
	v26 =	vadd.f32 v26, v53;
	v53 =	vld [tilespmem:s0+$0xB0]  }
0x17e: {  	v16 =	vadd.f32 v24, v19;
	v27 =	vmul.f32 v4, v27;
	v1 =	vadd.f32 v20, v21;
	v21 =	vld [tilespmem:s31+$0xA0]  }
0x17f: {  	v17 =	vadd.f32 v17, v33;
	v24 =	vadd.f32 v32, v48;
	v33 =	vor.u32 v58, v15;
	v48 =	vld [tilespmem:s30+$0xB0]  }
0x180: {  	v23 =	vmul.f32 v25, v23;
	v25 =	vadd.f32 v40, v60;
	v15 =	vor.u32 v61, v15;
	v19 =	vld.idx.msk [tilespmem:v30+s12+$0x0], $0xffff  }
0x181: {  	v51 =	vor.u32 v58, v8;
	v20 =	vsub.f32 $1.500000000e+00, v27;
	v60 =	vadd.f32 v1, v26;
	v26 =	vld.idx.msk [tilespmem:v50+s12+$0x0], $0xffff  }
0x182: {  	v6 =	vmul.f32 v6, v0;
	v40 =	vmul.f32 v23, v28;
	v30 =	vld [tilespmem:s0+$0xA0]  }
0x183: {  	v4 =	vmul.f32 v4, v20;
	v1 =	vshra.s32 v18, $0x1;
	v18 =	vmul.f32 $5.000000000e-01, v18;
	v50 =	vld [tilespmem:s31+$0xB0]  }
0x184: {  	v20 =	vadd.f32 $9.999999740e-06, v29;
	v1 =	vsub.s32 $0x5F3759DF, v1;
	v0 =	vadd.f32 v24, v17;
	v17 =	vld.idx.msk [tilespmem:v33+s12+$0x0], $0xffff  }
0x185: {  	v32 =	vmul.f32 v40, v23;
	v27 =	vmul.f32 v1, v18;
	v15 =	vld.idx.msk [tilespmem:v15+s12+$0x0], $0xffff  }
0x186: {  	v29 =	vshra.s32 v20, $0x1;
	v20 =	vmul.f32 $5.000000000e-01, v20;
	v24 =	vadd.f32 v26, v53;
	v26 =	vld.idx.msk [tilespmem:v51+s12+$0x0], $0xffff;
	[tilespmem:$0x1F980] =	vst v42  }
0x187: {  	v21 =	vadd.f32 v21, v43;
	v29 =	vsub.s32 $0x5F3759DF, v29;
	v27 =	vmul.f32 v1, v27;
	[tilespmem:$0x1F990] =	vst v56  }
0x188: {  	v43 =	vmul.f32 v29, v20;
	v19 =	vadd.f32 v19, v30;
	v30 =	vsub.f32 $1.500000000e+00, v32;
	[tilespmem:$0x1F9A0] =	vst v59  }
0x189: {  	v54 =	vmul.f32 v59, v59;
	v40 =	vmul.f32 v16, v16;
	[tilespmem:$0x1F9B0] =	vst v16  }
0x18a: {  	v27 =	vsub.f32 $1.500000000e+00, v27;
	v43 =	vmul.f32 v29, v43;
	v33 =	vld [tilespmem:s30+$0xFFFFFF40];
	v23 =	vmul.f32 v30, v23  }
0x18b: {  	v53 =	vld [tilespmem:s30+$0xFFFFFF50];
	v55 =	vadd.f32 v19, v21;
	v21 =	vadd.f32 v50, v48;
	v30 =	vmul.f32 v4, v49  }
0x18c: {  	v50 =	vld [tilespmem:s0+$0xFFFFFF40];
	v1 =	vmul.f32 v1, v27;
	v27 =	vadd.f32 v40, v54;
	v19 =	vsub.f32 $1.500000000e+00, v43  }
0x18d: {  	v54 =	vadd.f32 v16, v59;
	v43 =	vld [tilespmem:s30+$0x40];
	v16 =	vadd.f32 v24, v21  }
0x18e: {  	v21 =	vmul.f32 v30, v4;
	v30 =	vld [tilespmem:s31+$0xFFFFFF40];
	v19 =	vmul.f32 v29, v19;
	v29 =	vadd.f32 v56, v42  }
0x18f: {  	v8 =	vor.u32 v61, v8;
	v24 =	vmul.f32 v1, v18;
	v42 =	vadd.f32 v27, v25;
	v25 =	vld [tilespmem:s0+$0xFFFFFF50]  }
0x190: {  	v51 =	vmul.f32 v55, v55;
	v56 =	vmul.f32 v0, v0;
	v48 =	vadd.f32 v54, v29;
	v54 =	vld [tilespmem:s31+$0xFFFFFF50];
	[tilespmem:$0x1F9C0] =	vst v60  }
0x191: {  	v21 =	vsub.f32 $1.500000000e+00, v21;
	v52 =	vmul.f32 v16, v16;
	v24 =	vmul.f32 v24, v1;
	[tilespmem:$0x1F9D0] =	vst v0  }
0x192: {  	v29 =	vmul.f32 v60, v60;
	v59 =	vmul.f32 v19, v20;
	[tilespmem:$0x1F9E0] =	vst v16;
	v17 =	vadd.f32 v17, v50  }
0x193: {  	[tilespmem:$0x1F9F0] =	vst v55;
	v4 =	vmul.f32 v21, v4;
	v21 =	vadd.f32 v52, v51;
	v24 =	vsub.f32 $1.500000000e+00, v24  }
0x194: {  	v8 =	vld.idx.msk [tilespmem:v8+s12+$0x0], $0xffff;
	v29 =	vadd.f32 v56, v29;
	v27 =	vadd.f32 v30, v33;
	v30 =	vmul.f32 v59, v19  }
0x195: {  	v56 =	vadd.f32 v0, v60;
	v59 =	vadd.f32 v16, v55;
	v60 =	vld [tilespmem:s31+$0x40];
	v1 =	vmul.f32 v24, v1  }
0x196: {  	v24 =	vsub.f32 $1.500000000e+00, v30;
	v30 =	vld [tilespmem:s0+$0x40];
	v51 =	vadd.f32 v21, v29;
	v21 =	vmul.f32 v23, v28  }
0x197: {  	v33 =	vld [tilespmem:$0x1FE60];
	v15 =	vadd.f32 v15, v25;
	v16 =	vadd.f32 v17, v27;
	v29 =	vor.u32 v58, v13  }
0x198: {  	v28 =	vld [tilespmem:s30+$0x50];
	v17 =	vadd.f32 v54, v53;
	v21 =	vmul.f32 v21, v23;
	v18 =	vmul.f32 v1, v18  }
0x199: {  	v27 =	vmul.f32 v4, v49;
	v19 =	vmul.f32 v24, v19;
	v24 =	vld [tilespmem:s31+$0x50]  }
0x19a: {  	v25 =	vadd.f32 v15, v17;
	v21 =	vsub.f32 $1.500000000e+00, v21;
	v15 =	vmul.f32 v18, v1;
	v18 =	vld [tilespmem:s30+$0xC0]  }
0x19b: {  	v27 =	vmul.f32 v27, v4;
	v32 =	vadd.f32 v60, v43;
	v26 =	vadd.f32 v26, v30;
	v30 =	vld [tilespmem:s0+$0x50]  }
0x19c: {  	v17 =	vmul.f32 v19, v20;
	v20 =	vmul.f32 v21, v23;
	v23 =	vld [tilespmem:s31+$0xC0]  }
0x19d: {  	v15 =	vsub.f32 $1.500000000e+00, v15;
	v0 =	vadd.f32 v26, v32;
	v26 =	vld.idx.msk [tilespmem:v29+s12+$0x0], $0xffff  }
0x19e: {  	v21 =	vadd.f32 v24, v28;
	v24 =	vsub.f32 $1.500000000e+00, v27;
	v29 =	vld [tilespmem:s0+$0xC0];
	[tilespmem:$0x1FA00] =	vst v16  }
0x19f: {  	v11 =	vld [tilespmem:$0x1FE40];
	v27 =	vor.u32 v61, v13;
	v28 =	vmul.f32 v16, v16;
	v61 =	vmul.f32 v25, v25;
	[tilespmem:$0x1FA10] =	vst v25  }
0x1a0: {  	v50 =	vadd.f32 v59, v56;
	v17 =	vmul.f32 v17, v19;
	v15 =	vmul.f32 v15, v1;
	v56 =	vld [tilespmem:s0+$0xD0]  }
0x1a1: {  	v13 =	vmul.f32 v24, v4;
	v1 =	vadd.f32 v61, v28;
	v61 =	vld [tilespmem:$0x1FBF0];
	v4 =	vadd.f32 v8, v30  }
0x1a2: {  	v40 =	vmul.f32 v20, v33;
	v8 =	vsub.f32 $1.500000000e+00, v17;
	v17 =	vadd.f32 v25, v16;
	v16 =	vld [tilespmem:$0x1FA30]  }
0x1a3: {  	v43 =	vmul.f32 v20, v35;
	v32 =	vadd.f32 v4, v21;
	v4 =	vadd.f32 v23, v18;
	v18 =	vld [tilespmem:s30+$0xD0]  }
0x1a4: {  	v1 =	vadd.f32 v1, v14;
	v14 =	vmul.f32 v20, v34;
	v8 =	vmul.f32 v8, v19;
	v23 =	vld [tilespmem:s31+$0xD0]  }
0x1a5: {  	v10 =	vadd.f32 v17, v10;
	v17 =	vmul.f32 v20, v39;
	v21 =	vadd.f32 v26, v29;
	v30 =	vld.idx.msk [tilespmem:v27+s12+$0x0], $0xffff  }
0x1a6: {  	v19 =	vmul.f32 v20, v61;
	v20 =	vmul.f32 v20, v11  }
0x1a7: {  	v25 =	vadd.f32 v21, v4;
	v21 =	vmul.f32 v17, v31;
	v28 =	vmul.f32 v17, v2;
	v4 =	vld [tilespmem:$0x1FA20]  }
0x1a8: {  	v17 =	vmul.f32 v0, v0;
	v27 =	vmul.f32 v40, v16  }
0x1a9: {  	v16 =	vperm.xlane v10, v57;
	v29 =	vmul.f32 v19, v2;
	v31 =	vadd.f32 v23, v18  }
0x1aa: {  	v23 =	vmul.f32 v40, v2;
	v18 =	vmul.f32 v43, v22;
	v22 =	vadd.f32 v30, v56  }
0x1ab: {  	v10 =	vadd.f32 v10, v16;
	v30 =	vmul.f32 v43, v2;
	v16 =	vperm.xlane v1, v57  }
0x1ac: {  	[tilespmem:$0x1FA40] =	vst v0;
	v26 =	vmul.f32 v19, v4;
	v4 =	vadd.f32 v32, v0;
	v19 =	vmul.f32 v32, v32;
	v0 =	vld [tilespmem:$0x1FA50]  }
0x1ad: {  	v40 =	vmul.f32 v20, v2;
	v1 =	vadd.f32 v16, v1;
	v16 =	vperm.xlane v10, v62  }
0x1ae: {  	v58 =	vadd.f32 v19, v17;
	v17 =	vmul.f32 v14, v2;
	v2 =	vmul.f32 v20, v36  }
0x1af: {  	v60 =	vmul.f32 v8, v61;
	v4 =	vadd.f32 v4, v48  }
0x1b0: {  	v20 =	vmul.f32 v25, v25;
	v10 =	vadd.f32 v10, v16;
	[tilespmem:$0x1FA60] =	vst v2;
	v2 =	vadd.f32 v22, v31  }
0x1b1: {  	v24 =	vadd.f32 v58, v42;
	v19 =	vmul.f32 v14, v0;
	v0 =	vperm.xlane v4, v57  }
0x1b2: {  	v16 =	vperm.xlane v1, v62;
	v22 =	vadd.f32 v2, v25;
	v31 =	vmul.f32 v2, v2  }
0x1b3: {  	v59 =	vperm.xlane v24, v57;
	v0 =	vadd.f32 v4, v0;
	v4 =	vmul.f32 v8, v11  }
0x1b4: {  	v22 =	vadd.f32 v22, v50;
	v20 =	vadd.f32 v31, v20;
	v50 =	vmul.f32 v8, v35  }
0x1b5: {  	v24 =	vadd.f32 v59, v24;
	v31 =	vperm.xlane v0, v62;
	v48 =	vmul.f32 v4, v5  }
0x1b6: {  	v1 =	vadd.f32 v16, v1;
	v16 =	vmul.f32 v4, v7;
	v4 =	vperm.xlane v10, v3  }
0x1b7: {  	v5 =	vadd.f32 v20, v51;
	v20 =	vmul.f32 v8, v39;
	v55 =	vperm.xlane v24, v62  }
0x1b8: {  	v0 =	vadd.f32 v0, v31;
	v10 =	vadd.f32 v10, v4;
	v4 =	vperm.xlane v1, v3  }
0x1b9: {  	v51 =	vmul.f32 v8, v34;
	v31 =	vperm.xlane v22, v57  }
0x1ba: {  	v49 =	vadd.f32 v55, v24;
	v1 =	vadd.f32 v4, v1;
	v4 =	vperm.xlane v0, v3  }
0x1bb: {  	v22 =	vadd.f32 v22, v31;
	v31 =	vmul.f32 v8, v33;
	v8 =	vperm.xlane v5, v57  }
0x1bc: {  	v43 =	vmul.f32 v20, v7;
	v24 =	vmul.f32 v60, v7;
	v56 =	vadd.f32 v0, v4  }
0x1bd: {  	v0 =	vmul.f32 v20, v38;
	v57 =	vadd.f32 v8, v5;
	v20 =	vperm.xlane v1, v63  }
0x1be: {  	[tilespmem:$0x1FA80] =	vst v2;
	v2 =	vperm.xlane v10, v63;
	v8 =	vperm.xlane v22, v62  }
0x1bf: {  	v5 =	vmul.f32 v60, v47;
	v60 =	vadd.f32 v20, v1;
	v1 =	vperm.xlane v57, v62  }
0x1c0: {  	v2 =	vadd.f32 v10, v2;
	v10 =	vperm.xlane v49, v3  }
0x1c1: {  	v59 =	vadd.f32 v22, v8;
	v53 =	vadd.f32 v1, v57  }
0x1c2: {  	v10 =	vadd.f32 v10, v49;
	v8 =	vmul.f32 v31, v41;
	v22 =	vperm.xlane v56, v63  }
0x1c3: {  	[tilespmem:$0x1FA70] =	vst v25;
	v54 =	vperm.xlane v59, v3;
	v25 =	vperm.xlane v53, v3;
	v3 =	vld [tilespmem:$0x1FA90]  }
0x1c4: {  	v20 =	vmul.f32 v31, v7;
	v31 =	vadd.f32 v56, v22;
	v49 =	vperm.xlane v10, v63  }
0x1c5: {  	v58 =	vmovc v39;
	v1 =	vmul.f32 v51, v7;
	v55 =	vadd.f32 v59, v54;
	v25 =	vadd.f32 v25, v53  }
0x1c6: {  	v39 =	vmul.f32 $1.041666700e-02, v31;
	v31 =	vmul.f32 v15, v58  }
0x1c7: {  	v56 =	vperm.xlane v55, v63;
	v63 =	vperm.xlane v25, v63  }
0x1c8: {  	v22 =	vmul.f32 v50, v7;
	[tilespmem:$0x1FBD0] =	vst v1;
	v1 =	vld [tilespmem:$0x1FC40];
	v3 =	vmul.f32 v31, v3  }
0x1c9: {  	v7 =	vadd.f32 v49, v10;
	v10 =	vmul.f32 v51, v44;
	v51 =	vadd.f32 v63, v25;
	v63 =	vld [tilespmem:$0x1FC50]  }
0x1ca: {  	[tilespmem:$0x1FAA0] =	vst v3;
	v3 =	vld [tilespmem:$0x1FAB0];
	_ =	sdelay $0x2  }
0x1cb: {  	v12 =	vsub.f32 v1, v12  }
0x1cc: {  	v52 =	vmul.f32 v50, v45;
	v45 =	vmul.f32 $1.041666700e-02, v2  }
0x1cd: {  	v4 =	vadd.f32 v12, v9;
	v9 =	vsub.f32 v63, v3;
	v3 =	vld [tilespmem:$0x1FAC0]  }
0x1ce: {  	v2 =	vmul.f32 $1.041666700e-02, v60;
	v12 =	vmul.f32 v45, v45;
	_ =	sdelay $0x1  }
0x1cf: {  	v2 =	vsub.f32 v2, v12;
	v12 =	vmul.f32 v15, v61;
	_ =	sdelay $0x1  }
0x1d0: {  	v3 =	vmul.f32 v12, v3  }
0x1d1: {  	v47 =	vld [tilespmem:$0x1FE50]  }
0x1d2: {  	[tilespmem:$0x1FAD0] =	vst v3;
	v3 =	vld [tilespmem:$0x1FAE0]  }
0x1d3: {  	v7 =	vmul.f32 $1.041666700e-02, v7;
	v57 =	vmul.f32 v39, v39  }
0x1d4: {  	v14 =	vmov v11;
	v11 =	vmov v33  }
0x1d5: {  	v59 =	vmul.f32 v15, v11;
	v7 =	vsub.f32 v7, v57  }
0x1d6: {  	v33 =	vmul.f32 v15, v14;
	v49 =	vmul.f32 v15, v35;
	v36 =	vadd.f32 v55, v56  }
0x1d7: {  	v7 =	vadd.f32 $9.999999740e-06, v7;
	v41 =	vmul.f32 v59, v3;
	v3 =	vsub.f32 v47, v16  }
0x1d8: {  	v53 =	vmul.f32 v15, v34;
	v56 =	vmul.f32 v59, v37;
	v2 =	vadd.f32 $9.999999740e-06, v2  }
0x1d9: {  	v36 =	vmul.f32 $1.041666700e-02, v36;
	v57 =	vshra.s32 v7, $0x1;
	v42 =	vadd.f32 v3, v48;
	v3 =	vld [tilespmem:$0x1FAF0]  }
0x1da: {  	v15 =	vmul.f32 $5.000000000e-01, v2;
	v62 =	vadd.f32 v9, v6;
	v16 =	vshra.s32 v2, $0x1  }
0x1db: {  	v6 =	vmul.f32 v36, v36;
	v2 =	vsub.s32 $0x5F3759DF, v16;
	v16 =	vmul.f32 $5.000000000e-01, v7  }
0x1dc: {  	v50 =	vsub.s32 $0x5F3759DF, v57;
	v7 =	vmul.f32 $1.041666700e-02, v51;
	v59 =	vmul.f32 v2, v15  }
0x1dd: {  	v9 =	vmul.f32 v50, v16  }
0x1de: {  	v48 =	vmul.f32 v49, v3;
	v3 =	vmul.f32 v2, v59;
	v59 =	vsub.f32 v7, v6;
	v7 =	vld [tilespmem:$0x1FB00]  }
0x1df: {  	v44 =	vld [tilespmem:$0x1FC30]  }
0x1e0: {  	v6 =	vmul.f32 v50, v9;
	v9 =	vld [tilespmem:$0x1FB10]  }
0x1e1: {  	v60 =	vmul.f32 v33, v37  }
0x1e2: {  	v55 =	vmul.f32 v31, v37;
	v31 =	vmul.f32 v53, v37;
	v51 =	vld [tilespmem:$0x1FC20];
	v3 =	vsub.f32 $1.500000000e+00, v3  }
0x1e3: {  	v12 =	vmul.f32 v12, v37;
	v25 =	vmul.f32 v53, v7  }
0x1e4: {  	v7 =	vsub.f32 v46, v28;
	v28 =	vmul.f32 v2, v3;
	v3 =	vsub.f32 v44, v23  }
0x1e5: {  	v49 =	vmul.f32 v49, v37;
	v37 =	vmul.f32 v33, v9;
	v9 =	vld [tilespmem:$0x1FB20]  }
0x1e6: {  	v27 =	vadd.f32 v3, v27;
	v3 =	vmul.f32 v13, v11;
	v11 =	vld [tilespmem:$0x1FB30]  }
0x1e7: {  	v2 =	vsub.f32 v51, v29  }
0x1e8: {  	v6 =	vsub.f32 $1.500000000e+00, v6  }
0x1e9: {  	v26 =	vadd.f32 v2, v26;
	v2 =	vmul.f32 v13, v58  }
0x1ea: {  	v29 =	vadd.f32 v7, v21;
	v21 =	vmul.f32 v50, v6;
	v6 =	vsub.f32 v1, v30  }
0x1eb: {  	v53 =	vmul.f32 v2, v9;
	v30 =	vmul.f32 v2, v11;
	v2 =	vsub.f32 v63, v17  }
0x1ec: {  	v18 =	vadd.f32 v6, v18;
	v6 =	vld [tilespmem:$0x1FB40]  }
0x1ed: {  	v9 =	vadd.f32 v2, v19;
	v2 =	vld [tilespmem:$0x1FB50];
	_ =	sdelay $0x1  }
0x1ee: {  	v7 =	vmul.f32 v13, v61;
	_ =	sdelay $0x1  }
0x1ef: {  	v38 =	vmul.f32 v7, v11;
	v6 =	vmul.f32 v7, v6  }
0x1f0: {  	v19 =	vmul.f32 v3, v11;
	v7 =	vmul.f32 v3, v2;
	v3 =	vld [tilespmem:$0x1FB70];
	_ =	sdelay $0x1  }
0x1f1: {  	s16 =	simm.s32 $0x80;
	s14 =	sand.u32 $0x7800, s24  }
0x1f2: {  	s2 =	sadd.s32 $0xF700, s14;
	s3 =	sand.u32 $0x280, s16  }
0x1f3: {  	s29 =	sadd.s32 s3, s2  }
0x1f4: {  	v2 =	vld [tilespmem:$0x1FB60];
	[tilespmem:s29+$0x50] =	vst v3  }
0x1f5: {  	v57 =	vsub.f32 v51, v12;
	v12 =	vld [tilespmem:$0x1FB90]  }
0x1f6: {  	v3 =	vld [tilespmem:$0x1FB80];
	_ =	sdelay $0x2  }
0x1f7: {  	v61 =	vmul.f32 v13, v34  }
0x1f8: {  	[tilespmem:s29+$0x0] =	vst v12  }
0x1f9: {  	v3 =	vmul.f32 v61, v3;
	v12 =	vmul.f32 v61, v11;
	v61 =	vld [tilespmem:$0x1FBA0];
	_ =	sdelay $0x3  }
0x1fa: {  	s16 =	simm.s32 $0x400;
	v23 =	vmul.f32 v13, v35  }
0x1fb: {  	s8 =	simm.s32 $0x280;
	s19 =	sand.u32 $0x7800, s16;
	[tilespmem:s29+$0x10] =	vst v61  }
0x1fc: {  	s17 =	simm.s32 $0x0;
	s20 =	sand.u32 $0x280, s8;
	s18 =	sadd.s32 $0xF700, s19;
	v50 =	vmul.f32 v23, v11;
	v2 =	vmul.f32 v23, v2;
	v23 =	vld [tilespmem:$0x1FBB0];
	[tilespmem:s29+$0x30] =	vst v4  }
0x1fd: {  	s3 =	sand.u32 $0x200, s17;
	s10 =	sadd.s32 s20, s18;
	[tilespmem:s29+$0x40] =	vst v62  }
0x1fe: {  	s14 =	sadd.s32 s3, s2;
	[tilespmem:s10+$0x50] =	vst v42  }
0x1ff: {  	[tilespmem:s14+$0x0] =	vst v29  }
0x200: {  	[tilespmem:s14+$0x10] =	vst v26  }
0x201: {  	[tilespmem:s14+$0x20] =	vst v27  }
0x202: {  	v17 =	vadd.f32 $9.999999740e-06, v59;
	v59 =	vsub.f32 v1, v49;
	[tilespmem:s29+$0x20] =	vst v23  }
0x203: {  	v49 =	vsub.f32 v1, v50;
	v4 =	vsub.f32 v1, v22;
	v1 =	vld [tilespmem:$0x1FBC0]  }
0x204: {  	v13 =	vmul.f32 v13, v14  }
0x205: {  	v14 =	vmovc v47;
	v47 =	vsub.f32 v47, v40;
	v40 =	vmul.f32 $5.000000000e-01, v17;
	v54 =	vsub.f32 v63, v12  }
0x206: {  	v12 =	vmul.f32 v28, v15;
	v61 =	vsub.f32 v14, v60;
	v60 =	vsub.f32 v51, v38  }
0x207: {  	s25 =	simm.s32 $0x180;
	s26 =	simm.s32 $0x0;
	v38 =	vsub.f32 v44, v19;
	v19 =	vsub.f32 v51, v24;
	v23 =	vshra.s32 v17, $0x1  }
0x208: {  	s6 =	sand.u32 $0x380, s25;
	s4 =	simm.s32 $0x17;
	s9 =	simm.s32 $0x100;
	v24 =	vmul.f32 v12, v28;
	v23 =	vsub.s32 $0x5F3759DF, v23;
	v12 =	vmul.f32 v13, v1;
	v1 =	vld [tilespmem:$0x1FBD0]  }
0x209: {  	p0 =	por $0x0, $0x0;
	s7 =	simm.s32 $0x200;
	s5 =	sand.u32 $0x300, s9;
	v33 =	vmul.f32 v13, v11;
	v11 =	vmul.f32 v23, v40  }
0x20a: {  	s17 =	simm.s32 $0x380;
	s9 =	simm.s32 $0x300;
	s8 =	sadd.s32 s5, s2;
	v20 =	vsub.f32 v44, v20;
	v35 =	vsub.f32 v46, v55  }
0x20b: {  	s3 =	sand.u32 $0x300, s9;
	s11 =	sadd.s32 s6, s2;
	s2 =	sand.u32 $0x200, s7;
	v58 =	vsub.f32 v44, v56;
	v56 =	vsub.f32 v63, v31;
	v11 =	vmul.f32 v23, v11  }
0x20c: {  	s19 =	sadd.s32 s3, s18;
	s28 =	smov.u32 s8;
	s6 =	sadd.s32 s2, s18;
	v55 =	vsub.f32 v46, v30;
	v26 =	vmul.f32 v21, v16;
	v42 =	vsub.f32 v14, v33  }
0x20d: {  	s2 =	smov.u32 s14;
	s3 =	smov.u32 s11;
	s13 =	sand.u32 $0x380, s17;
	v22 =	vsub.f32 v63, v1;
	v1 =	vsub.f32 $1.500000000e+00, v11  }
0x20e: {  	s20 =	simm.s32 $0x4;
	s9 =	sadd.s32 s13, s18;
	s18 =	simm.s32 $0x45;
	v26 =	vmul.f32 v26, v21;
	v17 =	vsub.f32 v46, v43;
	[tilespmem:s14+$0x30] =	vst v18;
	v13 =	vsub.f32 $1.500000000e+00, v24  }
.LBB2_3:
0x20f: {  	v27 =	vmul.f32 v23, v1;
	v1 =	vld [tilespmem:$0x1FA60]  }
0x210: {  	v29 =	vld [tilespmem:$0x1FC00]  }
0x211: {  	s30 =	sadd.s32 $0x200, s30;
	v31 =	vld [tilespmem:$0x1FF90]  }
0x212: {  	s31 =	sadd.s32 $0x200, s31;
	v23 =	vld [tilespmem:s30+$0xFFFFFFC0]  }
0x213: {  	v0 =	vadd.f32 v17, v0;
	v33 =	vld [tilespmem:s31+$0xFFFFFFC0]  }
0x214: {  	s13 =	sadd.s32 $0xFFFFFFEE, s18;
	s5 =	sadd.s32 $0xFFFFFFF4, s18;
	v11 =	vmov s18;
	v5 =	vadd.f32 v19, v5;
	v17 =	vld [tilespmem:s30+$0xFFFFFFD0];
	v14 =	vadd.f32 v47, v1;
	v1 =	vmovc v32  }
0x215: {  	v8 =	vadd.f32 v20, v8;
	v18 =	vmov s5;
	v20 =	vld [tilespmem:s31+$0xFFFFFFD0];
	[tilespmem:$0x1F8F0] =	vst v1;
	v1 =	vmov s13  }
0x216: {  	[tilespmem:s2+$0x40] =	vst v9;
	s0 =	sadd.s32 $0x200, s0;
	v11 =	vand.u32 $0xFFFFFFFD, v11;
	v18 =	vand.u32 $0xFFFFFFF9, v18;
	v47 =	vld [tilespmem:$0x1FFC0];
	v9 =	vand.u32 $0xFFFFFFFB, v1  }
0x217: {  	v1 =	vbroadcast v11, $0x0;
	[tilespmem:s2+$0x50] =	vst v14;
	v11 =	vmul.f32 v13, v28;
	v13 =	vsub.f32 $1.500000000e+00, v26;
	v28 =	vld [tilespmem:s0+$0xFFFFFFC0]  }
0x218: {  	[tilespmem:s10+$0x0] =	vst v0;
	v0 =	vadd.f32 v4, v52;
	v14 =	vld [tilespmem:$0x1FAA0];
	v24 =	vbroadcast v9, $0x0;
	v9 =	vbroadcast v18, $0x0  }
0x219: {  	v26 =	vmul.f32 v27, v40;
	v4 =	vadd.f32 v22, v10;
	v22 =	vadd.f32 v58, v41;
	v41 =	vld [tilespmem:$0x1FBE0]  }
0x21a: {  	v10 =	vld [tilespmem:s0+$0xFFFFFFD0];
	[tilespmem:s10+$0x10] =	vst v5;
	v13 =	vmul.f32 v13, v21  }
0x21b: {  	v19 =	vmul.f32 v26, v27;
	v15 =	vmul.f32 v11, v15;
	v30 =	vld [tilespmem:s30+$0xFFFFFF80]  }
0x21c: {  	v2 =	vadd.f32 v49, v2;
	v26 =	vadd.f32 v61, v37;
	v37 =	vld [tilespmem:$0x1FE40];
	v5 =	vmul.f32 v13, v16  }
0x21d: {  	v16 =	vsub.f32 $1.500000000e+00, v19;
	v15 =	vmul.f32 v15, v11;
	v19 =	vadd.f32 v35, v14;
	v14 =	vld [tilespmem:$0x1FAD0]  }
0x21e: {  	[tilespmem:s28+$0x30] =	vst v2;
	v9 =	vld.idx.msk [tilespmem:v9+s24+$0x0], $0xffff  }
0x21f: {  	v15 =	vsub.f32 $1.500000000e+00, v15;
	[tilespmem:s10+$0x20] =	vst v8;
	v2 =	vld.idx.msk [tilespmem:v24+s24+$0x0], $0xffff  }
0x220: {  	v8 =	vmul.f32 v16, v27;
	v16 =	vadd.f32 v59, v48;
	v48 =	vld [tilespmem:s31+$0xFFFFFF80]  }
0x221: {  	v5 =	vmul.f32 v5, v13;
	[tilespmem:s10+$0x30] =	vst v0;
	v15 =	vmul.f32 v15, v11;
	v11 =	vld [tilespmem:$0x1FC10]  }
0x222: {  	v51 =	vld [tilespmem:s0+$0xFFFFFF80];
	[tilespmem:s10+$0x40] =	vst v4  }
0x223: {  	v4 =	vsub.f32 $1.500000000e+00, v5;
	v5 =	vmul.f32 v8, v40;
	v40 =	vld [tilespmem:s30+$0xFFFFFF90]  }
0x224: {  	[tilespmem:s3+$0x0] =	vst v19;
	v19 =	vld [tilespmem:s31+$0xFFFFFF90]  }
0x225: {  	v21 =	vadd.f32 v57, v14;
	v14 =	vld [tilespmem:$0x1FE60]  }
0x226: {  	v4 =	vmul.f32 v4, v13;
	v13 =	vld [tilespmem:$0x1FBF0]  }
0x227: {  	v6 =	vadd.f32 v60, v6;
	v52 =	vld [tilespmem:s0+$0xFFFFFF90];
	v5 =	vmul.f32 v5, v8  }
0x228: {  	v50 =	vadd.f32 v38, v7;
	v63 =	vmul.f32 v15, v41;
	[tilespmem:s3+$0x10] =	vst v21;
	v21 =	vshll.u32 v9, $0x7;
	v9 =	vld [tilespmem:$0x1FFB0]  }
0x229: {  	s7 =	sadd.s32 $0xFFFFFFFA, s18;
	[tilespmem:s3+$0x20] =	vst v22;
	v22 =	vld [tilespmem:s30+$0xFFFFFFA0];
	v61 =	vmul.f32 v15, v29;
	v58 =	vmul.f32 v15, v37;
	v5 =	vsub.f32 $1.500000000e+00, v5  }
0x22a: {  	v18 =	vmov s7;
	[tilespmem:s3+$0x30] =	vst v16;
	v16 =	vld [tilespmem:s31+$0xFFFFFFA0];
	v59 =	vmul.f32 v15, v11;
	v60 =	vmul.f32 v15, v14  }
0x22b: {  	[tilespmem:s28+$0x10] =	vst v6;
	v27 =	vadd.f32 v55, v53;
	v53 =	vld [tilespmem:s0+$0xFFFFFFA0];
	v62 =	vmul.f32 v15, v13;
	v15 =	vmul.f32 v5, v8  }
0x22c: {  	[tilespmem:s28+$0x20] =	vst v50;
	v0 =	vadd.f32 v56, v25;
	v25 =	vlaneseq.u32;
	v34 =	vor.u32 v47, v21;
	v5 =	vld [tilespmem:$0x1FF70];
	v7 =	vmovc v13  }
0x22d: {  	[tilespmem:s3+$0x50] =	vst v26;
	v44 =	vmul.f32 v4, v41;
	v32 =	vor.u32 v9, v21;
	v43 =	vmul.f32 v15, v7;
	v7 =	vld [tilespmem:$0x1FFA0]  }
0x22e: {  	[tilespmem:s3+$0x40] =	vst v0;
	v55 =	vld [tilespmem:s30+$0xFFFFFFB0];
	v0 =	vor.u32 v25, v21;
	v13 =	vmul.f32 v4, v13;
	v46 =	vmul.f32 v15, v41  }
0x22f: {  	v3 =	vadd.f32 v54, v3;
	[tilespmem:s28+$0x0] =	vst v27;
	v56 =	vld [tilespmem:s31+$0xFFFFFFB0];
	v41 =	vmul.f32 v15, v14;
	v38 =	vmul.f32 v15, v29  }
0x230: {  	v18 =	vld.idx.msk [tilespmem:v18+s24+$0x0], $0xffff;
	v27 =	vor.u32 v31, v21;
	v35 =	vmul.f32 v15, v11;
	v8 =	vmul.f32 v15, v37  }
0x231: {  	v57 =	vld.idx.msk [tilespmem:v34+s12+$0x0], $0xffff;
	v29 =	vmul.f32 v4, v29;
	v15 =	vmul.f32 v4, v37;
	v26 =	vor.u32 v5, v21  }
0x232: {  	v6 =	vor.u32 v7, v21;
	v21 =	vld.idx.msk [tilespmem:v32+s12+$0x0], $0xffff;
	v32 =	vmov v11;
	v11 =	vmul.f32 v4, v14  }
0x233: {  	v0 =	vld.idx.msk [tilespmem:v0+s12+$0x0], $0xffff;
	v14 =	vmul.f32 v4, v32;
	v4 =	vadd.f32 v42, v12;
	v12 =	vmul.f32 v62, v45  }
0x234: {  	[tilespmem:s28+$0x40] =	vst v3;
	v37 =	vld [tilespmem:s0+$0xFFFFFFB0]  }
0x235: {  	v23 =	vadd.f32 v33, v23;
	v42 =	vld.idx.msk [tilespmem:v27+s12+$0x0], $0xffff;
	[tilespmem:$0x1F6E0] =	vst v12;
	v12 =	vmul.f32 v60, v45  }
0x236: {  	v17 =	vadd.f32 v20, v17;
	[tilespmem:$0x1F720] =	vst v61;
	v30 =	vadd.f32 v48, v30;
	v49 =	vld.idx.msk [tilespmem:v26+s12+$0x0], $0xffff  }
0x237: {  	v2 =	vshll.u32 v2, $0x7;
	v19 =	vadd.f32 v19, v40;
	v6 =	vld.idx.msk [tilespmem:v6+s12+$0x0], $0xffff;
	[tilespmem:$0x1F6F0] =	vst v12;
	v12 =	vmul.f32 v61, v45  }
0x238: {  	v48 =	vmul.f32 v58, v45;
	v1 =	vld.idx.msk [tilespmem:v1+s24+$0x0], $0xffff;
	v16 =	vadd.f32 v16, v22;
	v20 =	vadd.f32 v56, v55  }
0x239: {  	v0 =	vadd.f32 v0, v51;
	v10 =	vadd.f32 v57, v10;
	[tilespmem:$0x1F700] =	vst v12;
	v12 =	vmul.f32 v59, v45  }
0x23a: {  	[tilespmem:$0x1F760] =	vst v58;
	v34 =	vmul.f32 v63, v45;
	v21 =	vadd.f32 v21, v28;
	v42 =	vadd.f32 v42, v53  }
0x23b: {  	v45 =	vadd.f32 v10, v17;
	v28 =	vadd.f32 v49, v52;
	[tilespmem:$0x1F730] =	vst v12;
	v12 =	vmul.f32 v46, v36  }
0x23c: {  	v24 =	vld [tilespmem:s0+$0xFFFFFF30];
	[tilespmem:$0x1F780] =	vst v46;
	v51 =	vor.u32 v5, v2;
	v52 =	vadd.f32 v0, v30;
	v6 =	vadd.f32 v6, v37  }
0x23d: {  	v3 =	vld [tilespmem:s31+$0xFFFFFF00];
	v53 =	vadd.f32 v42, v16;
	v16 =	vshll.u32 v1, $0x7;
	[tilespmem:$0x1F740] =	vst v12;
	v12 =	vmul.f32 v43, v36  }
0x23e: {  	v58 =	vld [tilespmem:s31+$0xFFFFFF20];
	v27 =	vmovc v62;
	v50 =	vmul.f32 v45, v45;
	v0 =	vadd.f32 v28, v19;
	v42 =	vadd.f32 v6, v20  }
0x23f: {  	v22 =	vld [tilespmem:s30+$0xFFFFFF00];
	v19 =	vmul.f32 v52, v52;
	v30 =	vmul.f32 v53, v53;
	[tilespmem:$0x1F770] =	vst v12;
	v12 =	vadd.f32 v21, v23  }
0x240: {  	v62 =	vld [tilespmem:s30+$0xFFFFFF30];
	[tilespmem:s28+$0x50] =	vst v4;
	v10 =	vadd.f32 v0, v52;
	v21 =	vmul.f32 v38, v36;
	v1 =	vadd.f32 v42, v53  }
0x241: {  	v4 =	vld [tilespmem:s0+$0xFFFFFF00];
	v20 =	vmul.f32 v0, v0;
	v46 =	vmul.f32 v42, v42;
	[tilespmem:$0x1F800] =	vst v12  }
0x242: {  	[tilespmem:$0x1F790] =	vst v21;
	v21 =	vadd.f32 v45, v12;
	v1 =	vadd.f32 v1, v10;
	v10 =	vmul.f32 v12, v12;
	v12 =	vld [tilespmem:$0x1FFD0]  }
0x243: {  	[tilespmem:$0x1F750] =	vst v59;
	v33 =	vld [tilespmem:s30+$0x0];
	v19 =	vadd.f32 v20, v19;
	v20 =	vadd.f32 v46, v30  }
0x244: {  	[tilespmem:$0x1F710] =	vst v60;
	v61 =	vld [tilespmem:s0+$0xFFFFFF20];
	v10 =	vadd.f32 v50, v10  }
0x245: {  	v55 =	vld.idx.msk [tilespmem:v51+s12+$0x0], $0xffff;
	v1 =	vadd.f32 v21, v1;
	v19 =	vadd.f32 v20, v19;
	v20 =	vor.u32 v7, v2  }
0x246: {  	v18 =	vshll.u32 v18, $0x7;
	[tilespmem:$0x1F7B0] =	vst v41;
	v50 =	vld [tilespmem:$0x1FF80]  }
0x247: {  	[tilespmem:$0x1F7C0] =	vst v38;
	v54 =	vmul.f32 v35, v36;
	v28 =	vld [tilespmem:s30+$0xFFFFFF20];
	v10 =	vadd.f32 v10, v19;
	v19 =	vperm.xlane v1, v12  }
0x248: {  	[tilespmem:$0x1F7D0] =	vst v35;
	v49 =	vmul.f32 v41, v36;
	v59 =	vor.u32 v25, v16;
	v60 =	vor.u32 v5, v16;
	v37 =	vld [tilespmem:s31+$0x0]  }
0x249: {  	v35 =	vor.u32 v31, v16;
	[tilespmem:$0x1F7E0] =	vst v0;
	v6 =	vld [tilespmem:s31+$0xFFFFFF10];
	v30 =	vor.u32 v25, v2;
	v0 =	vadd.f32 v1, v19  }
0x24a: {  	v57 =	vor.u32 v9, v16;
	v38 =	vor.u32 v25, v18;
	v46 =	vor.u32 v31, v2;
	v41 =	vld.idx.msk [tilespmem:v20+s12+$0x0], $0xffff  }
0x24b: {  	v25 =	vor.u32 v7, v16;
	v20 =	vor.u32 v47, v16;
	v16 =	vld [tilespmem:$0x1FF80];
	v51 =	vperm.xlane v0, v50  }
0x24c: {  	v23 =	vld [tilespmem:s30+$0xFFFFFF10];
	v19 =	vperm.xlane v10, v12  }
0x24d: {  	v0 =	vadd.f32 v0, v51;
	v51 =	vld [tilespmem:$0x1FFE0]  }
0x24e: {  	v30 =	vld.idx.msk [tilespmem:v30+s12+$0x0], $0xffff;
	v10 =	vadd.f32 v19, v10  }
0x24f: {  	v1 =	vor.u32 v31, v18;
	v31 =	vld.idx.msk [tilespmem:v46+s12+$0x0], $0xffff  }
0x250: {  	v3 =	vadd.f32 v3, v22;
	v32 =	vor.u32 v47, v2;
	v17 =	vld [tilespmem:s0+$0xFFFFFF10];
	v16 =	vperm.xlane v10, v16  }
0x251: {  	[tilespmem:$0x1F7A0] =	vst v43;
	v43 =	vor.u32 v5, v18;
	v5 =	vld [tilespmem:$0x1FFF0];
	v22 =	vadd.f32 v58, v28;
	v21 =	vor.u32 v9, v2  }
0x252: {  	v26 =	vmovc v63;
	v63 =	vld [tilespmem:s31+$0xFFFFFF30];
	v6 =	vadd.f32 v6, v23;
	v10 =	vadd.f32 v16, v10;
	v23 =	vperm.xlane v0, v51  }
0x253: {  	v2 =	vor.u32 v7, v18;
	v4 =	vadd.f32 v30, v4;
	v30 =	vadd.f32 v37, v33  }
0x254: {  	v58 =	vld.idx.msk [tilespmem:v25+s12+$0x0], $0xffff;
	v25 =	vadd.f32 v31, v61;
	v0 =	vadd.f32 v0, v23;
	v23 =	vperm.xlane v10, v51  }
0x255: {  	v28 =	vld.idx.msk [tilespmem:v38+s12+$0x0], $0xffff;
	v24 =	vadd.f32 v41, v24;
	v16 =	vadd.f32 v55, v17  }
0x256: {  	v7 =	vld [tilespmem:$0x1F710];
	v3 =	vadd.f32 v4, v3;
	v4 =	vperm.xlane v0, v5;
	v10 =	vadd.f32 v23, v10  }
0x257: {  	v46 =	vld.idx.msk [tilespmem:v59+s12+$0x0], $0xffff;
	v17 =	vadd.f32 v63, v62;
	v23 =	vadd.f32 v16, v6  }
0x258: {  	v33 =	vld.idx.msk [tilespmem:v2+s12+$0x0], $0xffff;
	v25 =	vadd.f32 v25, v22;
	v0 =	vadd.f32 v0, v4;
	v2 =	vperm.xlane v10, v5  }
0x259: {  	v59 =	vld.idx.msk [tilespmem:v35+s12+$0x0], $0xffff;
	v24 =	vadd.f32 v24, v17;
	v17 =	vmul.f32 v3, v3;
	v22 =	vmul.f32 v23, v23  }
0x25a: {  	v4 =	vld [tilespmem:s0+$0x0];
	v16 =	vmul.f32 $1.041666700e-02, v0;
	v0 =	vadd.f32 v2, v10  }
0x25b: {  	v35 =	vld [tilespmem:s30+$0x10];
	v38 =	vadd.f32 v22, v17;
	v10 =	vmul.f32 v25, v25;
	v22 =	vmul.f32 v24, v24  }
0x25c: {  	v2 =	vld [tilespmem:s31+$0x10]  }
0x25d: {  	v50 =	vadd.f32 v22, v10;
	v10 =	vld [tilespmem:$0x1F950];
	_ =	sdelay $0x1  }
0x25e: {  	v28 =	vadd.f32 v28, v4  }
0x25f: {  	v56 =	vor.u32 v47, v18;
	[tilespmem:$0x1F830] =	vst v13;
	v47 =	vadd.f32 v24, v25;
	v6 =	vadd.f32 v23, v3  }
0x260: {  	[tilespmem:$0x1F810] =	vst v8;
	v0 =	vmul.f32 $1.041666700e-02, v0;
	v40 =	vadd.f32 v28, v30;
	v28 =	vadd.f32 v2, v35;
	v2 =	vld [tilespmem:$0x1F930]  }
0x261: {  	v17 =	vadd.f32 v47, v6;
	v6 =	vmul.f32 v16, v16;
	v7 =	vmul.f32 v7, v10;
	v10 =	vmovc v25  }
0x262: {  	[tilespmem:$0x1F950] =	vst v10;
	v10 =	vld [tilespmem:$0x1F960]  }
0x263: {  	v0 =	vsub.f32 v0, v6;
	v6 =	vmul.f32 v15, v39;
	[tilespmem:$0x1F8A0] =	vst v7;
	v7 =	vld [tilespmem:$0x1F720]  }
0x264: {  	[tilespmem:$0x1F860] =	vst v11;
	v19 =	vor.u32 v9, v18;
	v18 =	vmul.f32 v8, v36;
	v36 =	vmul.f32 v13, v39;
	v8 =	vld [tilespmem:$0x1F730]  }
0x265: {  	v13 =	vmul.f32 v11, v39;
	v11 =	vld [tilespmem:$0x1F750];
	[tilespmem:$0x1F7F0] =	vst v6;
	v6 =	vmul.f32 v26, v2;
	v2 =	vmov v3  }
0x266: {  	[tilespmem:$0x1F930] =	vst v2;
	v2 =	vld [tilespmem:$0x1F940]  }
0x267: {  	v37 =	vld [tilespmem:s30+$0x20]  }
0x268: {  	v31 =	vld.idx.msk [tilespmem:v43+s12+$0x0], $0xffff;
	v7 =	vmul.f32 v7, v10  }
0x269: {  	v41 =	vld [tilespmem:s0+$0x10];
	v0 =	vadd.f32 $9.999999740e-06, v0  }
0x26a: {  	[tilespmem:$0x1F8D0] =	vst v7;
	v7 =	vld [tilespmem:$0x1FC50]  }
0x26b: {  	v1 =	vld.idx.msk [tilespmem:v1+s12+$0x0], $0xffff;
	v3 =	vmul.f32 v27, v2;
	v27 =	vshra.s32 v0, $0x1  }
0x26c: {  	v43 =	vsub.s32 $0x5F3759DF, v27;
	v27 =	vld [tilespmem:$0x1FC20]  }
0x26d: {  	[tilespmem:$0x1F870] =	vst v3;
	v3 =	vmul.f32 $5.000000000e-01, v0;
	v0 =	vld [tilespmem:$0x1F6E0]  }
0x26e: {  	[tilespmem:$0x1F820] =	vst v44;
	v55 =	vmul.f32 v44, v39;
	v44 =	vld [tilespmem:s31+$0x20]  }
0x26f: {  	v9 =	vadd.f32 v31, v41;
	v41 =	vld [tilespmem:s30+$0x80];
	v8 =	vsub.f32 v7, v8  }
0x270: {  	[tilespmem:$0x1F840] =	vst v6;
	v6 =	vld [tilespmem:$0x1FE70]  }
0x271: {  	[tilespmem:$0x1F910] =	vst v8;
	v8 =	vld [tilespmem:$0x1F740]  }
0x272: {  	v47 =	vld [tilespmem:s0+$0x20];
	v0 =	vsub.f32 v27, v0  }
0x273: {  	v31 =	vadd.f32 v50, v38;
	v50 =	vadd.f32 v9, v28;
	v28 =	vld [tilespmem:$0x1FC30]  }
0x274: {  	[tilespmem:$0x1F880] =	vst v0;
	v0 =	vld [tilespmem:$0x1F6F0]  }
0x275: {  	v30 =	vld [tilespmem:s30+$0x30]  }
0x276: {  	v62 =	vsub.f32 v6, v8;
	v8 =	vld [tilespmem:$0x1FA00]  }
0x277: {  	v35 =	vld [tilespmem:s31+$0x30]  }
0x278: {  	v1 =	vadd.f32 v1, v47;
	v47 =	vld [tilespmem:s31+$0x80]  }
0x279: {  	v9 =	vld [tilespmem:$0x1FC40];
	v0 =	vsub.f32 v28, v0  }
0x27a: {  	v2 =	vmov v23;
	v23 =	vld [tilespmem:s0+$0x30]  }
0x27b: {  	[tilespmem:$0x1F890] =	vst v0;
	v0 =	vld [tilespmem:$0x1F700];
	v8 =	vmul.f32 v11, v8  }
0x27c: {  	v37 =	vadd.f32 v44, v37;
	v11 =	vld [tilespmem:$0x1F760]  }
0x27d: {  	[tilespmem:$0x1F920] =	vst v8;
	v8 =	vld [tilespmem:$0x1FA10]  }
0x27e: {  	[tilespmem:$0x1F8B0] =	vst v29;
	v60 =	vld.idx.msk [tilespmem:v60+s12+$0x0], $0xffff;
	v22 =	vmul.f32 v29, v39;
	v29 =	vadd.f32 v1, v37  }
0x27f: {  	v1 =	vadd.f32 v35, v30;
	v35 =	vld [tilespmem:s30+$0x90];
	[tilespmem:$0x1F940] =	vst v2;
	v2 =	vsub.f32 v6, v34;
	v44 =	vmul.f32 v43, v3  }
0x280: {  	v34 =	vld [tilespmem:s31+$0x90]  }
0x281: {  	[tilespmem:$0x1F850] =	vst v2;
	v2 =	vld [tilespmem:s0+$0x90];
	v23 =	vadd.f32 v33, v23;
	v30 =	vmul.f32 v43, v44;
	v0 =	vsub.f32 v9, v0  }
0x282: {  	v41 =	vadd.f32 v47, v41;
	v47 =	vld [tilespmem:s30+$0xA0];
	v8 =	vmul.f32 v11, v8  }
0x283: {  	[tilespmem:$0x1F8C0] =	vst v0;
	v0 =	vsub.f32 $1.500000000e+00, v30;
	v30 =	vadd.f32 v23, v1;
	v23 =	vld [tilespmem:s31+$0xA0]  }
0x284: {  	[tilespmem:$0x1FA60] =	vst v8;
	v8 =	vld [tilespmem:$0x1F770]  }
0x285: {  	v63 =	vld [tilespmem:s0+$0x80]  }
0x286: {  	[tilespmem:$0x1F8E0] =	vst v14;
	v4 =	vmul.f32 v14, v39;
	v14 =	vld [tilespmem:$0x1F9D0];
	v35 =	vadd.f32 v34, v35;
	v2 =	vadd.f32 v60, v2  }
0x287: {  	v11 =	vld [tilespmem:$0x1F780]  }
0x288: {  	v2 =	vadd.f32 v2, v35;
	v35 =	vadd.f32 v23, v47;
	v23 =	vld.idx.msk [tilespmem:v57+s12+$0x0], $0xffff  }
0x289: {  	v57 =	vsub.f32 v27, v8;
	v8 =	vld [tilespmem:$0x1F9C0]  }
0x28a: {  	v25 =	vld [tilespmem:s0+$0xA0]  }
0x28b: {  	v37 =	vld [tilespmem:s30+$0xB0]  }
0x28c: {  	v38 =	vmul.f32 v40, v40;
	v60 =	vld [tilespmem:s0+$0xB0]  }
0x28d: {  	v26 =	vmul.f32 v50, v50;
	v0 =	vmul.f32 v43, v0;
	v43 =	vld [tilespmem:s31+$0xB0]  }
0x28e: {  	v1 =	vadd.f32 v46, v63;
	v63 =	vld [tilespmem:$0x1FE50];
	v8 =	vmul.f32 v11, v8  }
0x28f: {  	v38 =	vadd.f32 v26, v38;
	v11 =	vld [tilespmem:$0x1F7A0]  }
0x290: {  	v61 =	vmul.f32 v29, v29;
	v25 =	vadd.f32 v59, v25;
	v33 =	vadd.f32 v50, v40;
	[tilespmem:$0x1FAA0] =	vst v8;
	v8 =	vld [tilespmem:$0x1F790]  }
0x291: {  	[tilespmem:$0x1F900] =	vst v15;
	v60 =	vadd.f32 v58, v60;
	v15 =	vmul.f32 v30, v30;
	v1 =	vadd.f32 v1, v41  }
0x292: {  	v59 =	vmul.f32 v2, v2;
	v35 =	vadd.f32 v25, v35;
	v25 =	vadd.f32 v43, v37  }
0x293: {  	v46 =	vadd.f32 v15, v61;
	v61 =	vmul.f32 v1, v1;
	v26 =	vsub.f32 v63, v48  }
0x294: {  	v34 =	vmul.f32 v0, v3;
	v48 =	vadd.f32 v30, v29;
	v37 =	vadd.f32 v60, v25  }
0x295: {  	v43 =	vadd.f32 v59, v61;
	v11 =	vmul.f32 v11, v14;
	v59 =	vsub.f32 v9, v8;
	v8 =	vmovc v1  }
0x296: {  	v41 =	vadd.f32 v2, v1;
	v39 =	vmul.f32 v34, v0;
	[tilespmem:$0x1F9C0] =	vst v8;
	v8 =	vadd.f32 v37, v35  }
0x297: {  	v15 =	vadd.f32 v48, v33;
	[tilespmem:$0x1FAD0] =	vst v11;
	v11 =	vld [tilespmem:$0x1F7B0]  }
0x298: {  	v48 =	vsub.f32 $1.500000000e+00, v39;
	v39 =	vadd.f32 v8, v41;
	v8 =	vld [tilespmem:$0x1F9F0]  }
0x299: {  	v20 =	vld.idx.msk [tilespmem:v20+s12+$0x0], $0xffff;
	v10 =	vmov v24  }
0x29a: {  	[tilespmem:$0x1F960] =	vst v10;
	v10 =	vld.idx.msk [tilespmem:v21+s12+$0x0], $0xffff;
	v14 =	vmov v2  }
0x29b: {  	[tilespmem:$0x1F9D0] =	vst v14;
	v14 =	vld [tilespmem:$0x1F9E0]  }
0x29c: {  	v1 =	vld [tilespmem:s0+$0xFFFFFF40]  }
0x29d: {  	v41 =	vmul.f32 v11, v8;
	v11 =	vld [tilespmem:$0x1F7C0]  }
0x29e: {  	v21 =	vld.idx.msk [tilespmem:v32+s12+$0x0], $0xffff  }
0x29f: {  	v32 =	vld [tilespmem:s31+$0xFFFFFF40]  }
0x2a0: {  	v44 =	vld.idx.msk [tilespmem:v56+s12+$0x0], $0xffff  }
0x2a1: {  	v1 =	vadd.f32 v10, v1;
	v10 =	vld [tilespmem:$0x1FA70]  }
0x2a2: {  	v0 =	vmul.f32 v48, v0;
	v48 =	vmul.f32 v11, v14;
	v11 =	vld [tilespmem:$0x1F7D0]  }
0x2a3: {  	v33 =	vld.idx.msk [tilespmem:v19+s12+$0x0], $0xffff;
	v19 =	vadd.f32 v46, v38;
	v46 =	vmul.f32 v35, v35  }
0x2a4: {  	v56 =	vsub.f32 v7, v54;
	v54 =	vld [tilespmem:s30+$0xFFFFFF50];
	v34 =	vmul.f32 v37, v37;
	v3 =	vmul.f32 v0, v3  }
0x2a5: {  	v47 =	vld [tilespmem:s30+$0xFFFFFF40];
	v61 =	vsub.f32 v63, v18  }
0x2a6: {  	v38 =	vsub.f32 v28, v13;
	v13 =	vld [tilespmem:$0x1FC00];
	v18 =	vadd.f32 v34, v46;
	v3 =	vmul.f32 v3, v0  }
0x2a7: {  	v60 =	vsub.f32 v27, v36;
	v25 =	vmul.f32 v11, v10;
	v10 =	vld [tilespmem:$0x1FBE0]  }
0x2a8: {  	v36 =	vadd.f32 v18, v43;
	v43 =	vld [tilespmem:s31+$0x50];
	v3 =	vsub.f32 $1.500000000e+00, v3;
	v8 =	vmov v35  }
0x2a9: {  	[tilespmem:$0x1F9F0] =	vst v8;
	v8 =	vld [tilespmem:s0+$0xFFFFFF50]  }
0x2aa: {  	v2 =	vld [tilespmem:s31+$0xFFFFFF50];
	v0 =	vmul.f32 v3, v0  }
0x2ab: {  	v3 =	vld [tilespmem:s30+$0x40]  }
0x2ac: {  	v34 =	vmul.f32 v0, v10;
	v10 =	vld [tilespmem:$0x1FE40]  }
0x2ad: {  	v58 =	vsub.f32 v28, v49;
	v47 =	vadd.f32 v32, v47;
	v35 =	vld [tilespmem:s31+$0x40]  }
0x2ae: {  	v49 =	vsub.f32 v9, v22;
	v14 =	vmov v37;
	v37 =	vld [tilespmem:s0+$0x40];
	v22 =	vadd.f32 v21, v8  }
0x2af: {  	v11 =	vadd.f32 v1, v47;
	v1 =	vadd.f32 v2, v54;
	v2 =	vld [tilespmem:$0x1FBF0]  }
0x2b0: {  	v8 =	vld [tilespmem:$0x1FE60]  }
0x2b1: {  	v21 =	vmul.f32 v0, v13;
	v13 =	vadd.f32 v22, v1;
	v1 =	vld [tilespmem:$0x1FC10];
	v18 =	vmul.f32 v0, v10  }
0x2b2: {  	[tilespmem:$0x1F9E0] =	vst v14;
	v14 =	vld [tilespmem:s0+$0xD0]  }
0x2b3: {  	v47 =	vld [tilespmem:s0+$0x50];
	v32 =	vmul.f32 v18, v16  }
0x2b4: {  	v55 =	vsub.f32 v6, v55;
	v3 =	vadd.f32 v35, v3;
	v10 =	vmul.f32 v0, v2;
	v2 =	vld [tilespmem:s30+$0x50]  }
0x2b5: {  	s17 =	sadd.s32 $0x200, s17;
	s16 =	sadd.s32 $0x400, s16;
	v35 =	vld [tilespmem:s30+$0xC0];
	v54 =	vsub.f32 v7, v4;
	v4 =	vmul.f32 v18, v45;
	v18 =	vsub.f32 v63, v32  }
0x2b6: {  	s10 =	sadd.s32 $0xFFFFFF00, s17;
	s3 =	smov.u32 s9;
	s9 =	sand.u32 $0x7800, s16;
	v8 =	vmul.f32 v0, v8;
	v1 =	vmul.f32 v0, v1;
	v0 =	vadd.f32 v33, v37;
	v45 =	vld [tilespmem:s0+$0xC0]  }
0x2b7: {  	s13 =	sand.u32 $0x280, s10;
	s9 =	sadd.s32 $0xF700, s9;
	v14 =	vadd.f32 v20, v14;
	v22 =	vld [tilespmem:s31+$0xC0];
	v4 =	vadd.f32 v18, v4  }
0x2b8: {  	s10 =	sadd.s32 s13, s9;
	v46 =	vmul.f32 v11, v11;
	v32 =	vmul.f32 v13, v13;
	v18 =	vadd.f32 v0, v3  }
0x2b9: {  	v0 =	vadd.f32 v43, v2;
	v2 =	vld [tilespmem:s30+$0xD0];
	[tilespmem:s10+$0x50] =	vst v4;
	v4 =	vadd.f32 v44, v47  }
0x2ba: {  	v24 =	vmul.f32 v21, v16;
	v3 =	vadd.f32 v13, v11;
	v46 =	vadd.f32 v32, v46;
	v44 =	vld [tilespmem:s31+$0xD0]  }
0x2bb: {  	[tilespmem:$0x1FA00] =	vst v11;
	v33 =	vmul.f32 v34, v16;
	v11 =	vadd.f32 v23, v45;
	v32 =	vadd.f32 v4, v0  }
0x2bc: {  	v47 =	vmul.f32 v18, v18;
	v3 =	vadd.f32 v3, v17;
	v4 =	vadd.f32 v22, v35  }
0x2bd: {  	v17 =	vadd.f32 v46, v31;
	v46 =	vld [tilespmem:$0x1FF80];
	v0 =	vmul.f32 v34, v52;
	v22 =	vadd.f32 v32, v18  }
0x2be: {  	[tilespmem:$0x1FA10] =	vst v13;
	v31 =	vperm.xlane v3, v12;
	v23 =	vmul.f32 v32, v32;
	v13 =	vadd.f32 v11, v4  }
0x2bf: {  	v4 =	vperm.xlane v17, v12;
	v2 =	vadd.f32 v44, v2;
	v11 =	vadd.f32 v22, v15  }
0x2c0: {  	v3 =	vadd.f32 v3, v31;
	v15 =	vadd.f32 v23, v47;
	v20 =	vmul.f32 v13, v13  }
0x2c1: {  	v4 =	vadd.f32 v4, v17;
	v2 =	vadd.f32 v14, v2;
	v22 =	vperm.xlane v11, v12  }
0x2c2: {  	v17 =	vsub.f32 v6, v33;
	v14 =	vperm.xlane v3, v46;
	v15 =	vadd.f32 v15, v19  }
0x2c3: {  	v19 =	vadd.f32 v2, v13;
	v11 =	vadd.f32 v11, v22;
	v22 =	vmul.f32 v2, v2  }
0x2c4: {  	v3 =	vadd.f32 v3, v14;
	v14 =	vperm.xlane v4, v46;
	v23 =	vperm.xlane v15, v12  }
0x2c5: {  	v19 =	vadd.f32 v19, v39;
	v31 =	vperm.xlane v11, v46;
	v20 =	vadd.f32 v22, v20  }
0x2c6: {  	v4 =	vadd.f32 v14, v4;
	v22 =	vperm.xlane v3, v51;
	v14 =	vadd.f32 v23, v15  }
0x2c7: {  	v11 =	vadd.f32 v11, v31;
	v15 =	vadd.f32 v20, v36;
	v20 =	vperm.xlane v19, v12  }
0x2c8: {  	v3 =	vadd.f32 v3, v22;
	v22 =	vperm.xlane v4, v51;
	v23 =	vperm.xlane v14, v46  }
0x2c9: {  	v31 =	vperm.xlane v11, v51;
	v19 =	vadd.f32 v19, v20;
	v20 =	vperm.xlane v15, v12  }
0x2ca: {  	v52 =	vperm.xlane v3, v5;
	v4 =	vadd.f32 v22, v4;
	v14 =	vadd.f32 v23, v14  }
0x2cb: {  	v11 =	vadd.f32 v11, v31;
	v22 =	vperm.xlane v19, v46;
	v15 =	vadd.f32 v20, v15  }
0x2cc: {  	v3 =	vadd.f32 v3, v52;
	v20 =	vperm.xlane v4, v5;
	v23 =	vperm.xlane v14, v51  }
0x2cd: {  	v31 =	vperm.xlane v11, v5;
	v22 =	vadd.f32 v19, v22;
	v19 =	vperm.xlane v15, v46  }
0x2ce: {  	v45 =	vmul.f32 $1.041666700e-02, v3;
	v3 =	vadd.f32 v20, v4;
	v4 =	vadd.f32 v23, v14  }
0x2cf: {  	v6 =	vld [tilespmem:$0x1F7F0];
	v11 =	vadd.f32 v11, v31;
	v14 =	vperm.xlane v22, v51;
	v15 =	vadd.f32 v19, v15  }
0x2d0: {  	v37 =	vmul.f32 v10, v16;
	v43 =	vmul.f32 v8, v16  }
0x2d1: {  	v39 =	vmul.f32 $1.041666700e-02, v11;
	v11 =	vadd.f32 v22, v14;
	v14 =	vperm.xlane v15, v51  }
0x2d2: {  	v16 =	vmul.f32 v1, v16;
	v52 =	vmul.f32 v21, v42  }
0x2d3: {  	v3 =	vmul.f32 $1.041666700e-02, v3;
	v22 =	vmul.f32 v45, v45;
	v14 =	vadd.f32 v14, v15  }
0x2d4: {  	v35 =	vmovc v62;
	v42 =	vsub.f32 v63, v6;
	v6 =	vld [tilespmem:$0x1F800];
	v23 =	vperm.xlane v4, v5;
	v62 =	vperm.xlane v11, v5  }
0x2d5: {  	v3 =	vsub.f32 v3, v22;
	v22 =	vsub.f32 v7, v16;
	v16 =	vperm.xlane v14, v5;
	v5 =	vld [tilespmem:$0x1F7E0];
	_ =	sdelay $0x1  }
0x2d6: {  	v23 =	vadd.f32 v23, v4;
	_ =	sdelay $0x1  }
0x2d7: {  	v31 =	vmul.f32 v39, v39;
	v15 =	vmul.f32 $1.041666700e-02, v23;
	v7 =	vld [tilespmem:$0x1F810]  }
0x2d8: {  	v11 =	vadd.f32 v11, v62;
	v5 =	vmul.f32 v10, v5;
	v10 =	vmul.f32 v1, v6;
	v6 =	vld [tilespmem:$0x1FA80]  }
0x2d9: {  	v3 =	vadd.f32 $9.999999740e-06, v3  }
0x2da: {  	v23 =	vsub.f32 v15, v31;
	v36 =	vmul.f32 $1.041666700e-02, v11;
	v11 =	vadd.f32 v16, v14  }
0x2db: {  	v19 =	vsub.f32 v27, v37;
	v14 =	vshra.s32 v3, $0x1  }
0x2dc: {  	v15 =	vmul.f32 $5.000000000e-01, v3;
	v3 =	vadd.f32 $9.999999740e-06, v23;
	v11 =	vmul.f32 $1.041666700e-02, v11  }
0x2dd: {  	v14 =	vsub.s32 $0x5F3759DF, v14;
	v23 =	vmul.f32 v36, v36;
	v37 =	vmul.f32 v7, v6;
	v6 =	vmovc v2;
	v7 =	vld [tilespmem:$0x1F820]  }
0x2de: {  	v4 =	vsub.f32 v9, v24;
	v24 =	vmul.f32 v14, v15;
	[tilespmem:$0x1FA80] =	vst v6;
	v6 =	vld [tilespmem:$0x1F980]  }
0x2df: {  	v11 =	vsub.f32 v11, v23  }
0x2e0: {  	v21 =	vmul.f32 v14, v24  }
0x2e1: {  	v1 =	vadd.f32 $9.999999740e-06, v11  }
0x2e2: {  	v8 =	vmul.f32 v8, v53;
	v9 =	vld [tilespmem:$0x1F850];
	v2 =	vsub.f32 $1.500000000e+00, v21  }
0x2e3: {  	v21 =	vshra.s32 v1, $0x1;
	v53 =	vmul.f32 v7, v6;
	v6 =	vmovc v40;
	v40 =	vmul.f32 $5.000000000e-01, v1;
	v1 =	vld [tilespmem:$0x1F990]  }
0x2e4: {  	v31 =	vshra.s32 v3, $0x1;
	v16 =	vmul.f32 $5.000000000e-01, v3;
	[tilespmem:$0x1F980] =	vst v6;
	v6 =	vld [tilespmem:$0x1F830]  }
0x2e5: {  	v3 =	vsub.s32 $0x5F3759DF, v31;
	v7 =	vld [tilespmem:$0x1F840]  }
0x2e6: {  	v23 =	vmul.f32 v3, v16;
	_ =	sdelay $0x1  }
0x2e7: {  	v11 =	vmul.f32 v3, v23  }
0x2e8: {  	v6 =	vmul.f32 v6, v1;
	v1 =	vmov v50  }
0x2e9: {  	[tilespmem:$0x1F990] =	vst v1;
	v1 =	vsub.f32 $1.500000000e+00, v11;
	v11 =	vadd.f32 v9, v7;
	v7 =	vld [tilespmem:$0x1F9A0]  }
0x2ea: {  	v9 =	vld [tilespmem:$0x1F860]  }
0x2eb: {  	v23 =	vsub.s32 $0x5F3759DF, v21;
	v21 =	vmul.f32 v3, v1;
	v1 =	vld [tilespmem:$0x1F870]  }
0x2ec: {  	v3 =	vld [tilespmem:$0x1F880];
	_ =	sdelay $0x1  }
0x2ed: {  	v20 =	vsub.f32 v28, v43;
	v28 =	vmul.f32 v14, v2  }
0x2ee: {  	v2 =	vmul.f32 v23, v40;
	v7 =	vmul.f32 v9, v7;
	v9 =	vmov v29  }
0x2ef: {  	[tilespmem:$0x1F9A0] =	vst v9;
	v9 =	vld [tilespmem:$0x1F8A0]  }
0x2f0: {  	v1 =	vadd.f32 v3, v1;
	v3 =	vmul.f32 v23, v2;
	v2 =	vld [tilespmem:$0x1F890];
	_ =	sdelay $0x3  }
0x2f1: {  	s2 =	smov.u32 s6  }
0x2f2: {  	[tilespmem:s2+$0x0] =	vst v11;
	v11 =	vadd.f32 v2, v9;
	v2 =	vld [tilespmem:$0x1F9B0]  }
0x2f3: {  	v9 =	vld [tilespmem:$0x1F8B0];
	_ =	sdelay $0x3  }
0x2f4: {  	[tilespmem:s2+$0x10] =	vst v1;
	v1 =	vld [tilespmem:$0x1F8C0]  }
0x2f5: {  	v2 =	vmul.f32 v9, v2;
	v9 =	vld [tilespmem:$0x1F8D0];
	_ =	sdelay $0x4  }
0x2f6: {  	v29 =	vadd.f32 v1, v9;
	v1 =	vsub.f32 $1.500000000e+00, v3;
	v3 =	vld [tilespmem:$0x1FA40]  }
0x2f7: {  	v9 =	vld [tilespmem:$0x1F8E0];
	_ =	sdelay $0x3  }
0x2f8: {  	[tilespmem:s2+$0x20] =	vst v11;
	v11 =	vld [tilespmem:$0x1F900]  }
0x2f9: {  	v3 =	vmul.f32 v9, v3;
	v9 =	vld [tilespmem:$0x1F8F0];
	_ =	sdelay $0x4  }
0x2fa: {  	v12 =	vmul.f32 v11, v9;
	v9 =	vmov v30;
	v11 =	vld [tilespmem:$0x1F920]  }
0x2fb: {  	s20 =	sadd.s32 $0x4, s20;
	[tilespmem:$0x1F9B0] =	vst v9;
	v9 =	vld [tilespmem:$0x1F910]  }
0x2fc: {  	p1 =	slt.u32 s20, $0x4C  }
.Ltmp0:
0x2fd: {  	v14 =	vmul.f32 v28, v15;
	(pc) =	sbr.rel @p1 .LBB2_3-.Ltmp0, $4  }
0x2fe: {  	s18 =	sadd.s32 $0x18, s18  }
0x2ff: {  	s5 =	sadd.s32 $0xFFFFFE80, s17;
	s28 =	smov.u32 s19;
	s19 =	sadd.s32 $0xFFFFFF80, s17;
	[tilespmem:$0x1FA70] =	vst v13;
	v14 =	vmul.f32 v14, v28;
	v24 =	vmul.f32 v21, v16  }
0x300: {  	s5 =	sand.u32 $0x200, s5;
	s13 =	sand.u32 $0x380, s17;
	s7 =	sand.u32 $0x300, s19;
	[tilespmem:s2+$0x30] =	vst v29;
	v9 =	vadd.f32 v9, v11;
	v11 =	vmov v18  }
0x301: {  	s6 =	sadd.s32 s5, s9;
	s19 =	sadd.s32 s7, s9;
	s9 =	sadd.s32 s13, s9;
	v47 =	vmov v26;
	v13 =	vsub.f32 $1.500000000e+00, v14;
	v26 =	vmul.f32 v24, v21;
	[tilespmem:$0x1FA40] =	vst v11  }
0x302: {  	v1 =	vmul.f32 v23, v1;
	_ =	sdelay $0x1  }
0x303: {  	v11 =	vmul.f32 v1, v40;
	_ =	sdelay $0x1  }
0x304: {  	v13 =	vmul.f32 v13, v28;
	v11 =	vmul.f32 v11, v1;
	_ =	sdelay $0x1  }
0x305: {  	v15 =	vmul.f32 v13, v15;
	v11 =	vsub.f32 $1.500000000e+00, v11;
	_ =	sdelay $0x1  }
0x306: {  	v1 =	vmul.f32 v11, v1;
	v11 =	vmul.f32 v15, v13;
	v15 =	vld [tilespmem:$0x1FA60]  }
0x307: {  	v24 =	vld [tilespmem:$0x1FBE0]  }
0x308: {  	v50 =	vld [tilespmem:$0x1FBF0]  }
0x309: {  	v5 =	vadd.f32 v19, v5;
	v19 =	vld [tilespmem:$0x1FAD0]  }
0x30a: {  	v0 =	vadd.f32 v17, v0;
	v31 =	vld [tilespmem:$0x1FE60];
	v11 =	vsub.f32 $1.500000000e+00, v11;
	v17 =	vmul.f32 v1, v40  }
0x30b: {  	v29 =	vld [tilespmem:$0x1FC00];
	v14 =	vsub.f32 $1.500000000e+00, v26;
	v15 =	vadd.f32 v47, v15  }
0x30c: {  	v11 =	vmul.f32 v11, v13;
	v13 =	vmul.f32 v17, v1;
	v17 =	vld [tilespmem:$0x1FAA0];
	[tilespmem:s2+$0x40] =	vst v9  }
0x30d: {  	v14 =	vmul.f32 v14, v21;
	v30 =	vld [tilespmem:$0x1FC10];
	[tilespmem:s2+$0x50] =	vst v15  }
0x30e: {  	v8 =	vadd.f32 v20, v8;
	v33 =	vld [tilespmem:$0x1FE40];
	[tilespmem:s10+$0x0] =	vst v0  }
0x30f: {  	v4 =	vadd.f32 v4, v52;
	v16 =	vmul.f32 v14, v16;
	[tilespmem:s10+$0x10] =	vst v5  }
0x310: {  	[tilespmem:s10+$0x20] =	vst v8  }
0x311: {  	v16 =	vmul.f32 v16, v14;
	[tilespmem:s10+$0x30] =	vst v4  }
0x312: {  	v4 =	vadd.f32 v60, v6;
	v6 =	vld [tilespmem:$0x1F930]  }
0x313: {  	v16 =	vsub.f32 $1.500000000e+00, v16  }
0x314: {  	v10 =	vadd.f32 v22, v10  }
0x315: {  	v14 =	vmul.f32 v16, v14;
	v16 =	vmul.f32 v11, v24  }
0x316: {  	[tilespmem:s10+$0x40] =	vst v10  }
0x317: {  	v10 =	vmul.f32 v16, v45;
	v6 =	vmul.f32 v16, v6;
	v16 =	vld [tilespmem:$0x1F940];
	_ =	sdelay $0x1  }
0x318: {  	v17 =	vadd.f32 v35, v17  }
0x319: {  	v18 =	vmul.f32 v11, v50  }
0x31a: {  	[tilespmem:s3+$0x0] =	vst v17  }
0x31b: {  	v17 =	vmul.f32 v18, v45;
	v16 =	vmul.f32 v18, v16;
	v18 =	vld [tilespmem:$0x1F950];
	_ =	sdelay $0x1  }
0x31c: {  	v19 =	vadd.f32 v57, v19  }
0x31d: {  	v20 =	vmul.f32 v11, v31  }
0x31e: {  	[tilespmem:s3+$0x10] =	vst v19  }
0x31f: {  	v19 =	vmul.f32 v20, v45;
	v18 =	vmul.f32 v20, v18;
	v20 =	vld [tilespmem:$0x1F960];
	_ =	sdelay $0x1  }
0x320: {  	v9 =	vadd.f32 v58, v41  }
0x321: {  	v21 =	vmul.f32 v11, v29;
	v15 =	vadd.f32 v59, v48  }
0x322: {  	v0 =	vadd.f32 v56, v25;
	[tilespmem:s3+$0x20] =	vst v9  }
0x323: {  	v9 =	vadd.f32 v42, v12;
	v12 =	vmul.f32 v21, v45;
	v20 =	vmul.f32 v21, v20;
	v21 =	vld [tilespmem:$0x1FA00];
	[tilespmem:s3+$0x30] =	vst v15  }
0x324: {  	v5 =	vadd.f32 v61, v37;
	v34 =	vld [tilespmem:$0x1FE70];
	[tilespmem:s3+$0x40] =	vst v0  }
0x325: {  	v0 =	vld [tilespmem:$0x1FA10]  }
0x326: {  	v56 =	vld [tilespmem:$0x1FC20];
	[tilespmem:s3+$0x50] =	vst v5  }
0x327: {  	v57 =	vld [tilespmem:$0x1FC30];
	_ =	sdelay $0x2  }
0x328: {  	v8 =	vadd.f32 v55, v53;
	v10 =	vsub.f32 v34, v10  }
0x329: {  	v7 =	vadd.f32 v38, v7  }
0x32a: {  	[tilespmem:s28+$0x0] =	vst v8;
	v5 =	vadd.f32 v10, v6;
	v10 =	vsub.f32 v57, v19  }
0x32b: {  	[tilespmem:s28+$0x10] =	vst v4  }
0x32c: {  	v2 =	vadd.f32 v49, v2;
	v4 =	vadd.f32 v10, v18;
	v10 =	vld [tilespmem:$0x1F9C0];
	[tilespmem:s28+$0x20] =	vst v7  }
0x32d: {  	v13 =	vsub.f32 $1.500000000e+00, v13;
	v7 =	vld [tilespmem:$0x1F9D0]  }
0x32e: {  	v3 =	vadd.f32 v54, v3;
	v58 =	vld [tilespmem:$0x1FC40];
	[tilespmem:s28+$0x30] =	vst v2  }
0x32f: {  	v22 =	vmul.f32 v14, v24;
	v1 =	vmul.f32 v13, v1;
	v2 =	vld [tilespmem:$0x1F9F0]  }
0x330: {  	v13 =	vmul.f32 v11, v30;
	v11 =	vmul.f32 v11, v33;
	v59 =	vld [tilespmem:$0x1FC50];
	[tilespmem:s28+$0x40] =	vst v3  }
0x331: {  	v23 =	vmul.f32 v14, v50;
	v24 =	vmul.f32 v1, v24;
	v60 =	vld [tilespmem:$0x1FE50]  }
0x332: {  	v51 =	vmul.f32 v1, v50;
	v15 =	vmul.f32 v11, v45;
	v17 =	vsub.f32 v56, v17  }
0x333: {  	v21 =	vmul.f32 v13, v21;
	v13 =	vmul.f32 v13, v45  }
0x334: {  	v0 =	vmul.f32 v11, v0;
	v8 =	vadd.f32 v17, v16;
	[tilespmem:s28+$0x50] =	vst v9;
	v12 =	vsub.f32 v58, v12  }
0x335: {  	v11 =	vmul.f32 v14, v31;
	v17 =	vmul.f32 v24, v36;
	[tilespmem:s6+$0x0] =	vst v5;
	v13 =	vsub.f32 v59, v13  }
0x336: {  	v18 =	vmul.f32 v51, v36;
	[tilespmem:s6+$0x10] =	vst v8;
	v3 =	vadd.f32 v12, v20;
	v15 =	vsub.f32 v60, v15  }
0x337: {  	v17 =	vsub.f32 v34, v17;
	[tilespmem:s6+$0x20] =	vst v4;
	v10 =	vmul.f32 v24, v10;
	v9 =	vadd.f32 v13, v21  }
0x338: {  	v18 =	vsub.f32 v56, v18;
	v0 =	vadd.f32 v15, v0;
	v15 =	vmul.f32 v23, v39;
	[tilespmem:s6+$0x30] =	vst v3  }
0x339: {  	v8 =	vmul.f32 v11, v39;
	v7 =	vmul.f32 v51, v7;
	[tilespmem:s6+$0x40] =	vst v9;
	v9 =	vadd.f32 v17, v10  }
0x33a: {  	v52 =	vmul.f32 v1, v31;
	v10 =	vsub.f32 v56, v15;
	v15 =	vld [tilespmem:$0x1F9E0];
	[tilespmem:s6+$0x50] =	vst v0  }
0x33b: {  	v27 =	vmul.f32 v1, v29;
	v0 =	vadd.f32 v18, v7;
	v7 =	vsub.f32 v57, v8;
	v8 =	vld [tilespmem:$0x1FA70];
	[tilespmem:s9+$0x0] =	vst v9  }
0x33c: {  	v19 =	vmul.f32 v52, v36;
	v9 =	vld [tilespmem:$0x1FA80]  }
0x33d: {  	v55 =	vmul.f32 v1, v30;
	v12 =	vmul.f32 v27, v36  }
0x33e: {  	v16 =	vmul.f32 v14, v30;
	v19 =	vsub.f32 v57, v19;
	v2 =	vmul.f32 v52, v2  }
0x33f: {  	v1 =	vmul.f32 v1, v33;
	v12 =	vsub.f32 v58, v12;
	v15 =	vmul.f32 v27, v15  }
0x340: {  	v2 =	vadd.f32 v19, v2;
	v3 =	vmul.f32 v16, v39  }
0x341: {  	v20 =	vmul.f32 v1, v36;
	[tilespmem:s9+$0x10] =	vst v0;
	v1 =	vmul.f32 v1, v9;
	v9 =	vadd.f32 v12, v15  }
0x342: {  	v0 =	vsub.f32 v59, v3;
	v3 =	vld [tilespmem:$0x1F980];
	[tilespmem:s9+$0x20] =	vst v2  }
0x343: {  	v13 =	vmul.f32 v55, v36;
	v12 =	vld [tilespmem:$0x1F990];
	[tilespmem:s9+$0x30] =	vst v9  }
0x344: {  	v9 =	vld [tilespmem:$0x1F9A0]  }
0x345: {  	v13 =	vsub.f32 v59, v13;
	v8 =	vmul.f32 v55, v8  }
0x346: {  	v5 =	vmul.f32 v22, v39  }
0x347: {  	v6 =	vmul.f32 v14, v29;
	v14 =	vmul.f32 v14, v33;
	v8 =	vadd.f32 v13, v8  }
0x348: {  	v5 =	vsub.f32 v34, v5;
	v20 =	vsub.f32 v60, v20;
	v3 =	vmul.f32 v22, v3  }
0x349: {  	v4 =	vmul.f32 v6, v39;
	v9 =	vmul.f32 v11, v9;
	v11 =	vld [tilespmem:$0x1F9B0];
	[tilespmem:s9+$0x40] =	vst v8  }
0x34a: {  	v21 =	vmul.f32 v14, v39;
	v1 =	vadd.f32 v20, v1;
	v3 =	vadd.f32 v5, v3;
	v5 =	vld [tilespmem:$0x1FA40]  }
0x34b: {  	s0 =	simm.s32 $0x16;
	v12 =	vmul.f32 v23, v12  }
0x34c: {  	v4 =	vsub.f32 v58, v4;
	v2 =	vsub.f32 v60, v21;
	[tilespmem:s9+$0x50] =	vst v1;
	v1 =	vmov s0  }
0x34d: {  	v8 =	vadd.f32 v10, v12;
	v10 =	vmul.f32 v14, v32;
	v1 =	vand.u32 $0xFFFFFFFE, v1  }
0x34e: {  	[tilespmem:s19+$0x0] =	vst v3;
	v7 =	vadd.f32 v7, v9;
	v1 =	vbroadcast v1, $0x0;
	v6 =	vmul.f32 v6, v11  }
0x34f: {  	[tilespmem:s19+$0x10] =	vst v8;
	v2 =	vadd.f32 v2, v10;
	v5 =	vmul.f32 v16, v5  }
0x350: {  	[tilespmem:s19+$0x20] =	vst v7;
	v3 =	vadd.f32 v4, v6  }
0x351: {  	[tilespmem:s19+$0x50] =	vst v2;
	v0 =	vadd.f32 v0, v5  }
0x352: {  	[tilespmem:s19+$0x30] =	vst v3  }
0x353: {  	[tilespmem:s19+$0x40] =	vst v0  }
0x354: {  	v7 =	vld.idx.msk [tilespmem:v1+s1+$0x0], $0xffff  }
0x355: {  	v63 =	vld [tilespmem:$0x1FCD0]  }
0x356: {  	v52 =	vld [tilespmem:$0x1FCF0]  }
0x357: {  	v55 =	vld [tilespmem:$0x1FE30]  }
0x358: {  	v54 =	vld [tilespmem:$0x1FD00]  }
0x359: {  	v35 =	vld [tilespmem:$0x1FD20]  }
0x35a: {  	s6 =	simm.s32 $0x4;
	v36 =	vld [tilespmem:$0x1FD30]  }
0x35b: {  	s9 =	simm.s32 $0xA;
	v4 =	vmov s4;
	v3 =	vmov s6;
	v42 =	vld [tilespmem:$0x1FD90]  }
0x35c: {  	v2 =	vmov s9;
	v3 =	vand.u32 $0xFFFFFFFC, v3;
	v37 =	vld [tilespmem:$0x1FD40]  }
0x35d: {  	s7 =	simm.s32 $0x5;
	s10 =	simm.s32 $0xB;
	v2 =	vand.u32 $0xFFFFFFFA, v2;
	v3 =	vbroadcast v3, $0x0;
	v43 =	vld [tilespmem:$0x1FDA0]  }
0x35e: {  	s16 =	simm.s32 $0x11;
	v2 =	vbroadcast v2, $0x0;
	v5 =	vmov s10;
	v0 =	vmov s7;
	v38 =	vld [tilespmem:$0x1FD50]  }
0x35f: {  	s13 =	simm.s32 $0x10;
	v5 =	vand.u32 $0xFFFFFFFB, v5;
	v0 =	vand.u32 $0xFFFFFFFD, v0;
	v1 =	vmov s16;
	v39 =	vld [tilespmem:$0x1FD60]  }
0x360: {  	v0 =	vbroadcast v0, $0x0;
	v6 =	vld.idx.msk [tilespmem:v4+s1+$0x0], $0xffff;
	v4 =	vmov s13;
	v1 =	vand.u32 $0xFFFFFFF9, v1  }
0x361: {  	v8 =	vbroadcast v5, $0x0;
	v44 =	vld [tilespmem:$0x1FDB0];
	v4 =	vand.u32 $0xFFFFFFF8, v4;
	v1 =	vbroadcast v1, $0x0  }
0x362: {  	v45 =	vld [tilespmem:$0x1FDC0];
	v9 =	vbroadcast v4, $0x0;
	v56 =	vmul.f32 v7, v35  }
0x363: {  	v57 =	vmul.f32 v7, v36;
	v58 =	vmul.f32 v7, v37;
	v4 =	vld.idx.msk [tilespmem:v3+s1+$0x0], $0xffff  }
0x364: {  	v59 =	vmul.f32 v7, v38;
	v60 =	vmul.f32 v7, v39;
	v3 =	vld.idx.msk [tilespmem:v2+s1+$0x0], $0xffff  }
0x365: {  	v33 =	vld [tilespmem:$0x1FD10];
	v10 =	vmul.f32 v6, v52;
	v61 =	vmul.f32 v6, v42  }
0x366: {  	v62 =	vmul.f32 v6, v43;
	v5 =	vld.idx.msk [tilespmem:v0+s1+$0x0], $0xffff;
	v0 =	vmul.f32 v7, v63  }
0x367: {  	v2 =	vld.idx.msk [tilespmem:v8+s1+$0x0], $0xffff;
	v34 =	vmul.f32 v6, v44;
	v53 =	vmul.f32 v6, v45;
	v25 =	vadd.f32 v61, v57  }
0x368: {  	v8 =	vadd.f32 v10, v0;
	v10 =	vmul.f32 v6, v55;
	v0 =	vld.idx.msk [tilespmem:v9+s1+$0x0], $0xffff;
	v9 =	vmul.f32 v4, v63  }
0x369: {  	v1 =	vld.idx.msk [tilespmem:v1+s1+$0x0], $0xffff;
	v26 =	vadd.f32 v62, v58;
	v13 =	vmul.f32 v3, v63;
	v21 =	vmul.f32 v4, v36  }
0x36a: {  	v61 =	vadd.f32 v53, v60;
	v24 =	vmul.f32 v4, v37;
	v62 =	vmul.f32 v4, v38  }
0x36b: {  	v8 =	vadd.f32 v8, v54;
	v60 =	vmul.f32 v3, v36;
	v11 =	vmul.f32 v5, v52  }
0x36c: {  	v10 =	vadd.f32 v10, v33;
	v12 =	vmul.f32 v5, v55;
	v23 =	vmul.f32 v5, v42  }
0x36d: {  	v51 =	vld [tilespmem:$0x1FCE0];
	v27 =	vadd.f32 v34, v59;
	v34 =	vmul.f32 v5, v44;
	v8 =	vmul.f32 v7, v8  }
0x36e: {  	v10 =	vmul.f32 v6, v10;
	v15 =	vmul.f32 v1, v52;
	v9 =	vadd.f32 v11, v9  }
0x36f: {  	v11 =	vadd.f32 v12, v33;
	v12 =	vmul.f32 v2, v52;
	v14 =	vmul.f32 v0, v63  }
0x370: {  	v8 =	vadd.f32 v8, v10;
	v10 =	vmul.f32 v2, v55;
	v9 =	vadd.f32 v9, v54  }
0x371: {  	v12 =	vadd.f32 v12, v13;
	v13 =	vmul.f32 v1, v55;
	v14 =	vadd.f32 v15, v14  }
0x372: {  	v57 =	vld [tilespmem:$0x1FC70];
	v11 =	vmul.f32 v5, v11;
	v8 =	vadd.f32 v8, v51;
	v10 =	vadd.f32 v10, v33  }
0x373: {  	v40 =	vld [tilespmem:$0x1FD70];
	v9 =	vmul.f32 v4, v9;
	v12 =	vadd.f32 v12, v54;
	v14 =	vadd.f32 v14, v54  }
0x374: {  	v13 =	vadd.f32 v13, v33;
	v15 =	vshra.s32 v8, $0x1;
	v8 =	vmul.f32 $5.000000000e-01, v8  }
0x375: {  	v10 =	vmul.f32 v2, v10;
	v15 =	vsub.s32 $0x5F3759DF, v15;
	v12 =	vmul.f32 v3, v12  }
0x376: {  	v9 =	vadd.f32 v9, v11;
	v11 =	vmul.f32 v0, v14;
	v13 =	vmul.f32 v1, v13  }
0x377: {  	v59 =	vmul.f32 v5, v45;
	v32 =	vadd.f32 v61, v57;
	v16 =	vmul.f32 v15, v8  }
0x378: {  	v7 =	vmul.f32 v7, v40;
	v10 =	vadd.f32 v12, v10;
	v11 =	vadd.f32 v11, v13  }
0x379: {  	v61 =	vmul.f32 v2, v42;
	v9 =	vadd.f32 v9, v51;
	v14 =	vmul.f32 v15, v16  }
0x37a: {  	v31 =	vmul.f32 v0, v36;
	v10 =	vadd.f32 v10, v51;
	v11 =	vadd.f32 v11, v51  }
0x37b: {  	v13 =	vsub.f32 $1.500000000e+00, v14;
	v14 =	vshra.s32 v9, $0x1;
	v9 =	vmul.f32 $5.000000000e-01, v9  }
0x37c: {  	v49 =	vld [tilespmem:$0x1FDF0];
	v14 =	vsub.s32 $0x5F3759DF, v14;
	v17 =	vshra.s32 v10, $0x1;
	v10 =	vmul.f32 $5.000000000e-01, v10  }
0x37d: {  	v18 =	vshra.s32 v11, $0x1;
	v11 =	vmul.f32 $5.000000000e-01, v11;
	v13 =	vmul.f32 v15, v13  }
0x37e: {  	v41 =	vld [tilespmem:$0x1FD80];
	v16 =	vmul.f32 v14, v9;
	v17 =	vsub.s32 $0x5F3759DF, v17;
	v18 =	vsub.s32 $0x5F3759DF, v18  }
0x37f: {  	v47 =	vld [tilespmem:$0x1FDD0];
	v20 =	vmul.f32 v17, v10;
	v22 =	vmul.f32 v18, v11  }
0x380: {  	v53 =	vld [tilespmem:$0x1FC60];
	v19 =	vmul.f32 v13, v8;
	v16 =	vmul.f32 v14, v16  }
0x381: {  	v25 =	vadd.f32 v25, v49;
	v20 =	vmul.f32 v17, v20;
	v22 =	vmul.f32 v18, v22  }
0x382: {  	v12 =	vmul.f32 v4, v35;
	v19 =	vmul.f32 v19, v13;
	v16 =	vsub.f32 $1.500000000e+00, v16  }
0x383: {  	v15 =	vmul.f32 v5, v41;
	v20 =	vsub.f32 $1.500000000e+00, v20;
	v22 =	vsub.f32 $1.500000000e+00, v22  }
0x384: {  	v19 =	vsub.f32 $1.500000000e+00, v19;
	v14 =	vmul.f32 v14, v16;
	v16 =	vmul.f32 v5, v43  }
0x385: {  	v27 =	vadd.f32 v27, v53;
	v5 =	vmul.f32 v5, v47;
	v17 =	vmul.f32 v17, v20  }
0x386: {  	v21 =	vadd.f32 v23, v21;
	v18 =	vmul.f32 v18, v22;
	v13 =	vmul.f32 v19, v13  }
0x387: {  	v19 =	vmul.f32 v6, v41;
	v6 =	vmul.f32 v6, v47;
	v16 =	vadd.f32 v16, v24  }
0x388: {  	v48 =	vld [tilespmem:$0x1FDE0];
	v24 =	vadd.f32 v34, v62;
	v62 =	vmul.f32 v2, v43;
	v8 =	vmul.f32 v13, v8  }
0x389: {  	v12 =	vadd.f32 v15, v12;
	v34 =	vmul.f32 v2, v44;
	v22 =	vmul.f32 v17, v10  }
0x38a: {  	v50 =	vld [tilespmem:$0x1FE00];
	v19 =	vadd.f32 v19, v56;
	v6 =	vadd.f32 v6, v7;
	v8 =	vmul.f32 v8, v13  }
0x38b: {  	v56 =	vmul.f32 v18, v11;
	v24 =	vadd.f32 v24, v53;
	v15 =	vmul.f32 v22, v17  }
0x38c: {  	v58 =	vld [tilespmem:$0x1FC80];
	v22 =	vmul.f32 v4, v39;
	v4 =	vmul.f32 v4, v40;
	v8 =	vsub.f32 $1.500000000e+00, v8  }
0x38d: {  	v19 =	vadd.f32 v19, v48;
	v23 =	vmul.f32 v56, v18;
	v56 =	vmul.f32 v3, v39  }
0x38e: {  	v4 =	vadd.f32 v5, v4;
	v5 =	vmul.f32 v3, v37;
	v8 =	vmul.f32 v8, v13  }
0x38f: {  	v22 =	vadd.f32 v59, v22;
	v59 =	vmul.f32 v2, v45;
	v13 =	vadd.f32 v26, v50  }
0x390: {  	v5 =	vadd.f32 v62, v5;
	v62 =	vmul.f32 v1, v42;
	v7 =	vmul.f32 v8, v19  }
0x391: {  	v6 =	vadd.f32 v6, v58;
	v19 =	vmul.f32 v8, v25;
	v13 =	vmul.f32 v8, v13  }
0x392: {  	v15 =	vsub.f32 $1.500000000e+00, v15;
	v26 =	vmul.f32 v8, v27;
	v20 =	vmul.f32 v8, v32  }
0x393: {  	v22 =	vadd.f32 v22, v57;
	v6 =	vmul.f32 v8, v6;
	v8 =	vmul.f32 v14, v9  }
0x394: {  	v25 =	vadd.f32 v61, v60;
	v60 =	vmul.f32 v0, v35;
	v61 =	vmul.f32 v1, v41  }
0x395: {  	v4 =	vadd.f32 v4, v58;
	v27 =	vadd.f32 v59, v56;
	v8 =	vmul.f32 v8, v14  }
0x396: {  	v56 =	vmul.f32 v0, v38;
	v28 =	vadd.f32 v61, v60;
	v60 =	vmul.f32 v1, v44  }
0x397: {  	v30 =	vadd.f32 v62, v31;
	v62 =	vmul.f32 v1, v45;
	v8 =	vsub.f32 $1.500000000e+00, v8  }
0x398: {  	v32 =	vmul.f32 v0, v37;
	v61 =	vmul.f32 v0, v39;
	v29 =	vadd.f32 v60, v56;
	v60 =	vld [tilespmem:$0x1FCA0]  }
0x399: {  	v5 =	vadd.f32 v5, v50;
	v8 =	vmul.f32 v8, v14;
	v14 =	vmul.f32 v15, v17  }
0x39a: {  	v56 =	vld [tilespmem:$0x1FCC0];
	v15 =	vsub.f32 $1.500000000e+00, v23;
	v17 =	vmul.f32 v3, v35;
	v23 =	vmul.f32 v2, v41  }
0x39b: {  	v0 =	vmul.f32 v0, v40;
	v31 =	vadd.f32 v62, v61;
	v2 =	vmul.f32 v2, v47  }
0x39c: {  	v59 =	vld [tilespmem:$0x1FC90];
	v17 =	vadd.f32 v23, v17;
	v23 =	vmul.f32 v3, v38;
	v3 =	vmul.f32 v3, v40  }
0x39d: {  	v61 =	vld [tilespmem:$0x1FE20];
	v15 =	vmul.f32 v15, v18;
	v18 =	vadd.f32 v12, v48;
	v13 =	vadd.f32 v13, v60  }
0x39e: {  	v62 =	vld [tilespmem:$0x1FCB0];
	v3 =	vadd.f32 v2, v3;
	v2 =	vmul.f32 v1, v43;
	v1 =	vmul.f32 v1, v47  }
0x39f: {  	v6 =	vadd.f32 v6, v56;
	v23 =	vadd.f32 v34, v23;
	v34 =	vld [tilespmem:$0x1FE10]  }
0x3a0: {  	v32 =	vadd.f32 v2, v32;
	v2 =	vadd.f32 v1, v0;
	v0 =	vmul.f32 v8, v9  }
0x3a1: {  	s17 =	sand.u32 $0x7, s24;
	s18 =	sand.u32 $0x3, s24;
	v9 =	vadd.f32 v21, v49;
	v21 =	vadd.f32 v16, v50;
	v1 =	vmul.f32 v14, v10  }
0x3a2: {  	s2 =	sshll.u32 s17, $0x7;
	s3 =	sshll.u32 s18, $0x8;
	s0 =	simm.s32 $0x1;
	v10 =	vmul.f32 v15, v11;
	v11 =	vadd.f32 v19, v59;
	v0 =	vmul.f32 v0, v8  }
0x3a3: {  	s2 =	sadd.s32 $0x0, s2;
	s3 =	sadd.s32 $0x0, s3;
	s0 =	simm.s32 @!p0 $0x0;
	v19 =	vadd.f32 v26, v61;
	v26 =	vadd.f32 v20, v62;
	v1 =	vmul.f32 v1, v14  }
0x3a4: {  	s20 =	sadd.s32 $0x100, s3;
	s3 =	simm.s32 $0x0;
	s0 =	sshll.u32 s0, $0x9;
	v10 =	vmul.f32 v10, v15;
	v7 =	vadd.f32 v7, v34;
	v0 =	vsub.f32 $1.500000000e+00, v0  }
0x3a5: {  	s9 =	sor.u32 $0x420, s20;
	s10 =	sor.u32 $0x400, s20;
	s19 =	sadd.s32 $0x180, s2;
	v20 =	vadd.f32 v17, v48;
	[tilespmem:s11+$0x70] =	vst v11;
	v1 =	vsub.f32 $1.500000000e+00, v1  }
0x3a6: {  	s6 =	sor.u32 $0x410, s20;
	s2 =	sadd.s32 $0x80, s2;
	s5 =	sor.u32 $0x400, s19;
	v11 =	vadd.f32 v25, v49;
	[tilespmem:s11+$0x60] =	vst v7;
	v12 =	vmul.f32 v0, v8;
	v0 =	vsub.f32 $1.500000000e+00, v10  }
0x3a7: {  	s7 =	sadd.s32 $0x0, s0;
	s0 =	sor.u32 $0x430, s20;
	s31 =	sor.u32 $0x410, s19;
	v7 =	vadd.f32 v27, v57;
	v1 =	vmul.f32 v1, v14;
	[tilespmem:s5+$0xF700] =	vst v13;
	v13 =	vadd.f32 v23, v53  }
0x3a8: {  	s17 =	sor.u32 $0x400, s2;
	s4 =	sor.u32 $0x430, s19;
	s13 =	sor.u32 $0x420, s19;
	v14 =	vadd.f32 v3, v58;
	v8 =	vadd.f32 v28, v48;
	[tilespmem:s31+$0xF700] =	vst v19;
	v0 =	vmul.f32 v0, v15  }
0x3a9: {  	s18 =	sor.u32 $0x410, s2;
	s16 =	sor.u32 $0x420, s2;
	s30 =	sor.u32 $0x400, s7;
	v3 =	vadd.f32 v31, v57;
	v10 =	vmul.f32 v12, v18;
	v16 =	vmul.f32 v12, v9;
	[tilespmem:s13+$0xF700] =	vst v26  }
0x3aa: {  	s28 =	sor.u32 $0x420, s7;
	s20 =	sor.u32 $0x430, s7;
	s19 =	sor.u32 $0x410, s7;
	v17 =	vmul.f32 v12, v21;
	v18 =	vmul.f32 v12, v24;
	v15 =	vadd.f32 v30, v49;
	[tilespmem:s4+$0xF700] =	vst v6  }
0x3ab: {  	s11 =	sor.u32 $0x430, s2;
	s2 =	simm.s32 $0x2F;
	v9 =	vadd.f32 v32, v50;
	v19 =	vmul.f32 v12, v22;
	v6 =	vadd.f32 v29, v53;
	s4 =	simm.s32 $0x0;
	v32 =	vld [tilespmem:$0x1FE50]  }
.LBB2_5:
0x3ac: {  	s5 =	sadd.s32 $0xFFFFFFED, s2;
	s7 =	sadd.s32 $0xFFFFFFEE, s2;
	s13 =	sadd.s32 $0xFFFFFFFF, s2;
	v21 =	vmul.f32 v12, v4;
	v20 =	vmul.f32 v1, v20;
	v22 =	vadd.f32 v2, v58  }
0x3ad: {  	s31 =	sadd.s32 $0xFFFFFFF9, s2;
	v2 =	vmov s5;
	v4 =	vmov s7;
	s5 =	sadd.s32 $0xFFFFFFF3, s2;
	s7 =	sadd.s32 $0xFFFFFFF4, s2;
	v12 =	vmov s13  }
0x3ae: {  	v23 =	vmov s5;
	v24 =	vmov s7;
	s5 =	sadd.s32 $0xFFFFFFFA, s2;
	v12 =	vand.u32 $0xFFFFFFFE, v12  }
0x3af: {  	v25 =	vmov s31;
	v26 =	vbroadcast v12, $0x0;
	v12 =	vmov s2  }
0x3b0: {  	v2 =	vand.u32 $0xFFFFFFFC, v2;
	v4 =	vand.u32 $0xFFFFFFFD, v4;
	v27 =	vmov s5  }
0x3b1: {  	s26 =	sadd.s32 $0x4, s26;
	v25 =	vand.u32 $0xFFFFFFF8, v25;
	v23 =	vand.u32 $0xFFFFFFFA, v23;
	v24 =	vand.u32 $0xFFFFFFFB, v24  }
0x3b2: {  	p1 =	slt.u32 s26, $0x4C;
	v2 =	vbroadcast v2, $0x0;
	v28 =	vbroadcast v4, $0x0;
	v4 =	vand.u32 $0xFFFFFFF9, v27  }
0x3b3: {  	v23 =	vbroadcast v23, $0x0;
	v24 =	vbroadcast v24, $0x0;
	v27 =	vadd.f32 v10, v34  }
0x3b4: {  	v25 =	vbroadcast v25, $0x0;
	v29 =	vbroadcast v4, $0x0;
	v4 =	vadd.f32 v16, v59;
	v12 =	vld.idx.msk [tilespmem:v12+s1+$0x0], $0xffff  }
0x3b5: {  	v11 =	vmul.f32 v1, v11;
	v16 =	vadd.f32 v17, v60;
	v17 =	vmul.f32 v1, v5;
	v10 =	vld.idx.msk [tilespmem:v26+s1+$0x0], $0xffff  }
0x3b6: {  	v18 =	vadd.f32 v18, v61;
	v13 =	vmul.f32 v1, v13;
	v7 =	vmul.f32 v1, v7;
	[tilespmem:s14+$0x60] =	vst v27  }
0x3b7: {  	v8 =	vmul.f32 v0, v8;
	v19 =	vadd.f32 v19, v62;
	v1 =	vmul.f32 v1, v14;
	[tilespmem:s14+$0x70] =	vst v4  }
0x3b8: {  	v9 =	vmul.f32 v0, v9;
	v14 =	vadd.f32 v21, v56;
	v21 =	vmul.f32 v0, v15;
	v4 =	vld.idx.msk [tilespmem:v2+s1+$0x0], $0xffff  }
0x3b9: {  	v20 =	vadd.f32 v20, v34;
	v15 =	vmul.f32 v0, v3;
	v26 =	vmul.f32 v0, v6;
	v5 =	vld.idx.msk [tilespmem:v28+s1+$0x0], $0xffff  }
0x3ba: {  	v11 =	vadd.f32 v11, v59;
	v17 =	vadd.f32 v17, v60;
	v6 =	vmul.f32 v0, v22;
	v2 =	vld.idx.msk [tilespmem:v23+s1+$0x0], $0xffff  }
0x3bb: {  	v13 =	vadd.f32 v13, v61;
	v22 =	vmul.f32 v10, v63;
	v23 =	vmul.f32 v12, v52;
	v3 =	vld.idx.msk [tilespmem:v24+s1+$0x0], $0xffff  }
0x3bc: {  	v7 =	vadd.f32 v7, v62;
	v0 =	vld.idx.msk [tilespmem:v25+s1+$0x0], $0xffff;
	[tilespmem:s30+$0xF700] =	vst v16;
	v16 =	vadd.f32 v1, v56  }
0x3bd: {  	v8 =	vadd.f32 v8, v34;
	v22 =	vadd.f32 v23, v22;
	v23 =	vmul.f32 v12, v55;
	v1 =	vld.idx.msk [tilespmem:v29+s1+$0x0], $0xffff  }
0x3be: {  	v24 =	vmul.f32 v4, v63;
	v25 =	vmul.f32 v4, v35;
	[tilespmem:s19+$0xF700] =	vst v18;
	v18 =	vadd.f32 v21, v59  }
0x3bf: {  	v21 =	vmul.f32 v5, v52;
	v22 =	vadd.f32 v22, v54;
	v23 =	vadd.f32 v23, v33;
	[tilespmem:s28+$0xF700] =	vst v19  }
0x3c0: {  	v9 =	vadd.f32 v9, v60;
	v19 =	vmul.f32 v5, v55;
	v27 =	vmul.f32 v2, v63;
	[tilespmem:s20+$0xF700] =	vst v14  }
0x3c1: {  	v14 =	vadd.f32 v21, v24;
	v21 =	vmul.f32 v10, v22;
	v22 =	vmul.f32 v12, v23;
	[tilespmem:s29+$0x60] =	vst v20  }
0x3c2: {  	v19 =	vadd.f32 v19, v33;
	v20 =	vmul.f32 v3, v52;
	v23 =	vmul.f32 v0, v63;
	[tilespmem:s29+$0x70] =	vst v11  }
0x3c3: {  	v11 =	vmul.f32 v3, v55;
	v24 =	vmul.f32 v1, v52;
	v21 =	vadd.f32 v21, v22;
	[tilespmem:s17+$0xF700] =	vst v17  }
0x3c4: {  	v14 =	vadd.f32 v14, v54;
	v17 =	vadd.f32 v20, v27;
	v20 =	vmul.f32 v1, v55;
	[tilespmem:s18+$0xF700] =	vst v13  }
0x3c5: {  	v13 =	vmul.f32 v5, v19;
	v19 =	vadd.f32 v24, v23;
	v21 =	vadd.f32 v21, v51;
	[tilespmem:s16+$0xF700] =	vst v7  }
0x3c6: {  	v11 =	vadd.f32 v11, v33;
	v7 =	vmul.f32 v4, v14;
	v14 =	vadd.f32 v17, v54;
	[tilespmem:s11+$0xF700] =	vst v16  }
0x3c7: {  	v16 =	vadd.f32 v19, v54;
	v17 =	vshra.s32 v21, $0x1;
	v19 =	vmul.f32 $5.000000000e-01, v21;
	[tilespmem:s8+$0x60] =	vst v8  }
0x3c8: {  	v8 =	vmul.f32 v2, v14;
	v14 =	vadd.f32 v20, v33;
	v17 =	vsub.s32 $0x5F3759DF, v17;
	[tilespmem:s8+$0x70] =	vst v18  }
0x3c9: {  	v7 =	vadd.f32 v7, v13;
	v13 =	vmul.f32 v0, v16;
	v16 =	vmul.f32 v17, v19;
	[tilespmem:s10+$0xF700] =	vst v9  }
0x3ca: {  	v9 =	vmul.f32 v3, v11;
	v11 =	vmul.f32 v1, v14;
	v14 =	vadd.f32 v26, v61  }
0x3cb: {  	v18 =	vmul.f32 v5, v41;
	v7 =	vadd.f32 v7, v51;
	v16 =	vmul.f32 v17, v16  }
0x3cc: {  	v20 =	vmul.f32 v4, v36;
	v8 =	vadd.f32 v8, v9;
	v9 =	vadd.f32 v13, v11;
	[tilespmem:s6+$0xF700] =	vst v14  }
0x3cd: {  	v13 =	vshra.s32 v7, $0x1;
	v11 =	vmul.f32 $5.000000000e-01, v7;
	v7 =	vsub.f32 $1.500000000e+00, v16  }
0x3ce: {  	v16 =	vsub.s32 $0x5F3759DF, v13;
	v8 =	vadd.f32 v8, v51;
	v9 =	vadd.f32 v9, v51  }
0x3cf: {  	v18 =	vadd.f32 v18, v25;
	v21 =	vmul.f32 v16, v11;
	v17 =	vmul.f32 v17, v7  }
0x3d0: {  	v7 =	vshra.s32 v8, $0x1;
	v13 =	vmul.f32 $5.000000000e-01, v8;
	v8 =	vshra.s32 v9, $0x1  }
0x3d1: {  	v14 =	vmul.f32 $5.000000000e-01, v9;
	v22 =	vsub.s32 $0x5F3759DF, v7;
	v9 =	vmul.f32 v17, v19  }
0x3d2: {  	v21 =	vmul.f32 v16, v21;
	v24 =	vsub.s32 $0x5F3759DF, v8;
	v23 =	vmul.f32 v22, v13  }
0x3d3: {  	v7 =	vadd.f32 v18, v48;
	v8 =	vmul.f32 v24, v14;
	v9 =	vmul.f32 v9, v17  }
0x3d4: {  	v18 =	vsub.f32 $1.500000000e+00, v21;
	v21 =	vmul.f32 v5, v42;
	v23 =	vmul.f32 v22, v23  }
0x3d5: {  	v25 =	vmul.f32 v4, v37;
	v8 =	vmul.f32 v24, v8;
	v9 =	vsub.f32 $1.500000000e+00, v9  }
0x3d6: {  	v16 =	vmul.f32 v16, v18;
	v18 =	vmul.f32 v5, v43;
	v23 =	vsub.f32 $1.500000000e+00, v23  }
0x3d7: {  	v26 =	vmul.f32 v4, v38;
	v27 =	vsub.f32 $1.500000000e+00, v8;
	v17 =	vmul.f32 v9, v17  }
0x3d8: {  	v8 =	vadd.f32 v21, v20;
	v20 =	vmul.f32 v12, v41;
	v21 =	vmul.f32 v12, v42  }
0x3d9: {  	v9 =	vadd.f32 v18, v25;
	v18 =	vmul.f32 v17, v19;
	v19 =	vmul.f32 v12, v43  }
0x3da: {  	v28 =	vmul.f32 v12, v45;
	v25 =	vmul.f32 v12, v44;
	v8 =	vadd.f32 v8, v49  }
0x3db: {  	v29 =	vmul.f32 v10, v35;
	v9 =	vadd.f32 v9, v50;
	v18 =	vmul.f32 v18, v17  }
0x3dc: {  	v15 =	vadd.f32 v15, v62;
	v30 =	vmul.f32 v10, v36;
	v12 =	vmul.f32 v12, v47  }
0x3dd: {  	v20 =	vadd.f32 v20, v29;
	v29 =	vmul.f32 v10, v37;
	v18 =	vsub.f32 $1.500000000e+00, v18  }
0x3de: {  	p0 =	por !p0, !p0;
	s5 =	simm.s32 $0x1;
	v31 =	vmul.f32 v10, v39;
	v21 =	vadd.f32 v21, v30;
	v30 =	vmul.f32 v10, v38;
	[tilespmem:s9+$0xF700] =	vst v15  }
0x3df: {  	s24 =	sadd.s32 $0x2, s24;
	s5 =	simm.s32 @!p0 $0x0;
	v15 =	vmul.f32 v18, v17;
	v17 =	vadd.f32 v20, v48;
	v18 =	vadd.f32 v19, v29  }
0x3e0: {  	s5 =	sshll.u32 s5, $0x9;
	s6 =	sand.u32 $0x3, s24;
	v10 =	vmul.f32 v10, v40;
	v19 =	vadd.f32 v21, v49;
	v20 =	vadd.f32 v25, v30  }
0x3e1: {  	s3 =	sadd.s32 $0x4, s3;
	s4 =	sadd.s32 $0x400, s4;
	s6 =	sshll.u32 s6, $0x8;
	v21 =	vadd.f32 v28, v31;
	v17 =	vmul.f32 v15, v17;
	v18 =	vadd.f32 v18, v50  }
0x3e2: {  	s25 =	sadd.s32 $0x200, s25;
	s7 =	sand.u32 $0x7, s3;
	s8 =	sand.u32 $0x7800, s4;
	v10 =	vadd.f32 v12, v10;
	v19 =	vmul.f32 v15, v19;
	v20 =	vadd.f32 v20, v53  }
0x3e3: {  	s7 =	sshll.u32 s7, $0x7;
	s8 =	sadd.s32 $0xF700, s8;
	s9 =	sand.u32 $0x380, s25;
	v12 =	vadd.f32 v17, v34;
	v17 =	vmul.f32 v15, v18;
	v18 =	vadd.f32 v21, v57  }
0x3e4: {  	s7 =	sadd.s32 s4, s7;
	s6 =	sadd.s32 s4, s6;
	v10 =	vadd.f32 v10, v58;
	s9 =	sadd.s32 s9, s8;
	v19 =	vadd.f32 v19, v59;
	v20 =	vmul.f32 v15, v20  }
0x3e5: {  	s13 =	sadd.s32 $0x180, s7;
	s11 =	sadd.s32 $0xFFFFFF00, s25;
	s10 =	sadd.s32 $0xFFFFFE80, s25;
	v21 =	vmul.f32 v22, v23;
	[tilespmem:s9+$0x60] =	vst v12;
	v12 =	vadd.f32 v17, v60;
	v17 =	vmul.f32 v15, v18  }
0x3e6: {  	s7 =	sadd.s32 $0x80, s7;
	s14 =	sadd.s32 $0xFFFFFF80, s25;
	v10 =	vmul.f32 v15, v10;
	v18 =	vmul.f32 v24, v27;
	[tilespmem:s9+$0x70] =	vst v19;
	s9 =	sor.u32 $0x400, s13;
	v19 =	vadd.f32 v20, v61  }
0x3e7: {  	s5 =	sadd.s32 s5, s4;
	s20 =	sadd.s32 $0x100, s6;
	s6 =	sor.u32 $0x410, s13;
	v15 =	vmul.f32 v16, v11;
	v20 =	vmul.f32 v21, v13;
	[tilespmem:s9+$0xF700] =	vst v12;
	v12 =	vadd.f32 v17, v62  }
0x3e8: {  	s29 =	sand.u32 $0x280, s11;
	s28 =	sand.u32 $0x200, s10;
	v10 =	vadd.f32 v10, v56;
	v17 =	vmul.f32 v5, v44;
	v22 =	vmul.f32 v18, v14;
	[tilespmem:s6+$0xF700] =	vst v19;
	s6 =	sor.u32 $0x420, s13  }
0x3e9: {  	v6 =	vadd.f32 v6, v56;
	s31 =	sand.u32 $0x300, s14;
	s17 =	sor.u32 $0x400, s7;
	v15 =	vmul.f32 v15, v16;
	v19 =	vmul.f32 v20, v21;
	[tilespmem:s6+$0xF700] =	vst v12;
	s6 =	sor.u32 $0x430, s13  }
0x3ea: {  	s18 =	sor.u32 $0x410, s7;
	s16 =	sor.u32 $0x420, s7;
	s11 =	sor.u32 $0x430, s7;
	v12 =	vadd.f32 v17, v26;
	v17 =	vmul.f32 v4, v39;
	v20 =	vmul.f32 v22, v18;
	[tilespmem:s6+$0xF700] =	vst v10  }
0x3eb: {  	s10 =	sor.u32 $0x400, s20;
	s9 =	sor.u32 $0x420, s20;
	v10 =	vsub.f32 $1.500000000e+00, v15;
	v15 =	vmul.f32 v5, v45;
	v19 =	vsub.f32 $1.500000000e+00, v19;
	s6 =	sor.u32 $0x410, s20;
	[tilespmem:s0+$0xF700] =	vst v6  }
0x3ec: {  	s30 =	sor.u32 $0x400, s5;
	s19 =	sor.u32 $0x410, s5;
	v4 =	vmul.f32 v4, v40;
	v5 =	vmul.f32 v5, v47;
	v6 =	vsub.f32 $1.500000000e+00, v20;
	s0 =	sor.u32 $0x430, s20  }
0x3ed: {  	s14 =	sadd.s32 s28, s8;
	s28 =	sor.u32 $0x420, s5;
	s20 =	sor.u32 $0x430, s5;
	v10 =	vmul.f32 v10, v16;
	v15 =	vadd.f32 v15, v17;
	v16 =	vmul.f32 v19, v21  }
0x3ee: {  	s29 =	sadd.s32 s29, s8;
	s8 =	sadd.s32 s31, s8;
	v4 =	vadd.f32 v5, v4;
	v5 =	vmul.f32 v2, v35;
	v6 =	vmul.f32 v6, v18  }
0x3ef: {  	v18 =	vadd.f32 v12, v53;
	v11 =	vmul.f32 v10, v11;
	v12 =	vmul.f32 v16, v13  }
0x3f0: {  	v19 =	vadd.f32 v15, v57;
	v13 =	vmul.f32 v3, v41;
	v14 =	vmul.f32 v6, v14  }
0x3f1: {  	v4 =	vadd.f32 v4, v58;
	v11 =	vmul.f32 v11, v10;
	v12 =	vmul.f32 v12, v16  }
0x3f2: {  	v5 =	vadd.f32 v13, v5;
	v13 =	vmul.f32 v2, v36;
	v14 =	vmul.f32 v14, v6  }
0x3f3: {  	v17 =	vmul.f32 v2, v37;
	v15 =	vmul.f32 v3, v42;
	v11 =	vsub.f32 $1.500000000e+00, v11  }
0x3f4: {  	v21 =	vmul.f32 v2, v38;
	v20 =	vsub.f32 $1.500000000e+00, v12;
	v12 =	vmul.f32 v3, v43  }
0x3f5: {  	v23 =	vmul.f32 v2, v39;
	v22 =	vmul.f32 v3, v44;
	v14 =	vsub.f32 $1.500000000e+00, v14  }
0x3f6: {  	v2 =	vmul.f32 v2, v40;
	v13 =	vadd.f32 v15, v13;
	v15 =	vmul.f32 v3, v45  }
0x3f7: {  	v3 =	vmul.f32 v3, v47;
	v17 =	vadd.f32 v12, v17;
	v12 =	vmul.f32 v0, v35  }
0x3f8: {  	v24 =	vmul.f32 v0, v36;
	v21 =	vadd.f32 v22, v21;
	v22 =	vmul.f32 v1, v41  }
0x3f9: {  	v25 =	vmul.f32 v0, v37;
	v15 =	vadd.f32 v15, v23;
	v23 =	vmul.f32 v1, v42  }
0x3fa: {  	v26 =	vmul.f32 v0, v38;
	v3 =	vadd.f32 v3, v2;
	v2 =	vmul.f32 v1, v43  }
0x3fb: {  	v27 =	vmul.f32 v0, v39;
	v22 =	vadd.f32 v22, v12;
	v12 =	vmul.f32 v1, v44  }
0x3fc: {  	v28 =	vmul.f32 v0, v40;
	v23 =	vadd.f32 v23, v24;
	v24 =	vmul.f32 v1, v45  }
0x3fd: {  	v25 =	vadd.f32 v2, v25;
	v2 =	vmul.f32 v1, v47;
	v26 =	vadd.f32 v12, v26  }
0x3fe: {  	v1 =	vmul.f32 v20, v16;
	v12 =	vmul.f32 v11, v10;
	v24 =	vadd.f32 v24, v27  }
0x3ff: {  	v0 =	vmul.f32 v14, v6;
	v20 =	vadd.f32 v5, v48;
	v2 =	vadd.f32 v2, v28  }
.Ltmp1:
0x400: {  	v5 =	vadd.f32 v17, v50;
	v11 =	vadd.f32 v13, v49;
	v10 =	vmul.f32 v12, v7;
	(pc) =	sbr.rel @p1 .LBB2_5-.Ltmp1, $4  }
0x401: {  	v13 =	vadd.f32 v21, v53;
	v16 =	vmul.f32 v12, v8;
	v7 =	vadd.f32 v15, v57  }
0x402: {  	v14 =	vadd.f32 v3, v58;
	v17 =	vmul.f32 v12, v9;
	v8 =	vadd.f32 v22, v48  }
0x403: {  	v18 =	vmul.f32 v12, v18;
	v15 =	vadd.f32 v23, v49;
	v9 =	vadd.f32 v25, v50  }
0x404: {  	s2 =	sadd.s32 $0x18, s2;
	v19 =	vmul.f32 v12, v19;
	v6 =	vadd.f32 v26, v53;
	v3 =	vadd.f32 v24, v57  }
0x405: {  	v10 =	vadd.f32 v10, v34  }
0x406: {  	v16 =	vadd.f32 v16, v59  }
0x407: {  	v53 =	vld [tilespmem:$0x1FE60];
	v17 =	vadd.f32 v17, v60;
	v11 =	vmul.f32 v1, v11;
	[tilespmem:s14+$0x60] =	vst v10  }
0x408: {  	v8 =	vmul.f32 v0, v8;
	v10 =	vadd.f32 v18, v61;
	[tilespmem:s14+$0x70] =	vst v16  }
0x409: {  	v11 =	vadd.f32 v11, v59;
	[tilespmem:s30+$0xF700] =	vst v17  }
0x40a: {  	v4 =	vmul.f32 v12, v4;
	v8 =	vadd.f32 v8, v34;
	[tilespmem:s19+$0xF700] =	vst v10  }
0x40b: {  	v12 =	vmul.f32 v1, v20;
	v16 =	vadd.f32 v19, v62;
	[tilespmem:s29+$0x70] =	vst v11  }
0x40c: {  	v5 =	vmul.f32 v1, v5;
	v4 =	vadd.f32 v4, v56;
	[tilespmem:s8+$0x60] =	vst v8  }
0x40d: {  	v10 =	vadd.f32 v12, v34;
	v12 =	vmul.f32 v1, v13;
	[tilespmem:s28+$0xF700] =	vst v16  }
0x40e: {  	v5 =	vadd.f32 v5, v60;
	[tilespmem:s20+$0xF700] =	vst v4;
	v4 =	vmul.f32 v1, v7  }
0x40f: {  	[tilespmem:s29+$0x60] =	vst v10;
	v1 =	vmul.f32 v1, v14;
	v7 =	vadd.f32 v12, v61  }
0x410: {  	[tilespmem:s17+$0xF700] =	vst v5;
	v5 =	vmul.f32 v0, v15;
	v4 =	vadd.f32 v4, v62  }
0x411: {  	v1 =	vadd.f32 v1, v56;
	[tilespmem:s18+$0xF700] =	vst v7;
	v7 =	vmul.f32 v0, v9  }
0x412: {  	v2 =	vadd.f32 v2, v58;
	v5 =	vadd.f32 v5, v59;
	[tilespmem:s16+$0xF700] =	vst v4;
	v4 =	vmul.f32 v0, v6  }
0x413: {  	[tilespmem:s11+$0xF700] =	vst v1;
	v1 =	vmul.f32 v0, v3;
	v3 =	vadd.f32 v7, v60  }
0x414: {  	v0 =	vmul.f32 v0, v2;
	[tilespmem:s8+$0x70] =	vst v5;
	v2 =	vadd.f32 v4, v61  }
0x415: {  	[tilespmem:s10+$0xF700] =	vst v3;
	v1 =	vadd.f32 v1, v62  }
0x416: {  	v0 =	vadd.f32 v0, v56;
	[tilespmem:s6+$0xF700] =	vst v2  }
0x417: {  	s2 =	rddreg [dreg:$0x5];
	[tilespmem:s9+$0xF700] =	vst v1  }
0x418: {  	p0 =	seq.s32 s21, $0x27;
	s2 =	sadd.s32 s2, s23;
	s3 =	rddreg [dreg:$0x9];
	[tilespmem:s0+$0xF700] =	vst v0  }
0x419: {  	s2 =	sshll.u32 s2, $0x5;
	s3 =	sadd.s32 @!p0 s23, s3;
	s0 =	rddreg [dreg:$0x6]  }
0x41a: {  	s17 =	simm.s32 $0xF700;
	s0 =	sadd.s32 s0, s2;
	s2 =	smul.u32 @!p0 $0x6, s3  }
0x41b: {  	[hbm4b:s0+s1] =	stream.linear.scatter [tilespmem:s17], [sflag:$0x1], $0x5000, $0x38;
	[tilespmem:$0x19E00] =	vst v63  }
0x41c: {  	v0 =	vlaneseq.u32 @!p0;
	s0 =	sshrl.u32 @!p0 s2, $0x3;
	s2 =	rddreg [dreg:$0x4]  }
0x41d: {  	v0 =	vmul.u32 @!p0 $0x6, v0;
	s0 =	sadd.s32 @!p0 s2, s0;
	s2 =	simm.s32 @!p0 $0x0  }
0x41e: {  	[tilespmem:s2], [sflag:$0x3] =	stream.linear.gather @!p0 [hbm4b:s0+s2], $0x1E0, $0x38;
	[tilespmem:$0x19E00] =	vst v63  }
0x41f: {  	s0 =	simm.s32 @!p0 $0x3  }
0x420: {  	_ =	swait.ge @!p0 [sflag:s0], $0x1E0  }
0x421: {  	[sflag:s0] =	ssyncset.done @!p0 $0x0  }
0x422: {  	[sflag:s0] =	ssyncadd.s32 @!p0 $0xFFFFFE20  }
0x423: {  	v1 =	vld.idx.msk @!p0 [tilespmem:v0+s2+$0x0], $0xffff  }
0x424: {  	v2 =	vor.u32 @!p0 $0x1, v0;
	_ =	sdelay $0x3  }
0x425: {  	[tilespmem:$0x400] =	vst @!p0 v1  }
0x426: {  	v1 =	vld.idx.msk @!p0 [tilespmem:v2+s2+$0x0], $0xffff  }
0x427: {  	v2 =	vadd.s32 @!p0 $0x2, v0;
	_ =	sdelay $0x3  }
0x428: {  	[tilespmem:$0x500] =	vst @!p0 v1  }
0x429: {  	v1 =	vld.idx.msk @!p0 [tilespmem:v2+s2+$0x0], $0xffff  }
0x42a: {  	v2 =	vadd.s32 @!p0 $0x60, v0;
	_ =	sdelay $0x3  }
0x42b: {  	[tilespmem:$0x600] =	vst @!p0 v1  }
0x42c: {  	v1 =	vld.idx.msk @!p0 [tilespmem:v2+s2+$0x0], $0xffff  }
0x42d: {  	v2 =	vadd.s32 @!p0 $0x61, v0;
	_ =	sdelay $0x3  }
0x42e: {  	[tilespmem:$0x410] =	vst @!p0 v1  }
0x42f: {  	v1 =	vld.idx.msk @!p0 [tilespmem:v2+s2+$0x0], $0xffff  }
0x430: {  	v2 =	vadd.s32 @!p0 $0x62, v0;
	_ =	sdelay $0x3  }
0x431: {  	[tilespmem:$0x510] =	vst @!p0 v1  }
0x432: {  	v1 =	vld.idx.msk @!p0 [tilespmem:v2+s2+$0x0], $0xffff  }
0x433: {  	v2 =	vadd.s32 @!p0 $0xC0, v0;
	_ =	sdelay $0x3  }
0x434: {  	[tilespmem:$0x610] =	vst @!p0 v1  }
0x435: {  	v1 =	vld.idx.msk @!p0 [tilespmem:v2+s2+$0x0], $0xffff  }
0x436: {  	v2 =	vadd.s32 @!p0 $0xC1, v0;
	_ =	sdelay $0x3  }
0x437: {  	[tilespmem:$0x420] =	vst @!p0 v1  }
0x438: {  	v1 =	vld.idx.msk @!p0 [tilespmem:v2+s2+$0x0], $0xffff  }
0x439: {  	v2 =	vadd.s32 @!p0 $0xC2, v0;
	_ =	sdelay $0x3  }
0x43a: {  	[tilespmem:$0x520] =	vst @!p0 v1  }
0x43b: {  	v1 =	vld.idx.msk @!p0 [tilespmem:v2+s2+$0x0], $0xffff  }
0x43c: {  	v2 =	vadd.s32 @!p0 $0x120, v0;
	_ =	sdelay $0x3  }
0x43d: {  	[tilespmem:$0x620] =	vst @!p0 v1  }
0x43e: {  	v1 =	vld.idx.msk @!p0 [tilespmem:v2+s2+$0x0], $0xffff  }
0x43f: {  	v2 =	vadd.s32 @!p0 $0x121, v0;
	_ =	sdelay $0x3  }
0x440: {  	[tilespmem:$0x430] =	vst @!p0 v1  }
0x441: {  	v1 =	vld.idx.msk @!p0 [tilespmem:v2+s2+$0x0], $0xffff  }
0x442: {  	v2 =	vadd.s32 @!p0 $0x122, v0;
	_ =	sdelay $0x3  }
0x443: {  	[tilespmem:$0x530] =	vst @!p0 v1  }
0x444: {  	v1 =	vld.idx.msk @!p0 [tilespmem:v2+s2+$0x0], $0xffff  }
0x445: {  	v2 =	vor.u32 @!p0 $0x180, v0;
	_ =	sdelay $0x3  }
0x446: {  	[tilespmem:$0x630] =	vst @!p0 v1  }
0x447: {  	v1 =	vld.idx.msk @!p0 [tilespmem:v2+s2+$0x0], $0xffff  }
0x448: {  	v2 =	vor.u32 @!p0 $0x181, v0;
	_ =	sdelay $0x3  }
0x449: {  	[tilespmem:$0x440] =	vst @!p0 v1  }
0x44a: {  	v1 =	vld.idx.msk @!p0 [tilespmem:v2+s2+$0x0], $0xffff  }
0x44b: {  	v0 =	vadd.s32 @!p0 $0x182, v0;
	_ =	sdelay $0x3  }
0x44c: {  	[tilespmem:$0x540] =	vst @!p0 v1  }
0x44d: {  	v0 =	vld.idx.msk @!p0 [tilespmem:v0+s2+$0x0], $0xffff;
	_ =	sdelay $0x2  }
0x44e: {  	p1 =	seq.s32 @!p0 s21, $0x0;
	v58 =	vld [tilespmem:$0x1FF70]  }
0x44f: {  	p1 =	por p0, !p1;
	v36 =	vld [tilespmem:$0x1FF90]  }
0x450: {  	v60 =	vld [tilespmem:$0x1FFC0];
	s0 =	simm.s32 @p1 $0x2;
	[tilespmem:$0x640] =	vst @!p0 v0  }
0x451: {  	v61 =	vld [tilespmem:$0x1FFD0];
	_ =	swait.ge @p1 [sflag:s0], $0x5000  }
0x452: {  	[sflag:s0] =	ssyncset.done @p1 $0x0;
	v47 =	vld [tilespmem:$0x1FFB0]  }
0x453: {  	s19 =	simm.s32 $0x3000;
	s18 =	simm.s32 $0x9;
	v57 =	vld [tilespmem:$0x1FFA0];
	[sflag:s0] =	ssyncadd.s32 @p1 $0xFFFFB000  }
0x454: {  	s20 =	simm.s32 $0x8000;
	v0 =	vmov s18;
	v1 =	vld [tilespmem:s19+$0xFFFFFFC0]  }
0x455: {  	s23 =	simm.s32 $0xD000;
	v0 =	vand.u32 $0xFFFFFFF9, v0;
	v2 =	vld [tilespmem:s20+$0xFFFFFFC0]  }
0x456: {  	v0 =	vbroadcast v0, $0x0;
	v3 =	vld [tilespmem:s23+$0xFFFFFFC0]  }
0x457: {  	v4 =	vld [tilespmem:s19+$0xFFFFFFD0]  }
0x458: {  	v5 =	vld [tilespmem:s20+$0xFFFFFFD0]  }
0x459: {  	v6 =	vld [tilespmem:s23+$0xFFFFFFD0]  }
0x45a: {  	v7 =	vld [tilespmem:s19+$0xFFFFFF80]  }
0x45b: {  	v8 =	vld [tilespmem:s20+$0xFFFFFF80]  }
0x45c: {  	v0 =	vld.idx.msk [tilespmem:v0+s15+$0x0], $0xffff  }
0x45d: {  	v9 =	vld [tilespmem:s23+$0xFFFFFF80]  }
0x45e: {  	v10 =	vld [tilespmem:s19+$0xFFFFFF90]  }
0x45f: {  	v11 =	vld [tilespmem:s20+$0xFFFFFF90]  }
0x460: {  	v12 =	vld [tilespmem:s23+$0xFFFFFF90]  }
0x461: {  	v13 =	vld [tilespmem:s19+$0xFFFFFFA0];
	v0 =	vshll.u32 v0, $0x7  }
0x462: {  	v15 =	vld [tilespmem:s20+$0xFFFFFFA0];
	v14 =	vor.u32 v47, v0  }
0x463: {  	v17 =	vlaneseq.u32;
	v18 =	vld [tilespmem:s23+$0xFFFFFFA0];
	v16 =	vor.u32 v60, v0  }
0x464: {  	v20 =	vld [tilespmem:s19+$0xFFFFFFB0];
	v17 =	vor.u32 v17, v0  }
0x465: {  	v23 =	vld [tilespmem:s20+$0xFFFFFFB0];
	v19 =	vor.u32 v58, v0  }
0x466: {  	v1 =	vadd.f32 v2, v1;
	v2 =	vadd.f32 v8, v7;
	v7 =	vld [tilespmem:s23+$0xFFFFFFB0];
	v22 =	vor.u32 v36, v0  }
0x467: {  	v0 =	vor.u32 v57, v0;
	v14 =	vld.idx.msk [tilespmem:v14+s12+$0x0], $0xffff  }
0x468: {  	v16 =	vld.idx.msk [tilespmem:v16+s12+$0x0], $0xffff  }
0x469: {  	v17 =	vld.idx.msk [tilespmem:v17+s12+$0x0], $0xffff  }
0x46a: {  	v19 =	vld.idx.msk [tilespmem:v19+s12+$0x0], $0xffff  }
0x46b: {  	s4 =	simm.s32 $0x3;
	v22 =	vld.idx.msk [tilespmem:v22+s12+$0x0], $0xffff  }
0x46c: {  	s5 =	simm.s32 $0x15;
	v21 =	vmov s4;
	v5 =	vadd.f32 v5, v4;
	v0 =	vld.idx.msk [tilespmem:v0+s12+$0x0], $0xffff  }
0x46d: {  	v24 =	vmov s5;
	v59 =	vld [tilespmem:$0x1FFE0];
	v4 =	vadd.f32 v11, v10;
	v10 =	vadd.f32 v15, v13  }
0x46e: {  	v21 =	vand.u32 $0xFFFFFFFB, v21;
	v63 =	vld [tilespmem:$0x1FFF0];
	v15 =	vadd.f32 v23, v20;
	v3 =	vadd.f32 v14, v3  }
0x46f: {  	v24 =	vand.u32 $0xFFFFFFFD, v24;
	v26 =	vld [tilespmem:s20+$0xFFFFFF30];
	v9 =	vadd.f32 v17, v9;
	v6 =	vadd.f32 v16, v6  }
0x470: {  	v21 =	vbroadcast v21, $0x0;
	v27 =	vld [tilespmem:s23+$0xFFFFFF30];
	v11 =	vadd.f32 v19, v12;
	v17 =	vadd.f32 v22, v18  }
0x471: {  	v24 =	vbroadcast v24, $0x0;
	v28 =	vld [tilespmem:s19+$0x0];
	v0 =	vadd.f32 v0, v7;
	v1 =	vadd.f32 v3, v1  }
0x472: {  	v30 =	vld [tilespmem:s20+$0x0];
	v13 =	vadd.f32 v9, v2;
	v12 =	vadd.f32 v11, v4  }
0x473: {  	v40 =	vld [tilespmem:s23+$0x0];
	v11 =	vadd.f32 v17, v10;
	v4 =	vadd.f32 v0, v15  }
0x474: {  	v41 =	vld [tilespmem:s19+$0x10];
	v0 =	vadd.f32 v6, v5;
	v5 =	vadd.f32 v12, v13  }
0x475: {  	v42 =	vld [tilespmem:s23+$0x10];
	v9 =	vadd.f32 v4, v11;
	v10 =	vmul.f32 v13, v13;
	v15 =	vmul.f32 v12, v12  }
0x476: {  	v8 =	vld.idx.msk [tilespmem:v21+s15+$0x0], $0xffff;
	v17 =	vadd.f32 v0, v1;
	v21 =	vmul.f32 v11, v11;
	v22 =	vmul.f32 v4, v4  }
0x477: {  	s24 =	simm.s32 $0xF;
	v14 =	vld.idx.msk [tilespmem:v24+s15+$0x0], $0xffff;
	v24 =	vmul.f32 v0, v0;
	v5 =	vadd.f32 v9, v5;
	v9 =	vmul.f32 v1, v1  }
0x478: {  	v25 =	vmov s24;
	v43 =	vld [tilespmem:s19+$0x20];
	v10 =	vadd.f32 v15, v10;
	v15 =	vadd.f32 v22, v21  }
0x479: {  	v44 =	vld [tilespmem:s20+$0x20];
	v9 =	vadd.f32 v24, v9  }
0x47a: {  	v45 =	vld [tilespmem:s23+$0x20];
	v5 =	vadd.f32 v17, v5;
	v10 =	vadd.f32 v15, v10  }
0x47b: {  	v20 =	vld [tilespmem:s19+$0xFFFFFF00]  }
0x47c: {  	v23 =	vld [tilespmem:s20+$0xFFFFFF20];
	v9 =	vadd.f32 v9, v10;
	v10 =	vperm.xlane v5, v61  }
0x47d: {  	v8 =	vshll.u32 v8, $0x7;
	v16 =	vld.idx.msk [tilespmem:v25+s15+$0x0], $0xffff  }
0x47e: {  	v18 =	vld [tilespmem:s20+$0xFFFFFF00];
	v17 =	vor.u32 v57, v8;
	v5 =	vadd.f32 v5, v10;
	v10 =	vperm.xlane v9, v61  }
0x47f: {  	v7 =	vld [tilespmem:s20+$0xFFFFFF10];
	v14 =	vshll.u32 v14, $0x7  }
0x480: {  	v19 =	vld [tilespmem:s19+$0xFFFFFF20];
	v31 =	vor.u32 v58, v14;
	v50 =	vperm.xlane v5, v46;
	v9 =	vadd.f32 v10, v9  }
0x481: {  	v25 =	vld [tilespmem:s23+$0xFFFFFF20]  }
0x482: {  	v3 =	vld [tilespmem:s23+$0xFFFFFF00];
	v16 =	vshll.u32 v16, $0x7;
	v5 =	vadd.f32 v5, v50;
	v54 =	vperm.xlane v9, v46  }
0x483: {  	v35 =	vld.idx.msk [tilespmem:v17+s12+$0x0], $0xffff;
	v17 =	vor.u32 v58, v16  }
0x484: {  	v2 =	vld [tilespmem:s19+$0xFFFFFF10];
	v38 =	vperm.xlane v5, v59;
	v9 =	vadd.f32 v54, v9  }
0x485: {  	v29 =	vlaneseq.u32;
	v37 =	vld.idx.msk [tilespmem:v31+s12+$0x0], $0xffff;
	v31 =	vor.u32 v57, v16  }
0x486: {  	v6 =	vld [tilespmem:s23+$0xFFFFFF10];
	v21 =	vor.u32 v29, v8;
	v5 =	vadd.f32 v5, v38;
	v34 =	vperm.xlane v9, v59  }
0x487: {  	v22 =	vld [tilespmem:s19+$0xFFFFFF30];
	v29 =	vor.u32 v29, v14  }
0x488: {  	v49 =	vor.u32 v36, v14;
	v38 =	vld.idx.msk [tilespmem:v17+s12+$0x0], $0xffff;
	v17 =	vperm.xlane v5, v63;
	v9 =	vadd.f32 v34, v9  }
0x489: {  	v2 =	vadd.f32 v7, v2;
	v7 =	vadd.f32 v23, v19;
	v19 =	vld [tilespmem:s19+$0x30];
	v24 =	vor.u32 v58, v8  }
0x48a: {  	v15 =	vor.u32 v36, v8;
	v39 =	vld.idx.msk [tilespmem:v31+s12+$0x0], $0xffff;
	v5 =	vadd.f32 v5, v17;
	v31 =	vperm.xlane v9, v63  }
0x48b: {  	v33 =	vor.u32 v57, v14;
	v21 =	vld.idx.msk [tilespmem:v21+s12+$0x0], $0xffff  }
0x48c: {  	v36 =	vor.u32 v36, v16;
	v29 =	vld.idx.msk [tilespmem:v29+s12+$0x0], $0xffff;
	v17 =	vmul.f32 $1.041666700e-02, v5;
	v5 =	vadd.f32 v31, v9  }
0x48d: {  	v51 =	vmov v32;
	v32 =	vld.idx.msk [tilespmem:v49+s12+$0x0], $0xffff  }
0x48e: {  	v24 =	vld.idx.msk [tilespmem:v24+s12+$0x0], $0xffff;
	v5 =	vmul.f32 $1.041666700e-02, v5;
	v31 =	vmul.f32 v17, v17  }
0x48f: {  	v52 =	vlaneseq.u32;
	v15 =	vld.idx.msk [tilespmem:v15+s12+$0x0], $0xffff  }
0x490: {  	v33 =	vld.idx.msk [tilespmem:v33+s12+$0x0], $0xffff;
	v10 =	vor.u32 v52, v16;
	v5 =	vsub.f32 v5, v31  }
0x491: {  	v18 =	vadd.f32 v18, v20;
	v36 =	vld.idx.msk [tilespmem:v36+s12+$0x0], $0xffff  }
0x492: {  	v3 =	vadd.f32 v21, v3;
	v21 =	vld [tilespmem:s20+$0x30];
	v5 =	vadd.f32 $9.999999740e-06, v5  }
0x493: {  	v22 =	vadd.f32 v26, v22;
	v6 =	vadd.f32 v24, v6;
	v24 =	vld [tilespmem:s23+$0x30]  }
0x494: {  	v15 =	vadd.f32 v15, v25;
	v25 =	vld [tilespmem:s19+$0x80];
	v26 =	vadd.f32 v35, v27;
	v20 =	vshra.s32 v5, $0x1  }
0x495: {  	v27 =	vadd.f32 v30, v28;
	v10 =	vld.idx.msk [tilespmem:v10+s12+$0x0], $0xffff;
	v28 =	vsub.s32 $0x5F3759DF, v20;
	v20 =	vadd.f32 v6, v2  }
0x496: {  	v9 =	vld [tilespmem:s20+$0x10]  }
0x497: {  	v30 =	vld [tilespmem:s20+$0x80];
	v18 =	vadd.f32 v3, v18;
	v22 =	vadd.f32 v26, v22;
	[tilespmem:$0x1F520] =	vst v20  }
0x498: {  	v23 =	vor.u32 v47, v8;
	v31 =	vadd.f32 v15, v7;
	v5 =	vmul.f32 $5.000000000e-01, v5;
	v3 =	vld [tilespmem:s23+$0x80]  }
0x499: {  	v36 =	vadd.f32 v36, v45;
	v19 =	vadd.f32 v21, v19;
	v49 =	vmul.f32 v22, v22;
	v7 =	vld [tilespmem:s19+$0x90];
	[tilespmem:$0x1F510] =	vst v18  }
0x49a: {  	v24 =	vadd.f32 v39, v24;
	v10 =	vadd.f32 v10, v40;
	v2 =	vmul.f32 v28, v5;
	v26 =	vld [tilespmem:s20+$0x90];
	[tilespmem:$0x1F530] =	vst v31  }
0x49b: {  	v9 =	vadd.f32 v9, v41;
	v56 =	vadd.f32 v22, v31;
	v55 =	vmul.f32 v20, v20;
	[tilespmem:$0x1F540] =	vst v22  }
0x49c: {  	v15 =	vadd.f32 v20, v18;
	v18 =	vmul.f32 v18, v18;
	v2 =	vmul.f32 v28, v2;
	v48 =	vld [tilespmem:s23+$0x90]  }
0x49d: {  	v54 =	vmul.f32 v31, v31;
	v20 =	vadd.f32 v10, v27;
	v27 =	vadd.f32 v38, v42;
	v40 =	vld [tilespmem:s19+$0xA0]  }
0x49e: {  	v8 =	vor.u32 v60, v8;
	v2 =	vsub.f32 $1.500000000e+00, v2;
	v18 =	vadd.f32 v55, v18;
	v35 =	vld [tilespmem:s20+$0xA0]  }
0x49f: {  	v6 =	vor.u32 v47, v14;
	v55 =	vadd.f32 v49, v54;
	v10 =	vld [tilespmem:s23+$0xA0];
	v49 =	vadd.f32 v27, v9  }
0x4a0: {  	v34 =	vmovc v47;
	v15 =	vadd.f32 v56, v15;
	v56 =	vadd.f32 v44, v43;
	v47 =	vld [tilespmem:s20+$0xB0];
	v2 =	vmul.f32 v28, v2  }
0x4a1: {  	v50 =	vor.u32 v34, v16;
	v14 =	vor.u32 v60, v14;
	v27 =	vmul.f32 v20, v20;
	v28 =	vld [tilespmem:s19+$0xB0];
	[tilespmem:$0x1F630] =	vst v49  }
0x4a2: {  	v31 =	vadd.f32 v36, v56;
	v21 =	vmul.f32 v49, v49;
	v9 =	vld [tilespmem:s23+$0xB0];
	[tilespmem:$0x1F610] =	vst v20;
	v45 =	vmul.f32 v2, v5  }
0x4a3: {  	v16 =	vor.u32 v60, v16;
	v18 =	vadd.f32 v55, v18;
	v3 =	vadd.f32 v29, v3;
	v23 =	vld.idx.msk [tilespmem:v23+s12+$0x0], $0xffff  }
0x4a4: {  	v8 =	vld.idx.msk [tilespmem:v8+s12+$0x0], $0xffff;
	v21 =	vadd.f32 v21, v27;
	v27 =	vadd.f32 v24, v19;
	v54 =	vmul.f32 v45, v2  }
0x4a5: {  	v56 =	vld.idx.msk [tilespmem:v6+s12+$0x0], $0xffff;
	[tilespmem:$0x1F640] =	vst v31;
	v19 =	vadd.f32 v30, v25;
	v7 =	vadd.f32 v26, v7  }
0x4a6: {  	v26 =	vadd.f32 v37, v48;
	[tilespmem:$0x1F650] =	vst v27;
	v36 =	vsub.f32 $1.500000000e+00, v54  }
0x4a7: {  	v55 =	vadd.f32 v49, v20;
	v6 =	vmul.f32 v31, v31;
	v20 =	vadd.f32 v3, v19;
	v14 =	vld.idx.msk [tilespmem:v14+s12+$0x0], $0xffff  }
0x4a8: {  	v3 =	vadd.f32 v27, v31;
	v24 =	vld.idx.msk [tilespmem:v50+s12+$0x0], $0xffff;
	v31 =	vadd.f32 v26, v7;
	v2 =	vmul.f32 v36, v2  }
0x4a9: {  	v10 =	vadd.f32 v32, v10;
	v25 =	vmul.f32 v27, v27;
	v16 =	vld.idx.msk [tilespmem:v16+s12+$0x0], $0xffff  }
0x4aa: {  	v19 =	vld [tilespmem:s19+$0xFFFFFF40];
	v28 =	vadd.f32 v47, v28;
	v9 =	vadd.f32 v33, v9;
	[tilespmem:$0x1F5B0] =	vst v31;
	v5 =	vmul.f32 v2, v5  }
0x4ab: {  	v25 =	vadd.f32 v25, v6;
	v6 =	vadd.f32 v35, v40;
	v7 =	vld [tilespmem:s20+$0xFFFFFF40]  }
0x4ac: {  	v30 =	vadd.f32 v3, v55;
	v26 =	vld [tilespmem:s23+$0xFFFFFF40];
	[tilespmem:$0x1F590] =	vst v20;
	v3 =	vadd.f32 v9, v28;
	v5 =	vmul.f32 v5, v2  }
0x4ad: {  	v29 =	vld [tilespmem:s19+$0xFFFFFF50]  }
0x4ae: {  	v43 =	vadd.f32 v10, v6;
	v42 =	vld [tilespmem:s20+$0xFFFFFF50];
	[tilespmem:$0x1F5E0] =	vst v3;
	v5 =	vsub.f32 $1.500000000e+00, v5  }
0x4af: {  	v9 =	vld [tilespmem:s23+$0xFFFFFF50]  }
0x4b0: {  	v44 =	vmul.f32 v3, v3;
	v6 =	vmul.f32 v5, v2;
	v5 =	vadd.f32 v3, v43;
	v3 =	vld [tilespmem:$0x1FE40]  }
0x4b1: {  	v28 =	vld [tilespmem:s19+$0x40];
	[tilespmem:$0x1F5D0] =	vst v43  }
0x4b2: {  	v45 =	vld [tilespmem:s20+$0x40]  }
0x4b3: {  	v7 =	vadd.f32 v7, v19;
	v19 =	vadd.f32 v23, v26;
	v26 =	vld [tilespmem:s23+$0x40];
	_ =	sdelay $0x1  }
0x4b4: {  	v23 =	vmul.f32 v6, v3  }
0x4b5: {  	v40 =	vmul.f32 v31, v31;
	v10 =	vadd.f32 v31, v20;
	v21 =	vadd.f32 v25, v21;
	v25 =	vld [tilespmem:s19+$0x50]  }
0x4b6: {  	v31 =	vadd.f32 v19, v7;
	v19 =	vld [tilespmem:s20+$0x50];
	v8 =	vadd.f32 v8, v9;
	v7 =	vmul.f32 v23, v17  }
0x4b7: {  	v9 =	vld [tilespmem:s23+$0x50];
	v28 =	vadd.f32 v45, v28;
	v0 =	vmul.f32 v23, v0;
	v23 =	vadd.f32 v24, v26  }
0x4b8: {  	v29 =	vadd.f32 v42, v29;
	v7 =	vsub.f32 v51, v7  }
0x4b9: {  	v62 =	vmovc v46;
	v27 =	vmul.f32 v20, v20;
	v46 =	vld [tilespmem:s19+$0xC0];
	v2 =	vmul.f32 v43, v43;
	v35 =	vadd.f32 v23, v28  }
0x4ba: {  	v39 =	vadd.f32 v8, v29;
	v29 =	vld [tilespmem:s23+$0xC0];
	v0 =	vadd.f32 v7, v0  }
0x4bb: {  	v27 =	vadd.f32 v40, v27;
	v32 =	vadd.f32 v44, v2;
	v24 =	vld [tilespmem:s20+$0xC0];
	[tilespmem:$0x1F680] =	vst v35  }
0x4bc: {  	v2 =	vld [tilespmem:$0x1FBE0];
	v19 =	vadd.f32 v19, v25;
	v9 =	vadd.f32 v16, v9;
	[tilespmem:$0x1F670] =	vst v0  }
0x4bd: {  	v26 =	vadd.f32 v32, v27;
	v27 =	vmul.f32 v31, v31;
	v0 =	vmul.f32 v39, v39;
	v7 =	vld [tilespmem:s19+$0xD0]  }
0x4be: {  	v47 =	vadd.f32 v9, v19;
	v16 =	vld [tilespmem:s20+$0xD0]  }
0x4bf: {  	v28 =	vadd.f32 v39, v31;
	v0 =	vadd.f32 v0, v27;
	v27 =	vld [tilespmem:s23+$0xD0]  }
0x4c0: {  	v9 =	vadd.f32 v24, v46;
	v24 =	vadd.f32 v56, v29  }
0x4c1: {  	v10 =	vadd.f32 v5, v10  }
0x4c2: {  	v3 =	vmul.f32 v6, v2;
	v15 =	vadd.f32 v28, v15;
	v2 =	vadd.f32 v24, v9  }
0x4c3: {  	v5 =	vld [tilespmem:$0x1FBF0];
	v19 =	vmul.f32 v35, v35;
	v0 =	vadd.f32 v0, v18;
	v18 =	vadd.f32 v47, v35  }
0x4c4: {  	v28 =	vmul.f32 v47, v47;
	v7 =	vadd.f32 v16, v7;
	v14 =	vadd.f32 v14, v27  }
0x4c5: {  	v29 =	vperm.xlane v15, v61;
	[tilespmem:$0x1F5F0] =	vst v2;
	v9 =	vperm.xlane v0, v61;
	v16 =	vadd.f32 v18, v30  }
0x4c6: {  	v18 =	vadd.f32 v28, v19;
	v19 =	vmul.f32 v2, v2;
	v27 =	vmovc v2;
	v2 =	vadd.f32 v14, v7  }
0x4c7: {  	s25 =	simm.s32 $0x21;
	v8 =	vmul.f32 v6, v53;
	v56 =	vld [tilespmem:$0x1FF90];
	[tilespmem:$0x1F6C0] =	vst v47;
	v0 =	vadd.f32 v9, v0;
	v9 =	vperm.xlane v16, v61  }
0x4c8: {  	s30 =	simm.s32 $0x8200;
	v5 =	vmul.f32 v6, v5;
	v24 =	vmov s25;
	v15 =	vadd.f32 v15, v29;
	v7 =	vld [tilespmem:$0x1FE70];
	[tilespmem:$0x1F600] =	vst v2  }
0x4c9: {  	s31 =	simm.s32 $0xD200;
	v24 =	vand.u32 $0xFFFFFFF9, v24;
	v9 =	vadd.f32 v16, v9;
	v16 =	vadd.f32 v2, v27;
	v27 =	vld [tilespmem:s30+$0xFFFFFFC0]  }
0x4ca: {  	s29 =	simm.s32 $0x3200;
	v18 =	vadd.f32 v18, v21;
	v21 =	vbroadcast v24, $0x0;
	v14 =	vperm.xlane v15, v62;
	v29 =	vld [tilespmem:s31+$0xFFFFFFC0]  }
0x4cb: {  	v23 =	vmul.f32 v3, v17;
	v24 =	vmul.f32 v2, v2;
	v40 =	vld [tilespmem:s29+$0xFFFFFF80]  }
0x4cc: {  	v28 =	vperm.xlane v18, v61;
	v14 =	vadd.f32 v15, v14;
	v15 =	vperm.xlane v0, v62;
	v41 =	vld [tilespmem:s29+$0xFFFFFF90]  }
0x4cd: {  	v30 =	vperm.xlane v9, v62;
	v44 =	vld [tilespmem:s30+$0xFFFFFF90];
	v10 =	vadd.f32 v16, v10;
	v16 =	vadd.f32 v24, v19  }
0x4ce: {  	v33 =	vld [tilespmem:s29+$0xFFFFFFA0];
	v24 =	vperm.xlane v14, v59;
	v0 =	vadd.f32 v15, v0;
	v15 =	vadd.f32 v28, v18  }
0x4cf: {  	v43 =	vld [tilespmem:s30+$0xFFFFFFA0];
	v9 =	vadd.f32 v9, v30;
	v16 =	vadd.f32 v16, v26;
	v26 =	vperm.xlane v10, v61  }
0x4d0: {  	v7 =	vsub.f32 v7, v23;
	v21 =	vld.idx.msk [tilespmem:v21+s15+$0x0], $0xffff;
	v14 =	vadd.f32 v14, v24;
	v24 =	vperm.xlane v0, v59  }
0x4d1: {  	v19 =	vld [tilespmem:s29+$0xFFFFFFD0];
	v30 =	vperm.xlane v15, v62;
	v48 =	vperm.xlane v9, v59;
	v10 =	vadd.f32 v10, v26  }
0x4d2: {  	v18 =	vld [tilespmem:s30+$0xFFFFFFD0];
	v26 =	vperm.xlane v16, v61;
	v49 =	vperm.xlane v14, v63;
	v24 =	vadd.f32 v24, v0  }
0x4d3: {  	v25 =	vmul.f32 v5, v17;
	v28 =	vld [tilespmem:s31+$0xFFFFFFD0];
	v15 =	vadd.f32 v30, v15;
	v9 =	vadd.f32 v9, v48  }
0x4d4: {  	v23 =	vld [tilespmem:s29+$0xFFFFFFC0];
	v0 =	vperm.xlane v10, v62;
	v16 =	vadd.f32 v26, v16;
	v14 =	vadd.f32 v14, v49  }
0x4d5: {  	v22 =	vmovc v34;
	v30 =	vld [tilespmem:s30+$0xFFFFFF80];
	v50 =	vperm.xlane v24, v63;
	v51 =	vperm.xlane v15, v59;
	v21 =	vshll.u32 v21, $0x7  }
0x4d6: {  	v36 =	vmovc v53;
	v48 =	vld [tilespmem:s31+$0xFFFFFFA0];
	v53 =	vperm.xlane v9, v63;
	v42 =	vor.u32 v22, v21;
	v46 =	vor.u32 v60, v21  }
0x4d7: {  	v26 =	vld [tilespmem:s31+$0xFFFFFF80];
	v47 =	vor.u32 v52, v21;
	v10 =	vadd.f32 v10, v0;
	v54 =	vperm.xlane v16, v62  }
0x4d8: {  	v52 =	vld [tilespmem:s30+$0xFFFFFFB0];
	v2 =	vmul.f32 $1.041666700e-02, v14;
	v15 =	vadd.f32 v51, v15;
	v9 =	vadd.f32 v9, v53  }
0x4d9: {  	v14 =	vadd.f32 v50, v24;
	v24 =	vld [tilespmem:s31+$0xFFFFFF90];
	v51 =	vor.u32 v56, v21;
	v55 =	vperm.xlane v10, v59  }
0x4da: {  	v0 =	vld [tilespmem:$0x1FC20];
	v49 =	vperm.xlane v15, v63;
	v37 =	vmul.f32 $1.041666700e-02, v9;
	v9 =	vor.u32 v58, v21  }
0x4db: {  	v50 =	vld [tilespmem:s29+$0xFFFFFFB0];
	v16 =	vadd.f32 v54, v16;
	v14 =	vmul.f32 $1.041666700e-02, v14;
	v35 =	vmul.f32 v2, v2  }
0x4dc: {  	v21 =	vor.u32 v57, v21;
	v10 =	vadd.f32 v10, v55;
	v15 =	vadd.f32 v49, v15;
	v42 =	vld.idx.msk [tilespmem:v42+s12+$0x0], $0xffff  }
0x4dd: {  	v45 =	vperm.xlane v16, v59;
	v46 =	vld.idx.msk [tilespmem:v46+s12+$0x0], $0xffff;
	v38 =	vmul.f32 v37, v37  }
0x4de: {  	s2 =	simm.s32 $0x27;
	v23 =	vadd.f32 v27, v23;
	v47 =	vld.idx.msk [tilespmem:v47+s12+$0x0], $0xffff;
	v34 =	vperm.xlane v10, v63;
	v15 =	vmul.f32 $1.041666700e-02, v15  }
0x4df: {  	s26 =	simm.s32 $0x1B;
	v27 =	vmov s2;
	v14 =	vsub.f32 v14, v35;
	v16 =	vadd.f32 v45, v16;
	v9 =	vld.idx.msk [tilespmem:v9+s12+$0x0], $0xffff  }
0x4e0: {  	v35 =	vmov s26;
	v45 =	vadd.f32 v10, v34;
	v10 =	vsub.f32 v15, v38;
	v38 =	vld.idx.msk [tilespmem:v51+s12+$0x0], $0xffff  }
0x4e1: {  	v33 =	vadd.f32 v43, v33;
	v18 =	vadd.f32 v18, v19;
	v53 =	vand.u32 $0xFFFFFFFB, v35;
	v21 =	vld.idx.msk [tilespmem:v21+s12+$0x0], $0xffff  }
0x4e2: {  	v19 =	vadd.f32 v44, v41;
	v30 =	vadd.f32 v30, v40;
	v15 =	vbroadcast v53, $0x0;
	v53 =	vld [tilespmem:s31+$0xFFFFFFB0]  }
0x4e3: {  	v25 =	vsub.f32 v0, v25;
	v54 =	vperm.xlane v16, v63;
	v29 =	vadd.f32 v42, v29  }
0x4e4: {  	v44 =	vld [tilespmem:s31+$0xFFFFFF10];
	v26 =	vadd.f32 v47, v26;
	v28 =	vadd.f32 v46, v28  }
0x4e5: {  	v27 =	vld.idx.msk [tilespmem:v27+s15+$0x0], $0xffff;
	v16 =	vadd.f32 v54, v16;
	v54 =	vadd.f32 v52, v50  }
0x4e6: {  	v32 =	vmul.f32 v8, v17;
	v49 =	vld [tilespmem:s29+$0xFFFFFF30];
	v40 =	vadd.f32 v29, v23;
	v9 =	vadd.f32 v9, v24  }
0x4e7: {  	v13 =	vmul.f32 v3, v13;
	v0 =	vld [tilespmem:$0x1FC30];
	v24 =	vadd.f32 v38, v48;
	v21 =	vadd.f32 v21, v53  }
0x4e8: {  	v12 =	vmul.f32 v5, v12;
	v51 =	vld [tilespmem:s30+$0xFFFFFF30];
	v3 =	vadd.f32 v26, v30;
	v38 =	vadd.f32 v9, v19  }
0x4e9: {  	v46 =	vld [tilespmem:$0x1FF90];
	v34 =	vmul.f32 $1.041666700e-02, v45;
	v43 =	vadd.f32 v24, v33;
	v41 =	vadd.f32 v21, v54  }
0x4ea: {  	v5 =	vadd.f32 v28, v18;
	v15 =	vld.idx.msk [tilespmem:v15+s15+$0x0], $0xffff;
	v21 =	vmul.f32 v8, v11;
	v11 =	vmul.f32 v3, v3  }
0x4eb: {  	v45 =	vld [tilespmem:s29+$0xFFFFFF20];
	v8 =	vadd.f32 v38, v3;
	v9 =	vadd.f32 v41, v43;
	v18 =	vmul.f32 v38, v38  }
0x4ec: {  	v23 =	vld [tilespmem:s29+$0xFFFFFF00];
	v29 =	vadd.f32 v5, v40;
	v30 =	vmul.f32 v43, v43;
	v55 =	vmul.f32 v41, v41  }
0x4ed: {  	v26 =	vld [tilespmem:s29+$0xFFFFFF10];
	v56 =	vmul.f32 v5, v5;
	v8 =	vadd.f32 v9, v8;
	v9 =	vmul.f32 v40, v40  }
0x4ee: {  	v35 =	vlaneseq.u32;
	v28 =	vld [tilespmem:s30+$0xFFFFFF10];
	v11 =	vadd.f32 v18, v11;
	v30 =	vadd.f32 v55, v30  }
0x4ef: {  	v32 =	vsub.f32 v0, v32;
	v53 =	vld [tilespmem:s29+$0x0];
	v18 =	vshll.u32 v15, $0x7;
	v9 =	vadd.f32 v56, v9  }
0x4f0: {  	v19 =	vld [tilespmem:s30+$0xFFFFFF00];
	v42 =	vor.u32 v35, v18;
	v8 =	vadd.f32 v29, v8;
	v11 =	vadd.f32 v30, v11  }
0x4f1: {  	v16 =	vmul.f32 $1.041666700e-02, v16;
	v24 =	vld [tilespmem:s31+$0xFFFFFF00];
	v47 =	vor.u32 v58, v18;
	v29 =	vmul.f32 v34, v34  }
0x4f2: {  	s3 =	simm.s32 $0x2D;
	v48 =	vmovc v0;
	v0 =	vadd.f32 v7, v13;
	v33 =	vld [tilespmem:s31+$0xFFFFFF20];
	v11 =	vadd.f32 v9, v11;
	v9 =	vperm.xlane v8, v61  }
0x4f3: {  	v15 =	vld [tilespmem:s30+$0xFFFFFF20];
	v50 =	vor.u32 v46, v18;
	v30 =	vmov s3;
	v29 =	vsub.f32 v16, v29  }
0x4f4: {  	v16 =	vand.u32 $0xFFFFFFFD, v30;
	v30 =	vld [tilespmem:s31+$0xFFFFFF30];
	[tilespmem:$0x1F690] =	vst v0;
	v54 =	vadd.f32 v8, v9;
	v9 =	vadd.f32 v25, v12  }
0x4f5: {  	v52 =	vor.u32 v57, v18;
	v56 =	vadd.f32 $9.999999740e-06, v14;
	v7 =	vld.idx.msk [tilespmem:v42+s12+$0x0], $0xffff  }
0x4f6: {  	v16 =	vbroadcast v16, $0x0;
	v55 =	vperm.xlane v11, v61;
	v14 =	vld.idx.msk [tilespmem:v47+s12+$0x0], $0xffff;
	[tilespmem:$0x1F6A0] =	vst v9;
	v9 =	vadd.f32 v32, v21  }
0x4f7: {  	v8 =	vshll.u32 v27, $0x7  }
0x4f8: {  	v20 =	vld [tilespmem:$0x1FC10];
	v13 =	vor.u32 v35, v8;
	v27 =	vadd.f32 v55, v11;
	[tilespmem:$0x1F6B0] =	vst v9  }
0x4f9: {  	v12 =	vor.u32 v58, v8;
	v42 =	vperm.xlane v54, v62;
	v21 =	vld.idx.msk [tilespmem:v50+s12+$0x0], $0xffff  }
0x4fa: {  	v26 =	vadd.f32 v28, v26;
	v25 =	vor.u32 v46, v8;
	v32 =	vld.idx.msk [tilespmem:v52+s12+$0x0], $0xffff;
	v52 =	vperm.xlane v27, v62  }
0x4fb: {  	v19 =	vadd.f32 v19, v23;
	v28 =	vor.u32 v57, v8;
	v47 =	vadd.f32 v54, v42;
	v23 =	vld [tilespmem:s30+$0x0]  }
0x4fc: {  	v16 =	vld.idx.msk [tilespmem:v16+s15+$0x0], $0xffff;
	v27 =	vadd.f32 v52, v27  }
0x4fd: {  	v15 =	vadd.f32 v15, v45;
	v7 =	vadd.f32 v7, v24;
	v54 =	vperm.xlane v47, v59;
	v13 =	vld.idx.msk [tilespmem:v13+s12+$0x0], $0xffff  }
0x4fe: {  	v14 =	vadd.f32 v14, v44;
	v24 =	vadd.f32 v51, v49;
	v12 =	vld.idx.msk [tilespmem:v12+s12+$0x0], $0xffff;
	v42 =	vperm.xlane v27, v59  }
0x4ff: {  	v25 =	vld.idx.msk [tilespmem:v25+s12+$0x0], $0xffff;
	v50 =	vadd.f32 v7, v19;
	v55 =	vadd.f32 v47, v54  }
0x500: {  	v28 =	vld.idx.msk [tilespmem:v28+s12+$0x0], $0xffff;
	v21 =	vadd.f32 v21, v33;
	v27 =	vadd.f32 v42, v27  }
0x501: {  	v51 =	vadd.f32 v14, v26;
	v19 =	vld [tilespmem:s31+$0x0];
	v30 =	vadd.f32 v32, v30  }
0x502: {  	v49 =	vperm.xlane v55, v63;
	v9 =	vadd.f32 v21, v15;
	v15 =	vld [tilespmem:s29+$0x10];
	[tilespmem:$0x1F430] =	vst v50;
	v14 =	vperm.xlane v27, v63  }
0x503: {  	v10 =	vadd.f32 $9.999999740e-06, v10;
	v11 =	vadd.f32 v30, v24;
	v26 =	vld [tilespmem:s30+$0x10];
	[tilespmem:$0x1F440] =	vst v51  }
0x504: {  	v0 =	vlaneseq.u32;
	v7 =	vadd.f32 v55, v49;
	v14 =	vadd.f32 v14, v27;
	v27 =	vld [tilespmem:s31+$0x10];
	[tilespmem:$0x1F450] =	vst v9  }
0x505: {  	v35 =	vld [tilespmem:$0x1FC00];
	v23 =	vadd.f32 v23, v53;
	v21 =	vadd.f32 v51, v50;
	v24 =	vmul.f32 v50, v50;
	[tilespmem:$0x1F460] =	vst v11  }
0x506: {  	v30 =	vmul.f32 v51, v51;
	v13 =	vadd.f32 v13, v19;
	v7 =	vmul.f32 $1.041666700e-02, v7;
	v53 =	vld [tilespmem:s29+$0x20]  }
0x507: {  	v32 =	vadd.f32 v11, v9;
	v33 =	vmul.f32 v9, v9;
	v52 =	vmul.f32 v11, v11;
	v55 =	vld [tilespmem:s30+$0x20]  }
0x508: {  	v16 =	vshll.u32 v16, $0x7;
	v24 =	vadd.f32 v30, v24;
	v9 =	vadd.f32 v13, v23;
	v19 =	vld [tilespmem:s31+$0x20]  }
0x509: {  	v54 =	vmul.f32 v7, v7;
	v50 =	vadd.f32 v52, v33;
	v51 =	vld [tilespmem:s29+$0x30];
	v52 =	vor.u32 v58, v16  }
0x50a: {  	v23 =	vld [tilespmem:s30+$0x30];
	v30 =	vmul.f32 $1.041666700e-02, v14;
	v14 =	vadd.f32 v32, v21;
	v21 =	vor.u32 v0, v16  }
0x50b: {  	v49 =	vld [tilespmem:s29+$0x90];
	v32 =	vmul.f32 $5.000000000e-01, v56;
	v13 =	vadd.f32 v26, v15;
	v26 =	vmul.f32 v6, v35  }
0x50c: {  	v15 =	vadd.f32 v50, v24;
	v24 =	vld [tilespmem:s31+$0x30];
	v12 =	vadd.f32 v12, v27;
	v27 =	vshra.s32 v56, $0x1  }
0x50d: {  	v45 =	vadd.f32 v55, v53;
	v53 =	vld [tilespmem:s29+$0x80];
	v27 =	vsub.s32 $0x5F3759DF, v27;
	v19 =	vadd.f32 v25, v19  }
0x50e: {  	v6 =	vmul.f32 v6, v20;
	v25 =	vld [tilespmem:s30+$0x80];
	v11 =	vadd.f32 v12, v13;
	v13 =	vmul.f32 v27, v32  }
0x50f: {  	v21 =	vld.idx.msk [tilespmem:v21+s12+$0x0], $0xffff;
	v56 =	vadd.f32 v19, v45;
	v19 =	vshra.s32 v10, $0x1;
	v45 =	vmul.f32 $5.000000000e-01, v10  }
0x510: {  	v12 =	vmul.f32 v26, v4;
	v4 =	vsub.s32 $0x5F3759DF, v19;
	v19 =	vadd.f32 v23, v51;
	v23 =	vld [tilespmem:s31+$0x80]  }
0x511: {  	v47 =	vld [tilespmem:s31+$0x90];
	v42 =	vmul.f32 v26, v17;
	v24 =	vadd.f32 v28, v24;
	v28 =	vmul.f32 v4, v45  }
0x512: {  	v33 =	vor.u32 v46, v16;
	v10 =	vmul.f32 v6, v17;
	v17 =	vld [tilespmem:s30+$0x90];
	v55 =	vmul.f32 v27, v13  }
0x513: {  	v50 =	vor.u32 v57, v16;
	v57 =	vmul.f32 v9, v9;
	v44 =	vld.idx.msk [tilespmem:v52+s12+$0x0], $0xffff;
	v28 =	vmul.f32 v4, v28  }
0x514: {  	v58 =	vmul.f32 v11, v11;
	v25 =	vadd.f32 v25, v53;
	v26 =	vsub.f32 $1.500000000e+00, v55;
	v53 =	vld [tilespmem:s29+$0xA0]  }
0x515: {  	v6 =	vmul.f32 v6, v1;
	v1 =	vadd.f32 v21, v23;
	v21 =	vsub.f32 $1.500000000e+00, v28;
	v23 =	vld [tilespmem:s30+$0xA0]  }
0x516: {  	v13 =	vadd.f32 v24, v19;
	v26 =	vmul.f32 v27, v26;
	v27 =	vadd.f32 v58, v57  }
0x517: {  	v17 =	vadd.f32 v17, v49;
	v49 =	vld [tilespmem:s29+$0xB0];
	v28 =	vadd.f32 $9.999999740e-06, v29;
	v4 =	vmul.f32 v4, v21  }
0x518: {  	v57 =	vadd.f32 v1, v25;
	v21 =	vld.idx.msk [tilespmem:v33+s12+$0x0], $0xffff;
	v25 =	vadd.f32 v44, v47;
	v47 =	vor.u32 v22, v18  }
0x519: {  	v1 =	vshra.s32 v28, $0x1;
	v19 =	vmul.f32 $5.000000000e-01, v28;
	v28 =	vld.idx.msk [tilespmem:v50+s12+$0x0], $0xffff;
	v18 =	vor.u32 v60, v18  }
0x51a: {  	v30 =	vsub.f32 v30, v54;
	v51 =	vor.u32 v22, v8;
	v23 =	vadd.f32 v23, v53;
	v53 =	vld [tilespmem:s31+$0xB0]  }
0x51b: {  	v33 =	vld [tilespmem:s31+$0xA0]  }
0x51c: {  	v24 =	vadd.f32 $9.999999740e-06, v30;
	v50 =	vld [tilespmem:s30+$0xB0];
	v1 =	vsub.s32 $0x5F3759DF, v1  }
0x51d: {  	v29 =	vmul.f32 v1, v19;
	v0 =	vadd.f32 v25, v17;
	v17 =	vld.idx.msk [tilespmem:v47+s12+$0x0], $0xffff  }
0x51e: {  	v30 =	vshra.s32 v24, $0x1;
	v24 =	vmul.f32 $5.000000000e-01, v24;
	v55 =	vmul.f32 v26, v32;
	v18 =	vld.idx.msk [tilespmem:v18+s12+$0x0], $0xffff  }
0x51f: {  	v30 =	vsub.s32 $0x5F3759DF, v30;
	v29 =	vmul.f32 v1, v29;
	v25 =	vadd.f32 v28, v53;
	v28 =	vld.idx.msk [tilespmem:v51+s12+$0x0], $0xffff;
	[tilespmem:$0x1F470] =	vst v9  }
0x520: {  	v58 =	vmul.f32 v30, v24;
	v44 =	vmul.f32 v55, v26;
	[tilespmem:$0x1F480] =	vst v11  }
0x521: {  	v54 =	vmul.f32 v56, v56;
	v55 =	vmul.f32 v13, v13;
	v29 =	vsub.f32 $1.500000000e+00, v29;
	[tilespmem:$0x1F490] =	vst v56  }
0x522: {  	v58 =	vmul.f32 v30, v58;
	v21 =	vadd.f32 v21, v33;
	v33 =	vsub.f32 $1.500000000e+00, v44;
	[tilespmem:$0x1F4A0] =	vst v13  }
0x523: {  	v1 =	vmul.f32 v1, v29;
	v29 =	vadd.f32 v55, v54;
	v47 =	vld [tilespmem:s29+$0xFFFFFF40]  }
0x524: {  	v26 =	vmul.f32 v33, v26;
	v55 =	vadd.f32 v21, v23;
	v21 =	vsub.f32 $1.500000000e+00, v58;
	v33 =	vld [tilespmem:s30+$0xFFFFFF40]  }
0x525: {  	v23 =	vadd.f32 v50, v49;
	v53 =	vmul.f32 v4, v45;
	v54 =	vadd.f32 v13, v56;
	v50 =	vld [tilespmem:s31+$0xFFFFFF40]  }
0x526: {  	v56 =	vmul.f32 v0, v0;
	v49 =	vld [tilespmem:s29+$0x40];
	v21 =	vmul.f32 v30, v21;
	v30 =	vadd.f32 v11, v9  }
0x527: {  	v9 =	vadd.f32 v25, v23;
	v23 =	vmul.f32 v53, v4;
	v25 =	vmul.f32 v1, v19;
	v53 =	vld [tilespmem:s29+$0xFFFFFF50]  }
0x528: {  	v51 =	vmul.f32 v55, v55;
	v27 =	vadd.f32 v29, v27;
	v29 =	vld [tilespmem:s31+$0xFFFFFF50];
	v44 =	vadd.f32 v54, v30  }
0x529: {  	v30 =	vmul.f32 v57, v57;
	v23 =	vsub.f32 $1.500000000e+00, v23;
	v52 =	vmul.f32 v9, v9;
	v54 =	vld [tilespmem:s30+$0xFFFFFF50];
	[tilespmem:$0x1F4B0] =	vst v57  }
0x52a: {  	v8 =	vor.u32 v60, v8;
	v25 =	vmul.f32 v25, v1;
	v58 =	vmul.f32 v21, v24;
	[tilespmem:$0x1F4C0] =	vst v0  }
0x52b: {  	[tilespmem:$0x1F4D0] =	vst v9;
	v30 =	vadd.f32 v56, v30;
	v4 =	vmul.f32 v23, v4;
	v23 =	vadd.f32 v52, v51  }
0x52c: {  	[tilespmem:$0x1F4E0] =	vst v55;
	v33 =	vadd.f32 v33, v47;
	v25 =	vsub.f32 $1.500000000e+00, v25  }
0x52d: {  	v47 =	vmul.f32 v58, v21;
	v51 =	vadd.f32 v0, v57;
	v58 =	vadd.f32 v9, v55;
	v55 =	vld [tilespmem:s30+$0x40]  }
0x52e: {  	v17 =	vadd.f32 v17, v50;
	v57 =	vld [tilespmem:s31+$0x40];
	v52 =	vor.u32 v22, v16;
	v18 =	vadd.f32 v18, v29  }
0x52f: {  	v8 =	vld.idx.msk [tilespmem:v8+s12+$0x0], $0xffff;
	v1 =	vmul.f32 v25, v1;
	v25 =	vsub.f32 $1.500000000e+00, v47;
	v50 =	vadd.f32 v58, v51  }
0x530: {  	v56 =	vld [tilespmem:s31+$0xC0];
	v51 =	vadd.f32 v23, v30;
	v23 =	vmul.f32 v26, v32;
	v11 =	vadd.f32 v17, v33  }
0x531: {  	v30 =	vld [tilespmem:s29+$0x50];
	v17 =	vadd.f32 v54, v53;
	v21 =	vmul.f32 v25, v21;
	v25 =	vmul.f32 v4, v45  }
0x532: {  	v58 =	vld [tilespmem:s30+$0x50];
	v23 =	vmul.f32 v23, v26;
	v19 =	vmul.f32 v1, v19;
	v29 =	vadd.f32 v55, v49  }
0x533: {  	v54 =	vld [tilespmem:s31+$0x50];
	v28 =	vadd.f32 v28, v57;
	v13 =	vadd.f32 v18, v17  }
0x534: {  	v53 =	vmul.f32 v25, v4;
	v23 =	vsub.f32 $1.500000000e+00, v23;
	v17 =	vmul.f32 v19, v1;
	v19 =	vld [tilespmem:s29+$0xC0]  }
0x535: {  	v0 =	vadd.f32 v28, v29;
	v29 =	vld.idx.msk [tilespmem:v52+s12+$0x0], $0xffff  }
0x536: {  	v23 =	vmul.f32 v23, v26;
	v26 =	vld [tilespmem:s30+$0xC0];
	v28 =	vsub.f32 $1.500000000e+00, v53  }
0x537: {  	v18 =	vmul.f32 v21, v24;
	v24 =	vadd.f32 v58, v30  }
0x538: {  	v30 =	vor.u32 v60, v16;
	v16 =	vmul.f32 v28, v4;
	v4 =	vadd.f32 v8, v54;
	_ =	sdelay $0x1  }
0x539: {  	v32 =	vadd.f32 v4, v24  }
0x53a: {  	v49 =	vld [tilespmem:$0x1FBE0];
	v4 =	vadd.f32 v26, v19;
	v19 =	vadd.f32 v29, v56  }
0x53b: {  	v17 =	vsub.f32 $1.500000000e+00, v17  }
0x53c: {  	v24 =	vadd.f32 v19, v4;
	v4 =	vld [tilespmem:$0x1F510]  }
0x53d: {  	v9 =	vmul.f32 v17, v1;
	v17 =	vadd.f32 v13, v11;
	_ =	sdelay $0x1  }
0x53e: {  	v33 =	vld [tilespmem:$0x1FBF0];
	v14 =	vadd.f32 v17, v14;
	v17 =	vmul.f32 v23, v49  }
0x53f: {  	v25 =	vld [tilespmem:$0x1FE40];
	v18 =	vmul.f32 v18, v21;
	[tilespmem:$0x1F4F0] =	vst v11  }
0x540: {  	[tilespmem:$0x1F500] =	vst v13;
	v19 =	vmul.f32 v17, v4;
	v4 =	vld [tilespmem:$0x1F520]  }
0x541: {  	v8 =	vsub.f32 $1.500000000e+00, v18;
	v18 =	vld [tilespmem:s29+$0xD0]  }
0x542: {  	v55 =	vmul.f32 v11, v11;
	v57 =	vmul.f32 v13, v13;
	v26 =	vld [tilespmem:s30+$0xD0]  }
0x543: {  	v8 =	vmul.f32 v8, v21;
	v21 =	vmul.f32 v23, v33  }
0x544: {  	v1 =	vadd.f32 v57, v55;
	v60 =	vmul.f32 v23, v36;
	v11 =	vld [tilespmem:$0x1F530]  }
0x545: {  	v57 =	vmul.f32 v23, v25;
	v58 =	vld.idx.msk [tilespmem:v30+s12+$0x0], $0xffff;
	v29 =	vmul.f32 v21, v4;
	v4 =	vadd.f32 v32, v0  }
0x546: {  	v1 =	vadd.f32 v1, v15;
	v15 =	vmul.f32 v23, v20;
	v56 =	vmul.f32 v23, v35;
	v23 =	vld [tilespmem:s31+$0xD0]  }
0x547: {  	v28 =	vmul.f32 v17, v2;
	v17 =	vadd.f32 v26, v18;
	v18 =	vadd.f32 v4, v44;
	v4 =	vld [tilespmem:$0x1F540]  }
0x548: {  	v45 =	vmul.f32 v60, v2  }
0x549: {  	v13 =	vmul.f32 v21, v2;
	v30 =	vmul.f32 v60, v11  }
0x54a: {  	v60 =	vmul.f32 v15, v31;
	v26 =	vmul.f32 v32, v32  }
0x54b: {  	[tilespmem:$0x1F550] =	vst v0;
	v21 =	vmul.f32 v0, v0;
	v0 =	vmul.f32 v57, v2  }
0x54c: {  	v22 =	vadd.f32 v58, v23;
	v23 =	vmul.f32 v56, v2;
	v4 =	vmul.f32 v56, v4  }
0x54d: {  	v26 =	vadd.f32 v26, v21;
	v21 =	vmul.f32 v15, v2;
	[tilespmem:$0x1F660] =	vst v0;
	v2 =	vmul.f32 v57, v39  }
0x54e: {  	v0 =	vperm.xlane v18, v61;
	[tilespmem:$0x1F620] =	vst v4;
	v4 =	vperm.xlane v14, v61  }
0x54f: {  	[tilespmem:$0x1F560] =	vst v2;
	v2 =	vadd.f32 v22, v17;
	v15 =	vadd.f32 v26, v27;
	v17 =	vmul.f32 v8, v25  }
0x550: {  	v22 =	vmul.f32 v24, v24;
	v14 =	vadd.f32 v14, v4;
	v4 =	vperm.xlane v1, v61  }
0x551: {  	v0 =	vadd.f32 v18, v0;
	v26 =	vadd.f32 v2, v24;
	v27 =	vmul.f32 v2, v2  }
0x552: {  	v31 =	vperm.xlane v15, v61;
	v1 =	vadd.f32 v4, v1;
	v18 =	vperm.xlane v14, v62  }
0x553: {  	v26 =	vadd.f32 v26, v50;
	v22 =	vadd.f32 v27, v22;
	v27 =	vperm.xlane v0, v62  }
0x554: {  	v5 =	vmul.f32 v17, v5;
	v14 =	vadd.f32 v14, v18;
	v18 =	vperm.xlane v1, v62  }
0x555: {  	v15 =	vadd.f32 v31, v15;
	v0 =	vadd.f32 v0, v27;
	v27 =	vperm.xlane v26, v61  }
0x556: {  	v44 =	vmul.f32 v17, v7;
	v1 =	vadd.f32 v18, v1;
	v17 =	vperm.xlane v14, v59  }
0x557: {  	v26 =	vadd.f32 v26, v27;
	v27 =	vperm.xlane v15, v62;
	v18 =	vadd.f32 v22, v51  }
0x558: {  	v14 =	vadd.f32 v14, v17;
	v17 =	vperm.xlane v1, v59  }
0x559: {  	v15 =	vadd.f32 v27, v15;
	v27 =	vperm.xlane v18, v61  }
0x55a: {  	v31 =	vmul.f32 v8, v33;
	v1 =	vadd.f32 v17, v1;
	v17 =	vperm.xlane v0, v59  }
0x55b: {  	[tilespmem:$0x1F580] =	vst v2;
	v22 =	vmul.f32 v8, v49;
	v2 =	vperm.xlane v14, v63;
	v57 =	vadd.f32 v27, v18  }
0x55c: {  	v18 =	vperm.xlane v26, v62;
	v27 =	vmul.f32 v31, v38;
	v61 =	vadd.f32 v0, v17  }
0x55d: {  	v0 =	vmul.f32 v22, v3;
	v2 =	vadd.f32 v14, v2;
	v14 =	vperm.xlane v15, v59  }
0x55e: {  	v17 =	vmul.f32 v22, v7;
	v22 =	vperm.xlane v1, v63  }
0x55f: {  	v11 =	vmovc v25;
	v25 =	vadd.f32 v26, v18;
	v18 =	vmul.f32 v31, v7;
	v14 =	vadd.f32 v14, v15  }
0x560: {  	v15 =	vperm.xlane v61, v63;
	v31 =	vadd.f32 v22, v1;
	v1 =	vperm.xlane v57, v62;
	_ =	sdelay $0x1  }
0x561: {  	v15 =	vadd.f32 v61, v15;
	v61 =	vadd.f32 v1, v57;
	_ =	sdelay $0x1  }
0x562: {  	v47 =	vmul.f32 $1.041666700e-02, v15;
	v15 =	vperm.xlane v61, v59;
	_ =	sdelay $0x1  }
0x563: {  	v58 =	vmul.f32 v8, v36;
	v15 =	vadd.f32 v15, v61  }
0x564: {  	v50 =	vmul.f32 v8, v35;
	v8 =	vmul.f32 v8, v20  }
0x565: {  	v3 =	vperm.xlane v15, v63  }
0x566: {  	v1 =	vmul.f32 v8, v7  }
0x567: {  	v61 =	vadd.f32 v3, v15;
	v3 =	vld [tilespmem:$0x1F590]  }
0x568: {  	[tilespmem:$0x1F6D0] =	vst v1;
	v1 =	vld [tilespmem:$0x1FC40]  }
0x569: {  	v8 =	vmul.f32 v8, v40;
	v40 =	vmul.f32 $1.041666700e-02, v2  }
0x56a: {  	v2 =	vmul.f32 $1.041666700e-02, v31;
	v31 =	vmul.f32 v9, v49;
	_ =	sdelay $0x1  }
0x56b: {  	v3 =	vmul.f32 v31, v3  }
0x56c: {  	[tilespmem:$0x1F570] =	vst v24;
	v51 =	vmul.f32 v58, v43;
	v24 =	vsub.f32 v1, v42  }
0x56d: {  	v22 =	vmul.f32 v58, v7;
	v58 =	vperm.xlane v14, v63;
	[tilespmem:$0x1F5A0] =	vst v3;
	v3 =	vld [tilespmem:$0x1F5B0]  }
0x56e: {  	v12 =	vadd.f32 v24, v12;
	v24 =	vmul.f32 v40, v40  }
0x56f: {  	v26 =	vmul.f32 v50, v7;
	v7 =	vadd.f32 v58, v14  }
0x570: {  	v38 =	vld [tilespmem:$0x1FC50];
	v14 =	vperm.xlane v25, v59;
	v2 =	vsub.f32 v2, v24;
	v24 =	vmul.f32 v9, v33  }
0x571: {  	v7 =	vmul.f32 $1.041666700e-02, v7  }
0x572: {  	v14 =	vadd.f32 v25, v14;
	v25 =	vmul.f32 v47, v47;
	v3 =	vmul.f32 v24, v3  }
0x573: {  	v56 =	vmul.f32 v31, v34;
	v31 =	vld [tilespmem:$0x1FE50]  }
0x574: {  	v62 =	vperm.xlane v14, v63;
	v7 =	vsub.f32 v7, v25;
	[tilespmem:$0x1F5C0] =	vst v3;
	v3 =	vld [tilespmem:$0x1F5D0]  }
0x575: {  	v10 =	vsub.f32 v38, v10  }
0x576: {  	v14 =	vadd.f32 v14, v62;
	v7 =	vadd.f32 $9.999999740e-06, v7  }
0x577: {  	v4 =	vmov v33;
	v33 =	vmul.f32 v9, v36;
	v2 =	vadd.f32 $9.999999740e-06, v2  }
0x578: {  	v10 =	vadd.f32 v10, v6;
	v43 =	vmul.f32 $1.041666700e-02, v14;
	v62 =	vshra.s32 v7, $0x1  }
0x579: {  	v39 =	vmovc v49;
	v15 =	vshra.s32 v2, $0x1;
	v49 =	vmul.f32 v33, v3;
	v3 =	vsub.f32 v31, v44  }
0x57a: {  	v6 =	vmul.f32 v43, v43;
	v14 =	vmul.f32 $5.000000000e-01, v2;
	v2 =	vsub.s32 $0x5F3759DF, v15  }
0x57b: {  	v15 =	vmul.f32 $5.000000000e-01, v7;
	v7 =	vmul.f32 $1.041666700e-02, v61;
	v42 =	vadd.f32 v3, v5;
	v3 =	vld [tilespmem:$0x1F5E0]  }
0x57c: {  	v54 =	vmul.f32 v9, v20;
	v55 =	vmul.f32 v9, v11;
	v57 =	vsub.s32 $0x5F3759DF, v62;
	v62 =	vld [tilespmem:$0x1FE70]  }
0x57d: {  	v53 =	vmul.f32 v50, v41;
	v50 =	vmul.f32 v9, v35;
	v59 =	vsub.f32 v7, v6;
	v6 =	vld [tilespmem:$0x1F5F0]  }
0x57e: {  	v25 =	vmul.f32 v55, v34;
	v58 =	vmul.f32 v33, v34;
	v7 =	vld [tilespmem:$0x1F600]  }
0x57f: {  	v61 =	vmul.f32 v50, v34;
	v63 =	vmul.f32 v2, v14  }
0x580: {  	v33 =	vmul.f32 v57, v15;
	v41 =	vmul.f32 v50, v3;
	v50 =	vld [tilespmem:$0x1FC20]  }
0x581: {  	v9 =	vmul.f32 v16, v11;
	v3 =	vmul.f32 v2, v63  }
0x582: {  	v52 =	vmul.f32 v54, v6;
	v6 =	vsub.f32 v62, v28;
	v5 =	vmul.f32 v57, v33  }
0x583: {  	v24 =	vmul.f32 v24, v34;
	v44 =	vmul.f32 v55, v7;
	v3 =	vsub.f32 $1.500000000e+00, v3  }
0x584: {  	v7 =	vld [tilespmem:$0x1F610];
	v33 =	vmul.f32 v54, v34;
	v34 =	vadd.f32 v6, v19;
	v5 =	vsub.f32 $1.500000000e+00, v5  }
0x585: {  	v6 =	vmul.f32 v16, v4;
	v4 =	vld [tilespmem:$0x1F620];
	v28 =	vmul.f32 v2, v3;
	v2 =	vsub.f32 v50, v13  }
0x586: {  	v19 =	vmul.f32 v57, v5;
	v5 =	vsub.f32 v1, v23;
	v3 =	vsub.f32 v48, v45  }
0x587: {  	v63 =	vmul.f32 v16, v35;
	v29 =	vadd.f32 v2, v29;
	v2 =	vmul.f32 v16, v39  }
0x588: {  	v35 =	vmul.f32 v16, v20;
	v30 =	vadd.f32 v3, v30;
	v3 =	vmul.f32 v16, v36  }
0x589: {  	v45 =	vmul.f32 v2, v7;
	v16 =	vmul.f32 v2, v37;
	v2 =	vsub.f32 v38, v21  }
0x58a: {  	v23 =	vadd.f32 v5, v4;
	v5 =	vld [tilespmem:$0x1F630]  }
0x58b: {  	v7 =	vadd.f32 v2, v60;
	v2 =	vld [tilespmem:$0x1F640];
	_ =	sdelay $0x3  }
0x58c: {  	v20 =	vmul.f32 v6, v37  }
0x58d: {  	v5 =	vmul.f32 v6, v5;
	v6 =	vmul.f32 v3, v2;
	v2 =	vld [tilespmem:$0x1F650]  }
0x58e: {  	v21 =	vmul.f32 v3, v37;
	v3 =	vld [tilespmem:$0x1F660];
	_ =	sdelay $0x4  }
0x58f: {  	v36 =	vmul.f32 v63, v37;
	v2 =	vmul.f32 v63, v2;
	v63 =	vsub.f32 v31, v3;
	v3 =	vld [tilespmem:$0x1F670]  }
0x590: {  	s23 =	simm.s32 $0x0  }
0x591: {  	s5 =	simm.s32 $0x80;
	s4 =	sand.u32 $0x7800, s23  }
0x592: {  	s8 =	sand.u32 $0x280, s5;
	s6 =	sadd.s32 $0x14700, s4  }
0x593: {  	s28 =	sadd.s32 s8, s6  }
0x594: {  	[tilespmem:s28+$0x50] =	vst v3  }
0x595: {  	v4 =	vld [tilespmem:$0x1F690];
	_ =	sdelay $0x4  }
0x596: {  	v3 =	vld [tilespmem:$0x1F680];
	[tilespmem:s28+$0x0] =	vst v4  }
0x597: {  	v11 =	vld [tilespmem:$0x1F6A0];
	_ =	sdelay $0x3  }
0x598: {  	s8 =	simm.s32 $0x400  }
0x599: {  	s11 =	simm.s32 $0x280;
	s10 =	sand.u32 $0x7800, s8;
	[tilespmem:s28+$0x10] =	vst v11  }
0x59a: {  	s14 =	sand.u32 $0x280, s11;
	s9 =	simm.s32 $0x0;
	s7 =	sadd.s32 $0x14700, s10;
	v4 =	vadd.f32 $9.999999740e-06, v59;
	v59 =	vsub.f32 v1, v61;
	v61 =	vld [tilespmem:$0x1F6B0];
	[tilespmem:s28+$0x30] =	vst v12  }
0x59b: {  	s0 =	sand.u32 $0x200, s9;
	s10 =	sadd.s32 s14, s7;
	[tilespmem:s28+$0x40] =	vst v10  }
0x59c: {  	s0 =	sadd.s32 s0, s6;
	[tilespmem:s10+$0x50] =	vst v42  }
0x59d: {  	[tilespmem:s0+$0x0] =	vst v34  }
0x59e: {  	v55 =	vsub.f32 v62, v16;
	[tilespmem:s0+$0x10] =	vst v29  }
0x59f: {  	v13 =	vmov v31;
	v31 =	vsub.f32 v62, v56;
	v56 =	vsub.f32 v38, v33;
	[tilespmem:s0+$0x20] =	vst v30  }
0x5a0: {  	v33 =	vmov v62;
	v62 =	vsub.f32 v48, v21;
	v21 =	vsub.f32 v1, v26;
	[tilespmem:s28+$0x20] =	vst v61  }
0x5a1: {  	v61 =	vsub.f32 v13, v25;
	v25 =	vsub.f32 v1, v36;
	v1 =	vld [tilespmem:$0x1F6C0];
	_ =	sdelay $0x2  }
0x5a2: {  	v57 =	vsub.f32 v50, v24;
	v24 =	vmul.f32 v35, v37  }
0x5a3: {  	s13 =	simm.s32 $0x100;
	v16 =	vshra.s32 v4, $0x1;
	v11 =	vmul.f32 v9, v37;
	v37 =	vmul.f32 $5.000000000e-01, v4  }
0x5a4: {  	s24 =	simm.s32 $0x180;
	s16 =	sand.u32 $0x300, s13;
	v4 =	vsub.s32 $0x5F3759DF, v16;
	v9 =	vmul.f32 v9, v1;
	v1 =	vld [tilespmem:$0x1F6D0]  }
0x5a5: {  	s17 =	sand.u32 $0x380, s24;
	s18 =	simm.s32 $0x200;
	s19 =	simm.s32 $0x300;
	v58 =	vsub.f32 v48, v58;
	v10 =	vmul.f32 v4, v37  }
0x5a6: {  	s25 =	simm.s32 $0x0;
	s4 =	sand.u32 $0x300, s19;
	s11 =	smov.u32 s0;
	v18 =	vsub.f32 v50, v18;
	v54 =	vsub.f32 v38, v24;
	v12 =	vmul.f32 v28, v14  }
0x5a7: {  	s14 =	simm.s32 $0x4;
	s26 =	sadd.s32 s16, s6;
	s16 =	simm.s32 $0x380;
	v60 =	vsub.f32 v50, v20;
	v20 =	vsub.f32 v48, v22;
	v10 =	vmul.f32 v4, v10  }
0x5a8: {  	s2 =	sadd.s32 s17, s6;
	s17 =	simm.s32 $0x45;
	s20 =	sand.u32 $0x380, s16;
	v16 =	vsub.f32 v33, v17;
	v17 =	vmul.f32 v19, v15;
	v12 =	vmul.f32 v12, v28  }
0x5a9: {  	s9 =	sadd.s32 s20, s7;
	s3 =	sand.u32 $0x200, s18;
	s18 =	sadd.s32 s4, s7;
	v3 =	vmul.f32 v35, v3;
	v22 =	vsub.f32 v38, v1;
	v1 =	vsub.f32 $1.500000000e+00, v10  }
0x5aa: {  	s4 =	smov.u32 s2;
	s6 =	sadd.s32 s3, s7;
	s3 =	smov.u32 s26;
	v42 =	vsub.f32 v13, v11;
	[tilespmem:s0+$0x30] =	vst v23;
	v23 =	vmul.f32 v17, v19;
	v10 =	vsub.f32 $1.500000000e+00, v12  }
.LBB2_7:
0x5ab: {  	v26 =	vmul.f32 v4, v1;
	v1 =	vld [tilespmem:$0x1F560]  }
0x5ac: {  	v13 =	vld [tilespmem:$0x1FE60]  }
0x5ad: {  	v10 =	vmul.f32 v10, v28;
	v35 =	vld [tilespmem:$0x1FC00]  }
0x5ae: {  	v38 =	vld [tilespmem:$0x1FE40]  }
0x5af: {  	s29 =	sadd.s32 $0x200, s29;
	v48 =	vld [tilespmem:$0x1FF70];
	v14 =	vmul.f32 v10, v14  }
0x5b0: {  	v11 =	vmov s17;
	s30 =	sadd.s32 $0x200, s30;
	v0 =	vadd.f32 v16, v0;
	v16 =	vadd.f32 v18, v27;
	v24 =	vld [tilespmem:s29+$0xFFFFFFC0]  }
0x5b1: {  	s5 =	sadd.s32 $0xFFFFFFEE, s17;
	s7 =	sadd.s32 $0xFFFFFFF4, s17;
	s31 =	sadd.s32 $0x200, s31;
	v27 =	vadd.f32 v58, v49;
	v29 =	vld [tilespmem:s30+$0xFFFFFFC0];
	v14 =	vmul.f32 v14, v10;
	v4 =	vadd.f32 v63, v1;
	v1 =	vmovc v32  }
0x5b2: {  	v12 =	vmov s7;
	v11 =	vand.u32 $0xFFFFFFFD, v11;
	v17 =	vld [tilespmem:s31+$0xFFFFFFC0];
	[tilespmem:$0x1F3F0] =	vst v1;
	v1 =	vmov s5  }
0x5b3: {  	[tilespmem:s11+$0x40] =	vst v7;
	v18 =	vld [tilespmem:s29+$0xFFFFFFD0];
	v12 =	vand.u32 $0xFFFFFFF9, v12;
	v14 =	vsub.f32 $1.500000000e+00, v14;
	v7 =	vand.u32 $0xFFFFFFFB, v1  }
0x5b4: {  	v49 =	vmovc v46;
	v46 =	vld [tilespmem:$0x1FFC0];
	v1 =	vbroadcast v11, $0x0;
	v11 =	vsub.f32 $1.500000000e+00, v23;
	v23 =	vmul.f32 v26, v37  }
0x5b5: {  	v33 =	vbroadcast v7, $0x0;
	v7 =	vbroadcast v12, $0x0;
	v12 =	vld [tilespmem:$0x1F5A0]  }
0x5b6: {  	v14 =	vmul.f32 v14, v10;
	v10 =	vld [tilespmem:$0x1FBF0]  }
0x5b7: {  	v11 =	vmul.f32 v11, v19;
	v19 =	vmul.f32 v23, v26;
	v23 =	vld [tilespmem:s30+$0xFFFFFFD0];
	[tilespmem:s10+$0x0] =	vst v0  }
0x5b8: {  	v0 =	vadd.f32 v21, v53;
	v21 =	vld [tilespmem:s31+$0xFFFFFFD0];
	[tilespmem:s10+$0x10] =	vst v16  }
0x5b9: {  	v20 =	vadd.f32 v20, v51;
	v28 =	vld [tilespmem:s29+$0xFFFFFF80]  }
0x5ba: {  	v16 =	vsub.f32 $1.500000000e+00, v19;
	v19 =	vadd.f32 v31, v12;
	v12 =	vld [tilespmem:$0x1F5C0]  }
0x5bb: {  	v7 =	vld.idx.msk [tilespmem:v7+s15+$0x0], $0xffff  }
0x5bc: {  	v8 =	vadd.f32 v22, v8;
	[tilespmem:s10+$0x20] =	vst v20;
	v20 =	vadd.f32 v59, v41;
	v41 =	vld [tilespmem:$0x1FFA0]  }
0x5bd: {  	v15 =	vmul.f32 v11, v15;
	v30 =	vld [tilespmem:s30+$0xFFFFFF80];
	[tilespmem:s10+$0x30] =	vst v0  }
0x5be: {  	v51 =	vld [tilespmem:s31+$0xFFFFFF80];
	[tilespmem:s10+$0x40] =	vst v8  }
0x5bf: {  	v15 =	vmul.f32 v15, v11;
	v16 =	vmul.f32 v16, v26;
	v50 =	vld [tilespmem:s29+$0xFFFFFF90]  }
0x5c0: {  	v5 =	vadd.f32 v60, v5;
	[tilespmem:s4+$0x0] =	vst v19;
	v19 =	vld [tilespmem:s30+$0xFFFFFF90]  }
0x5c1: {  	v59 =	vadd.f32 v55, v45;
	v8 =	vsub.f32 $1.500000000e+00, v15;
	v15 =	vmul.f32 v16, v37;
	v45 =	vld [tilespmem:s31+$0xFFFFFF90]  }
0x5c2: {  	[tilespmem:s4+$0x20] =	vst v27;
	v26 =	vadd.f32 v61, v44;
	v22 =	vadd.f32 v57, v12;
	v12 =	vld [tilespmem:$0x1FBE0]  }
0x5c3: {  	[tilespmem:$0x1F200] =	vst v1;
	v8 =	vmul.f32 v8, v11;
	v11 =	vmul.f32 v15, v16;
	v15 =	vadd.f32 v62, v6;
	v6 =	vld [tilespmem:$0x1FFB0]  }
0x5c4: {  	v63 =	vmul.f32 v14, v13;
	v1 =	vmovc v54;
	v54 =	vmov v25;
	[tilespmem:s4+$0x10] =	vst v22;
	v22 =	vshll.u32 v7, $0x7;
	v7 =	vld [tilespmem:$0x1FC10]  }
0x5c5: {  	v25 =	vmul.f32 v14, v35;
	v3 =	vadd.f32 v1, v3;
	v0 =	vadd.f32 v56, v52;
	[tilespmem:s4+$0x50] =	vst v26;
	v52 =	vld [tilespmem:s29+$0xFFFFFFA0]  }
0x5c6: {  	v44 =	vmul.f32 v14, v10;
	v31 =	vlaneseq.u32;
	[tilespmem:s4+$0x30] =	vst v20;
	v20 =	vld [tilespmem:s30+$0xFFFFFFA0];
	v36 =	vor.u32 v46, v22  }
0x5c7: {  	v61 =	vmul.f32 v14, v38;
	v1 =	vmul.f32 v25, v40;
	[tilespmem:s4+$0x40] =	vst v0;
	v53 =	vld [tilespmem:s31+$0xFFFFFFA0];
	v0 =	vor.u32 v31, v22  }
0x5c8: {  	v55 =	vld [tilespmem:s29+$0xFFFFFFB0];
	v11 =	vsub.f32 $1.500000000e+00, v11;
	[tilespmem:s3+$0x20] =	vst v15;
	v15 =	vadd.f32 v29, v24;
	v26 =	vor.u32 v49, v22  }
0x5c9: {  	[tilespmem:s3+$0x10] =	vst v5;
	v56 =	vld [tilespmem:s30+$0xFFFFFFB0];
	v37 =	vmul.f32 v14, v12;
	v27 =	vor.u32 v6, v22;
	v62 =	vmul.f32 v14, v7  }
0x5ca: {  	[tilespmem:$0x1F210] =	vst v1;
	v29 =	vld [tilespmem:s31+$0xFFFFFFB0];
	v5 =	vor.u32 v41, v22;
	v39 =	vmul.f32 v8, v12;
	v14 =	vmul.f32 v11, v16  }
0x5cb: {  	[tilespmem:s3+$0x0] =	vst v59;
	v34 =	vmov v12;
	v12 =	vmul.f32 v8, v10;
	v57 =	vld.idx.msk [tilespmem:v36+s12+$0x0], $0xffff;
	v1 =	vmul.f32 v62, v40  }
0x5cc: {  	v16 =	vor.u32 v48, v22;
	v0 =	vld.idx.msk [tilespmem:v0+s12+$0x0], $0xffff;
	v32 =	vmul.f32 v14, v34;
	v60 =	vmul.f32 v14, v10  }
0x5cd: {  	v2 =	vadd.f32 v54, v2;
	v59 =	vmul.f32 v14, v13;
	v58 =	vmul.f32 v14, v35;
	[tilespmem:$0x1F240] =	vst v1;
	v1 =	vld [tilespmem:$0x1F200]  }
0x5ce: {  	s13 =	sadd.s32 $0xFFFFFFFA, s17;
	v11 =	vmov v13;
	v13 =	vmul.f32 v14, v38;
	v22 =	vld.idx.msk [tilespmem:v27+s12+$0x0], $0xffff;
	v27 =	vmul.f32 v14, v7  }
0x5cf: {  	[tilespmem:s11+$0x50] =	vst v4;
	v4 =	vmov s13;
	v5 =	vld.idx.msk [tilespmem:v5+s12+$0x0], $0xffff;
	v10 =	vmovc v7;
	v7 =	vmul.f32 v8, v11;
	v11 =	vmul.f32 v8, v35  }
0x5d0: {  	v14 =	vmul.f32 v8, v10;
	v10 =	vmul.f32 v8, v38;
	v8 =	vadd.f32 v42, v9;
	v42 =	vld.idx.msk [tilespmem:v26+s12+$0x0], $0xffff  }
0x5d1: {  	v18 =	vadd.f32 v23, v18;
	v54 =	vld.idx.msk [tilespmem:v16+s12+$0x0], $0xffff  }
0x5d2: {  	[tilespmem:s3+$0x30] =	vst v2;
	v28 =	vadd.f32 v30, v28;
	v19 =	vadd.f32 v19, v50  }
0x5d3: {  	v2 =	vld.idx.msk [tilespmem:v33+s15+$0x0], $0xffff;
	[tilespmem:$0x1F260] =	vst v61;
	v20 =	vadd.f32 v20, v52;
	v23 =	vadd.f32 v56, v55  }
0x5d4: {  	v4 =	vld.idx.msk [tilespmem:v4+s15+$0x0], $0xffff;
	v52 =	vmul.f32 v61, v40;
	v0 =	vadd.f32 v0, v51;
	v21 =	vadd.f32 v57, v21  }
0x5d5: {  	v9 =	vmul.f32 v60, v43;
	v5 =	vadd.f32 v5, v29;
	v38 =	vadd.f32 v42, v53;
	v1 =	vld.idx.msk [tilespmem:v1+s15+$0x0], $0xffff  }
0x5d6: {  	[tilespmem:s3+$0x40] =	vst v3;
	v3 =	vld [tilespmem:s30+$0xFFFFFF00];
	v36 =	vmul.f32 v44, v40;
	v17 =	vadd.f32 v22, v17;
	v30 =	vadd.f32 v54, v45  }
0x5d7: {  	v61 =	vld [tilespmem:s29+$0xFFFFFF30];
	[tilespmem:$0x1F270] =	vst v9;
	v9 =	vmul.f32 v59, v43;
	v45 =	vadd.f32 v0, v28;
	v53 =	vadd.f32 v38, v20  }
0x5d8: {  	[tilespmem:$0x1F250] =	vst v62;
	v34 =	vmul.f32 v63, v40;
	v62 =	vld [tilespmem:s30+$0xFFFFFF30];
	v0 =	vadd.f32 v5, v23;
	v51 =	vadd.f32 v30, v19  }
0x5d9: {  	v26 =	vld [tilespmem:$0x1FF80];
	v16 =	vmul.f32 v37, v40;
	[tilespmem:$0x1F280] =	vst v9;
	v40 =	vadd.f32 v21, v18;
	v9 =	vadd.f32 v17, v15  }
0x5da: {  	[tilespmem:$0x1F2A0] =	vst v60;
	v60 =	vld [tilespmem:s31+$0xFFFFFF20];
	v17 =	vadd.f32 v51, v45;
	v19 =	vshll.u32 v1, $0x7;
	v1 =	vadd.f32 v0, v53  }
0x5db: {  	[tilespmem:s3+$0x50] =	vst v8;
	v8 =	vld [tilespmem:s31+$0xFFFFFF00];
	v42 =	vmul.f32 v40, v40;
	v18 =	vmul.f32 v45, v45  }
0x5dc: {  	v35 =	vld [tilespmem:s29+$0x0];
	v29 =	vmul.f32 v53, v53;
	v1 =	vadd.f32 v1, v17;
	v17 =	vmul.f32 v9, v9  }
0x5dd: {  	v24 =	vld [tilespmem:s30+$0x0];
	v30 =	vmul.f32 v0, v0;
	v21 =	vmul.f32 v51, v51  }
0x5de: {  	[tilespmem:$0x1F220] =	vst v63;
	v28 =	vadd.f32 v40, v9;
	v17 =	vadd.f32 v42, v17;
	v42 =	vld [tilespmem:$0x1FFD0]  }
0x5df: {  	[tilespmem:$0x1F230] =	vst v25;
	v2 =	vshll.u32 v2, $0x7;
	v22 =	vld [tilespmem:s29+$0xFFFFFF00];
	v18 =	vadd.f32 v21, v18;
	v21 =	vadd.f32 v30, v29  }
0x5e0: {  	[tilespmem:$0x1F2B0] =	vst v59;
	v59 =	vor.u32 v41, v2;
	v5 =	vld [tilespmem:s30+$0xFFFFFF10]  }
0x5e1: {  	v56 =	vor.u32 v49, v2;
	[tilespmem:$0x1F2C0] =	vst v58;
	v20 =	vld [tilespmem:s31+$0xFFFFFF10];
	v18 =	vadd.f32 v21, v18;
	v1 =	vadd.f32 v28, v1  }
0x5e2: {  	v4 =	vshll.u32 v4, $0x7;
	[tilespmem:$0x1F310] =	vst v13;
	v15 =	vmul.f32 v58, v43;
	v54 =	vmul.f32 v27, v43;
	v23 =	vld [tilespmem:s29+$0xFFFFFF20]  }
0x5e3: {  	[tilespmem:$0x1F2D0] =	vst v27;
	v58 =	vld [tilespmem:s30+$0xFFFFFF20];
	v29 =	vor.u32 v31, v2;
	v17 =	vadd.f32 v17, v18;
	v18 =	vperm.xlane v1, v42  }
0x5e4: {  	v27 =	vmul.f32 v13, v43;
	v13 =	vld [tilespmem:$0x1FFE0];
	[tilespmem:$0x1F2E0] =	vst v0;
	v30 =	vor.u32 v48, v2;
	v0 =	vor.u32 v48, v4  }
0x5e5: {  	v59 =	vld.idx.msk [tilespmem:v59+s12+$0x0], $0xffff;
	v33 =	vor.u32 v48, v19;
	v48 =	vadd.f32 v1, v18;
	v18 =	vperm.xlane v17, v42  }
0x5e6: {  	v25 =	vor.u32 v31, v4;
	[tilespmem:$0x1F290] =	vst v15;
	v15 =	vld [tilespmem:s29+$0xFFFFFF10];
	v63 =	vor.u32 v31, v19;
	v31 =	vor.u32 v41, v19  }
0x5e7: {  	v38 =	vor.u32 v49, v19;
	v1 =	vor.u32 v49, v4;
	v49 =	vld.idx.msk [tilespmem:v56+s12+$0x0], $0xffff;
	v17 =	vadd.f32 v18, v17  }
0x5e8: {  	v3 =	vadd.f32 v3, v22;
	v29 =	vld.idx.msk [tilespmem:v29+s12+$0x0], $0xffff  }
0x5e9: {  	v21 =	vor.u32 v46, v2;
	v30 =	vld.idx.msk [tilespmem:v30+s12+$0x0], $0xffff;
	v50 =	vperm.xlane v48, v26;
	v22 =	vperm.xlane v17, v26  }
0x5ea: {  	[tilespmem:$0x1F300] =	vst v9;
	v9 =	vor.u32 v6, v2;
	v2 =	vor.u32 v41, v4;
	v28 =	vld [tilespmem:s31+$0xFFFFFF30];
	v56 =	vor.u32 v46, v4  }
0x5eb: {  	v18 =	vor.u32 v6, v4;
	v4 =	vadd.f32 v48, v50;
	v17 =	vadd.f32 v22, v17;
	v22 =	vld.idx.msk [tilespmem:v31+s12+$0x0], $0xffff  }
0x5ec: {  	[tilespmem:$0x1F330] =	vst v12;
	v24 =	vadd.f32 v24, v35;
	v31 =	vadd.f32 v49, v60;
	v60 =	vmul.f32 v12, v47;
	v12 =	vld [tilespmem:$0x1FFF0]  }
0x5ed: {  	v25 =	vld.idx.msk [tilespmem:v25+s12+$0x0], $0xffff;
	v5 =	vadd.f32 v5, v15;
	v8 =	vadd.f32 v29, v8;
	v29 =	vperm.xlane v4, v13  }
0x5ee: {  	v15 =	vadd.f32 v58, v23;
	v0 =	vld.idx.msk [tilespmem:v0+s12+$0x0], $0xffff;
	v20 =	vadd.f32 v30, v20  }
0x5ef: {  	v23 =	vld.idx.msk [tilespmem:v33+s12+$0x0], $0xffff;
	v30 =	vadd.f32 v62, v61;
	v4 =	vadd.f32 v4, v29;
	v29 =	vperm.xlane v17, v13  }
0x5f0: {  	v57 =	vor.u32 v6, v19;
	v58 =	vld.idx.msk [tilespmem:v38+s12+$0x0], $0xffff;
	v28 =	vadd.f32 v59, v28;
	v3 =	vadd.f32 v8, v3  }
0x5f1: {  	v6 =	vld.idx.msk [tilespmem:v1+s12+$0x0], $0xffff;
	v1 =	vmul.f32 v10, v47;
	v17 =	vadd.f32 v29, v17;
	v8 =	vperm.xlane v4, v12  }
0x5f2: {  	v33 =	vld.idx.msk [tilespmem:v2+s12+$0x0], $0xffff;
	v38 =	vadd.f32 v28, v30;
	v35 =	vadd.f32 v31, v15  }
0x5f3: {  	[tilespmem:$0x1F2F0] =	vst v1;
	v1 =	vld [tilespmem:$0x1F430];
	v29 =	vadd.f32 v20, v5;
	v2 =	vadd.f32 v4, v8;
	v4 =	vperm.xlane v17, v12  }
0x5f4: {  	v5 =	vld [tilespmem:s31+$0x0];
	v31 =	vadd.f32 v38, v35  }
0x5f5: {  	v49 =	vld [tilespmem:s31+$0x10];
	v8 =	vadd.f32 v29, v3;
	v15 =	vmul.f32 $1.041666700e-02, v2;
	v2 =	vadd.f32 v4, v17  }
0x5f6: {  	v55 =	vmul.f32 v32, v43  }
0x5f7: {  	v43 =	vadd.f32 v31, v8;
	v2 =	vmul.f32 $1.041666700e-02, v2;
	v8 =	vmul.f32 v15, v15  }
0x5f8: {  	[tilespmem:$0x1F320] =	vst v39;
	v61 =	vmul.f32 v39, v47  }
0x5f9: {  	v5 =	vadd.f32 v25, v5;
	v39 =	vsub.f32 v2, v8;
	v2 =	vmul.f32 v37, v1;
	v1 =	vmovc v3  }
0x5fa: {  	[tilespmem:$0x1F430] =	vst v1;
	v1 =	vadd.f32 v0, v49;
	v0 =	vld [tilespmem:$0x1F440]  }
0x5fb: {  	v50 =	vadd.f32 v5, v24;
	v5 =	vld [tilespmem:$0x1FE70]  }
0x5fc: {  	v30 =	vld [tilespmem:s29+$0x10]  }
0x5fd: {  	v17 =	vld [tilespmem:s30+$0x10]  }
0x5fe: {  	[tilespmem:$0x1F360] =	vst v7;
	v41 =	vld.idx.msk [tilespmem:v63+s12+$0x0], $0xffff;
	v20 =	vmul.f32 v3, v3;
	v28 =	vmul.f32 v29, v29  }
0x5ff: {  	v62 =	vmul.f32 v7, v47;
	v59 =	vld [tilespmem:s29+$0x20];
	[tilespmem:$0x1F340] =	vst v2;
	v7 =	vadd.f32 $9.999999740e-06, v39;
	v2 =	vmul.f32 v44, v0;
	v0 =	vmovc v29  }
0x600: {  	v28 =	vadd.f32 v28, v20;
	v25 =	vld [tilespmem:s30+$0x20];
	[tilespmem:$0x1F440] =	vst v0;
	v0 =	vsub.f32 v5, v16  }
0x601: {  	v20 =	vmul.f32 v38, v38;
	v4 =	vmul.f32 v35, v35;
	v3 =	vld [tilespmem:$0x1F210];
	v24 =	vshra.s32 v7, $0x1  }
0x602: {  	v17 =	vadd.f32 v17, v30;
	v7 =	vmul.f32 $5.000000000e-01, v7;
	[tilespmem:$0x1F350] =	vst v0;
	v0 =	vsub.s32 $0x5F3759DF, v24;
	v24 =	vld [tilespmem:$0x1FC40]  }
0x603: {  	v19 =	vor.u32 v46, v19;
	v46 =	vld [tilespmem:s31+$0x20];
	v31 =	vadd.f32 v20, v4  }
0x604: {  	[tilespmem:$0x1F400] =	vst v10;
	v4 =	vmul.f32 v11, v47;
	v30 =	vld [tilespmem:s29+$0x30];
	v48 =	vadd.f32 v1, v17;
	v10 =	vmul.f32 v0, v7  }
0x605: {  	v20 =	vmul.f32 v14, v47;
	v47 =	vmul.f32 v50, v50;
	v25 =	vadd.f32 v25, v59;
	v59 =	vld [tilespmem:s29+$0x80]  }
0x606: {  	[tilespmem:$0x1F3E0] =	vst v14;
	v39 =	vld [tilespmem:s30+$0x30];
	v14 =	vmul.f32 v48, v48;
	v10 =	vmul.f32 v0, v10  }
0x607: {  	v44 =	vld [tilespmem:s31+$0x30];
	v3 =	vsub.f32 v24, v3  }
0x608: {  	v14 =	vadd.f32 v14, v47;
	v47 =	vsub.f32 $1.500000000e+00, v10;
	v10 =	vld [tilespmem:$0x1F220]  }
0x609: {  	[tilespmem:$0x1F3C0] =	vst v3;
	v3 =	vld [tilespmem:$0x1F450]  }
0x60a: {  	v1 =	vadd.f32 v6, v46;
	v6 =	vld [tilespmem:s30+$0x80]  }
0x60b: {  	v17 =	vld [tilespmem:s31+$0x80]  }
0x60c: {  	v46 =	vld [tilespmem:s31+$0x90]  }
0x60d: {  	v16 =	vld [tilespmem:s29+$0x90]  }
0x60e: {  	v29 =	vadd.f32 v1, v25;
	v25 =	vadd.f32 v33, v44;
	v44 =	vld [tilespmem:s30+$0x90];
	v10 =	vmul.f32 v10, v3;
	v3 =	vmovc v35  }
0x60f: {  	[tilespmem:$0x1F450] =	vst v3;
	v3 =	vld [tilespmem:$0x1F460]  }
0x610: {  	[tilespmem:$0x1F3A0] =	vst v10;
	v10 =	vld [tilespmem:$0x1F230]  }
0x611: {  	v1 =	vadd.f32 v39, v30  }
0x612: {  	[tilespmem:$0x1F3B0] =	vst v11;
	v11 =	vld [tilespmem:$0x1F250];
	v6 =	vadd.f32 v6, v59  }
0x613: {  	v59 =	vld [tilespmem:s29+$0xA0];
	v30 =	vadd.f32 v25, v1;
	v1 =	vadd.f32 v41, v17  }
0x614: {  	v23 =	vadd.f32 v23, v46;
	v17 =	vld [tilespmem:s30+$0xA0]  }
0x615: {  	v1 =	vadd.f32 v1, v6;
	v6 =	vadd.f32 v44, v16;
	v10 =	vmul.f32 v10, v3;
	v3 =	vmovc v38;
	v38 =	vld [tilespmem:$0x1FC50]  }
0x616: {  	[tilespmem:$0x1F460] =	vst v3;
	v3 =	vld [tilespmem:$0x1F240]  }
0x617: {  	v6 =	vadd.f32 v23, v6;
	v23 =	vld [tilespmem:$0x1F4F0]  }
0x618: {  	v25 =	vld [tilespmem:s31+$0xA0];
	_ =	sdelay $0x2  }
0x619: {  	v3 =	vsub.f32 v38, v3  }
0x61a: {  	v11 =	vmul.f32 v11, v23  }
0x61b: {  	v17 =	vadd.f32 v17, v59;
	[tilespmem:$0x1F410] =	vst v3;
	v3 =	vld.idx.msk [tilespmem:v21+s12+$0x0], $0xffff;
	v21 =	vadd.f32 v58, v25  }
0x61c: {  	[tilespmem:$0x1F420] =	vst v11;
	v11 =	vld [tilespmem:$0x1F260]  }
0x61d: {  	v17 =	vadd.f32 v21, v17;
	v21 =	vld.idx.msk [tilespmem:v19+s12+$0x0], $0xffff  }
0x61e: {  	v19 =	vld [tilespmem:$0x1F500];
	_ =	sdelay $0x4  }
0x61f: {  	v8 =	vld [tilespmem:$0x1FC20];
	v11 =	vmul.f32 v11, v19  }
0x620: {  	v44 =	vld [tilespmem:s31+$0xB0]  }
0x621: {  	[tilespmem:$0x1F560] =	vst v11;
	v11 =	vld [tilespmem:$0x1F270];
	_ =	sdelay $0x1  }
0x622: {  	v31 =	vadd.f32 v31, v28;
	v28 =	vld [tilespmem:$0x1FC30]  }
0x623: {  	v23 =	vld.idx.msk [tilespmem:v57+s12+$0x0], $0xffff  }
0x624: {  	v19 =	vadd.f32 v22, v44;
	v22 =	vld [tilespmem:$0x1F4B0]  }
0x625: {  	v57 =	vsub.f32 v8, v11;
	v11 =	vld [tilespmem:$0x1F280];
	_ =	sdelay $0x1  }
0x626: {  	[tilespmem:$0x1F370] =	vst v2;
	v2 =	vsub.f32 v8, v36  }
0x627: {  	[tilespmem:$0x1F3D0] =	vst v10;
	v10 =	vld [tilespmem:$0x1FE50]  }
0x628: {  	[tilespmem:$0x1F380] =	vst v2;
	v2 =	vsub.f32 v28, v34;
	v0 =	vmul.f32 v0, v47  }
0x629: {  	v58 =	vsub.f32 v28, v11;
	v11 =	vmul.f32 v32, v22  }
0x62a: {  	[tilespmem:$0x1F390] =	vst v2;
	v16 =	vmul.f32 v0, v7  }
0x62b: {  	v2 =	vmul.f32 v29, v29;
	v47 =	vsub.f32 v5, v55;
	[tilespmem:$0x1F5A0] =	vst v11;
	v11 =	vld [tilespmem:$0x1F290]  }
0x62c: {  	v55 =	vmul.f32 v16, v0;
	v63 =	vsub.f32 v10, v52;
	v52 =	vmul.f32 v30, v30  }
0x62d: {  	v59 =	vmul.f32 v6, v6  }
0x62e: {  	v25 =	vsub.f32 $1.500000000e+00, v55;
	v2 =	vadd.f32 v52, v2;
	v52 =	vmul.f32 v1, v1  }
0x62f: {  	v41 =	vld [tilespmem:$0x1F4C0]  }
0x630: {  	v0 =	vmul.f32 v25, v0;
	v25 =	vadd.f32 v59, v52;
	v59 =	vsub.f32 v24, v11;
	v11 =	vld [tilespmem:$0x1F2A0];
	_ =	sdelay $0x4  }
0x631: {  	v37 =	vld [tilespmem:s29+$0xB0];
	v55 =	vsub.f32 v5, v61;
	v61 =	vsub.f32 v10, v27;
	v27 =	vmovc v6;
	v11 =	vmul.f32 v11, v41  }
0x632: {  	[tilespmem:$0x1F4C0] =	vst v27;
	v27 =	vld [tilespmem:$0x1F4E0]  }
0x633: {  	[tilespmem:$0x1F5C0] =	vst v11;
	v11 =	vld [tilespmem:$0x1F2B0]  }
0x634: {  	v33 =	vld [tilespmem:s30+$0xB0];
	_ =	sdelay $0x3  }
0x635: {  	v49 =	vmul.f32 v11, v27;
	v27 =	vmov v17;
	v11 =	vld [tilespmem:$0x1F2C0]  }
0x636: {  	v33 =	vadd.f32 v33, v37;
	[tilespmem:$0x1F4E0] =	vst v27;
	v27 =	vld [tilespmem:$0x1F4D0];
	_ =	sdelay $0x1  }
0x637: {  	v19 =	vadd.f32 v19, v33;
	_ =	sdelay $0x1  }
0x638: {  	v46 =	vmul.f32 v19, v19;
	v22 =	vmov v1  }
0x639: {  	[tilespmem:$0x1F4B0] =	vst v22;
	v22 =	vadd.f32 v19, v17;
	v41 =	vmul.f32 v11, v27;
	v27 =	vmov v19;
	v19 =	vld [tilespmem:$0x1F570]  }
0x63a: {  	v11 =	vld [tilespmem:$0x1F2D0];
	_ =	sdelay $0x1  }
0x63b: {  	v9 =	vld.idx.msk [tilespmem:v9+s12+$0x0], $0xffff;
	v7 =	vmul.f32 v0, v7  }
0x63c: {  	v37 =	vld.idx.msk [tilespmem:v18+s12+$0x0], $0xffff  }
0x63d: {  	v18 =	vadd.f32 v2, v14;
	v14 =	vld [tilespmem:s29+$0xFFFFFF40];
	v7 =	vmul.f32 v7, v0  }
0x63e: {  	v39 =	vadd.f32 v48, v50;
	v36 =	vadd.f32 v30, v29;
	v52 =	vmul.f32 v11, v19;
	v11 =	vld [tilespmem:$0x1FBE0]  }
0x63f: {  	v7 =	vsub.f32 $1.500000000e+00, v7;
	v33 =	vld [tilespmem:s30+$0xFFFFFF40]  }
0x640: {  	v16 =	vadd.f32 v36, v39;
	v39 =	vadd.f32 v6, v1;
	v1 =	vld [tilespmem:s31+$0xFFFFFF40]  }
0x641: {  	v0 =	vmul.f32 v7, v0  }
0x642: {  	v34 =	vld [tilespmem:s30+$0x50]  }
0x643: {  	[tilespmem:$0x1F4D0] =	vst v27;
	v27 =	vmul.f32 v0, v11;
	v11 =	vld [tilespmem:$0x1FE40]  }
0x644: {  	v36 =	vld [tilespmem:s29+$0xFFFFFF50]  }
0x645: {  	v6 =	vld [tilespmem:s30+$0xFFFFFF50];
	v14 =	vadd.f32 v33, v14;
	v1 =	vadd.f32 v9, v1  }
0x646: {  	v2 =	vmul.f32 v17, v17;
	v17 =	vld [tilespmem:s31+$0xFFFFFF50]  }
0x647: {  	v35 =	vadd.f32 v1, v14;
	v1 =	vld [tilespmem:$0x1FBF0]  }
0x648: {  	v2 =	vadd.f32 v46, v2;
	v32 =	vmul.f32 v0, v11;
	v11 =	vld [tilespmem:$0x1FC00]  }
0x649: {  	v7 =	vld [tilespmem:s29+$0x40]  }
0x64a: {  	v46 =	vld [tilespmem:s31+$0x40];
	v2 =	vadd.f32 v2, v25;
	v25 =	vsub.f32 v24, v4  }
0x64b: {  	v4 =	vadd.f32 v6, v36;
	v9 =	vld [tilespmem:s30+$0x40];
	v3 =	vadd.f32 v3, v17  }
0x64c: {  	v14 =	vmul.f32 v0, v1;
	v1 =	vld [tilespmem:$0x1FE60]  }
0x64d: {  	v19 =	vmul.f32 v0, v11;
	v11 =	vadd.f32 v3, v4;
	v3 =	vld [tilespmem:$0x1FC10]  }
0x64e: {  	v44 =	vld.idx.msk [tilespmem:v56+s12+$0x0], $0xffff;
	v17 =	vmul.f32 v32, v15  }
0x64f: {  	v56 =	vsub.f32 v38, v54;
	v22 =	vadd.f32 v22, v39;
	v39 =	vld [tilespmem:s31+$0x50]  }
0x650: {  	s16 =	sadd.s32 $0x200, s16;
	s8 =	sadd.s32 $0x400, s8;
	v54 =	vsub.f32 v38, v20;
	v6 =	vld [tilespmem:s29+$0x50];
	v20 =	vmul.f32 v32, v40;
	v17 =	vsub.f32 v10, v17  }
0x651: {  	s10 =	sadd.s32 $0xFFFFFF00, s16;
	s4 =	smov.u32 s9;
	s9 =	sand.u32 $0x7800, s8;
	v7 =	vadd.f32 v9, v7;
	v9 =	vld [tilespmem:s29+$0xC0];
	v1 =	vmul.f32 v0, v1  }
0x652: {  	s13 =	sand.u32 $0x280, s10;
	s9 =	sadd.s32 $0x14700, s9;
	v40 =	vld [tilespmem:s31+$0xC0];
	v20 =	vadd.f32 v17, v20;
	v4 =	vmul.f32 v0, v3;
	v0 =	vadd.f32 v37, v46  }
0x653: {  	s10 =	sadd.s32 s13, s9;
	v36 =	vmul.f32 v35, v35;
	v3 =	vld [tilespmem:s30+$0xC0]  }
0x654: {  	[tilespmem:s10+$0x50] =	vst v20;
	v20 =	vadd.f32 v44, v39;
	v39 =	vld [tilespmem:s30+$0xD0];
	v46 =	vmul.f32 v11, v11;
	v17 =	vadd.f32 v0, v7  }
0x655: {  	v0 =	vadd.f32 v34, v6;
	v6 =	vld [tilespmem:s29+$0xD0];
	v7 =	vadd.f32 v11, v35  }
0x656: {  	v33 =	vmul.f32 v27, v15;
	v36 =	vadd.f32 v46, v36;
	v46 =	vld [tilespmem:s31+$0xD0]  }
0x657: {  	[tilespmem:$0x1F4F0] =	vst v35;
	v35 =	vmul.f32 v17, v17;
	v32 =	vadd.f32 v20, v0;
	v7 =	vadd.f32 v7, v43  }
0x658: {  	v0 =	vmul.f32 v27, v45;
	v3 =	vadd.f32 v3, v9;
	v9 =	vadd.f32 v23, v40  }
0x659: {  	[tilespmem:$0x1F500] =	vst v11;
	v11 =	vadd.f32 v36, v31;
	v20 =	vadd.f32 v32, v17;
	v23 =	vmul.f32 v32, v32  }
0x65a: {  	v27 =	vperm.xlane v7, v42;
	v31 =	vadd.f32 v9, v3;
	v3 =	vadd.f32 v39, v6  }
0x65b: {  	v6 =	vperm.xlane v11, v42;
	v9 =	vadd.f32 v20, v16;
	v16 =	vadd.f32 v21, v46  }
0x65c: {  	v7 =	vadd.f32 v7, v27;
	v20 =	vadd.f32 v23, v35  }
0x65d: {  	v6 =	vadd.f32 v6, v11;
	v11 =	vperm.xlane v9, v42;
	v3 =	vadd.f32 v16, v3  }
0x65e: {  	v21 =	vmul.f32 v31, v31;
	v23 =	vperm.xlane v7, v26;
	v18 =	vadd.f32 v20, v18  }
0x65f: {  	v9 =	vadd.f32 v9, v11;
	v11 =	vadd.f32 v3, v31;
	v20 =	vmul.f32 v3, v3  }
0x660: {  	v16 =	vsub.f32 v5, v33;
	v7 =	vadd.f32 v7, v23;
	v23 =	vperm.xlane v6, v26  }
0x661: {  	v5 =	vperm.xlane v9, v26;
	v11 =	vadd.f32 v11, v22;
	v20 =	vadd.f32 v20, v21  }
0x662: {  	v21 =	vperm.xlane v7, v13;
	v6 =	vadd.f32 v23, v6  }
0x663: {  	v9 =	vadd.f32 v9, v5;
	v2 =	vadd.f32 v20, v2;
	v20 =	vperm.xlane v11, v42  }
0x664: {  	v7 =	vadd.f32 v7, v21  }
0x665: {  	v21 =	vperm.xlane v6, v13;
	v23 =	vperm.xlane v9, v13;
	v11 =	vadd.f32 v11, v20  }
0x666: {  	v20 =	vperm.xlane v2, v42  }
0x667: {  	v6 =	vadd.f32 v21, v6;
	v9 =	vadd.f32 v9, v23;
	v21 =	vperm.xlane v11, v26  }
0x668: {  	v27 =	vperm.xlane v18, v42;
	v2 =	vadd.f32 v20, v2  }
0x669: {  	v20 =	vperm.xlane v6, v12;
	v23 =	vperm.xlane v9, v12;
	v11 =	vadd.f32 v11, v21  }
0x66a: {  	v18 =	vadd.f32 v27, v18  }
0x66b: {  	v6 =	vadd.f32 v20, v6;
	v9 =	vadd.f32 v9, v23;
	v20 =	vperm.xlane v11, v13  }
0x66c: {  	v22 =	vperm.xlane v18, v26  }
0x66d: {  	[tilespmem:$0x1F570] =	vst v31;
	v31 =	vmovc v47;
	v5 =	vld [tilespmem:$0x1F2E0];
	v27 =	vperm.xlane v7, v12;
	v47 =	vmul.f32 $1.041666700e-02, v9;
	v9 =	vadd.f32 v11, v20;
	_ =	sdelay $0x1  }
0x66e: {  	v18 =	vadd.f32 v22, v18;
	v7 =	vadd.f32 v7, v27;
	v27 =	vperm.xlane v9, v12;
	_ =	sdelay $0x1  }
0x66f: {  	v22 =	vperm.xlane v18, v13;
	v9 =	vadd.f32 v9, v27;
	v27 =	vmul.f32 v14, v51  }
0x670: {  	v51 =	vmul.f32 v1, v53;
	v53 =	vmul.f32 v19, v5;
	v5 =	vld [tilespmem:$0x1F2F0]  }
0x671: {  	v21 =	vperm.xlane v2, v26  }
0x672: {  	v40 =	vmul.f32 $1.041666700e-02, v7;
	v7 =	vadd.f32 v22, v18  }
0x673: {  	v2 =	vadd.f32 v21, v2  }
0x674: {  	v6 =	vmul.f32 $1.041666700e-02, v6;
	v21 =	vperm.xlane v7, v12  }
0x675: {  	v22 =	vmul.f32 v40, v40;
	v11 =	vperm.xlane v2, v13;
	v42 =	vsub.f32 v10, v5;
	v5 =	vld [tilespmem:$0x1F300]  }
0x676: {  	v44 =	vmul.f32 v19, v15;
	v37 =	vmul.f32 v14, v15;
	v7 =	vadd.f32 v21, v7  }
0x677: {  	v34 =	vmul.f32 v1, v15;
	v6 =	vsub.f32 v6, v22;
	v2 =	vadd.f32 v11, v2  }
0x678: {  	v60 =	vsub.f32 v8, v60;
	v23 =	vmul.f32 v47, v47;
	v7 =	vmul.f32 $1.041666700e-02, v7  }
0x679: {  	v15 =	vmul.f32 v4, v15;
	v6 =	vadd.f32 $9.999999740e-06, v6;
	v11 =	vperm.xlane v2, v12  }
0x67a: {  	v18 =	vsub.f32 v8, v37;
	v7 =	vsub.f32 v7, v23;
	v8 =	vmul.f32 v4, v5;
	v4 =	vld [tilespmem:$0x1F580]  }
0x67b: {  	v14 =	vmul.f32 $5.000000000e-01, v6;
	v1 =	vadd.f32 v11, v2;
	v2 =	vshra.s32 v6, $0x1;
	v5 =	vld [tilespmem:$0x1F310]  }
0x67c: {  	v2 =	vsub.s32 $0x5F3759DF, v2  }
0x67d: {  	v43 =	vmul.f32 $1.041666700e-02, v9;
	v6 =	vadd.f32 $9.999999740e-06, v7;
	v9 =	vmul.f32 v2, v14  }
0x67e: {  	v22 =	vsub.f32 v38, v15;
	v1 =	vmul.f32 $1.041666700e-02, v1  }
0x67f: {  	v11 =	vshra.s32 v6, $0x1;
	v15 =	vmul.f32 $5.000000000e-01, v6;
	v6 =	vmul.f32 v2, v9  }
0x680: {  	v21 =	vsub.f32 v24, v44;
	v7 =	vmul.f32 v43, v43;
	v44 =	vmul.f32 v5, v4;
	v5 =	vld [tilespmem:$0x1F470]  }
0x681: {  	v4 =	vmov v3;
	v3 =	vsub.f32 $1.500000000e+00, v6;
	v6 =	vld [tilespmem:$0x1F320]  }
0x682: {  	v1 =	vsub.f32 v1, v7;
	_ =	sdelay $0x1  }
0x683: {  	v1 =	vadd.f32 $9.999999740e-06, v1;
	_ =	sdelay $0x1  }
0x684: {  	v37 =	vmul.f32 $5.000000000e-01, v1;
	v45 =	vmul.f32 v6, v5;
	v5 =	vmovc v50;
	v6 =	vshra.s32 v1, $0x1;
	v1 =	vld [tilespmem:$0x1F480]  }
0x685: {  	[tilespmem:$0x1F470] =	vst v5;
	v5 =	vld [tilespmem:$0x1F330]  }
0x686: {  	v11 =	vsub.s32 $0x5F3759DF, v11  }
0x687: {  	v7 =	vmul.f32 v11, v15;
	_ =	sdelay $0x1  }
0x688: {  	[tilespmem:$0x1F580] =	vst v4;
	v4 =	vmul.f32 v11, v7  }
0x689: {  	v62 =	vsub.f32 v28, v62;
	v9 =	vld [tilespmem:$0x1F380];
	v5 =	vmul.f32 v5, v1;
	v1 =	vmov v48  }
0x68a: {  	v20 =	vsub.f32 v28, v34;
	v28 =	vmul.f32 v2, v3;
	v3 =	vld [tilespmem:$0x1F340];
	[tilespmem:$0x1F480] =	vst v1;
	v1 =	vsub.f32 $1.500000000e+00, v4  }
0x68b: {  	v4 =	vsub.s32 $0x5F3759DF, v6;
	v6 =	vld [tilespmem:$0x1F350]  }
0x68c: {  	v19 =	vmul.f32 v11, v1;
	v1 =	vld [tilespmem:$0x1F370];
	_ =	sdelay $0x2  }
0x68d: {  	v2 =	vmul.f32 v4, v37  }
0x68e: {  	v3 =	vadd.f32 v6, v3  }
0x68f: {  	s11 =	smov.u32 s6;
	v1 =	vadd.f32 v9, v1;
	v9 =	vmul.f32 v4, v2;
	v2 =	vld [tilespmem:$0x1F390]  }
0x690: {  	[tilespmem:s11+$0x0] =	vst v3;
	v3 =	vld [tilespmem:$0x1F3A0];
	_ =	sdelay $0x3  }
0x691: {  	v10 =	vld [tilespmem:$0x1F3B0]  }
0x692: {  	v3 =	vadd.f32 v2, v3;
	v2 =	vld [tilespmem:$0x1F4A0];
	_ =	sdelay $0x3  }
0x693: {  	[tilespmem:s11+$0x10] =	vst v1;
	v1 =	vld [tilespmem:$0x1F3C0]  }
0x694: {  	v2 =	vmul.f32 v10, v2;
	v10 =	vld [tilespmem:$0x1F3D0];
	_ =	sdelay $0x2  }
0x695: {  	v7 =	vld [tilespmem:$0x1F360]  }
0x696: {  	[tilespmem:s11+$0x20] =	vst v3;
	v3 =	vld [tilespmem:$0x1F550]  }
0x697: {  	v12 =	vadd.f32 v1, v10;
	v1 =	vsub.f32 $1.500000000e+00, v9;
	v9 =	vld [tilespmem:$0x1F3E0]  }
0x698: {  	v6 =	vld [tilespmem:$0x1F490];
	_ =	sdelay $0x2  }
0x699: {  	v10 =	vld [tilespmem:$0x1F400]  }
0x69a: {  	v3 =	vmul.f32 v9, v3;
	v9 =	vld [tilespmem:$0x1F3F0]  }
0x69b: {  	v6 =	vmul.f32 v7, v6;
	v7 =	vmov v29  }
0x69c: {  	[tilespmem:$0x1F490] =	vst v7;
	v7 =	vmul.f32 v28, v14  }
0x69d: {  	v11 =	vmul.f32 v19, v15  }
0x69e: {  	v7 =	vmul.f32 v7, v28  }
0x69f: {  	v23 =	vmul.f32 v11, v19;
	v11 =	vld [tilespmem:$0x1F420];
	v9 =	vmul.f32 v10, v9;
	v10 =	vmov v30  }
0x6a0: {  	s14 =	sadd.s32 $0x4, s14;
	[tilespmem:$0x1F4A0] =	vst v10;
	v10 =	vsub.f32 $1.500000000e+00, v7;
	v7 =	vld [tilespmem:$0x1F410]  }
0x6a1: {  	p1 =	slt.u32 s14, $0x4C  }
.Ltmp2:
0x6a2: {  	_ = 	snop;
	(pc) =	sbr.rel @p1 .LBB2_7-.Ltmp2, $4  }
0x6a3: {  	p0 =	por $0x0, $0x0;
	s19 =	simm.s32 $0x17;
	s17 =	sadd.s32 $0x18, s17  }
0x6a4: {  	s20 =	sadd.s32 $0xFFFFFE80, s16;
	s3 =	smov.u32 s18;
	s18 =	sadd.s32 $0xFFFFFF80, s16  }
0x6a5: {  	s5 =	sand.u32 $0x200, s20;
	s20 =	sand.u32 $0x380, s16;
	s7 =	sand.u32 $0x300, s18;
	[tilespmem:s11+$0x30] =	vst v12;
	v7 =	vadd.f32 v7, v11;
	v11 =	vmov v17  }
0x6a6: {  	s6 =	sadd.s32 s5, s9;
	s18 =	sadd.s32 s7, s9;
	s9 =	sadd.s32 s20, s9;
	v46 =	vld [tilespmem:$0x1FF90];
	[tilespmem:$0x1F550] =	vst v11  }
0x6a7: {  	v1 =	vmul.f32 v4, v1;
	_ =	sdelay $0x1  }
0x6a8: {  	v4 =	vmul.f32 v1, v37;
	_ =	sdelay $0x1  }
0x6a9: {  	v10 =	vmul.f32 v10, v28;
	v4 =	vmul.f32 v4, v1;
	_ =	sdelay $0x1  }
0x6aa: {  	v12 =	vmul.f32 v10, v14;
	v4 =	vsub.f32 $1.500000000e+00, v4;
	_ =	sdelay $0x1  }
0x6ab: {  	v11 =	vsub.f32 $1.500000000e+00, v23;
	v1 =	vmul.f32 v4, v1;
	v4 =	vmul.f32 v12, v10;
	v12 =	vld [tilespmem:$0x1F560]  }
0x6ac: {  	v24 =	vld [tilespmem:$0x1FBE0]  }
0x6ad: {  	v26 =	vld [tilespmem:$0x1FBF0];
	v11 =	vmul.f32 v11, v19  }
0x6ae: {  	v0 =	vadd.f32 v16, v0;
	v16 =	vadd.f32 v20, v51;
	v30 =	vld [tilespmem:$0x1FE60]  }
0x6af: {  	v51 =	vld [tilespmem:$0x1FC00];
	v14 =	vmul.f32 v11, v15;
	v4 =	vsub.f32 $1.500000000e+00, v4;
	v15 =	vmul.f32 v1, v37  }
0x6b0: {  	v19 =	vld [tilespmem:$0x1F5C0];
	v12 =	vadd.f32 v63, v12  }
0x6b1: {  	v4 =	vmul.f32 v4, v10;
	v10 =	vmul.f32 v15, v1;
	v15 =	vld [tilespmem:$0x1F5A0];
	[tilespmem:s11+$0x40] =	vst v7  }
0x6b2: {  	v13 =	vmul.f32 v14, v11;
	v14 =	vadd.f32 v18, v27;
	v33 =	vld [tilespmem:$0x1FC10];
	[tilespmem:s11+$0x50] =	vst v12  }
0x6b3: {  	v34 =	vld [tilespmem:$0x1FE40];
	[tilespmem:s10+$0x0] =	vst v0  }
0x6b4: {  	v17 =	vadd.f32 v21, v53;
	[tilespmem:s10+$0x10] =	vst v14  }
0x6b5: {  	[tilespmem:s10+$0x20] =	vst v16  }
0x6b6: {  	[tilespmem:s10+$0x30] =	vst v17  }
0x6b7: {  	v17 =	vld [tilespmem:$0x1F430]  }
0x6b8: {  	v13 =	vsub.f32 $1.500000000e+00, v13  }
0x6b9: {  	v8 =	vadd.f32 v22, v8  }
0x6ba: {  	v11 =	vmul.f32 v13, v11;
	v13 =	vmul.f32 v4, v24  }
0x6bb: {  	[tilespmem:s10+$0x40] =	vst v8  }
0x6bc: {  	v8 =	vmul.f32 v13, v40;
	v17 =	vmul.f32 v13, v17;
	v13 =	vld [tilespmem:$0x1F440];
	_ =	sdelay $0x1  }
0x6bd: {  	v15 =	vadd.f32 v31, v15  }
0x6be: {  	v18 =	vmul.f32 v4, v26  }
0x6bf: {  	[tilespmem:s4+$0x0] =	vst v15  }
0x6c0: {  	v15 =	vmul.f32 v18, v40;
	v13 =	vmul.f32 v18, v13;
	v18 =	vld [tilespmem:$0x1F450];
	_ =	sdelay $0x1  }
0x6c1: {  	v19 =	vadd.f32 v57, v19  }
0x6c2: {  	v20 =	vmul.f32 v4, v30  }
0x6c3: {  	[tilespmem:s4+$0x10] =	vst v19  }
0x6c4: {  	v19 =	vmul.f32 v20, v40;
	v18 =	vmul.f32 v20, v18;
	v20 =	vld [tilespmem:$0x1F460];
	_ =	sdelay $0x1  }
0x6c5: {  	v7 =	vadd.f32 v58, v49  }
0x6c6: {  	v21 =	vmul.f32 v4, v51;
	v12 =	vadd.f32 v59, v41  }
0x6c7: {  	v0 =	vadd.f32 v56, v52;
	[tilespmem:s4+$0x20] =	vst v7  }
0x6c8: {  	v7 =	vadd.f32 v42, v9;
	v9 =	vmul.f32 v21, v40;
	v20 =	vmul.f32 v21, v20;
	v21 =	vld [tilespmem:$0x1F4F0];
	[tilespmem:s4+$0x30] =	vst v12  }
0x6c9: {  	v14 =	vadd.f32 v61, v44;
	v35 =	vld [tilespmem:$0x1FE70];
	[tilespmem:s4+$0x40] =	vst v0  }
0x6ca: {  	v16 =	vadd.f32 v55, v45;
	v0 =	vld [tilespmem:$0x1F500]  }
0x6cb: {  	v5 =	vadd.f32 v60, v5;
	v56 =	vld [tilespmem:$0x1FC20];
	[tilespmem:s4+$0x50] =	vst v14  }
0x6cc: {  	v6 =	vadd.f32 v62, v6;
	v57 =	vld [tilespmem:$0x1FC30];
	[tilespmem:s3+$0x0] =	vst v16  }
0x6cd: {  	[tilespmem:s3+$0x10] =	vst v5  }
0x6ce: {  	v2 =	vadd.f32 v25, v2;
	v10 =	vsub.f32 $1.500000000e+00, v10;
	v16 =	vld [tilespmem:$0x1F4B0];
	[tilespmem:s3+$0x20] =	vst v6  }
0x6cf: {  	v6 =	vld [tilespmem:$0x1F4C0]  }
0x6d0: {  	v3 =	vadd.f32 v54, v3;
	v22 =	vmul.f32 v11, v24;
	v1 =	vmul.f32 v10, v1;
	v58 =	vld [tilespmem:$0x1FC40];
	[tilespmem:s3+$0x30] =	vst v2  }
0x6d1: {  	v10 =	vmul.f32 v4, v33;
	v4 =	vmul.f32 v4, v34;
	v2 =	vld [tilespmem:$0x1F4E0]  }
0x6d2: {  	v23 =	vmul.f32 v11, v26;
	v24 =	vmul.f32 v1, v24;
	v59 =	vld [tilespmem:$0x1FC50];
	[tilespmem:s3+$0x40] =	vst v3  }
0x6d3: {  	v26 =	vmul.f32 v1, v26;
	v12 =	vmul.f32 v4, v40;
	v8 =	vsub.f32 v35, v8;
	v60 =	vld [tilespmem:$0x1FE50]  }
0x6d4: {  	v21 =	vmul.f32 v10, v21;
	v10 =	vmul.f32 v10, v40;
	v15 =	vsub.f32 v56, v15  }
0x6d5: {  	v0 =	vmul.f32 v4, v0;
	v8 =	vadd.f32 v8, v17;
	v17 =	vsub.f32 v57, v19  }
0x6d6: {  	v4 =	vmul.f32 v11, v30;
	[tilespmem:s3+$0x50] =	vst v7;
	v13 =	vadd.f32 v15, v13;
	v9 =	vsub.f32 v58, v9  }
0x6d7: {  	v5 =	vadd.f32 v17, v18;
	v17 =	vmul.f32 v24, v43;
	[tilespmem:s6+$0x0] =	vst v8;
	v10 =	vsub.f32 v59, v10  }
0x6d8: {  	v16 =	vmul.f32 v24, v16;
	[tilespmem:s6+$0x10] =	vst v13;
	v3 =	vadd.f32 v9, v20;
	v12 =	vsub.f32 v60, v12  }
0x6d9: {  	v18 =	vmul.f32 v26, v43;
	v17 =	vsub.f32 v35, v17;
	[tilespmem:s6+$0x20] =	vst v5;
	v7 =	vadd.f32 v10, v21  }
0x6da: {  	v6 =	vmul.f32 v26, v6;
	v0 =	vadd.f32 v12, v0;
	[tilespmem:s6+$0x30] =	vst v3  }
0x6db: {  	v13 =	vmul.f32 v4, v47;
	v18 =	vsub.f32 v56, v18;
	[tilespmem:s6+$0x40] =	vst v7;
	v7 =	vadd.f32 v17, v16  }
0x6dc: {  	v53 =	vmul.f32 v1, v30;
	v55 =	vmul.f32 v1, v51;
	v16 =	vld [tilespmem:$0x1F4D0];
	[tilespmem:s6+$0x50] =	vst v0  }
0x6dd: {  	v29 =	vmul.f32 v1, v33;
	v0 =	vadd.f32 v18, v6;
	v6 =	vsub.f32 v57, v13;
	v13 =	vld [tilespmem:$0x1F570];
	[tilespmem:s9+$0x0] =	vst v7  }
0x6de: {  	v1 =	vmul.f32 v1, v34;
	v19 =	vmul.f32 v53, v43;
	v7 =	vld [tilespmem:$0x1F580]  }
0x6df: {  	v15 =	vmul.f32 v11, v33;
	v9 =	vmul.f32 v55, v43  }
0x6e0: {  	v19 =	vsub.f32 v57, v19;
	v2 =	vmul.f32 v53, v2;
	v10 =	vmul.f32 v29, v43  }
0x6e1: {  	v20 =	vmul.f32 v1, v43;
	v9 =	vsub.f32 v58, v9;
	v16 =	vmul.f32 v55, v16  }
0x6e2: {  	v2 =	vadd.f32 v19, v2;
	v3 =	vmul.f32 v15, v47;
	v10 =	vsub.f32 v59, v10  }
0x6e3: {  	[tilespmem:s9+$0x10] =	vst v0;
	v13 =	vmul.f32 v29, v13;
	v1 =	vmul.f32 v1, v7;
	v7 =	vadd.f32 v9, v16  }
0x6e4: {  	v0 =	vsub.f32 v59, v3;
	v3 =	vld [tilespmem:$0x1F470];
	[tilespmem:s9+$0x20] =	vst v2  }
0x6e5: {  	v9 =	vadd.f32 v10, v13;
	v10 =	vld [tilespmem:$0x1F480];
	[tilespmem:s9+$0x30] =	vst v7  }
0x6e6: {  	v7 =	vld [tilespmem:$0x1F490]  }
0x6e7: {  	v14 =	vmul.f32 v11, v51  }
0x6e8: {  	v8 =	vmul.f32 v22, v47  }
0x6e9: {  	v11 =	vmul.f32 v11, v34;
	v5 =	vmul.f32 v14, v47  }
0x6ea: {  	v8 =	vsub.f32 v35, v8;
	v20 =	vsub.f32 v60, v20;
	v3 =	vmul.f32 v22, v3  }
0x6eb: {  	v12 =	vmul.f32 v23, v47;
	v4 =	vmul.f32 v4, v7;
	v7 =	vld [tilespmem:$0x1F4A0];
	[tilespmem:s9+$0x40] =	vst v9  }
0x6ec: {  	v21 =	vmul.f32 v11, v47;
	v1 =	vadd.f32 v20, v1;
	v3 =	vadd.f32 v8, v3;
	v8 =	vld [tilespmem:$0x1F550]  }
0x6ed: {  	s13 =	simm.s32 $0x16;
	v12 =	vsub.f32 v56, v12;
	v10 =	vmul.f32 v23, v10  }
0x6ee: {  	v5 =	vsub.f32 v58, v5;
	v2 =	vsub.f32 v60, v21;
	[tilespmem:s9+$0x50] =	vst v1;
	v1 =	vmov s13  }
0x6ef: {  	v9 =	vadd.f32 v12, v10;
	v10 =	vmul.f32 v11, v32;
	v1 =	vand.u32 $0xFFFFFFFE, v1  }
0x6f0: {  	[tilespmem:s18+$0x0] =	vst v3;
	v4 =	vadd.f32 v6, v4;
	v1 =	vbroadcast v1, $0x0;
	v7 =	vmul.f32 v14, v7  }
0x6f1: {  	[tilespmem:s18+$0x10] =	vst v9;
	v2 =	vadd.f32 v2, v10;
	v8 =	vmul.f32 v15, v8  }
0x6f2: {  	[tilespmem:s18+$0x20] =	vst v4;
	v3 =	vadd.f32 v5, v7  }
0x6f3: {  	[tilespmem:s18+$0x50] =	vst v2;
	v0 =	vadd.f32 v0, v8  }
0x6f4: {  	[tilespmem:s18+$0x30] =	vst v3  }
0x6f5: {  	[tilespmem:s18+$0x40] =	vst v0  }
0x6f6: {  	v7 =	vld.idx.msk [tilespmem:v1+s15+$0x0], $0xffff  }
0x6f7: {  	v60 =	vld [tilespmem:$0x1FCD0]  }
0x6f8: {  	v55 =	vld [tilespmem:$0x1FCF0]  }
0x6f9: {  	v54 =	vld [tilespmem:$0x1FE30]  }
0x6fa: {  	v57 =	vld [tilespmem:$0x1FD00]  }
0x6fb: {  	v63 =	vld [tilespmem:$0x1FD10]  }
0x6fc: {  	s14 =	simm.s32 $0x4;
	v35 =	vld [tilespmem:$0x1FD20]  }
0x6fd: {  	s17 =	simm.s32 $0xA;
	v5 =	vmov s19;
	v3 =	vmov s14;
	v37 =	vld [tilespmem:$0x1FD30]  }
0x6fe: {  	s16 =	simm.s32 $0x5;
	v2 =	vmov s17;
	v3 =	vand.u32 $0xFFFFFFFC, v3;
	v43 =	vld [tilespmem:$0x1FD90]  }
0x6ff: {  	v2 =	vand.u32 $0xFFFFFFFA, v2;
	v0 =	vmov s16;
	v3 =	vbroadcast v3, $0x0;
	v38 =	vld [tilespmem:$0x1FD40]  }
0x700: {  	v2 =	vbroadcast v2, $0x0;
	s18 =	simm.s32 $0xB;
	v0 =	vand.u32 $0xFFFFFFFD, v0;
	v44 =	vld [tilespmem:$0x1FDA0]  }
0x701: {  	s20 =	simm.s32 $0x11;
	v4 =	vmov s18;
	v45 =	vld [tilespmem:$0x1FDB0];
	v0 =	vbroadcast v0, $0x0  }
0x702: {  	s19 =	simm.s32 $0x10;
	v1 =	vmov s20;
	v6 =	vld.idx.msk [tilespmem:v5+s15+$0x0], $0xffff;
	v4 =	vand.u32 $0xFFFFFFFB, v4  }
0x703: {  	v39 =	vld [tilespmem:$0x1FD50];
	v5 =	vmov s19;
	v1 =	vand.u32 $0xFFFFFFF9, v1;
	v8 =	vbroadcast v4, $0x0  }
0x704: {  	v47 =	vld [tilespmem:$0x1FDC0];
	v5 =	vand.u32 $0xFFFFFFF8, v5;
	v1 =	vbroadcast v1, $0x0  }
0x705: {  	v9 =	vbroadcast v5, $0x0;
	v40 =	vmul.f32 v7, v35;
	v4 =	vld.idx.msk [tilespmem:v3+s15+$0x0], $0xffff  }
0x706: {  	v41 =	vmul.f32 v7, v37;
	v52 =	vmul.f32 v7, v38;
	v3 =	vld.idx.msk [tilespmem:v2+s15+$0x0], $0xffff  }
0x707: {  	v10 =	vmul.f32 v6, v55;
	v5 =	vld.idx.msk [tilespmem:v0+s15+$0x0], $0xffff;
	v0 =	vmul.f32 v7, v60  }
0x708: {  	v53 =	vmul.f32 v7, v39;
	v61 =	vmul.f32 v6, v43  }
0x709: {  	v62 =	vmul.f32 v6, v44;
	v33 =	vmul.f32 v6, v45;
	v2 =	vld.idx.msk [tilespmem:v8+s15+$0x0], $0xffff;
	v8 =	vadd.f32 v10, v0  }
0x70a: {  	v34 =	vmul.f32 v6, v47;
	v1 =	vld.idx.msk [tilespmem:v1+s15+$0x0], $0xffff;
	v25 =	vadd.f32 v61, v41;
	v10 =	vmul.f32 v6, v54  }
0x70b: {  	v0 =	vld.idx.msk [tilespmem:v9+s15+$0x0], $0xffff;
	v9 =	vmul.f32 v4, v60;
	v8 =	vadd.f32 v8, v57;
	v13 =	vmul.f32 v3, v60  }
0x70c: {  	v10 =	vadd.f32 v10, v63;
	v21 =	vmul.f32 v4, v37;
	v24 =	vmul.f32 v4, v38  }
0x70d: {  	v56 =	vld [tilespmem:$0x1FCE0];
	v26 =	vadd.f32 v62, v52;
	v11 =	vmul.f32 v5, v55;
	v12 =	vmul.f32 v5, v54  }
0x70e: {  	v27 =	vadd.f32 v33, v53;
	v8 =	vmul.f32 v7, v8;
	v10 =	vmul.f32 v6, v10  }
0x70f: {  	v62 =	vmul.f32 v4, v39;
	v15 =	vmul.f32 v1, v55;
	v9 =	vadd.f32 v11, v9  }
0x710: {  	v11 =	vadd.f32 v12, v63;
	v12 =	vmul.f32 v2, v55;
	v8 =	vadd.f32 v8, v10  }
0x711: {  	v14 =	vmul.f32 v0, v60;
	v10 =	vmul.f32 v2, v54;
	v9 =	vadd.f32 v9, v57  }
0x712: {  	v12 =	vadd.f32 v12, v13;
	v13 =	vmul.f32 v1, v54;
	v8 =	vadd.f32 v8, v56  }
0x713: {  	v50 =	vld [tilespmem:$0x1FDF0];
	v11 =	vmul.f32 v5, v11;
	v14 =	vadd.f32 v15, v14;
	v10 =	vadd.f32 v10, v63  }
0x714: {  	v9 =	vmul.f32 v4, v9;
	v15 =	vshra.s32 v8, $0x1;
	v8 =	vmul.f32 $5.000000000e-01, v8  }
0x715: {  	v12 =	vadd.f32 v12, v57;
	v14 =	vadd.f32 v14, v57;
	v15 =	vsub.s32 $0x5F3759DF, v15  }
0x716: {  	v13 =	vadd.f32 v13, v63;
	v10 =	vmul.f32 v2, v10;
	v16 =	vmul.f32 v15, v8  }
0x717: {  	v12 =	vmul.f32 v3, v12;
	v9 =	vadd.f32 v9, v11;
	v11 =	vmul.f32 v0, v14  }
0x718: {  	v25 =	vadd.f32 v25, v50;
	v13 =	vmul.f32 v1, v13;
	v14 =	vmul.f32 v15, v16  }
0x719: {  	v23 =	vmul.f32 v5, v43;
	v9 =	vadd.f32 v9, v56;
	v10 =	vadd.f32 v12, v10  }
0x71a: {  	v33 =	vmul.f32 v5, v45;
	v11 =	vadd.f32 v11, v13;
	v13 =	vsub.f32 $1.500000000e+00, v14  }
0x71b: {  	v53 =	vmul.f32 v5, v47;
	v31 =	vmul.f32 v0, v37;
	v10 =	vadd.f32 v10, v56  }
0x71c: {  	v36 =	vld [tilespmem:$0x1FC60];
	v11 =	vadd.f32 v11, v56;
	v14 =	vshra.s32 v9, $0x1;
	v13 =	vmul.f32 v15, v13  }
0x71d: {  	v9 =	vmul.f32 $5.000000000e-01, v9;
	v14 =	vsub.s32 $0x5F3759DF, v14;
	v17 =	vshra.s32 v10, $0x1  }
0x71e: {  	v42 =	vld [tilespmem:$0x1FD80];
	v10 =	vmul.f32 $5.000000000e-01, v10;
	v18 =	vshra.s32 v11, $0x1;
	v19 =	vmul.f32 v13, v8  }
0x71f: {  	v11 =	vmul.f32 $5.000000000e-01, v11;
	v16 =	vmul.f32 v14, v9;
	v17 =	vsub.s32 $0x5F3759DF, v17  }
0x720: {  	v18 =	vsub.s32 $0x5F3759DF, v18;
	v20 =	vmul.f32 v17, v10;
	v19 =	vmul.f32 v19, v13  }
0x721: {  	v48 =	vld [tilespmem:$0x1FDD0];
	v27 =	vadd.f32 v27, v36;
	v22 =	vmul.f32 v18, v11;
	v16 =	vmul.f32 v14, v16  }
0x722: {  	v12 =	vmul.f32 v4, v35;
	v20 =	vmul.f32 v17, v20;
	v19 =	vsub.f32 $1.500000000e+00, v19  }
0x723: {  	v15 =	vmul.f32 v5, v42;
	v22 =	vmul.f32 v18, v22;
	v16 =	vsub.f32 $1.500000000e+00, v16  }
0x724: {  	v20 =	vsub.f32 $1.500000000e+00, v20;
	v13 =	vmul.f32 v19, v13;
	v19 =	vmul.f32 v6, v42  }
0x725: {  	v49 =	vld [tilespmem:$0x1FDE0];
	v22 =	vsub.f32 $1.500000000e+00, v22;
	v14 =	vmul.f32 v14, v16;
	v16 =	vmul.f32 v5, v44  }
0x726: {  	v5 =	vmul.f32 v5, v48;
	v17 =	vmul.f32 v17, v20;
	v19 =	vadd.f32 v19, v40;
	v40 =	vld [tilespmem:$0x1FD60]  }
0x727: {  	v41 =	vld [tilespmem:$0x1FD70];
	v21 =	vadd.f32 v23, v21;
	v18 =	vmul.f32 v18, v22;
	v8 =	vmul.f32 v13, v8  }
0x728: {  	v61 =	vld [tilespmem:$0x1FE00];
	v6 =	vmul.f32 v6, v48;
	v16 =	vadd.f32 v16, v24;
	v24 =	vadd.f32 v33, v62  }
0x729: {  	v12 =	vadd.f32 v15, v12;
	v22 =	vmul.f32 v17, v10;
	v8 =	vmul.f32 v8, v13  }
0x72a: {  	v62 =	vmul.f32 v2, v44;
	v33 =	vmul.f32 v2, v45;
	v24 =	vadd.f32 v24, v36  }
0x72b: {  	v15 =	vmul.f32 v22, v17;
	v8 =	vsub.f32 $1.500000000e+00, v8;
	v58 =	vmul.f32 v7, v40  }
0x72c: {  	v19 =	vadd.f32 v19, v49;
	v7 =	vmul.f32 v7, v41;
	v22 =	vmul.f32 v4, v40  }
0x72d: {  	v51 =	vld [tilespmem:$0x1FC70];
	v4 =	vmul.f32 v4, v41;
	v8 =	vmul.f32 v8, v13;
	v13 =	vadd.f32 v26, v61  }
0x72e: {  	v52 =	vld [tilespmem:$0x1FC80];
	v59 =	vadd.f32 v34, v58;
	v6 =	vadd.f32 v6, v7;
	v34 =	vmul.f32 v18, v11  }
0x72f: {  	v58 =	vmul.f32 v3, v37;
	v4 =	vadd.f32 v5, v4;
	v5 =	vmul.f32 v3, v38  }
0x730: {  	v22 =	vadd.f32 v53, v22;
	v53 =	vmul.f32 v2, v47;
	v7 =	vmul.f32 v8, v19  }
0x731: {  	v15 =	vsub.f32 $1.500000000e+00, v15;
	v19 =	vmul.f32 v8, v25;
	v13 =	vmul.f32 v8, v13  }
0x732: {  	v26 =	vmul.f32 v8, v27;
	v32 =	vadd.f32 v59, v51;
	v23 =	vmul.f32 v34, v18  }
0x733: {  	v6 =	vadd.f32 v6, v52;
	v59 =	vmul.f32 v2, v43;
	v34 =	vmul.f32 v3, v40  }
0x734: {  	v5 =	vadd.f32 v62, v5;
	v62 =	vmul.f32 v1, v43;
	v20 =	vmul.f32 v8, v32  }
0x735: {  	v22 =	vadd.f32 v22, v51;
	v6 =	vmul.f32 v8, v6;
	v8 =	vmul.f32 v14, v9  }
0x736: {  	v25 =	vadd.f32 v59, v58;
	v58 =	vmul.f32 v0, v35;
	v59 =	vmul.f32 v1, v42  }
0x737: {  	v27 =	vadd.f32 v53, v34;
	v53 =	vmul.f32 v0, v39;
	v8 =	vmul.f32 v8, v14  }
0x738: {  	v30 =	vadd.f32 v62, v31;
	v28 =	vadd.f32 v59, v58;
	v58 =	vmul.f32 v1, v45  }
0x739: {  	v62 =	vmul.f32 v1, v47;
	v59 =	vmul.f32 v0, v40;
	v8 =	vsub.f32 $1.500000000e+00, v8  }
0x73a: {  	v4 =	vadd.f32 v4, v52;
	v32 =	vmul.f32 v0, v38;
	v29 =	vadd.f32 v58, v53;
	v53 =	vld [tilespmem:$0x1FCA0]  }
0x73b: {  	v31 =	vadd.f32 v62, v59;
	v8 =	vmul.f32 v8, v14;
	v14 =	vmul.f32 v15, v17  }
0x73c: {  	v59 =	vld [tilespmem:$0x1FCC0];
	v15 =	vsub.f32 $1.500000000e+00, v23;
	v17 =	vmul.f32 v3, v35;
	v23 =	vmul.f32 v2, v42  }
0x73d: {  	v5 =	vadd.f32 v5, v61;
	v0 =	vmul.f32 v0, v41;
	v2 =	vmul.f32 v2, v48  }
0x73e: {  	v34 =	vld [tilespmem:$0x1FC90];
	v17 =	vadd.f32 v23, v17;
	v23 =	vmul.f32 v3, v39;
	v3 =	vmul.f32 v3, v41  }
0x73f: {  	v62 =	vld [tilespmem:$0x1FE20];
	v15 =	vmul.f32 v15, v18;
	v18 =	vadd.f32 v12, v49;
	v13 =	vadd.f32 v13, v53  }
0x740: {  	v58 =	vld [tilespmem:$0x1FCB0];
	v3 =	vadd.f32 v2, v3;
	v2 =	vmul.f32 v1, v44;
	v1 =	vmul.f32 v1, v48  }
0x741: {  	v6 =	vadd.f32 v6, v59;
	v23 =	vadd.f32 v33, v23;
	v33 =	vld [tilespmem:$0x1FE10]  }
0x742: {  	s5 =	sand.u32 $0x3, s23;
	v32 =	vadd.f32 v2, v32;
	v2 =	vadd.f32 v1, v0;
	v0 =	vmul.f32 v8, v9  }
0x743: {  	s30 =	sand.u32 $0x7, s23;
	s5 =	sshll.u32 s5, $0x8;
	v9 =	vadd.f32 v21, v50;
	v21 =	vadd.f32 v16, v61;
	v1 =	vmul.f32 v14, v10  }
0x744: {  	s5 =	sadd.s32 $0x0, s5;
	s4 =	sshll.u32 s30, $0x7;
	v10 =	vmul.f32 v15, v11;
	v11 =	vadd.f32 v19, v34;
	v0 =	vmul.f32 v0, v8  }
0x745: {  	s5 =	sadd.s32 $0x100, s5;
	s4 =	sadd.s32 $0x0, s4;
	s3 =	simm.s32 $0x1;
	v19 =	vadd.f32 v26, v62;
	v26 =	vadd.f32 v20, v58;
	v1 =	vmul.f32 v1, v14  }
0x746: {  	s10 =	sor.u32 $0x400, s5;
	s31 =	sadd.s32 $0x180, s4;
	s3 =	simm.s32 @!p0 $0x0;
	v10 =	vmul.f32 v10, v15;
	v7 =	vadd.f32 v7, v33;
	v0 =	vsub.f32 $1.500000000e+00, v0  }
0x747: {  	s4 =	sadd.s32 $0x80, s4;
	s7 =	sor.u32 $0x400, s31;
	s3 =	sshll.u32 s3, $0x9;
	v20 =	vadd.f32 v17, v49;
	[tilespmem:s2+$0x70] =	vst v11;
	v1 =	vsub.f32 $1.500000000e+00, v1  }
0x748: {  	s8 =	sor.u32 $0x410, s31;
	s30 =	sor.u32 $0x430, s31;
	s3 =	sadd.s32 $0x0, s3;
	v11 =	vadd.f32 v25, v50;
	[tilespmem:s2+$0x60] =	vst v7;
	v12 =	vmul.f32 v0, v8;
	v0 =	vsub.f32 $1.500000000e+00, v10  }
0x749: {  	s11 =	sor.u32 $0x430, s4;
	s29 =	sor.u32 $0x400, s3;
	s6 =	sor.u32 $0x410, s5;
	v7 =	vadd.f32 v27, v51;
	v1 =	vmul.f32 v1, v14;
	[tilespmem:s7+$0x14700] =	vst v13;
	v13 =	vadd.f32 v23, v36  }
0x74a: {  	s13 =	sor.u32 $0x420, s31;
	s9 =	sor.u32 $0x420, s5;
	s17 =	sor.u32 $0x410, s4;
	v14 =	vadd.f32 v3, v52;
	v8 =	vadd.f32 v28, v49;
	[tilespmem:s8+$0x14700] =	vst v19;
	v0 =	vmul.f32 v0, v15  }
0x74b: {  	s14 =	sor.u32 $0x420, s4;
	s16 =	sor.u32 $0x400, s4;
	s4 =	simm.s32 $0x0;
	v3 =	vadd.f32 v31, v51;
	v10 =	vmul.f32 v12, v18;
	v16 =	vmul.f32 v12, v9;
	[tilespmem:s13+$0x14700] =	vst v26  }
0x74c: {  	s18 =	sor.u32 $0x410, s3;
	s20 =	sor.u32 $0x420, s3;
	s19 =	sor.u32 $0x430, s3;
	v17 =	vmul.f32 v12, v21;
	v18 =	vmul.f32 v12, v24;
	v15 =	vadd.f32 v30, v50;
	[tilespmem:s30+$0x14700] =	vst v6  }
0x74d: {  	s3 =	simm.s32 $0x2F;
	s2 =	sor.u32 $0x430, s5;
	s8 =	simm.s32 $0x0;
	v9 =	vadd.f32 v32, v61;
	v32 =	vmovc v54;
	v19 =	vmul.f32 v12, v22;
	v6 =	vadd.f32 v29, v36;
	v54 =	vld [tilespmem:$0x1FE70]  }
.LBB2_9:
0x74e: {  	s5 =	sadd.s32 $0xFFFFFFED, s3;
	s7 =	sadd.s32 $0xFFFFFFEE, s3;
	s13 =	sadd.s32 $0xFFFFFFFF, s3;
	v21 =	vmul.f32 v12, v4;
	v20 =	vmul.f32 v1, v20;
	v22 =	vadd.f32 v2, v52  }
0x74f: {  	s30 =	sadd.s32 $0xFFFFFFF9, s3;
	v2 =	vmov s5;
	v4 =	vmov s7;
	s5 =	sadd.s32 $0xFFFFFFF3, s3;
	s7 =	sadd.s32 $0xFFFFFFF4, s3;
	v12 =	vmov s13  }
0x750: {  	v23 =	vmov s5;
	v24 =	vmov s7;
	s5 =	sadd.s32 $0xFFFFFFFA, s3;
	v12 =	vand.u32 $0xFFFFFFFE, v12  }
0x751: {  	v25 =	vmov s30;
	v26 =	vbroadcast v12, $0x0;
	v12 =	vmov s3  }
0x752: {  	v2 =	vand.u32 $0xFFFFFFFC, v2;
	v4 =	vand.u32 $0xFFFFFFFD, v4;
	v27 =	vmov s5  }
0x753: {  	s25 =	sadd.s32 $0x4, s25;
	v25 =	vand.u32 $0xFFFFFFF8, v25;
	v23 =	vand.u32 $0xFFFFFFFA, v23;
	v24 =	vand.u32 $0xFFFFFFFB, v24  }
0x754: {  	p1 =	slt.u32 s25, $0x4C;
	v2 =	vbroadcast v2, $0x0;
	v28 =	vbroadcast v4, $0x0;
	v4 =	vand.u32 $0xFFFFFFF9, v27  }
0x755: {  	v23 =	vbroadcast v23, $0x0;
	v24 =	vbroadcast v24, $0x0;
	v27 =	vadd.f32 v10, v33  }
0x756: {  	v25 =	vbroadcast v25, $0x0;
	v29 =	vbroadcast v4, $0x0;
	v4 =	vadd.f32 v16, v34;
	v12 =	vld.idx.msk [tilespmem:v12+s15+$0x0], $0xffff  }
0x757: {  	v11 =	vmul.f32 v1, v11;
	v16 =	vadd.f32 v17, v53;
	v17 =	vmul.f32 v1, v5;
	v10 =	vld.idx.msk [tilespmem:v26+s15+$0x0], $0xffff  }
0x758: {  	v18 =	vadd.f32 v18, v62;
	v13 =	vmul.f32 v1, v13;
	v7 =	vmul.f32 v1, v7;
	[tilespmem:s0+$0x60] =	vst v27  }
0x759: {  	v8 =	vmul.f32 v0, v8;
	v19 =	vadd.f32 v19, v58;
	v1 =	vmul.f32 v1, v14;
	[tilespmem:s0+$0x70] =	vst v4  }
0x75a: {  	v9 =	vmul.f32 v0, v9;
	v14 =	vadd.f32 v21, v59;
	v21 =	vmul.f32 v0, v15;
	v4 =	vld.idx.msk [tilespmem:v2+s15+$0x0], $0xffff  }
0x75b: {  	v20 =	vadd.f32 v20, v33;
	v15 =	vmul.f32 v0, v3;
	v26 =	vmul.f32 v0, v6;
	v5 =	vld.idx.msk [tilespmem:v28+s15+$0x0], $0xffff  }
0x75c: {  	v11 =	vadd.f32 v11, v34;
	v17 =	vadd.f32 v17, v53;
	v6 =	vmul.f32 v0, v22;
	v2 =	vld.idx.msk [tilespmem:v23+s15+$0x0], $0xffff  }
0x75d: {  	v13 =	vadd.f32 v13, v62;
	v22 =	vmul.f32 v10, v60;
	v23 =	vmul.f32 v12, v55;
	v3 =	vld.idx.msk [tilespmem:v24+s15+$0x0], $0xffff  }
0x75e: {  	v7 =	vadd.f32 v7, v58;
	v0 =	vld.idx.msk [tilespmem:v25+s15+$0x0], $0xffff;
	[tilespmem:s29+$0x14700] =	vst v16;
	v16 =	vadd.f32 v1, v59  }
0x75f: {  	v8 =	vadd.f32 v8, v33;
	v22 =	vadd.f32 v23, v22;
	v23 =	vmul.f32 v12, v32;
	v1 =	vld.idx.msk [tilespmem:v29+s15+$0x0], $0xffff  }
0x760: {  	v24 =	vmul.f32 v4, v60;
	v25 =	vmul.f32 v4, v35;
	[tilespmem:s18+$0x14700] =	vst v18;
	v18 =	vadd.f32 v21, v34  }
0x761: {  	v21 =	vmul.f32 v5, v55;
	v22 =	vadd.f32 v22, v57;
	v23 =	vadd.f32 v23, v63;
	[tilespmem:s20+$0x14700] =	vst v19  }
0x762: {  	v9 =	vadd.f32 v9, v53;
	v19 =	vmul.f32 v5, v32;
	v27 =	vmul.f32 v2, v60;
	[tilespmem:s19+$0x14700] =	vst v14  }
0x763: {  	v14 =	vadd.f32 v21, v24;
	v21 =	vmul.f32 v10, v22;
	v22 =	vmul.f32 v12, v23;
	[tilespmem:s28+$0x60] =	vst v20  }
0x764: {  	v19 =	vadd.f32 v19, v63;
	v20 =	vmul.f32 v3, v55;
	v23 =	vmul.f32 v0, v60;
	[tilespmem:s28+$0x70] =	vst v11  }
0x765: {  	v11 =	vmul.f32 v3, v32;
	v24 =	vmul.f32 v1, v55;
	v21 =	vadd.f32 v21, v22;
	[tilespmem:s16+$0x14700] =	vst v17  }
0x766: {  	v14 =	vadd.f32 v14, v57;
	v17 =	vadd.f32 v20, v27;
	v20 =	vmul.f32 v1, v32;
	[tilespmem:s17+$0x14700] =	vst v13  }
0x767: {  	v13 =	vmul.f32 v5, v19;
	v19 =	vadd.f32 v24, v23;
	v21 =	vadd.f32 v21, v56;
	[tilespmem:s14+$0x14700] =	vst v7  }
0x768: {  	v11 =	vadd.f32 v11, v63;
	v7 =	vmul.f32 v4, v14;
	v14 =	vadd.f32 v17, v57;
	[tilespmem:s11+$0x14700] =	vst v16  }
0x769: {  	v16 =	vadd.f32 v19, v57;
	v17 =	vshra.s32 v21, $0x1;
	v19 =	vmul.f32 $5.000000000e-01, v21;
	[tilespmem:s26+$0x60] =	vst v8  }
0x76a: {  	v8 =	vmul.f32 v2, v14;
	v14 =	vadd.f32 v20, v63;
	v17 =	vsub.s32 $0x5F3759DF, v17;
	[tilespmem:s26+$0x70] =	vst v18  }
0x76b: {  	v7 =	vadd.f32 v7, v13;
	v13 =	vmul.f32 v0, v16;
	v16 =	vmul.f32 v17, v19;
	[tilespmem:s10+$0x14700] =	vst v9  }
0x76c: {  	v9 =	vmul.f32 v3, v11;
	v11 =	vmul.f32 v1, v14;
	v14 =	vadd.f32 v26, v62  }
0x76d: {  	v18 =	vmul.f32 v5, v42;
	v7 =	vadd.f32 v7, v56;
	v16 =	vmul.f32 v17, v16  }
0x76e: {  	v20 =	vmul.f32 v4, v37;
	v8 =	vadd.f32 v8, v9;
	v9 =	vadd.f32 v13, v11;
	[tilespmem:s6+$0x14700] =	vst v14  }
0x76f: {  	v13 =	vshra.s32 v7, $0x1;
	v11 =	vmul.f32 $5.000000000e-01, v7;
	v7 =	vsub.f32 $1.500000000e+00, v16  }
0x770: {  	v16 =	vsub.s32 $0x5F3759DF, v13;
	v8 =	vadd.f32 v8, v56;
	v9 =	vadd.f32 v9, v56  }
0x771: {  	v18 =	vadd.f32 v18, v25;
	v21 =	vmul.f32 v16, v11;
	v17 =	vmul.f32 v17, v7  }
0x772: {  	v7 =	vshra.s32 v8, $0x1;
	v13 =	vmul.f32 $5.000000000e-01, v8;
	v8 =	vshra.s32 v9, $0x1  }
0x773: {  	v14 =	vmul.f32 $5.000000000e-01, v9;
	v22 =	vsub.s32 $0x5F3759DF, v7;
	v9 =	vmul.f32 v17, v19  }
0x774: {  	v21 =	vmul.f32 v16, v21;
	v24 =	vsub.s32 $0x5F3759DF, v8;
	v23 =	vmul.f32 v22, v13  }
0x775: {  	v7 =	vadd.f32 v18, v49;
	v8 =	vmul.f32 v24, v14;
	v9 =	vmul.f32 v9, v17  }
0x776: {  	v18 =	vsub.f32 $1.500000000e+00, v21;
	v21 =	vmul.f32 v5, v43;
	v23 =	vmul.f32 v22, v23  }
0x777: {  	v25 =	vmul.f32 v4, v38;
	v8 =	vmul.f32 v24, v8;
	v9 =	vsub.f32 $1.500000000e+00, v9  }
0x778: {  	v16 =	vmul.f32 v16, v18;
	v18 =	vmul.f32 v5, v44;
	v23 =	vsub.f32 $1.500000000e+00, v23  }
0x779: {  	v26 =	vmul.f32 v4, v39;
	v27 =	vsub.f32 $1.500000000e+00, v8;
	v17 =	vmul.f32 v9, v17  }
0x77a: {  	v8 =	vadd.f32 v21, v20;
	v20 =	vmul.f32 v12, v42;
	v21 =	vmul.f32 v12, v43  }
0x77b: {  	v9 =	vadd.f32 v18, v25;
	v18 =	vmul.f32 v17, v19;
	v19 =	vmul.f32 v12, v44  }
0x77c: {  	v28 =	vmul.f32 v12, v47;
	v25 =	vmul.f32 v12, v45;
	v8 =	vadd.f32 v8, v50  }
0x77d: {  	v29 =	vmul.f32 v10, v35;
	v9 =	vadd.f32 v9, v61;
	v18 =	vmul.f32 v18, v17  }
0x77e: {  	v15 =	vadd.f32 v15, v58;
	v30 =	vmul.f32 v10, v37;
	v12 =	vmul.f32 v12, v48  }
0x77f: {  	v20 =	vadd.f32 v20, v29;
	v29 =	vmul.f32 v10, v38;
	v18 =	vsub.f32 $1.500000000e+00, v18  }
0x780: {  	p0 =	por !p0, !p0;
	s0 =	simm.s32 $0x1;
	v31 =	vmul.f32 v10, v40;
	v21 =	vadd.f32 v21, v30;
	v30 =	vmul.f32 v10, v39;
	[tilespmem:s9+$0x14700] =	vst v15  }
0x781: {  	s23 =	sadd.s32 $0x2, s23;
	s0 =	simm.s32 @!p0 $0x0;
	v15 =	vmul.f32 v18, v17;
	v17 =	vadd.f32 v20, v49;
	v18 =	vadd.f32 v19, v29  }
0x782: {  	s5 =	sand.u32 $0x3, s23;
	s0 =	sshll.u32 s0, $0x9;
	v10 =	vmul.f32 v10, v41;
	v19 =	vadd.f32 v21, v50;
	v20 =	vadd.f32 v25, v30  }
0x783: {  	s4 =	sadd.s32 $0x4, s4;
	s8 =	sadd.s32 $0x400, s8;
	s5 =	sshll.u32 s5, $0x8;
	v21 =	vadd.f32 v28, v31;
	v17 =	vmul.f32 v15, v17;
	v18 =	vadd.f32 v18, v61  }
0x784: {  	s24 =	sadd.s32 $0x200, s24;
	s7 =	sand.u32 $0x7800, s8;
	s6 =	sand.u32 $0x7, s4;
	v10 =	vadd.f32 v12, v10;
	v19 =	vmul.f32 v15, v19;
	v20 =	vadd.f32 v20, v36  }
0x785: {  	s26 =	sadd.s32 $0x14700, s7;
	s7 =	sand.u32 $0x380, s24;
	s6 =	sshll.u32 s6, $0x7;
	v12 =	vadd.f32 v17, v33;
	v17 =	vmul.f32 v15, v18;
	v18 =	vadd.f32 v21, v51  }
0x786: {  	s5 =	sadd.s32 s8, s5;
	s7 =	sadd.s32 s7, s26;
	s6 =	sadd.s32 s8, s6;
	v10 =	vadd.f32 v10, v52;
	v19 =	vadd.f32 v19, v34;
	v20 =	vmul.f32 v15, v20  }
0x787: {  	s10 =	sadd.s32 $0xFFFFFF00, s24;
	s11 =	sadd.s32 $0x180, s6;
	s9 =	sadd.s32 $0xFFFFFE80, s24;
	v21 =	vmul.f32 v22, v23;
	[tilespmem:s7+$0x60] =	vst v12;
	v12 =	vadd.f32 v17, v53;
	v17 =	vmul.f32 v15, v18  }
0x788: {  	s13 =	sadd.s32 $0xFFFFFF80, s24;
	s6 =	sadd.s32 $0x80, s6;
	v10 =	vmul.f32 v15, v10;
	v18 =	vmul.f32 v24, v27;
	[tilespmem:s7+$0x70] =	vst v19;
	s7 =	sor.u32 $0x400, s11;
	v19 =	vadd.f32 v20, v62  }
0x789: {  	s19 =	sadd.s32 s0, s8;
	s0 =	sadd.s32 $0x100, s5;
	s5 =	sor.u32 $0x410, s11;
	v15 =	vmul.f32 v16, v11;
	v20 =	vmul.f32 v21, v13;
	[tilespmem:s7+$0x14700] =	vst v12;
	v12 =	vadd.f32 v17, v58  }
0x78a: {  	s28 =	sand.u32 $0x280, s10;
	v10 =	vadd.f32 v10, v59;
	s7 =	sand.u32 $0x200, s9;
	v17 =	vmul.f32 v5, v45;
	v22 =	vmul.f32 v18, v14;
	[tilespmem:s5+$0x14700] =	vst v19;
	s5 =	sor.u32 $0x420, s11  }
0x78b: {  	s13 =	sand.u32 $0x300, s13;
	v6 =	vadd.f32 v6, v59;
	s16 =	sor.u32 $0x400, s6;
	v15 =	vmul.f32 v15, v16;
	v19 =	vmul.f32 v20, v21;
	[tilespmem:s5+$0x14700] =	vst v12;
	s5 =	sor.u32 $0x430, s11  }
0x78c: {  	s17 =	sor.u32 $0x410, s6;
	s14 =	sor.u32 $0x420, s6;
	v12 =	vadd.f32 v17, v26;
	v17 =	vmul.f32 v4, v40;
	s11 =	sor.u32 $0x430, s6;
	v20 =	vmul.f32 v22, v18;
	[tilespmem:s5+$0x14700] =	vst v10  }
0x78d: {  	s10 =	sor.u32 $0x400, s0;
	s9 =	sor.u32 $0x420, s0;
	s6 =	sor.u32 $0x410, s0;
	v10 =	vsub.f32 $1.500000000e+00, v15;
	v15 =	vmul.f32 v5, v47;
	v19 =	vsub.f32 $1.500000000e+00, v19;
	[tilespmem:s2+$0x14700] =	vst v6  }
0x78e: {  	s29 =	sor.u32 $0x400, s19;
	s18 =	sor.u32 $0x410, s19;
	v4 =	vmul.f32 v4, v41;
	v5 =	vmul.f32 v5, v48;
	v6 =	vsub.f32 $1.500000000e+00, v20;
	s2 =	sor.u32 $0x430, s0  }
0x78f: {  	s20 =	sor.u32 $0x420, s19;
	s19 =	sor.u32 $0x430, s19;
	s0 =	sadd.s32 s7, s26;
	v10 =	vmul.f32 v10, v16;
	v15 =	vadd.f32 v15, v17;
	v16 =	vmul.f32 v19, v21  }
0x790: {  	s28 =	sadd.s32 s28, s26;
	s26 =	sadd.s32 s13, s26;
	v4 =	vadd.f32 v5, v4;
	v5 =	vmul.f32 v2, v35;
	v6 =	vmul.f32 v6, v18  }
0x791: {  	v18 =	vadd.f32 v12, v36;
	v11 =	vmul.f32 v10, v11;
	v12 =	vmul.f32 v16, v13  }
0x792: {  	v19 =	vadd.f32 v15, v51;
	v13 =	vmul.f32 v3, v42;
	v14 =	vmul.f32 v6, v14  }
0x793: {  	v4 =	vadd.f32 v4, v52;
	v11 =	vmul.f32 v11, v10;
	v12 =	vmul.f32 v12, v16  }
0x794: {  	v5 =	vadd.f32 v13, v5;
	v13 =	vmul.f32 v2, v37;
	v14 =	vmul.f32 v14, v6  }
0x795: {  	v17 =	vmul.f32 v2, v38;
	v15 =	vmul.f32 v3, v43;
	v11 =	vsub.f32 $1.500000000e+00, v11  }
0x796: {  	v21 =	vmul.f32 v2, v39;
	v20 =	vsub.f32 $1.500000000e+00, v12;
	v12 =	vmul.f32 v3, v44  }
0x797: {  	v23 =	vmul.f32 v2, v40;
	v22 =	vmul.f32 v3, v45;
	v14 =	vsub.f32 $1.500000000e+00, v14  }
0x798: {  	v2 =	vmul.f32 v2, v41;
	v13 =	vadd.f32 v15, v13;
	v15 =	vmul.f32 v3, v47  }
0x799: {  	v3 =	vmul.f32 v3, v48;
	v17 =	vadd.f32 v12, v17;
	v12 =	vmul.f32 v0, v35  }
0x79a: {  	v24 =	vmul.f32 v0, v37;
	v21 =	vadd.f32 v22, v21;
	v22 =	vmul.f32 v1, v42  }
0x79b: {  	v25 =	vmul.f32 v0, v38;
	v15 =	vadd.f32 v15, v23;
	v23 =	vmul.f32 v1, v43  }
0x79c: {  	v26 =	vmul.f32 v0, v39;
	v3 =	vadd.f32 v3, v2;
	v2 =	vmul.f32 v1, v44  }
0x79d: {  	v27 =	vmul.f32 v0, v40;
	v22 =	vadd.f32 v22, v12;
	v12 =	vmul.f32 v1, v45  }
0x79e: {  	v28 =	vmul.f32 v0, v41;
	v23 =	vadd.f32 v23, v24;
	v24 =	vmul.f32 v1, v47  }
0x79f: {  	v25 =	vadd.f32 v2, v25;
	v2 =	vmul.f32 v1, v48;
	v26 =	vadd.f32 v12, v26  }
0x7a0: {  	v1 =	vmul.f32 v20, v16;
	v12 =	vmul.f32 v11, v10;
	v24 =	vadd.f32 v24, v27  }
0x7a1: {  	v0 =	vmul.f32 v14, v6;
	v20 =	vadd.f32 v5, v49;
	v2 =	vadd.f32 v2, v28  }
.Ltmp3:
0x7a2: {  	v5 =	vadd.f32 v17, v61;
	v11 =	vadd.f32 v13, v50;
	v10 =	vmul.f32 v12, v7;
	(pc) =	sbr.rel @p1 .LBB2_9-.Ltmp3, $4  }
0x7a3: {  	v13 =	vadd.f32 v21, v36;
	v16 =	vmul.f32 v12, v8;
	v7 =	vadd.f32 v15, v51  }
0x7a4: {  	v14 =	vadd.f32 v3, v52;
	v17 =	vmul.f32 v12, v9;
	v8 =	vadd.f32 v22, v49  }
0x7a5: {  	v18 =	vmul.f32 v12, v18;
	v15 =	vadd.f32 v23, v50;
	v9 =	vadd.f32 v25, v61  }
0x7a6: {  	s3 =	sadd.s32 $0x18, s3;
	v19 =	vmul.f32 v12, v19;
	v6 =	vadd.f32 v26, v36;
	v3 =	vadd.f32 v24, v51  }
0x7a7: {  	v10 =	vadd.f32 v10, v33  }
0x7a8: {  	v16 =	vadd.f32 v16, v34  }
0x7a9: {  	v17 =	vadd.f32 v17, v53;
	v44 =	vmul.f32 v1, v20;
	[tilespmem:s0+$0x60] =	vst v10  }
0x7aa: {  	v43 =	vadd.f32 v18, v62;
	v11 =	vmul.f32 v1, v11;
	[tilespmem:s0+$0x70] =	vst v16  }
0x7ab: {  	v8 =	vmul.f32 v0, v8;
	v45 =	vadd.f32 v44, v33;
	[tilespmem:s29+$0x14700] =	vst v17  }
0x7ac: {  	v11 =	vadd.f32 v11, v34;
	[tilespmem:s18+$0x14700] =	vst v43  }
0x7ad: {  	v5 =	vmul.f32 v1, v5;
	v8 =	vadd.f32 v8, v33;
	[tilespmem:s28+$0x60] =	vst v45  }
0x7ae: {  	v4 =	vmul.f32 v12, v4;
	v16 =	vadd.f32 v19, v58;
	[tilespmem:s28+$0x70] =	vst v11  }
0x7af: {  	v47 =	vmul.f32 v1, v13;
	v5 =	vadd.f32 v5, v53;
	[tilespmem:s26+$0x60] =	vst v8  }
0x7b0: {  	v51 =	vmul.f32 v0, v15;
	v4 =	vadd.f32 v4, v59;
	[tilespmem:s20+$0x14700] =	vst v16  }
0x7b1: {  	v48 =	vmul.f32 v1, v7;
	v50 =	vadd.f32 v47, v62;
	[tilespmem:s16+$0x14700] =	vst v5  }
0x7b2: {  	v55 =	vmul.f32 v0, v9;
	v5 =	vadd.f32 v51, v34;
	[tilespmem:s19+$0x14700] =	vst v4  }
0x7b3: {  	v49 =	vmul.f32 v1, v14;
	v4 =	vadd.f32 v48, v58;
	[tilespmem:s17+$0x14700] =	vst v50  }
0x7b4: {  	v2 =	vadd.f32 v2, v52;
	v56 =	vmul.f32 v0, v6;
	v60 =	vadd.f32 v55, v53;
	[tilespmem:s26+$0x70] =	vst v5  }
0x7b5: {  	v57 =	vmul.f32 v0, v3;
	v1 =	vadd.f32 v49, v59;
	[tilespmem:s14+$0x14700] =	vst v4  }
0x7b6: {  	v61 =	vmul.f32 v0, v2;
	v63 =	vadd.f32 v56, v62;
	[tilespmem:s10+$0x14700] =	vst v60  }
0x7b7: {  	[tilespmem:s11+$0x14700] =	vst v1;
	v1 =	vadd.f32 v57, v58  }
0x7b8: {  	v0 =	vadd.f32 v61, v59;
	[tilespmem:s6+$0x14700] =	vst v63  }
0x7b9: {  	[tilespmem:s9+$0x14700] =	vst v1  }
0x7ba: {  	[tilespmem:s2+$0x14700] =	vst v0  }
0x7bb: {  	v36 =	vld [tilespmem:$0x1FFA0]  }
0x7bc: {  	v58 =	vld [tilespmem:$0x1FFB0]  }
0x7bd: {  	s21 =	sadd.s32 $0x1, s21;
	v16 =	vld [tilespmem:$0x1FFC0]  }
0x7be: {  	p0 =	sne.s32 s21, $0x28;
	v51 =	vld [tilespmem:$0x1FFD0]  }
.Ltmp4:
0x7bf: {  	v52 =	vld [tilespmem:$0x1FFE0];
	(pc) =	sbr.rel @p0 .LBB2_2-.Ltmp4, $4  }
0x7c0: {  	v63 =	vld [tilespmem:$0x1FFF0]  }
0x7c1: {  	s30 =	sshll.u32 s22, $0x5;
	v56 =	vmov v54;
	s2 =	rddreg [dreg:$0x6];
	v54 =	vld [tilespmem:$0x1FE60]  }
0x7c2: {  	s31 =	simm.s32 $0x14700;
	v55 =	vld [tilespmem:$0x1FE40];
	s0 =	sadd.s32 s2, s30  }
0x7c3: {  	v59 =	vlaneseq.u32;
	v57 =	vld [tilespmem:$0x1FE50];
	[hbm4b:s0+s1] =	stream.linear.scatter [tilespmem:s31], [sflag:$0x2], $0x5000, $0x38  }
0x7c4: {  	s0 =	simm.s32 $0x1  }
0x7c5: {  	_ =	swait.ge [sflag:s0], $0x5000  }
0x7c6: {  	[sflag:s0] =	ssyncset.done $0x0  }
0x7c7: {  	s2 =	simm.s32 $0x2;
	[sflag:s0] =	ssyncadd.s32 $0xFFFFB000  }
0x7c8: {  	_ =	swait.ge [sflag:s2], $0x5000  }
0x7c9: {  	s3 =	rddreg [dreg:$0xb]  }
0x7ca: {  	s31 =	rddreg [dreg:$0xa];
	s3 =	sadd.s32 $0x1, s3  }
0x7cb: {  	p0 =	sne.s32 s3, s31  }
.Ltmp5:
0x7cc: {  	_ = 	snop;
	(pc) =	sbr.rel @p0 .LBB2_1-.Ltmp5, $3  }
0x7cd: {  	_ =	sdelay $0x1  }
0x7ce: {  	[sflag:s2] =	ssyncset.done $0x0  }
0x7cf: {  	[sflag:s2] =	ssyncadd.s32 $0xFFFFB000  }
0x7d0: {  	_ =	sfence.sel $0x180000  }
0x7d1: {  	[bflag:$0x0] =	sbarrier.arrive $0xFFFF  }
0x7d2: {  	_ =	strace $0x90000047  }
0x7d3: {  	s0 =	stileid.u32;
	[bflag:$0x2] =	sbarrier.arrive $0xFFFF  }
0x7d4: {  	p0 =	sne.s32 s0, $0x0;
	s0 =	rddreg [dreg:$0x1]  }
0x7d5: {  	s0 =	sadd.s32 @!p0 $0x100000, s0  }
0x7d6: {  	[sflag:s0] =	ssyncadd.tile.s32 @!p0 $0x1;
	_ =	shalt  }
.Lfunc_end2:
_tile_overlayer_lowered:
.L_overlay_start_2:
0x7d7: {  	(tag) =	ssettag $0x2  }
0x7d8: {  	s0 =	rddreg [dreg:$0x0];
	s2 =	stileid.u32  }
0x7d9: {  	s1 =	rddreg [dreg:$0x1];
	p0 =	sne.s32 s2, $0x0  }
0x7da: {  	s3 =	rddreg [dreg:$0x2];
	[bflag:$0x3] =	sbarrier.arrive $0xFFFF;
	s2 =	simm.s32 @!p0 $0x1C03  }
0x7db: {  	[timem:s3], [sflag:s2] =	dma.local @!p0 [hbm:s0], s1  }
0x7dc: {  	s0 =	simm.s32 @!p0 $0x3  }
0x7dd: {  	_ =	swait.ge @!p0 [sflag:s0], s1  }
0x7de: {  	s1 =	ssub.s32 @!p0 $0x0, s1;
	[sflag:s0] =	ssyncset.done @!p0 $0x0  }
0x7df: {  	[sflag:s0] =	ssyncadd.s32 @!p0 s1  }
0x7e0: {  	[bflag:$0x3] =	sbarrier.arrive $0xFFFF  }
0x7e1: {  	_ =	shalt  }

// kernel: sparse-core-data-format-call.cloned.1.call-start
scs
called_computation_lowered:
.L_overlay_start_0:
0x0: {  	s2 =	sld [smem:$0x3FD9]  }
0x1: {  	s3 =	sld [smem:$0x3FFE];
	_ =	sdelay $0x1  }
0x2: {  	s1 =	srdreg.scid  }
0x3: {  	s0 =	sand.u32 $0x1, s1  }
0x4: {  	s15 =	sshll.u32 s0, $0xA;
	s2 =	sadd.s32 s3, s2  }
0x5: {  	s2 =	sadd.s32 s2, s15  }
0x6: {  	[smem:$0x3FB6] =	sst s2  }
0x7: {  	_ = 	snop  }
0x8: {  	s2 =	sld [smem:$0x3FD0];
	_ =	sdelay $0x2  }
0x9: {  	s16 =	simm.s32 $0xA;
	s4 =	simm.s32 $0x10  }
0xa: {  	[smem:s4], [sflag:s16] =	dma.local [hbm:s2], $0x1  }
0xb: {  	_ =	swait.eq [sflag:s16], $0x1  }
0xc: {  	[sflag:s16] =	ssyncset.done $0x0  }
0xd: {  	[sflag:s16] =	ssyncadd.s32 $0xFFFFFFFF  }
0xe: {  	s17 =	sld [smem:$0x10];
	(tm) =	ssettm $0x1  }
0xf: {  	s18 =	sld [smem:$0x3FFB];
	_ =	sdelay $0x3  }
0x10: {  	_ =	strace s18  }
0x11: {  	s3 =	sld [smem:$0x3FFC];
	_ =	sdelay $0x3  }
0x12: {  	_ =	strace s3  }
0x13: {  	s3 =	sld [smem:$0x3FFD];
	_ =	sdelay $0x3  }
0x14: {  	_ =	strace s3  }
0x15: {  	_ =	strace $0x8FFFFFFF  }
0x16: {  	s19 =	sld [smem:$0x3FDB];
	_ =	sdelay $0x1  }
0x17: {  	s20 =	simm.s32 $_scs_section_size  }
0x18: {  	s5 =	simm.s32 $_size__tile_overlayer_lowered;
	s6 =	simm.s32 $_tile_overlayer_lowered  }
0x19: {  	s23 =	simm.s32 $0x1BFF;
	s22 =	sshll.u32 s6, $0x1;
	s3 =	sadd.s32 s20, s19  }
0x1a: {  	s7 =	simm.s32 $0x0;
	s21 =	sshll.u32 s5, $0x1;
	s5 =	sadd.s32 s22, s3  }
0x1b: {  	[timem:s7], [sflag:s23] =	dma.local [hbm:s5], s21  }
0x1c: {  	_ =	swait.ge [sflag:s23], s21  }
0x1d: {  	s4 =	ssub.s32 $0x0, s21;
	[sflag:s23] =	ssyncset.done $0x0  }
0x1e: {  	[sflag:s23] =	ssyncadd.s32 s4;
	_ =	sdelay $0x1  }
0x1f: {  	s24 =	simm.s32 $0x1B8B  }
0x20: {  	_ =	swait.ge [sflag:s24], $0x1  }
0x21: {  	[sflag:s24] =	ssyncset.done $0x0  }
0x22: {  	s26 =	simm.s32 $0x1B8E;
	s25 =	sld [smem:$0x3FFE];
	[sflag:s24] =	ssyncadd.s32 $0xFFFFFFFF  }
0x23: {  	s27 =	simm.s32 $execute0_lowered;
	[smem:$0x3FD2] =	sst s26  }
0x24: {  	s5 =	sshll.u32 s27, $0x1;
	_ =	strace $0x80000049;
	[dreg:$0x1] =	wrdreg $0xFFFFFFFF  }
0x25: {  	s28 =	simm.s32 $_size_execute0_lowered;
	s3 =	sadd.s32 s3, s5;
	[dreg:$0x0] =	wrdreg $0x0  }
0x26: {  	s5 =	sshll.u32 s28, $0x1;
	[dreg:$0x2] =	wrdreg s3  }
0x27: {  	[dreg:$0x3] =	wrdreg s5  }
0x28: {  	[dreg:$0x4] =	wrdreg $0xC0  }
0x29: {  	_ =	task [dreg:s7], $0x5FFFF  }
0x2a: {  	[dreg:$0x1] =	wrdreg $0xFFFFFFFF  }
0x2b: {  	[dreg:$0x0] =	wrdreg $0x60  }
0x2c: {  	[dreg:$0x2] =	wrdreg s25  }
0x2d: {  	[dreg:$0x3] =	wrdreg s17  }
0x2e: {  	[dreg:$0x4] =	wrdreg $0x9  }
0x2f: {  	_ =	task.clear_ibuf [dreg:s7], $0x5FFFF;
	_ =	strace $0x90000049  }
0x30: {  	s29 =	simm.s32 $0x9;
	_ =	strace $0x8000004B  }
0x31: {  	_ =	swait.ge [sflag:s29], $0x1  }
0x32: {  	[sflag:s29] =	ssyncadd.s32 $0xFFFFFFFF  }
0x33: {  	_ =	strace $0x9000004B  }
0x34: {  	_ =	sfence  }
0x35: {  	s30 =	sld [smem:$0x0];
	_ =	sdelay $0x2  }
0x36: {  	s31 =	sshll.u32 s1, $0xD;
	s1 =	sshrl.u32 s1, $0x2  }
0x37: {  	s3 =	sand.u32 $0x4000, s31;
	s1 =	sadd.s32 s1, s30  }
0x38: {  	s0 =	sor.u32 s3, s0;
	s1 =	sshll.u32 s1, $0x11  }
0x39: {  	s0 =	sor.u32 s1, s0  }
0x3a: {  	s0 =	sadd.s32 $0x8F2B, s0  }
0x3b: {  	[sflag:s0] =	ssyncadd.remote.s32 $0x1  }
0x3c: {  	_ =	sfence.sel $0xFFFF  }
0x3d: {  	[dreg:$0x0] =	wrdreg $0xFFFFFFFF;
	(pc) =	sbr.abs _section_cstart, $3  }
0x3e: {  	[dreg:$0x1] =	wrdreg $0xFFFFFFFF  }
0x3f: {  	_ =	task.clear_ibuf [dreg:s7], $0x2FFFF;
	_ =	strace $0x9FFFFFFF  }
0x40: {  	(tm) =	ssettm $0x7FFFFFFF  }
0x41: {  	_ =	shalt  }
tec
execute0_lowered:
.L_overlay_start_1:
0x0: {  	(tag) =	ssettag $0x1  }
0x1: {  	s4 =	rddreg [dreg:$0x0]  }
0x2: {  	s2 =	rddreg [dreg:$0x1];
	s1 =	stileid.u32  }
0x3: {  	s0 =	rddreg [dreg:$0x2];
	_ =	strace $0x8000004A;
	s10 =	srdreg.scid  }
0x4: {  	s31 =	simm.s32 $0x2;
	s18 =	simm.s32 $0x0;
	s11 =	simm.s32 $0x2000  }
0x5: {  	s19 =	simm.s32 $0x0;
	s20 =	simm.s32 $0x0;
	s12 =	simm.s32 $0x0  }
0x6: {  	s13 =	simm.s32 $0x0;
	s14 =	simm.s32 $0x0;
	s3 =	sshll.u32 s1, $0x7  }
0x7: {  	s17 =	simm.s32 $0x0;
	s4 =	sadd.s32 $0x1AC600, s4;
	s3 =	sand.u32 $0x380, s3  }
0x8: {  	s5 =	sshrl.u32 s1, $0x3;
	s30 =	sshll.u32 s10, $0x7;
	s6 =	ssub.s32 $0x400, s3  }
0x9: {  	s8 =	ssub.s32 $0xC8, s5;
	s7 =	sshrl.u32 s6, $0xA;
	s6 =	sand.u32 $0x380, s6  }
0xa: {  	s9 =	sshrl.u32 s8, $0x1;
	p0 =	sne.s32 s6, $0x0;
	s6 =	simm.s32 $0x1  }
.Ltmp0:
0xb: {  	s8 =	sand.u32 $0x1, s8;
	s6 =	simm.s32 @!p0 $0x0;
	(pc) =	sbr.rel .LBB1_1-.Ltmp0, $4  }
0xc: {  	s15 =	smov.u32 s5;
	s8 =	sadd.s32 s8, s9;
	s7 =	sadd.s32 s6, s7  }
0xd: {  	s16 =	smov.u32 s3;
	s6 =	simm.s32 $0x1;
	s7 =	smul.u32 s8, s7  }
0xe: {  	p0 =	por $0x0, $0x0;
	s8 =	sand.u32 $0x80, s30;
	[sflag:s6] =	ssyncpa.u1 $0x0  }
0xf: {  	[sflag:s31] =	ssyncpa.u1 $0x0;
	s9 =	sshll.u32 s8, $0x3;
	s10 =	sadd.s32 $0x1, s7  }
.LBB1_4:
0x10: {  	s25 =	sshra.s32 s25, $0x2;
	s26 =	sshrl.u32 s14, $0x7;
	p1 =	sgt.s32 s14, $0x380  }
0x11: {  	s27 =	sshra.s32 s14, $0x1F;
	s29 =	smov.u32 s13;
	s31 =	sshra.s32 s13, $0x1F  }
0x12: {  	s24 =	sadd.s32 s25, s24;
	s30 =	sadd.s32 s26, s12;
	s26 =	smov.u32 s14  }
0x13: {  	v5 =	vld [tilespmem:s22+$0xFFFFFFD0];
	[tilespmem:s23+$0x2040 ss:$0x81] =	vst.msk $0xffff, v4;
	s27 =	sand.u32 s27, s14;
	s25 =	sand.u32 $0x3FFFFF, s30;
	s26 =	simm.s32 @!p1 $0x380  }
0x14: {  	v58 =	vld [tilespmem:s22+$0xFFFFFFE0];
	[tilespmem:s23+$0x2850 ss:$0x81] =	vst.msk $0xffff, v3;
	p1 =	sgt.s32 s13, $0xC7;
	s28 =	smulhi.u32 $0x1555556, s25;
	s26 =	ssub.s32 s26, s27  }
0x15: {  	v59 =	vld [tilespmem:s22+$0xFFFFFFF0];
	[tilespmem:s23+$0x3060 ss:$0x81] =	vst.msk $0xffff, v2;
	s29 =	simm.s32 @!p1 $0xC7;
	s27 =	sand.u32 s31, s13;
	p1 =	sgt.s32 s12, $0x40  }
0x16: {  	v60 =	vld [tilespmem:s22+$0x0];
	[tilespmem:s23+$0x0 ss:$0x81] =	vst.msk $0xffff, v1;
	s23 =	ssub.s32 s29, s27;
	s27 =	smov.u32 s12;
	s30 =	sadd.s32 $0xFFFFFC80, s26  }
0x17: {  	v61 =	vld [tilespmem:s22+$0x10];
	[tilespmem:s24+$0x3870 ss:$0x81] =	vst.msk $0xffff, v0;
	s26 =	ssub.s32 $0x400, s26;
	s27 =	simm.s32 @!p1 $0x40;
	p1 =	sgt.s32 s30, $0x7F  }
0x18: {  	v62 =	vld [tilespmem:s22+$0x20];
	s28 =	smul.u32 $0xC0, s28;
	[tilespmem:s24+$0x810 ss:$0x81] =	vst.msk $0xffff, v5;
	s27 =	ssub.s32 $0xC0, s27;
	s26 =	simm.s32 @p1 $0x0  }
0x19: {  	v63 =	vld [tilespmem:s22+$0xFFFFFFC0];
	s29 =	sand.u32 $0x7, s14;
	s31 =	sadd.s32 $0xFFFFFF39, s23;
	[tilespmem:s24+$0x1020 ss:$0x81] =	vst.msk $0xffff, v58;
	s26 =	smul.u32 s27, s26  }
0x1a: {  	s22 =	ssub.s32 $0xC8, s23;
	[tilespmem:s24+$0x1830 ss:$0x81] =	vst.msk $0xffff, v59;
	p1 =	sgt.s32 s31, $0x0;
	s27 =	smul.u32 $0x6000, s13  }
0x1b: {  	[tilespmem:s24+$0x2040 ss:$0x81] =	vst.msk $0xffff, v60;
	s22 =	simm.s32 @p1 $0x0;
	s25 =	ssub.s32 s25, s28;
	s28 =	sshrl.u32 s14, $0x3  }
0x1c: {  	[tilespmem:s24+$0x2850 ss:$0x81] =	vst.msk $0xffff, v61;
	s23 =	sand.u32 $0xF, s28;
	s22 =	smul.u32 s22, s26;
	s26 =	sadd.s32 s2, s27  }
0x1d: {  	[tilespmem:s24+$0x3060 ss:$0x81] =	vst.msk $0xffff, v62;
	s30 =	sshll.u32 s29, $0x12;
	s25 =	sshll.u32 s25, $0x7;
	s23 =	sadd.s32 s23, s26  }
0x1e: {  	[tilespmem:s24+$0x0 ss:$0x81] =	vst.msk $0xffff, v63;
	s31 =	sor.u32 $0x400, s30;
	s22 =	sand.u32 $0x3FFFFFFF, s22;
	s23 =	sadd.s32 s25, s23  }
0x1f: {  	[hbm4b:s23+s31] =	stream.strided.scatter [tilespmem:s21], [sflag:$0x2], s22, s11, s31, $0x20;
	[tilespmem:$0x10100] =	vst v63  }
.LBB1_5:
0x20: {  	p1 =	slt.u32 s17, $0x2;
	s21 =	smov.u32 s19  }
0x21: {  	s22 =	smov.u32 s20;
	p2 =	sgt.s32 @!p1 s19, $0xC7;
	p3 =	sgt.s32 @!p1 s20, $0x380  }
0x22: {  	s23 =	sshra.s32 @!p1 s20, $0x1F;
	p2 =	por !p2, p1;
	p3 =	por !p3, p1  }
0x23: {  	s20 =	sand.u32 @!p1 s23, s20;
	s21 =	simm.s32 @p2 $0xC7;
	s22 =	simm.s32 @p3 $0x380  }
0x24: {  	p2 =	sgt.s32 @!p1 s18, $0x40;
	s20 =	ssub.s32 @!p1 s22, s20;
	s22 =	sshra.s32 @!p1 s19, $0x1F  }
0x25: {  	p2 =	por !p2, p1;
	s19 =	sand.u32 @!p1 s22, s19;
	s22 =	sadd.s32 @!p1 $0xFFFFFC80, s20  }
0x26: {  	s18 =	simm.s32 @p2 $0x40;
	s19 =	ssub.s32 @!p1 s21, s19;
	p2 =	sgt.s32 @!p1 s22, $0x7F  }
0x27: {  	s20 =	ssub.s32 @!p1 $0x400, s20;
	s21 =	sadd.s32 @!p1 $0xFFFFFF39, s19;
	p2 =	por !p2, p1  }
0x28: {  	s18 =	ssub.s32 @!p1 $0xC0, s18;
	s20 =	simm.s32 @!p2 $0x0;
	p2 =	sgt.s32 @!p1 s21, $0x0  }
0x29: {  	s19 =	ssub.s32 @!p1 $0xC8, s19;
	p2 =	por !p2, p1;
	s18 =	smul.u32 @!p1 s18, s20  }
0x2a: {  	s23 =	smov.u32 s16;
	s21 =	sadd.s32 $0x2, s15;
	s19 =	simm.s32 @!p2 $0x0  }
0x2b: {  	p2 =	sgt.s32 s21, $0xC7;
	s18 =	smul.u32 @!p1 s19, s18;
	s19 =	sadd.s32 $0x400, s16  }
0x2c: {  	s25 =	sadd.s32 $0x1, s17;
	s23 =	smov.u32 @p2 s19  }
0x2d: {  	p0 =	por !p0, !p0;
	s21 =	smov.u32 @p2 s5;
	p2 =	sgt.s32 s23, $0x3FF  }
0x2e: {  	s22 =	simm.s32 @!p1 $0x2;
	s23 =	smov.u32 @p2 s3;
	p2 =	sne.s32 s17, s10  }
.Ltmp1:
0x2f: {  	s20 =	smov.u32 s14;
	s14 =	smov.u32 s16;
	(pc) =	sbr.rel @!p2 .LBB1_6-.Ltmp1, $4  }
0x30: {  	s19 =	smov.u32 s13;
	s13 =	smov.u32 s15;
	s18 =	sand.u32 @!p1 $0x3FFFFFFF, s18  }
0x31: {  	s15 =	smov.u32 s21;
	_ =	swait.ge @!p1 [sflag:s22], s18;
	s24 =	ssub.s32 @!p1 $0x0, s18  }
0x32: {  	s18 =	smov.u32 s12;
	s12 =	smov.u32 s8;
	[sflag:s22] =	ssyncset.done @!p1 $0x0  }
0x33: {  	s17 =	smov.u32 s25;
	s16 =	smov.u32 s23;
	[sflag:s22] =	ssyncadd.s32 @!p1 s24  }
.LBB1_1:
0x34: {  	p1 =	sge.u32 s17, s7  }
0x35: {  	s21 =	sshll.u32 @!p1 s15, $0x8  }
0x36: {  	s22 =	sshll.u32 @!p1 s15, $0x7;
	s21 =	sand.u32 @!p1 $0xFFFFF800, s21  }
0x37: {  	s22 =	sand.u32 @!p1 $0x300, s22;
	s21 =	sor.u32 @!p1 s9, s21  }
0x38: {  	s21 =	sor.u32 @!p1 s22, s21  }
0x39: {  	s21 =	sshrl.u32 @!p1 s21, $0x8  }
0x3a: {  	s22 =	smulhi.u32 @!p1 $0x147AE15, s21;
	_ =	sdelay $0x1  }
0x3b: {  	s22 =	smul.u32 @!p1 $0xC8, s22  }
0x3c: {  	s31 =	sadd.s32 $0xFFFFFFFF, s17;
	s23 =	smul.u32 @!p1 $0x1900, s16  }
0x3d: {  	s24 =	sxor.u32 @!p1 $0xFFFFFFFF, s17;
	s21 =	ssub.s32 @!p1 s21, s22;
	s22 =	sshll.u32 @!p1 s15, $0x4  }
0x3e: {  	s24 =	sshll.u32 @!p1 s24, $0xE;
	s23 =	sadd.s32 @!p1 s4, s23;
	s22 =	sand.u32 @!p1 $0x10, s22  }
0x3f: {  	s24 =	sand.u32 @!p1 $0x4000, s24;
	s21 =	sshll.u32 @!p1 s21, $0x5;
	s22 =	sadd.s32 @!p1 s22, s23  }
0x40: {  	s23 =	simm.s32 @!p1 $0xC800;
	s21 =	sadd.s32 @!p1 s21, s22;
	s22 =	simm.s32 @!p1 $0x80  }
0x41: {  	[tilespmem:s24], [sflag:$0x1] =	stream.strided.gather @!p1 [hbm4b:s21+s22], $0x4000, s23, s22, $0x38;
	[tilespmem:$0x10100] =	vst v63  }
0x42: {  	p1 =	sge.u32 s31, s7  }
.Ltmp2:
0x43: {  	_ = 	snop;
	(pc) =	sbr.rel @p1 .LBB1_5-.Ltmp2, $1  }
0x44: {  	_ =	sdelay $0x3  }
0x45: {  	s21 =	simm.s32 $0x1  }
0x46: {  	_ =	swait.ge [sflag:s6], $0x4000;
	s21 =	simm.s32 @!p0 $0x0  }
0x47: {  	[sflag:s6] =	ssyncset.done $0x0;
	s22 =	sshll.u32 s21, $0xE  }
0x48: {  	[sflag:s6] =	ssyncadd.s32 $0xFFFFC000;
	s22 =	sor.u32 $0x40, s22  }
0x49: {  	s21 =	smul.u32 $0x10200, s21;
	v0 =	vld [tilespmem:s22+$0x30]  }
0x4a: {  	v1 =	vld [tilespmem:s22+$0xFFFFFFD0]  }
0x4b: {  	s21 =	sshrl.u32 s21, $0x2;
	v5 =	vld [tilespmem:s22+$0xFFFFFFE0]  }
0x4c: {  	v6 =	vld [tilespmem:s22+$0xFFFFFFF0];
	s24 =	sor.u32 $0x8000, s21  }
0x4d: {  	s31 =	sand.u32 $0x1, s17;
	v4 =	vld [tilespmem:s22+$0x0];
	s23 =	sadd.s32 $0x0, s24  }
0x4e: {  	v3 =	vld [tilespmem:s22+$0x10];
	s21 =	smul.u32 $0x10200, s31;
	[tilespmem:s23+$0x3870 ss:$0x81] =	vst.msk $0xffff, v0  }
0x4f: {  	v2 =	vld [tilespmem:s22+$0x20];
	[tilespmem:s23+$0x810 ss:$0x81] =	vst.msk $0xffff, v1  }
0x50: {  	s21 =	sshrl.u32 s21, $0x2;
	v1 =	vld [tilespmem:s22+$0xFFFFFFC0];
	[tilespmem:s23+$0x1020 ss:$0x81] =	vst.msk $0xffff, v5;
	s22 =	sadd.s32 $0x80, s22  }
0x51: {  	s25 =	simm.s32 $0x4;
	s26 =	simm.s32 $0x8;
	s21 =	sor.u32 $0x8000, s21;
	[tilespmem:s23+$0x1830 ss:$0x81] =	vst.msk $0xffff, v6;
	v0 =	vld [tilespmem:s22+$0x30]  }
.LBB1_3:
0x52: {  	p1 =	sne.s32 s26, $0x1FC;
	v5 =	vld [tilespmem:s22+$0xFFFFFFD0];
	[tilespmem:s23+$0x2040 ss:$0x81] =	vst.msk $0xffff, v4  }
0x53: {  	v6 =	vld [tilespmem:s22+$0xFFFFFFE0];
	[tilespmem:s23+$0x2850 ss:$0x81] =	vst.msk $0xffff, v3  }
0x54: {  	s27 =	sshra.s32 s25, $0x2;
	s25 =	smov.u32 s26;
	v7 =	vld [tilespmem:s22+$0xFFFFFFF0];
	[tilespmem:s23+$0x3060 ss:$0x81] =	vst.msk $0xffff, v2  }
.Ltmp3:
0x55: {  	v4 =	vld [tilespmem:s22+$0x0];
	[tilespmem:s23+$0x0 ss:$0x81] =	vst.msk $0xffff, v1;
	s23 =	sadd.s32 s27, s24;
	(pc) =	sbr.rel @p1 .LBB1_3-.Ltmp3, $4  }
0x56: {  	v3 =	vld [tilespmem:s22+$0x10];
	[tilespmem:s23+$0x3870 ss:$0x81] =	vst.msk $0xffff, v0  }
0x57: {  	[tilespmem:s23+$0x810 ss:$0x81] =	vst.msk $0xffff, v5;
	v2 =	vld [tilespmem:s22+$0x20]  }
0x58: {  	v1 =	vld [tilespmem:s22+$0xFFFFFFC0];
	[tilespmem:s23+$0x1020 ss:$0x81] =	vst.msk $0xffff, v6;
	s22 =	sadd.s32 $0x80, s22  }
0x59: {  	s26 =	sadd.s32 $0x4, s26;
	v0 =	vld [tilespmem:s22+$0x30];
	[tilespmem:s23+$0x1830 ss:$0x81] =	vst.msk $0xffff, v7  }
.Ltmp4:
0x5a: {  	_ = 	snop;
	(pc) =	sbr.rel .LBB1_4-.Ltmp4, $1  }
0x5b: {  	_ =	sdelay $0x3  }
.LBB1_6:
0x5c: {  	_ =	sfence.sel $0x180000  }
0x5d: {  	s2 =	simm.s32 $0x1;
	[bflag:$0x0] =	sbarrier.arrive $0xFFFF  }
0x5e: {  	s31 =	simm.s32 $0x2;
	[sflag:s2] =	ssyncpa.u1 $0x1  }
0x5f: {  	[sflag:s31] =	ssyncpa.u1 $0x1  }
0x60: {  	p0 =	sne.s32 s1, $0x0;
	_ =	strace $0x9000004A  }
0x61: {  	s0 =	sadd.s32 @!p0 $0x100000, s0;
	[bflag:$0x2] =	sbarrier.arrive $0xFFFF  }
0x62: {  	[sflag:s0] =	ssyncadd.tile.s32 @!p0 $0x1;
	_ =	shalt  }
.Lfunc_end1:
_tile_overlayer_lowered:
.L_overlay_start_2:
0x63: {  	(tag) =	ssettag $0x2  }
0x64: {  	s0 =	rddreg [dreg:$0x0];
	s2 =	stileid.u32  }
0x65: {  	s1 =	rddreg [dreg:$0x1];
	p0 =	sne.s32 s2, $0x0  }
0x66: {  	s3 =	rddreg [dreg:$0x2];
	[bflag:$0x3] =	sbarrier.arrive $0xFFFF;
	s2 =	simm.s32 @!p0 $0x1C01  }
0x67: {  	[timem:s3], [sflag:s2] =	dma.local @!p0 [hbm:s0], s1  }
0x68: {  	s0 =	simm.s32 @!p0 $0x1  }
0x69: {  	_ =	swait.ge @!p0 [sflag:s0], s1  }
0x6a: {  	s1 =	ssub.s32 @!p0 $0x0, s1;
	[sflag:s0] =	ssyncset.done @!p0 $0x0  }
0x6b: {  	[sflag:s0] =	ssyncadd.s32 @!p0 s1  }
0x6c: {  	[bflag:$0x3] =	sbarrier.arrive $0xFFFF  }
0x6d: {  	_ =	shalt  }

</sc_bundles>
